<compile_context>
chip_gen: v7x
topology: tpu7x:2x2x1
jax: 0.10.2.dev20260603
libtpu: 0.0.44.dev20260713+nightly
codegen_flags: <defaults>
</compile_context>

<pallas_src>
import jax
import jax.numpy as jnp
from jax import lax
from jax.experimental import pallas as pl
from jax.experimental.pallas import tpu as pltpu
from jax.experimental.pallas import tpu_sc as plsc

N_NODES = 10000
N_PAD = 10240
N_EDGES = 320000
D = 128
NC, NS = 2, 16
NW = NC * NS
EPW = N_EDGES // NW
CH = 80
N_CH = EPW // CH
RPT = N_PAD // NS

_mesh = plsc.VectorSubcoreMesh(core_axis_name="c", subcore_axis_name="s")


BL = 8
NB = 16
N_CHP = NB * BL
NBUF = 4


def _make_agg(with_counts):
  sum_t = jax.ShapeDtypeStruct((NC, N_PAD, D), jnp.float32)
  if with_counts:
    out_type = [sum_t, jax.ShapeDtypeStruct((NW, N_PAD), jnp.float32)]
  else:
    out_type = sum_t
  scratch = [
      pltpu.VMEM_SHARED((N_PAD, D), jnp.float32),
  ] + [pltpu.SemaphoreType.DMA for _ in range(2 * NBUF + 1)]

  def body(feat, src2, dst3, zrow, *refs):
    if with_counts:
      sum_out, cnt_out = refs[0], refs[1]
      refs = refs[2:]
    else:
      sum_out = refs[0]
      refs = refs[1:]
    acc_sh = refs[0]
    gsem = refs[1:NBUF + 1]
    ssem = refs[NBUF + 1:2 * NBUF + 1]
    rsem = refs[2 * NBUF + 1]
    cid = lax.axis_index("c")
    sid = lax.axis_index("s")
    wid = sid * NC + cid
    pltpu.sync_copy(zrow, acc_sh.at[pl.ds(sid * RPT, RPT)])

    if with_counts:
      def hist_phase(dst_all, hist_v):
        pltpu.sync_copy(dst3.at[wid], dst_all)
        zero16 = jnp.zeros((16,), jnp.float32)

        def zstep(i, carry):
          hist_v[pl.ds(i * 16, 16)] = zero16
          return carry

        lax.fori_loop(0, N_PAD // 16, zstep, 0)
        one16 = jnp.ones((16,), jnp.float32)

        def step(ch, carry):
          for j in range(CH // 16):
            d16 = dst_all[ch, pl.ds(j * 16, 16)]
            plsc.addupdate_scatter(hist_v, [d16], one16)
          return carry

        lax.fori_loop(0, N_CH, step, 0)
        pltpu.sync_copy(hist_v, cnt_out.at[wid])

      pl.run_scoped(hist_phase,
                    pltpu.VMEM((N_CHP, CH), jnp.int32),
                    pltpu.VMEM((N_PAD,), jnp.float32))

    def agg_phase(src_b, dst_b, *rows):
      def refill(blk, slot):
        pltpu.async_copy(src2.at[wid, pl.ds(blk * BL * CH, BL * CH)],
                         src_b.at[pl.ds(slot * BL * CH, BL * CH)], rsem)
        pltpu.async_copy(dst3.at[wid, pl.ds(blk * BL, BL)], dst_b.at[slot],
                         rsem)

      def drain_refill(slot):
        pltpu.make_async_copy(src2.at[0, pl.ds(0, BL * CH)],
                              src_b.at[pl.ds(slot * BL * CH, BL * CH)],
                              rsem).wait()
        pltpu.make_async_copy(dst3.at[0, pl.ds(0, BL)], dst_b.at[slot],
                              rsem).wait()

      def issue_gather(c, b):
        off = (c // BL) % 2 * (BL * CH) + (c % BL) * CH
        pltpu.async_copy(feat.at[src_b.at[pl.ds(off, CH)]], rows[b], gsem[b])

      def drain(buf, sem):
        pltpu.make_async_copy(feat.at[pl.ds(0, CH)], buf, sem).wait()

      refill(0, 0)
      drain_refill(0)
      refill(1, 1)
      plsc.subcore_barrier()
      issue_gather(0, 0)
      issue_gather(1, 1)

      def quad(k, carry):
        for b in range(NBUF):
          c = NBUF * k + b
          cn = c + 2
          bn = (b + 2) % NBUF

          @pl.when(c >= 2)
          def _free():
            drain(rows[bn], ssem[bn])

          @pl.when(cn < N_CH)
          def _issue():
            @pl.when(cn % BL == 0)
            def _rwait():
              drain_refill((cn // BL) % 2)

            @pl.when((cn % BL == 4) & (cn >= BL + 4)
                     & (cn // BL + 1 <= NB - 1))
            def _rnext():
              refill(cn // BL + 1, (cn // BL + 1) % 2)

            issue_gather(cn, bn)

          drain(rows[b], gsem[b])
          pltpu.async_copy(rows[b],
                           acc_sh.at[dst_b.at[(c // BL) % 2, c % BL]],
                           ssem[b], add=True)
        return carry

      lax.fori_loop(0, (N_CH - 1) // NBUF, quad, 0)
      c = N_CH - 1
      drain(rows[c % NBUF], gsem[c % NBUF])
      pltpu.async_copy(rows[c % NBUF],
                       acc_sh.at[dst_b.at[(c // BL) % 2, c % BL]],
                       ssem[c % NBUF], add=True)
      for cc in (N_CH - 3, N_CH - 2, N_CH - 1):
        drain(rows[cc % NBUF], ssem[cc % NBUF])

    pl.run_scoped(agg_phase,
                  pltpu.VMEM((2 * BL * CH,), jnp.int32),
                  pltpu.VMEM((2, BL, CH), jnp.int32),
                  *[pltpu.VMEM((CH, D), jnp.float32) for _ in range(NBUF)])

    plsc.subcore_barrier()
    pltpu.sync_copy(acc_sh.at[pl.ds(sid * RPT, RPT)],
                    sum_out.at[cid, pl.ds(sid * RPT, RPT)])

  return pl.kernel(
      body, out_type=out_type, mesh=_mesh, scratch_types=scratch,
      compiler_params=pltpu.CompilerParams(needs_layout_passes=False))


_agg_counts = _make_agg(True)
_agg_plain = _make_agg(False)



def _inv_cnt(cparts):
  cnt = jnp.sum(cparts[...], axis=0)[:, None]
  return 1.0 / jnp.maximum(cnt, 1.0)


def _dense1_body(s0, s1, cparts, xr, wl, wr, b, o):
  agg = (s0[...] + s1[...]) * _inv_cnt(cparts)
  o[...] = jnp.maximum(
      jnp.dot(agg, wl[...], preferred_element_type=jnp.float32)
      + jnp.dot(xr[...], wr[...], preferred_element_type=jnp.float32)
      + b[...], 0.0)


def _dense2_body(s0, s1, cparts, hr, wl, wr, b, wab, bab, o):
  agg = (s0[...] + s1[...]) * _inv_cnt(cparts)
  h2 = jnp.maximum(
      jnp.dot(agg, wl[...], preferred_element_type=jnp.float32)
      + jnp.dot(hr[...], wr[...], preferred_element_type=jnp.float32)
      + b[...], 0.0)
  o[...] = jnp.dot(h2, wab[...], preferred_element_type=jnp.float32) + bab[...]


_RB = 1280


def _dense_specs(out_w):
  row = lambda i: (i, 0)
  full = lambda i: (0, 0)
  crow = lambda i: (0, i)
  in_specs = [
      pl.BlockSpec((_RB, D), row),
      pl.BlockSpec((_RB, D), row),
      pl.BlockSpec((NW, _RB), crow),
      pl.BlockSpec((_RB, D), row),
      pl.BlockSpec((D, D), full),
      pl.BlockSpec((D, D), full),
      pl.BlockSpec((1, D), full),
  ]
  if out_w != D:
    in_specs += [pl.BlockSpec((D, out_w), full),
                 pl.BlockSpec((1, out_w), full)]
  out_specs = pl.BlockSpec((_RB, out_w), row)
  return in_specs, out_specs


def _dense1(s0, s1, cparts, xr, wl, wr, b):
  in_specs, out_specs = _dense_specs(D)
  return pl.pallas_call(
      _dense1_body, grid=(N_PAD // _RB,), in_specs=in_specs,
      out_specs=out_specs,
      out_shape=jax.ShapeDtypeStruct((N_PAD, D), jnp.float32),
  )(s0, s1, cparts, xr, wl, wr, b)


def _dense2(s0, s1, cparts, hr, wl, wr, b, wab, bab):
  in_specs, out_specs = _dense_specs(2)
  return pl.pallas_call(
      _dense2_body, grid=(N_PAD // _RB,), in_specs=in_specs,
      out_specs=out_specs,
      out_shape=jax.ShapeDtypeStruct((N_PAD, 2), jnp.float32),
  )(s0, s1, cparts, hr, wl, wr, b, wab, bab)


def _edge_body(ab, src3, dst3, out3, ab_v, src_a, dst_a, out_a):
  cid = lax.axis_index("c")
  sid = lax.axis_index("s")
  wid = sid * NC + cid
  pltpu.sync_copy(ab, ab_v)
  pltpu.sync_copy(src3.at[wid], src_a)
  pltpu.sync_copy(dst3.at[wid], dst_a)

  def step(c, carry):
    for j in range(CH // 16):
      s16 = src_a[c, pl.ds(j * 16, 16)]
      d16 = dst_a[c, pl.ds(j * 16, 16)]
      av = plsc.load_gather(ab_v, [s16 * 2])
      bv = plsc.load_gather(ab_v, [d16 * 2 + 1])
      out_a[c, pl.ds(j * 16, 16)] = av + bv
    return carry

  lax.fori_loop(0, N_CH, step, 0)
  pltpu.sync_copy(out_a, out3.at[wid])


_edge_scores = pl.kernel(
    _edge_body,
    out_type=jax.ShapeDtypeStruct((NW, N_CH, CH), jnp.float32),
    mesh=_mesh,
    compiler_params=pltpu.CompilerParams(needs_layout_passes=False),
    scratch_types=[
        pltpu.VMEM((2 * N_PAD,), jnp.float32),
        pltpu.VMEM((N_CH, CH), jnp.int32),
        pltpu.VMEM((N_CH, CH), jnp.int32),
        pltpu.VMEM((N_CH, CH), jnp.float32),
    ],
)


def kernel(x, edge_index, W1l, b1, W1r, W2l, b2, W2r, Wlin, blin):
  src3 = edge_index[0].astype(jnp.int32).reshape(NW, N_CH, CH)
  dst3 = edge_index[1].astype(jnp.int32).reshape(NW, N_CH, CH)
  x_pad = jnp.zeros((N_PAD, D), jnp.float32).at[:N_NODES].set(x)
  zrow = jnp.zeros((RPT, D), jnp.float32)

  pad_ch = N_CHP - N_CH
  src2p = jnp.pad(src3.reshape(NW, EPW), ((0, 0), (0, pad_ch * CH)))
  dst3p = jnp.pad(dst3, ((0, 0), (0, pad_ch), (0, 0)))
  s, c = _agg_counts(x_pad, src2p, dst3p, zrow)
  h1 = _dense1(s[0], s[1], c, x_pad, W1l, W1r, b1.reshape(1, D))
  s2 = _agg_plain(h1, src2p, dst3p, zrow)
  wab = jnp.concatenate([Wlin[:D], Wlin[D:]], axis=1)
  bab = jnp.stack([blin[0], jnp.zeros((), jnp.float32)]).reshape(1, 2)
  ab = _dense2(s2[0], s2[1], c, h1, W2l, W2r, b2.reshape(1, D),
               wab, bab)
  return _edge_scores(ab.reshape(2 * N_PAD), src3, dst3).reshape(N_EDGES)

# --- scband reference (transcript-rebuilt; emitter-appended) ---
"""Pipeline reference for scband-graph-sagemodel-7816840478969 (READ-ONLY COPY).

The authoritative reference and input builder live on the scoring server;
editing this copy changes nothing except your own understanding.
"""

import jax, jax.numpy as jnp
import numpy as np

N_NODES = 10000
N_EDGES = 320000
D_IN = 128
D_HID = 128


def _mean_agg(feat, src, dst, n_nodes):
    # mean aggregation of source features at destination nodes (PyG SAGEConv default)
    msg = feat[src]
    summed = jax.ops.segment_sum(msg, dst, num_segments=n_nodes)
    cnt = jax.ops.segment_sum(jnp.ones((src.shape[0],), dtype=feat.dtype), dst, num_segments=n_nodes)
    return summed / jnp.clip(cnt, 1.0)[:, None]


def setup_inputs(seed: int = 0) -> dict:
    key = jax.random.key(seed)
    ks = jax.random.split(key, 12)
    x = jax.random.normal(ks[0], (N_NODES, D_IN), dtype=jnp.float32)
    edge_index = jax.random.randint(ks[1], (2, N_EDGES), 0, N_NODES, dtype=jnp.int64)
    s = 0.05
    # SAGEConv1: lin_l applied to aggregated neighbors (with bias), lin_r to root (no bias)
    W1l = jax.random.normal(ks[2], (D_IN, D_HID), dtype=jnp.float32) * s
    b1 = jnp.zeros((D_HID,), dtype=jnp.float32)
    W1r = jax.random.normal(ks[3], (D_IN, D_HID), dtype=jnp.float32) * s
    # SAGEConv2
    W2l = jax.random.normal(ks[4], (D_HID, D_HID), dtype=jnp.float32) * s
    b2 = jnp.zeros((D_HID,), dtype=jnp.float32)
    W2r = jax.random.normal(ks[5], (D_HID, D_HID), dtype=jnp.float32) * s
    # edge-level prediction head on concat([x_src, x_dst]) -> needs 2*D_HID inputs
    Wlin = jax.random.normal(ks[6], (2 * D_HID, 1), dtype=jnp.float32) * s
    blin = jnp.zeros((1,), dtype=jnp.float32)
    return {"x": x, "edge_index": edge_index, "W1l": W1l, "b1": b1, "W1r": W1r,
            "W2l": W2l, "b2": b2, "W2r": W2r, "Wlin": Wlin, "blin": blin}


def reference(x, edge_index, W1l, b1, W1r, W2l, b2, W2r, Wlin, blin):
    src = edge_index[0]
    dst = edge_index[1]
    n = x.shape[0]
    # conv1
    agg1 = _mean_agg(x, src, dst, n)
    h1 = jax.nn.relu(agg1 @ W1l + b1 + x @ W1r)
    # conv2
    agg2 = _mean_agg(h1, src, dst, n)
    h2 = jax.nn.relu(agg2 @ W2l + b2 + h1 @ W2r)
    # edge scores
    h = jnp.concatenate([h2[src], h2[dst]], axis=1)
    return (h @ Wlin + blin).squeeze(-1)

if __name__ == "__main__":
    import jax
    _d = setup_inputs()
    print(jax.jit(kernel)(*tuple(_d.values())))

</pallas_src>

<mosaic_0001>
#map = affine_map<(d0, d1) -> (0, 0)>
#map1 = affine_map<(d0, d1) -> (0, 0, 0)>
module attributes {stable_mosaic.version = 14 : i64} {
  func.func @body(%arg0: i32, %arg1: i32, %arg2: memref<10240x128xf32, #tpu.memory_space<hbm>>, %arg3: memref<32x10240xi32, #tpu.memory_space<hbm>>, %arg4: memref<32x128x80xi32, #tpu.memory_space<hbm>>, %arg5: memref<640x128xf32, #tpu.memory_space<hbm>>, %arg6: memref<2x10240x128xf32, #tpu.memory_space<hbm>>, %arg7: memref<10240x128xf32, #tpu.memory_space<vmem_shared>>, %arg8: memref<!tpu.dma_semaphore, #tpu.memory_space<semaphore_mem>>, %arg9: memref<!tpu.dma_semaphore, #tpu.memory_space<semaphore_mem>>, %arg10: memref<!tpu.dma_semaphore, #tpu.memory_space<semaphore_mem>>, %arg11: memref<!tpu.dma_semaphore, #tpu.memory_space<semaphore_mem>>, %arg12: memref<!tpu.dma_semaphore, #tpu.memory_space<semaphore_mem>>, %arg13: memref<!tpu.dma_semaphore, #tpu.memory_space<semaphore_mem>>, %arg14: memref<!tpu.dma_semaphore, #tpu.memory_space<semaphore_mem>>, %arg15: memref<!tpu.dma_semaphore, #tpu.memory_space<semaphore_mem>>, %arg16: memref<!tpu.dma_semaphore, #tpu.memory_space<semaphore_mem>>) attributes {dimension_semantics = [#tpu.dimension_semantics<core_parallel>, #tpu.dimension_semantics<subcore_parallel>], iteration_bounds = array<i64: 2, 16>, scalar_prefetch = 0 : i64, scratch_operands = 10 : i64, tpu.core_type = #tpu.core_type<sc_vector_subcore>, window_params = [{transform_indices = #map}, {transform_indices = #map}, {transform_indices = #map1}, {transform_indices = #map}, {transform_indices = #map1}]} {
    %mul3A = arith.constant 2 : i32
    %mul3A_0 = arith.muli %arg1, %mul3A : i32
    %add3A = arith.addi %mul3A_0, %arg0 : i32
    %mul3A_1 = arith.constant 640 : i32
    %mul3A_2 = arith.muli %arg1, %mul3A_1 : i32
    "tpu.region"() ({
      %run_scoped3A = tpu.sem_alloc : memref<!tpu.dma_semaphore, #tpu.memory_space<semaphore_mem>>
      %dma_start3A = arith.constant 0 : i32
      %dma_start3A_7 = tpu.memref_slice %arg7[%mul3A_2, %dma_start3A] : memref<10240x128xf32, #tpu.memory_space<vmem_shared>> -> memref<640x128xf32, #tpu.memory_space<vmem_shared>>
      tpu.enqueue_dma source(%arg5 : memref<640x128xf32, #tpu.memory_space<hbm>>) target(%dma_start3A_7 : memref<640x128xf32, #tpu.memory_space<vmem_shared>>) target_semaphore(%run_scoped3A : memref<!tpu.dma_semaphore, #tpu.memory_space<semaphore_mem>>)
      %dma_wait3A = arith.constant 0 : i32
      %dma_wait3A_8 = tpu.memref_slice %arg7[%mul3A_2, %dma_wait3A] : memref<10240x128xf32, #tpu.memory_space<vmem_shared>> -> memref<640x128xf32, #tpu.memory_space<vmem_shared>>
      tpu.wait_dma2 semaphore(%run_scoped3A : memref<!tpu.dma_semaphore, #tpu.memory_space<semaphore_mem>>) src(%arg5 : memref<640x128xf32, #tpu.memory_space<hbm>>) dst(%dma_wait3A_8 : memref<640x128xf32, #tpu.memory_space<vmem_shared>>)
      tpu.yield
    }) : () -> ()
    "tpu.region"() ({
      %run_scoped3A = memref.alloca() : memref<1280xi32, #tpu.memory_space<vmem>>
      %run_scoped3A_7 = memref.alloca() : memref<2x8x80xi32, #tpu.memory_space<vmem>>
      %run_scoped3A_8 = memref.alloca() : memref<80x128xf32, #tpu.memory_space<vmem>>
      %run_scoped3A_9 = memref.alloca() : memref<80x128xf32, #tpu.memory_space<vmem>>
      %run_scoped3A_10 = memref.alloca() : memref<80x128xf32, #tpu.memory_space<vmem>>
      %run_scoped3A_11 = memref.alloca() : memref<80x128xf32, #tpu.memory_space<vmem>>
      %dma_start3A = arith.constant 0 : i32
      %dma_start3A_12 = tpu.memref_slice %run_scoped3A[%dma_start3A] : memref<1280xi32, #tpu.memory_space<vmem>> -> memref<640xi32, #tpu.memory_space<vmem>>
      %dma_start3A_13 = arith.constant 0 : i32
      %dma_start3A_14 = tpu.memref_slice %arg3[%add3A, %dma_start3A_13] : memref<32x10240xi32, #tpu.memory_space<hbm>> -> memref<1x640xi32, #tpu.memory_space<hbm>>
      %dma_start3A_15 = tpu.memref_squeeze %dma_start3A_14 : memref<1x640xi32, #tpu.memory_space<hbm>> -> memref<640xi32, #tpu.memory_space<hbm>>
      %dma_start3A_16 = arith.constant 0 : i32
      %dma_start3A_17 = tpu.memref_slice %run_scoped3A[%dma_start3A_16] : memref<1280xi32, #tpu.memory_space<vmem>> -> memref<640xi32, #tpu.memory_space<vmem>>
      %dma_start3A_18 = arith.constant 0 : i32
      %dma_start3A_19 = tpu.memref_slice %arg3[%add3A, %dma_start3A_18] : memref<32x10240xi32, #tpu.memory_space<hbm>> -> memref<1x640xi32, #tpu.memory_space<hbm>>
      %dma_start3A_20 = tpu.memref_squeeze %dma_start3A_19 : memref<1x640xi32, #tpu.memory_space<hbm>> -> memref<640xi32, #tpu.memory_space<hbm>>
      tpu.enqueue_dma source(%dma_start3A_20 : memref<640xi32, #tpu.memory_space<hbm>>) target(%dma_start3A_17 : memref<640xi32, #tpu.memory_space<vmem>>) target_semaphore(%arg16 : memref<!tpu.dma_semaphore, #tpu.memory_space<semaphore_mem>>)
      %dma_start3A_21 = arith.constant 0 : i32
      %dma_start3A_22 = arith.constant 0 : i32
      %dma_start3A_23 = arith.constant 0 : i32
      %dma_start3A_24 = tpu.memref_slice %run_scoped3A_7[%dma_start3A_21, %dma_start3A_22, %dma_start3A_23] : memref<2x8x80xi32, #tpu.memory_space<vmem>> -> memref<1x8x80xi32, #tpu.memory_space<vmem>>
      %dma_start3A_25 = tpu.memref_squeeze %dma_start3A_24 : memref<1x8x80xi32, #tpu.memory_space<vmem>> -> memref<8x80xi32, #tpu.memory_space<vmem>>
      %dma_start3A_26 = arith.constant 0 : i32
      %dma_start3A_27 = arith.constant 0 : i32
      %dma_start3A_28 = tpu.memref_slice %arg4[%add3A, %dma_start3A_26, %dma_start3A_27] : memref<32x128x80xi32, #tpu.memory_space<hbm>> -> memref<1x8x80xi32, #tpu.memory_space<hbm>>
      %dma_start3A_29 = tpu.memref_squeeze %dma_start3A_28 : memref<1x8x80xi32, #tpu.memory_space<hbm>> -> memref<8x80xi32, #tpu.memory_space<hbm>>
      %dma_start3A_30 = arith.constant 0 : i32
      %dma_start3A_31 = arith.constant 0 : i32
      %dma_start3A_32 = tpu.memref_slice %run_scoped3A_7[%dma_start3A_21, %dma_start3A_30, %dma_start3A_31] : memref<2x8x80xi32, #tpu.memory_space<vmem>> -> memref<1x8x80xi32, #tpu.memory_space<vmem>>
      %dma_start3A_33 = tpu.memref_squeeze %dma_start3A_32 : memref<1x8x80xi32, #tpu.memory_space<vmem>> -> memref<8x80xi32, #tpu.memory_space<vmem>>
      %dma_start3A_34 = arith.constant 0 : i32
      %dma_start3A_35 = arith.constant 0 : i32
      %dma_start3A_36 = tpu.memref_slice %arg4[%add3A, %dma_start3A_34, %dma_start3A_35] : memref<32x128x80xi32, #tpu.memory_space<hbm>> -> memref<1x8x80xi32, #tpu.memory_space<hbm>>
      %dma_start3A_37 = tpu.memref_squeeze %dma_start3A_36 : memref<1x8x80xi32, #tpu.memory_space<hbm>> -> memref<8x80xi32, #tpu.memory_space<hbm>>
      tpu.enqueue_dma source(%dma_start3A_37 : memref<8x80xi32, #tpu.memory_space<hbm>>) target(%dma_start3A_33 : memref<8x80xi32, #tpu.memory_space<vmem>>) target_semaphore(%arg16 : memref<!tpu.dma_semaphore, #tpu.memory_space<semaphore_mem>>)
      %dma_wait3A = arith.constant 0 : i32
      %dma_wait3A_38 = arith.constant 0 : i32
      %dma_wait3A_39 = tpu.memref_slice %run_scoped3A[%dma_wait3A_38] : memref<1280xi32, #tpu.memory_space<vmem>> -> memref<640xi32, #tpu.memory_space<vmem>>
      %dma_wait3A_40 = arith.constant 0 : i32
      %dma_wait3A_41 = tpu.memref_slice %arg3[%dma_wait3A, %dma_wait3A_40] : memref<32x10240xi32, #tpu.memory_space<hbm>> -> memref<1x640xi32, #tpu.memory_space<hbm>>
      %dma_wait3A_42 = tpu.memref_squeeze %dma_wait3A_41 : memref<1x640xi32, #tpu.memory_space<hbm>> -> memref<640xi32, #tpu.memory_space<hbm>>
      %dma_wait3A_43 = arith.constant 0 : i32
      %dma_wait3A_44 = tpu.memref_slice %run_scoped3A[%dma_wait3A_43] : memref<1280xi32, #tpu.memory_space<vmem>> -> memref<640xi32, #tpu.memory_space<vmem>>
      %dma_wait3A_45 = arith.constant 0 : i32
      %dma_wait3A_46 = tpu.memref_slice %arg3[%dma_wait3A, %dma_wait3A_45] : memref<32x10240xi32, #tpu.memory_space<hbm>> -> memref<1x640xi32, #tpu.memory_space<hbm>>
      %dma_wait3A_47 = tpu.memref_squeeze %dma_wait3A_46 : memref<1x640xi32, #tpu.memory_space<hbm>> -> memref<640xi32, #tpu.memory_space<hbm>>
      tpu.wait_dma2 semaphore(%arg16 : memref<!tpu.dma_semaphore, #tpu.memory_space<semaphore_mem>>) src(%dma_wait3A_47 : memref<640xi32, #tpu.memory_space<hbm>>) dst(%dma_wait3A_44 : memref<640xi32, #tpu.memory_space<vmem>>)
      %dma_wait3A_48 = arith.constant 0 : i32
      %dma_wait3A_49 = arith.constant 0 : i32
      %dma_wait3A_50 = arith.constant 0 : i32
      %dma_wait3A_51 = arith.constant 0 : i32
      %dma_wait3A_52 = tpu.memref_slice %run_scoped3A_7[%dma_wait3A_49, %dma_wait3A_50, %dma_wait3A_51] : memref<2x8x80xi32, #tpu.memory_space<vmem>> -> memref<1x8x80xi32, #tpu.memory_space<vmem>>
      %dma_wait3A_53 = tpu.memref_squeeze %dma_wait3A_52 : memref<1x8x80xi32, #tpu.memory_space<vmem>> -> memref<8x80xi32, #tpu.memory_space<vmem>>
      %dma_wait3A_54 = arith.constant 0 : i32
      %dma_wait3A_55 = arith.constant 0 : i32
      %dma_wait3A_56 = tpu.memref_slice %arg4[%dma_wait3A_48, %dma_wait3A_54, %dma_wait3A_55] : memref<32x128x80xi32, #tpu.memory_space<hbm>> -> memref<1x8x80xi32, #tpu.memory_space<hbm>>
      %dma_wait3A_57 = tpu.memref_squeeze %dma_wait3A_56 : memref<1x8x80xi32, #tpu.memory_space<hbm>> -> memref<8x80xi32, #tpu.memory_space<hbm>>
      %dma_wait3A_58 = arith.constant 0 : i32
      %dma_wait3A_59 = arith.constant 0 : i32
      %dma_wait3A_60 = tpu.memref_slice %run_scoped3A_7[%dma_wait3A_49, %dma_wait3A_58, %dma_wait3A_59] : memref<2x8x80xi32, #tpu.memory_space<vmem>> -> memref<1x8x80xi32, #tpu.memory_space<vmem>>
      %dma_wait3A_61 = tpu.memref_squeeze %dma_wait3A_60 : memref<1x8x80xi32, #tpu.memory_space<vmem>> -> memref<8x80xi32, #tpu.memory_space<vmem>>
      %dma_wait3A_62 = arith.constant 0 : i32
      %dma_wait3A_63 = arith.constant 0 : i32
      %dma_wait3A_64 = tpu.memref_slice %arg4[%dma_wait3A_48, %dma_wait3A_62, %dma_wait3A_63] : memref<32x128x80xi32, #tpu.memory_space<hbm>> -> memref<1x8x80xi32, #tpu.memory_space<hbm>>
      %dma_wait3A_65 = tpu.memref_squeeze %dma_wait3A_64 : memref<1x8x80xi32, #tpu.memory_space<hbm>> -> memref<8x80xi32, #tpu.memory_space<hbm>>
      tpu.wait_dma2 semaphore(%arg16 : memref<!tpu.dma_semaphore, #tpu.memory_space<semaphore_mem>>) src(%dma_wait3A_65 : memref<8x80xi32, #tpu.memory_space<hbm>>) dst(%dma_wait3A_61 : memref<8x80xi32, #tpu.memory_space<vmem>>)
      %dma_start3A_66 = arith.constant 640 : i32
      %dma_start3A_67 = tpu.memref_slice %run_scoped3A[%dma_start3A_66] : memref<1280xi32, #tpu.memory_space<vmem>> -> memref<640xi32, #tpu.memory_space<vmem>>
      %dma_start3A_68 = arith.constant 640 : i32
      %dma_start3A_69 = tpu.memref_slice %arg3[%add3A, %dma_start3A_68] : memref<32x10240xi32, #tpu.memory_space<hbm>> -> memref<1x640xi32, #tpu.memory_space<hbm>>
      %dma_start3A_70 = tpu.memref_squeeze %dma_start3A_69 : memref<1x640xi32, #tpu.memory_space<hbm>> -> memref<640xi32, #tpu.memory_space<hbm>>
      %dma_start3A_71 = arith.constant 640 : i32
      %dma_start3A_72 = tpu.memref_slice %run_scoped3A[%dma_start3A_71] : memref<1280xi32, #tpu.memory_space<vmem>> -> memref<640xi32, #tpu.memory_space<vmem>>
      %dma_start3A_73 = arith.constant 640 : i32
      %dma_start3A_74 = tpu.memref_slice %arg3[%add3A, %dma_start3A_73] : memref<32x10240xi32, #tpu.memory_space<hbm>> -> memref<1x640xi32, #tpu.memory_space<hbm>>
      %dma_start3A_75 = tpu.memref_squeeze %dma_start3A_74 : memref<1x640xi32, #tpu.memory_space<hbm>> -> memref<640xi32, #tpu.memory_space<hbm>>
      tpu.enqueue_dma source(%dma_start3A_75 : memref<640xi32, #tpu.memory_space<hbm>>) target(%dma_start3A_72 : memref<640xi32, #tpu.memory_space<vmem>>) target_semaphore(%arg16 : memref<!tpu.dma_semaphore, #tpu.memory_space<semaphore_mem>>)
      %dma_start3A_76 = arith.constant 1 : i32
      %dma_start3A_77 = arith.constant 0 : i32
      %dma_start3A_78 = arith.constant 0 : i32
      %dma_start3A_79 = tpu.memref_slice %run_scoped3A_7[%dma_start3A_76, %dma_start3A_77, %dma_start3A_78] : memref<2x8x80xi32, #tpu.memory_space<vmem>> -> memref<1x8x80xi32, #tpu.memory_space<vmem>>
      %dma_start3A_80 = tpu.memref_squeeze %dma_start3A_79 : memref<1x8x80xi32, #tpu.memory_space<vmem>> -> memref<8x80xi32, #tpu.memory_space<vmem>>
      %dma_start3A_81 = arith.constant 8 : i32
      %dma_start3A_82 = arith.constant 0 : i32
      %dma_start3A_83 = tpu.memref_slice %arg4[%add3A, %dma_start3A_81, %dma_start3A_82] : memref<32x128x80xi32, #tpu.memory_space<hbm>> -> memref<1x8x80xi32, #tpu.memory_space<hbm>>
      %dma_start3A_84 = tpu.memref_squeeze %dma_start3A_83 : memref<1x8x80xi32, #tpu.memory_space<hbm>> -> memref<8x80xi32, #tpu.memory_space<hbm>>
      %dma_start3A_85 = arith.constant 0 : i32
      %dma_start3A_86 = arith.constant 0 : i32
      %dma_start3A_87 = tpu.memref_slice %run_scoped3A_7[%dma_start3A_76, %dma_start3A_85, %dma_start3A_86] : memref<2x8x80xi32, #tpu.memory_space<vmem>> -> memref<1x8x80xi32, #tpu.memory_space<vmem>>
      %dma_start3A_88 = tpu.memref_squeeze %dma_start3A_87 : memref<1x8x80xi32, #tpu.memory_space<vmem>> -> memref<8x80xi32, #tpu.memory_space<vmem>>
      %dma_start3A_89 = arith.constant 8 : i32
      %dma_start3A_90 = arith.constant 0 : i32
      %dma_start3A_91 = tpu.memref_slice %arg4[%add3A, %dma_start3A_89, %dma_start3A_90] : memref<32x128x80xi32, #tpu.memory_space<hbm>> -> memref<1x8x80xi32, #tpu.memory_space<hbm>>
      %dma_start3A_92 = tpu.memref_squeeze %dma_start3A_91 : memref<1x8x80xi32, #tpu.memory_space<hbm>> -> memref<8x80xi32, #tpu.memory_space<hbm>>
      tpu.enqueue_dma source(%dma_start3A_92 : memref<8x80xi32, #tpu.memory_space<hbm>>) target(%dma_start3A_88 : memref<8x80xi32, #tpu.memory_space<vmem>>) target_semaphore(%arg16 : memref<!tpu.dma_semaphore, #tpu.memory_space<semaphore_mem>>)
      %barrier3A_93 = arith.constant 0 : index
      tpu.barrier barrier_id(%barrier3A_93)
      %dma_start3A_94 = arith.constant 0 : i32
      %dma_start3A_95 = tpu.memref_slice %run_scoped3A[%dma_start3A_94] : memref<1280xi32, #tpu.memory_space<vmem>> -> memref<80xi32, #tpu.memory_space<vmem>>
      %dma_start3A_96 = arith.constant 0 : i32
      %dma_start3A_97 = arith.constant 0 : i32
      %dma_start3A_98 = tpu.memref_slice %arg2[%dma_start3A_96, %dma_start3A_97] : memref<10240x128xf32, #tpu.memory_space<hbm>> -> memref<10240x128xf32, #tpu.memory_space<hbm>>
      tpu.enqueue_indirect_dma source(%dma_start3A_98 : memref<10240x128xf32, #tpu.memory_space<hbm>>) target(%run_scoped3A_8 : memref<80x128xf32, #tpu.memory_space<vmem>>) offsets(%dma_start3A_95 : memref<80xi32, #tpu.memory_space<vmem>>) semaphore(%arg8 : memref<!tpu.dma_semaphore, #tpu.memory_space<semaphore_mem>>)
      %dma_start3A_99 = arith.constant 80 : i32
      %dma_start3A_100 = tpu.memref_slice %run_scoped3A[%dma_start3A_99] : memref<1280xi32, #tpu.memory_space<vmem>> -> memref<80xi32, #tpu.memory_space<vmem>>
      %dma_start3A_101 = arith.constant 0 : i32
      %dma_start3A_102 = arith.constant 0 : i32
      %dma_start3A_103 = tpu.memref_slice %arg2[%dma_start3A_101, %dma_start3A_102] : memref<10240x128xf32, #tpu.memory_space<hbm>> -> memref<10240x128xf32, #tpu.memory_space<hbm>>
      tpu.enqueue_indirect_dma source(%dma_start3A_103 : memref<10240x128xf32, #tpu.memory_space<hbm>>) target(%run_scoped3A_9 : memref<80x128xf32, #tpu.memory_space<vmem>>) offsets(%dma_start3A_100 : memref<80xi32, #tpu.memory_space<vmem>>) semaphore(%arg9 : memref<!tpu.dma_semaphore, #tpu.memory_space<semaphore_mem>>)
      %scan3A = arith.constant 0 : i32
      %scan3A_104 = arith.constant 0 : i32
      %scan3A_105 = arith.constant 31 : i32
      %scan3A_106 = arith.addi %scan3A_104, %scan3A_105 : i32
      %scan3A_107 = arith.constant 1 : i32
      scf.for %scan3A_141 = %scan3A_104 to %scan3A_106 step %scan3A_107  : i32 {
        %mul3A_142 = arith.constant 4 : i32
        %mul3A_143 = arith.muli %mul3A_142, %scan3A_141 : i32
        %add3A_144 = arith.constant 0 : i32
        %add3A_145 = arith.addi %mul3A_143, %add3A_144 : i32
        %add3A_146 = arith.constant 2 : i32
        %add3A_147 = arith.addi %add3A_145, %add3A_146 : i32
        %ge3A = arith.constant 2 : i32
        %ge3A_148 = arith.cmpi sge, %add3A_145, %ge3A : i32
        %convert_element_type3A = arith.extui %ge3A_148 : i1 to i32
        %cond3A = arith.constant 0 : i32
        %cond3A_149 = arith.cmpi ne, %convert_element_type3A, %cond3A : i32
        scf.if %cond3A_149 {
          %dma_wait3A_465 = arith.constant 0 : i32
          %dma_wait3A_466 = arith.constant 0 : i32
          %dma_wait3A_467 = tpu.memref_slice %arg2[%dma_wait3A_465, %dma_wait3A_466] : memref<10240x128xf32, #tpu.memory_space<hbm>> -> memref<80x128xf32, #tpu.memory_space<hbm>>
          %dma_wait3A_468 = arith.constant 0 : i32
          %dma_wait3A_469 = arith.constant 0 : i32
          %dma_wait3A_470 = tpu.memref_slice %arg2[%dma_wait3A_468, %dma_wait3A_469] : memref<10240x128xf32, #tpu.memory_space<hbm>> -> memref<80x128xf32, #tpu.memory_space<hbm>>
          tpu.wait_dma2 semaphore(%arg14 : memref<!tpu.dma_semaphore, #tpu.memory_space<semaphore_mem>>) src(%dma_wait3A_470 : memref<80x128xf32, #tpu.memory_space<hbm>>) dst(%run_scoped3A_10 : memref<80x128xf32, #tpu.memory_space<vmem>>)
        } else {
        }
        %lt3A = arith.constant 125 : i32
        %lt3A_150 = arith.cmpi slt, %add3A_147, %lt3A : i32
        %convert_element_type3A_151 = arith.extui %lt3A_150 : i1 to i32
        %cond3A_152 = arith.constant 0 : i32
        %cond3A_153 = arith.cmpi ne, %convert_element_type3A_151, %cond3A_152 : i32
        scf.if %cond3A_153 {
          %jit3A_465 = arith.constant 8 : i32
          %eq3A_466 = arith.constant 0 : i32
          %eq3A_467 = arith.cmpi eq, %jit3A_465, %eq3A_466 : i32
          %jit3A_468 = arith.constant 1 : i32
          %select_n3A_469 = arith.select %eq3A_467, %jit3A_468, %jit3A_465 : i32
          %rem3A_470 = arith.remsi %add3A_147, %select_n3A_469 : i32
          %ne3A_471 = arith.constant 0 : i32
          %ne3A_472 = arith.cmpi ne, %rem3A_470, %ne3A_471 : i32
          %lt3A_473 = arith.constant 0 : i32
          %lt3A_474 = arith.cmpi slt, %rem3A_470, %lt3A_473 : i32
          %lt3A_475 = arith.constant 0 : i32
          %lt3A_476 = arith.cmpi slt, %select_n3A_469, %lt3A_475 : i32
          %ne3A_477 = arith.xori %lt3A_474, %lt3A_476 : i1
          %and3A_478 = arith.andi %ne3A_477, %ne3A_472 : i1
          %add3A_479 = arith.addi %rem3A_470, %select_n3A_469 : i32
          %select_n3A_480 = arith.select %and3A_478, %add3A_479, %rem3A_470 : i32
          %eq3A_481 = arith.constant 0 : i32
          %eq3A_482 = arith.cmpi eq, %select_n3A_480, %eq3A_481 : i32
          %convert_element_type3A_483 = arith.extui %eq3A_482 : i1 to i32
          %cond3A_484 = arith.constant 0 : i32
          %cond3A_485 = arith.cmpi ne, %convert_element_type3A_483, %cond3A_484 : i32
          scf.if %cond3A_485 {
            %jit3A_603 = arith.constant 8 : i32
            %div3A_604 = arith.divsi %add3A_147, %jit3A_603 : i32
            %sign3A_605 = arith.constant 0 : i32
            %sign3A_606 = arith.cmpi sgt, %add3A_147, %sign3A_605 : i32
            %sign3A_607 = arith.extui %sign3A_606 : i1 to i32
            %sign3A_608 = arith.constant 0 : i32
            %sign3A_609 = arith.cmpi slt, %add3A_147, %sign3A_608 : i32
            %sign3A_610 = arith.extui %sign3A_609 : i1 to i32
            %sign3A_611 = arith.subi %sign3A_607, %sign3A_610 : i32
            %sign3A_612 = arith.constant 0 : i32
            %sign3A_613 = arith.cmpi sgt, %jit3A_603, %sign3A_612 : i32
            %sign3A_614 = arith.extui %sign3A_613 : i1 to i32
            %sign3A_615 = arith.constant 0 : i32
            %sign3A_616 = arith.cmpi slt, %jit3A_603, %sign3A_615 : i32
            %sign3A_617 = arith.extui %sign3A_616 : i1 to i32
            %sign3A_618 = arith.subi %sign3A_614, %sign3A_617 : i32
            %ne3A_619 = arith.cmpi ne, %sign3A_611, %sign3A_618 : i32
            %rem3A_620 = arith.remsi %add3A_147, %jit3A_603 : i32
            %ne3A_621 = arith.constant 0 : i32
            %ne3A_622 = arith.cmpi ne, %rem3A_620, %ne3A_621 : i32
            %and3A_623 = arith.andi %ne3A_619, %ne3A_622 : i1
            %sub3A_624 = arith.constant 1 : i32
            %sub3A_625 = arith.subi %div3A_604, %sub3A_624 : i32
            %select_n3A_626 = arith.select %and3A_623, %sub3A_625, %div3A_604 : i32
            %jit3A_627 = arith.constant 2 : i32
            %eq3A_628 = arith.constant 0 : i32
            %eq3A_629 = arith.cmpi eq, %jit3A_627, %eq3A_628 : i32
            %jit3A_630 = arith.constant 1 : i32
            %select_n3A_631 = arith.select %eq3A_629, %jit3A_630, %jit3A_627 : i32
            %rem3A_632 = arith.remsi %select_n3A_626, %select_n3A_631 : i32
            %ne3A_633 = arith.constant 0 : i32
            %ne3A_634 = arith.cmpi ne, %rem3A_632, %ne3A_633 : i32
            %lt3A_635 = arith.constant 0 : i32
            %lt3A_636 = arith.cmpi slt, %rem3A_632, %lt3A_635 : i32
            %lt3A_637 = arith.constant 0 : i32
            %lt3A_638 = arith.cmpi slt, %select_n3A_631, %lt3A_637 : i32
            %ne3A_639 = arith.xori %lt3A_636, %lt3A_638 : i1
            %and3A_640 = arith.andi %ne3A_639, %ne3A_634 : i1
            %add3A_641 = arith.addi %rem3A_632, %select_n3A_631 : i32
            %select_n3A_642 = arith.select %and3A_640, %add3A_641, %rem3A_632 : i32
            %mul3A_643 = arith.constant 8 : i32
            %mul3A_644 = arith.muli %select_n3A_642, %mul3A_643 : i32
            %mul3A_645 = arith.constant 80 : i32
            %mul3A_646 = arith.muli %mul3A_644, %mul3A_645 : i32
            %dma_wait3A_647 = arith.constant 0 : i32
            %dma_wait3A_648 = tpu.memref_slice %run_scoped3A[%mul3A_646] : memref<1280xi32, #tpu.memory_space<vmem>> -> memref<640xi32, #tpu.memory_space<vmem>>
            %dma_wait3A_649 = arith.constant 0 : i32
            %dma_wait3A_650 = tpu.memref_slice %arg3[%dma_wait3A_647, %dma_wait3A_649] : memref<32x10240xi32, #tpu.memory_space<hbm>> -> memref<1x640xi32, #tpu.memory_space<hbm>>
            %dma_wait3A_651 = tpu.memref_squeeze %dma_wait3A_650 : memref<1x640xi32, #tpu.memory_space<hbm>> -> memref<640xi32, #tpu.memory_space<hbm>>
            %dma_wait3A_652 = tpu.memref_slice %run_scoped3A[%mul3A_646] : memref<1280xi32, #tpu.memory_space<vmem>> -> memref<640xi32, #tpu.memory_space<vmem>>
            %dma_wait3A_653 = arith.constant 0 : i32
            %dma_wait3A_654 = tpu.memref_slice %arg3[%dma_wait3A_647, %dma_wait3A_653] : memref<32x10240xi32, #tpu.memory_space<hbm>> -> memref<1x640xi32, #tpu.memory_space<hbm>>
            %dma_wait3A_655 = tpu.memref_squeeze %dma_wait3A_654 : memref<1x640xi32, #tpu.memory_space<hbm>> -> memref<640xi32, #tpu.memory_space<hbm>>
            tpu.wait_dma2 semaphore(%arg16 : memref<!tpu.dma_semaphore, #tpu.memory_space<semaphore_mem>>) src(%dma_wait3A_655 : memref<640xi32, #tpu.memory_space<hbm>>) dst(%dma_wait3A_652 : memref<640xi32, #tpu.memory_space<vmem>>)
            %dma_wait3A_656 = arith.constant 0 : i32
            %dma_wait3A_657 = arith.constant 0 : i32
            %dma_wait3A_658 = arith.constant 0 : i32
            %dma_wait3A_659 = tpu.memref_slice %run_scoped3A_7[%select_n3A_642, %dma_wait3A_657, %dma_wait3A_658] : memref<2x8x80xi32, #tpu.memory_space<vmem>> -> memref<1x8x80xi32, #tpu.memory_space<vmem>>
            %dma_wait3A_660 = tpu.memref_squeeze %dma_wait3A_659 : memref<1x8x80xi32, #tpu.memory_space<vmem>> -> memref<8x80xi32, #tpu.memory_space<vmem>>
            %dma_wait3A_661 = arith.constant 0 : i32
            %dma_wait3A_662 = arith.constant 0 : i32
            %dma_wait3A_663 = tpu.memref_slice %arg4[%dma_wait3A_656, %dma_wait3A_661, %dma_wait3A_662] : memref<32x128x80xi32, #tpu.memory_space<hbm>> -> memref<1x8x80xi32, #tpu.memory_space<hbm>>
            %dma_wait3A_664 = tpu.memref_squeeze %dma_wait3A_663 : memref<1x8x80xi32, #tpu.memory_space<hbm>> -> memref<8x80xi32, #tpu.memory_space<hbm>>
            %dma_wait3A_665 = arith.constant 0 : i32
            %dma_wait3A_666 = arith.constant 0 : i32
            %dma_wait3A_667 = tpu.memref_slice %run_scoped3A_7[%select_n3A_642, %dma_wait3A_665, %dma_wait3A_666] : memref<2x8x80xi32, #tpu.memory_space<vmem>> -> memref<1x8x80xi32, #tpu.memory_space<vmem>>
            %dma_wait3A_668 = tpu.memref_squeeze %dma_wait3A_667 : memref<1x8x80xi32, #tpu.memory_space<vmem>> -> memref<8x80xi32, #tpu.memory_space<vmem>>
            %dma_wait3A_669 = arith.constant 0 : i32
            %dma_wait3A_670 = arith.constant 0 : i32
            %dma_wait3A_671 = tpu.memref_slice %arg4[%dma_wait3A_656, %dma_wait3A_669, %dma_wait3A_670] : memref<32x128x80xi32, #tpu.memory_space<hbm>> -> memref<1x8x80xi32, #tpu.memory_space<hbm>>
            %dma_wait3A_672 = tpu.memref_squeeze %dma_wait3A_671 : memref<1x8x80xi32, #tpu.memory_space<hbm>> -> memref<8x80xi32, #tpu.memory_space<hbm>>
            tpu.wait_dma2 semaphore(%arg16 : memref<!tpu.dma_semaphore, #tpu.memory_space<semaphore_mem>>) src(%dma_wait3A_672 : memref<8x80xi32, #tpu.memory_space<hbm>>) dst(%dma_wait3A_668 : memref<8x80xi32, #tpu.memory_space<vmem>>)
          } else {
          }
          %jit3A_486 = arith.constant 8 : i32
          %eq3A_487 = arith.constant 0 : i32
          %eq3A_488 = arith.cmpi eq, %jit3A_486, %eq3A_487 : i32
          %jit3A_489 = arith.constant 1 : i32
          %select_n3A_490 = arith.select %eq3A_488, %jit3A_489, %jit3A_486 : i32
          %rem3A_491 = arith.remsi %add3A_147, %select_n3A_490 : i32
          %ne3A_492 = arith.constant 0 : i32
          %ne3A_493 = arith.cmpi ne, %rem3A_491, %ne3A_492 : i32
          %lt3A_494 = arith.constant 0 : i32
          %lt3A_495 = arith.cmpi slt, %rem3A_491, %lt3A_494 : i32
          %lt3A_496 = arith.constant 0 : i32
          %lt3A_497 = arith.cmpi slt, %select_n3A_490, %lt3A_496 : i32
          %ne3A_498 = arith.xori %lt3A_495, %lt3A_497 : i1
          %and3A_499 = arith.andi %ne3A_498, %ne3A_493 : i1
          %add3A_500 = arith.addi %rem3A_491, %select_n3A_490 : i32
          %select_n3A_501 = arith.select %and3A_499, %add3A_500, %rem3A_491 : i32
          %eq3A_502 = arith.constant 4 : i32
          %eq3A_503 = arith.cmpi eq, %select_n3A_501, %eq3A_502 : i32
          %ge3A_504 = arith.constant 12 : i32
          %ge3A_505 = arith.cmpi sge, %add3A_147, %ge3A_504 : i32
          %and3A_506 = arith.andi %eq3A_503, %ge3A_505 : i1
          %jit3A_507 = arith.constant 8 : i32
          %div3A_508 = arith.divsi %add3A_147, %jit3A_507 : i32
          %sign3A_509 = arith.constant 0 : i32
          %sign3A_510 = arith.cmpi sgt, %add3A_147, %sign3A_509 : i32
          %sign3A_511 = arith.extui %sign3A_510 : i1 to i32
          %sign3A_512 = arith.constant 0 : i32
          %sign3A_513 = arith.cmpi slt, %add3A_147, %sign3A_512 : i32
          %sign3A_514 = arith.extui %sign3A_513 : i1 to i32
          %sign3A_515 = arith.subi %sign3A_511, %sign3A_514 : i32
          %sign3A_516 = arith.constant 0 : i32
          %sign3A_517 = arith.cmpi sgt, %jit3A_507, %sign3A_516 : i32
          %sign3A_518 = arith.extui %sign3A_517 : i1 to i32
          %sign3A_519 = arith.constant 0 : i32
          %sign3A_520 = arith.cmpi slt, %jit3A_507, %sign3A_519 : i32
          %sign3A_521 = arith.extui %sign3A_520 : i1 to i32
          %sign3A_522 = arith.subi %sign3A_518, %sign3A_521 : i32
          %ne3A_523 = arith.cmpi ne, %sign3A_515, %sign3A_522 : i32
          %rem3A_524 = arith.remsi %add3A_147, %jit3A_507 : i32
          %ne3A_525 = arith.constant 0 : i32
          %ne3A_526 = arith.cmpi ne, %rem3A_524, %ne3A_525 : i32
          %and3A_527 = arith.andi %ne3A_523, %ne3A_526 : i1
          %sub3A_528 = arith.constant 1 : i32
          %sub3A_529 = arith.subi %div3A_508, %sub3A_528 : i32
          %select_n3A_530 = arith.select %and3A_527, %sub3A_529, %div3A_508 : i32
          %add3A_531 = arith.constant 1 : i32
          %add3A_532 = arith.addi %select_n3A_530, %add3A_531 : i32
          %le3A = arith.constant 15 : i32
          %le3A_533 = arith.cmpi sle, %add3A_532, %le3A : i32
          %and3A_534 = arith.andi %and3A_506, %le3A_533 : i1
          %convert_element_type3A_535 = arith.extui %and3A_534 : i1 to i32
          %cond3A_536 = arith.constant 0 : i32
          %cond3A_537 = arith.cmpi ne, %convert_element_type3A_535, %cond3A_536 : i32
          scf.if %cond3A_537 {
            %jit3A_603 = arith.constant 8 : i32
            %div3A_604 = arith.divsi %add3A_147, %jit3A_603 : i32
            %sign3A_605 = arith.constant 0 : i32
            %sign3A_606 = arith.cmpi sgt, %add3A_147, %sign3A_605 : i32
            %sign3A_607 = arith.extui %sign3A_606 : i1 to i32
            %sign3A_608 = arith.constant 0 : i32
            %sign3A_609 = arith.cmpi slt, %add3A_147, %sign3A_608 : i32
            %sign3A_610 = arith.extui %sign3A_609 : i1 to i32
            %sign3A_611 = arith.subi %sign3A_607, %sign3A_610 : i32
            %sign3A_612 = arith.constant 0 : i32
            %sign3A_613 = arith.cmpi sgt, %jit3A_603, %sign3A_612 : i32
            %sign3A_614 = arith.extui %sign3A_613 : i1 to i32
            %sign3A_615 = arith.constant 0 : i32
            %sign3A_616 = arith.cmpi slt, %jit3A_603, %sign3A_615 : i32
            %sign3A_617 = arith.extui %sign3A_616 : i1 to i32
            %sign3A_618 = arith.subi %sign3A_614, %sign3A_617 : i32
            %ne3A_619 = arith.cmpi ne, %sign3A_611, %sign3A_618 : i32
            %rem3A_620 = arith.remsi %add3A_147, %jit3A_603 : i32
            %ne3A_621 = arith.constant 0 : i32
            %ne3A_622 = arith.cmpi ne, %rem3A_620, %ne3A_621 : i32
            %and3A_623 = arith.andi %ne3A_619, %ne3A_622 : i1
            %sub3A_624 = arith.constant 1 : i32
            %sub3A_625 = arith.subi %div3A_604, %sub3A_624 : i32
            %select_n3A_626 = arith.select %and3A_623, %sub3A_625, %div3A_604 : i32
            %add3A_627 = arith.constant 1 : i32
            %add3A_628 = arith.addi %select_n3A_626, %add3A_627 : i32
            %jit3A_629 = arith.constant 8 : i32
            %div3A_630 = arith.divsi %add3A_147, %jit3A_629 : i32
            %sign3A_631 = arith.constant 0 : i32
            %sign3A_632 = arith.cmpi sgt, %add3A_147, %sign3A_631 : i32
            %sign3A_633 = arith.extui %sign3A_632 : i1 to i32
            %sign3A_634 = arith.constant 0 : i32
            %sign3A_635 = arith.cmpi slt, %add3A_147, %sign3A_634 : i32
            %sign3A_636 = arith.extui %sign3A_635 : i1 to i32
            %sign3A_637 = arith.subi %sign3A_633, %sign3A_636 : i32
            %sign3A_638 = arith.constant 0 : i32
            %sign3A_639 = arith.cmpi sgt, %jit3A_629, %sign3A_638 : i32
            %sign3A_640 = arith.extui %sign3A_639 : i1 to i32
            %sign3A_641 = arith.constant 0 : i32
            %sign3A_642 = arith.cmpi slt, %jit3A_629, %sign3A_641 : i32
            %sign3A_643 = arith.extui %sign3A_642 : i1 to i32
            %sign3A_644 = arith.subi %sign3A_640, %sign3A_643 : i32
            %ne3A_645 = arith.cmpi ne, %sign3A_637, %sign3A_644 : i32
            %rem3A_646 = arith.remsi %add3A_147, %jit3A_629 : i32
            %ne3A_647 = arith.constant 0 : i32
            %ne3A_648 = arith.cmpi ne, %rem3A_646, %ne3A_647 : i32
            %and3A_649 = arith.andi %ne3A_645, %ne3A_648 : i1
            %sub3A_650 = arith.constant 1 : i32
            %sub3A_651 = arith.subi %div3A_630, %sub3A_650 : i32
            %select_n3A_652 = arith.select %and3A_649, %sub3A_651, %div3A_630 : i32
            %add3A_653 = arith.constant 1 : i32
            %add3A_654 = arith.addi %select_n3A_652, %add3A_653 : i32
            %jit3A_655 = arith.constant 2 : i32
            %eq3A_656 = arith.constant 0 : i32
            %eq3A_657 = arith.cmpi eq, %jit3A_655, %eq3A_656 : i32
            %jit3A_658 = arith.constant 1 : i32
            %select_n3A_659 = arith.select %eq3A_657, %jit3A_658, %jit3A_655 : i32
            %rem3A_660 = arith.remsi %add3A_654, %select_n3A_659 : i32
            %ne3A_661 = arith.constant 0 : i32
            %ne3A_662 = arith.cmpi ne, %rem3A_660, %ne3A_661 : i32
            %lt3A_663 = arith.constant 0 : i32
            %lt3A_664 = arith.cmpi slt, %rem3A_660, %lt3A_663 : i32
            %lt3A_665 = arith.constant 0 : i32
            %lt3A_666 = arith.cmpi slt, %select_n3A_659, %lt3A_665 : i32
            %ne3A_667 = arith.xori %lt3A_664, %lt3A_666 : i1
            %and3A_668 = arith.andi %ne3A_667, %ne3A_662 : i1
            %add3A_669 = arith.addi %rem3A_660, %select_n3A_659 : i32
            %select_n3A_670 = arith.select %and3A_668, %add3A_669, %rem3A_660 : i32
            %mul3A_671 = arith.constant 8 : i32
            %mul3A_672 = arith.muli %add3A_628, %mul3A_671 : i32
            %mul3A_673 = arith.constant 80 : i32
            %mul3A_674 = arith.muli %mul3A_672, %mul3A_673 : i32
            %mul3A_675 = arith.constant 8 : i32
            %mul3A_676 = arith.muli %select_n3A_670, %mul3A_675 : i32
            %mul3A_677 = arith.constant 80 : i32
            %mul3A_678 = arith.muli %mul3A_676, %mul3A_677 : i32
            %dma_start3A_679 = tpu.memref_slice %run_scoped3A[%mul3A_678] : memref<1280xi32, #tpu.memory_space<vmem>> -> memref<640xi32, #tpu.memory_space<vmem>>
            %dma_start3A_680 = tpu.memref_slice %arg3[%add3A, %mul3A_674] : memref<32x10240xi32, #tpu.memory_space<hbm>> -> memref<1x640xi32, #tpu.memory_space<hbm>>
            %dma_start3A_681 = tpu.memref_squeeze %dma_start3A_680 : memref<1x640xi32, #tpu.memory_space<hbm>> -> memref<640xi32, #tpu.memory_space<hbm>>
            %dma_start3A_682 = tpu.memref_slice %run_scoped3A[%mul3A_678] : memref<1280xi32, #tpu.memory_space<vmem>> -> memref<640xi32, #tpu.memory_space<vmem>>
            %dma_start3A_683 = tpu.memref_slice %arg3[%add3A, %mul3A_674] : memref<32x10240xi32, #tpu.memory_space<hbm>> -> memref<1x640xi32, #tpu.memory_space<hbm>>
            %dma_start3A_684 = tpu.memref_squeeze %dma_start3A_683 : memref<1x640xi32, #tpu.memory_space<hbm>> -> memref<640xi32, #tpu.memory_space<hbm>>
            tpu.enqueue_dma source(%dma_start3A_684 : memref<640xi32, #tpu.memory_space<hbm>>) target(%dma_start3A_682 : memref<640xi32, #tpu.memory_space<vmem>>) target_semaphore(%arg16 : memref<!tpu.dma_semaphore, #tpu.memory_space<semaphore_mem>>)
            %mul3A_685 = arith.constant 8 : i32
            %mul3A_686 = arith.muli %add3A_628, %mul3A_685 : i32
            %dma_start3A_687 = arith.constant 0 : i32
            %dma_start3A_688 = arith.constant 0 : i32
            %dma_start3A_689 = tpu.memref_slice %run_scoped3A_7[%select_n3A_670, %dma_start3A_687, %dma_start3A_688] : memref<2x8x80xi32, #tpu.memory_space<vmem>> -> memref<1x8x80xi32, #tpu.memory_space<vmem>>
            %dma_start3A_690 = tpu.memref_squeeze %dma_start3A_689 : memref<1x8x80xi32, #tpu.memory_space<vmem>> -> memref<8x80xi32, #tpu.memory_space<vmem>>
            %dma_start3A_691 = arith.constant 0 : i32
            %dma_start3A_692 = tpu.memref_slice %arg4[%add3A, %mul3A_686, %dma_start3A_691] : memref<32x128x80xi32, #tpu.memory_space<hbm>> -> memref<1x8x80xi32, #tpu.memory_space<hbm>>
            %dma_start3A_693 = tpu.memref_squeeze %dma_start3A_692 : memref<1x8x80xi32, #tpu.memory_space<hbm>> -> memref<8x80xi32, #tpu.memory_space<hbm>>
            %dma_start3A_694 = arith.constant 0 : i32
            %dma_start3A_695 = arith.constant 0 : i32
            %dma_start3A_696 = tpu.memref_slice %run_scoped3A_7[%select_n3A_670, %dma_start3A_694, %dma_start3A_695] : memref<2x8x80xi32, #tpu.memory_space<vmem>> -> memref<1x8x80xi32, #tpu.memory_space<vmem>>
            %dma_start3A_697 = tpu.memref_squeeze %dma_start3A_696 : memref<1x8x80xi32, #tpu.memory_space<vmem>> -> memref<8x80xi32, #tpu.memory_space<vmem>>
            %dma_start3A_698 = arith.constant 0 : i32
            %dma_start3A_699 = tpu.memref_slice %arg4[%add3A, %mul3A_686, %dma_start3A_698] : memref<32x128x80xi32, #tpu.memory_space<hbm>> -> memref<1x8x80xi32, #tpu.memory_space<hbm>>
            %dma_start3A_700 = tpu.memref_squeeze %dma_start3A_699 : memref<1x8x80xi32, #tpu.memory_space<hbm>> -> memref<8x80xi32, #tpu.memory_space<hbm>>
            tpu.enqueue_dma source(%dma_start3A_700 : memref<8x80xi32, #tpu.memory_space<hbm>>) target(%dma_start3A_697 : memref<8x80xi32, #tpu.memory_space<vmem>>) target_semaphore(%arg16 : memref<!tpu.dma_semaphore, #tpu.memory_space<semaphore_mem>>)
          } else {
          }
          %jit3A_538 = arith.constant 8 : i32
          %div3A_539 = arith.divsi %add3A_147, %jit3A_538 : i32
          %sign3A_540 = arith.constant 0 : i32
          %sign3A_541 = arith.cmpi sgt, %add3A_147, %sign3A_540 : i32
          %sign3A_542 = arith.extui %sign3A_541 : i1 to i32
          %sign3A_543 = arith.constant 0 : i32
          %sign3A_544 = arith.cmpi slt, %add3A_147, %sign3A_543 : i32
          %sign3A_545 = arith.extui %sign3A_544 : i1 to i32
          %sign3A_546 = arith.subi %sign3A_542, %sign3A_545 : i32
          %sign3A_547 = arith.constant 0 : i32
          %sign3A_548 = arith.cmpi sgt, %jit3A_538, %sign3A_547 : i32
          %sign3A_549 = arith.extui %sign3A_548 : i1 to i32
          %sign3A_550 = arith.constant 0 : i32
          %sign3A_551 = arith.cmpi slt, %jit3A_538, %sign3A_550 : i32
          %sign3A_552 = arith.extui %sign3A_551 : i1 to i32
          %sign3A_553 = arith.subi %sign3A_549, %sign3A_552 : i32
          %ne3A_554 = arith.cmpi ne, %sign3A_546, %sign3A_553 : i32
          %rem3A_555 = arith.remsi %add3A_147, %jit3A_538 : i32
          %ne3A_556 = arith.constant 0 : i32
          %ne3A_557 = arith.cmpi ne, %rem3A_555, %ne3A_556 : i32
          %and3A_558 = arith.andi %ne3A_554, %ne3A_557 : i1
          %sub3A_559 = arith.constant 1 : i32
          %sub3A_560 = arith.subi %div3A_539, %sub3A_559 : i32
          %select_n3A_561 = arith.select %and3A_558, %sub3A_560, %div3A_539 : i32
          %jit3A_562 = arith.constant 2 : i32
          %eq3A_563 = arith.constant 0 : i32
          %eq3A_564 = arith.cmpi eq, %jit3A_562, %eq3A_563 : i32
          %jit3A_565 = arith.constant 1 : i32
          %select_n3A_566 = arith.select %eq3A_564, %jit3A_565, %jit3A_562 : i32
          %rem3A_567 = arith.remsi %select_n3A_561, %select_n3A_566 : i32
          %ne3A_568 = arith.constant 0 : i32
          %ne3A_569 = arith.cmpi ne, %rem3A_567, %ne3A_568 : i32
          %lt3A_570 = arith.constant 0 : i32
          %lt3A_571 = arith.cmpi slt, %rem3A_567, %lt3A_570 : i32
          %lt3A_572 = arith.constant 0 : i32
          %lt3A_573 = arith.cmpi slt, %select_n3A_566, %lt3A_572 : i32
          %ne3A_574 = arith.xori %lt3A_571, %lt3A_573 : i1
          %and3A_575 = arith.andi %ne3A_574, %ne3A_569 : i1
          %add3A_576 = arith.addi %rem3A_567, %select_n3A_566 : i32
          %select_n3A_577 = arith.select %and3A_575, %add3A_576, %rem3A_567 : i32
          %mul3A_578 = arith.constant 640 : i32
          %mul3A_579 = arith.muli %select_n3A_577, %mul3A_578 : i32
          %jit3A_580 = arith.constant 8 : i32
          %eq3A_581 = arith.constant 0 : i32
          %eq3A_582 = arith.cmpi eq, %jit3A_580, %eq3A_581 : i32
          %jit3A_583 = arith.constant 1 : i32
          %select_n3A_584 = arith.select %eq3A_582, %jit3A_583, %jit3A_580 : i32
          %rem3A_585 = arith.remsi %add3A_147, %select_n3A_584 : i32
          %ne3A_586 = arith.constant 0 : i32
          %ne3A_587 = arith.cmpi ne, %rem3A_585, %ne3A_586 : i32
          %lt3A_588 = arith.constant 0 : i32
          %lt3A_589 = arith.cmpi slt, %rem3A_585, %lt3A_588 : i32
          %lt3A_590 = arith.constant 0 : i32
          %lt3A_591 = arith.cmpi slt, %select_n3A_584, %lt3A_590 : i32
          %ne3A_592 = arith.xori %lt3A_589, %lt3A_591 : i1
          %and3A_593 = arith.andi %ne3A_592, %ne3A_587 : i1
          %add3A_594 = arith.addi %rem3A_585, %select_n3A_584 : i32
          %select_n3A_595 = arith.select %and3A_593, %add3A_594, %rem3A_585 : i32
          %mul3A_596 = arith.constant 80 : i32
          %mul3A_597 = arith.muli %select_n3A_595, %mul3A_596 : i32
          %add3A_598 = arith.addi %mul3A_579, %mul3A_597 : i32
          %dma_start3A_599 = tpu.memref_slice %run_scoped3A[%add3A_598] : memref<1280xi32, #tpu.memory_space<vmem>> -> memref<80xi32, #tpu.memory_space<vmem>>
          %dma_start3A_600 = arith.constant 0 : i32
          %dma_start3A_601 = arith.constant 0 : i32
          %dma_start3A_602 = tpu.memref_slice %arg2[%dma_start3A_600, %dma_start3A_601] : memref<10240x128xf32, #tpu.memory_space<hbm>> -> memref<10240x128xf32, #tpu.memory_space<hbm>>
          tpu.enqueue_indirect_dma source(%dma_start3A_602 : memref<10240x128xf32, #tpu.memory_space<hbm>>) target(%run_scoped3A_10 : memref<80x128xf32, #tpu.memory_space<vmem>>) offsets(%dma_start3A_599 : memref<80xi32, #tpu.memory_space<vmem>>) semaphore(%arg10 : memref<!tpu.dma_semaphore, #tpu.memory_space<semaphore_mem>>)
        } else {
        }
        %dma_wait3A_154 = arith.constant 0 : i32
        %dma_wait3A_155 = arith.constant 0 : i32
        %dma_wait3A_156 = tpu.memref_slice %arg2[%dma_wait3A_154, %dma_wait3A_155] : memref<10240x128xf32, #tpu.memory_space<hbm>> -> memref<80x128xf32, #tpu.memory_space<hbm>>
        %dma_wait3A_157 = arith.constant 0 : i32
        %dma_wait3A_158 = arith.constant 0 : i32
        %dma_wait3A_159 = tpu.memref_slice %arg2[%dma_wait3A_157, %dma_wait3A_158] : memref<10240x128xf32, #tpu.memory_space<hbm>> -> memref<80x128xf32, #tpu.memory_space<hbm>>
        tpu.wait_dma2 semaphore(%arg8 : memref<!tpu.dma_semaphore, #tpu.memory_space<semaphore_mem>>) src(%dma_wait3A_159 : memref<80x128xf32, #tpu.memory_space<hbm>>) dst(%run_scoped3A_8 : memref<80x128xf32, #tpu.memory_space<vmem>>)
        %jit3A = arith.constant 8 : i32
        %div3A = arith.divsi %add3A_145, %jit3A : i32
        %sign3A = arith.constant 0 : i32
        %sign3A_160 = arith.cmpi sgt, %add3A_145, %sign3A : i32
        %sign3A_161 = arith.extui %sign3A_160 : i1 to i32
        %sign3A_162 = arith.constant 0 : i32
        %sign3A_163 = arith.cmpi slt, %add3A_145, %sign3A_162 : i32
        %sign3A_164 = arith.extui %sign3A_163 : i1 to i32
        %sign3A_165 = arith.subi %sign3A_161, %sign3A_164 : i32
        %sign3A_166 = arith.constant 0 : i32
        %sign3A_167 = arith.cmpi sgt, %jit3A, %sign3A_166 : i32
        %sign3A_168 = arith.extui %sign3A_167 : i1 to i32
        %sign3A_169 = arith.constant 0 : i32
        %sign3A_170 = arith.cmpi slt, %jit3A, %sign3A_169 : i32
        %sign3A_171 = arith.extui %sign3A_170 : i1 to i32
        %sign3A_172 = arith.subi %sign3A_168, %sign3A_171 : i32
        %ne3A = arith.cmpi ne, %sign3A_165, %sign3A_172 : i32
        %rem3A = arith.remsi %add3A_145, %jit3A : i32
        %ne3A_173 = arith.constant 0 : i32
        %ne3A_174 = arith.cmpi ne, %rem3A, %ne3A_173 : i32
        %and3A = arith.andi %ne3A, %ne3A_174 : i1
        %sub3A = arith.constant 1 : i32
        %sub3A_175 = arith.subi %div3A, %sub3A : i32
        %select_n3A = arith.select %and3A, %sub3A_175, %div3A : i32
        %jit3A_176 = arith.constant 2 : i32
        %eq3A = arith.constant 0 : i32
        %eq3A_177 = arith.cmpi eq, %jit3A_176, %eq3A : i32
        %jit3A_178 = arith.constant 1 : i32
        %select_n3A_179 = arith.select %eq3A_177, %jit3A_178, %jit3A_176 : i32
        %rem3A_180 = arith.remsi %select_n3A, %select_n3A_179 : i32
        %ne3A_181 = arith.constant 0 : i32
        %ne3A_182 = arith.cmpi ne, %rem3A_180, %ne3A_181 : i32
        %lt3A_183 = arith.constant 0 : i32
        %lt3A_184 = arith.cmpi slt, %rem3A_180, %lt3A_183 : i32
        %lt3A_185 = arith.constant 0 : i32
        %lt3A_186 = arith.cmpi slt, %select_n3A_179, %lt3A_185 : i32
        %ne3A_187 = arith.xori %lt3A_184, %lt3A_186 : i1
        %and3A_188 = arith.andi %ne3A_187, %ne3A_182 : i1
        %add3A_189 = arith.addi %rem3A_180, %select_n3A_179 : i32
        %select_n3A_190 = arith.select %and3A_188, %add3A_189, %rem3A_180 : i32
        %jit3A_191 = arith.constant 8 : i32
        %eq3A_192 = arith.constant 0 : i32
        %eq3A_193 = arith.cmpi eq, %jit3A_191, %eq3A_192 : i32
        %jit3A_194 = arith.constant 1 : i32
        %select_n3A_195 = arith.select %eq3A_193, %jit3A_194, %jit3A_191 : i32
        %rem3A_196 = arith.remsi %add3A_145, %select_n3A_195 : i32
        %ne3A_197 = arith.constant 0 : i32
        %ne3A_198 = arith.cmpi ne, %rem3A_196, %ne3A_197 : i32
        %lt3A_199 = arith.constant 0 : i32
        %lt3A_200 = arith.cmpi slt, %rem3A_196, %lt3A_199 : i32
        %lt3A_201 = arith.constant 0 : i32
        %lt3A_202 = arith.cmpi slt, %select_n3A_195, %lt3A_201 : i32
        %ne3A_203 = arith.xori %lt3A_200, %lt3A_202 : i1
        %and3A_204 = arith.andi %ne3A_203, %ne3A_198 : i1
        %add3A_205 = arith.addi %rem3A_196, %select_n3A_195 : i32
        %select_n3A_206 = arith.select %and3A_204, %add3A_205, %rem3A_196 : i32
        %dma_start3A_207 = arith.constant 0 : i32
        %dma_start3A_208 = tpu.memref_slice %run_scoped3A_7[%select_n3A_190, %select_n3A_206, %dma_start3A_207] : memref<2x8x80xi32, #tpu.memory_space<vmem>> -> memref<1x1x80xi32, #tpu.memory_space<vmem>>
        %dma_start3A_209 = tpu.memref_squeeze %dma_start3A_208 : memref<1x1x80xi32, #tpu.memory_space<vmem>> -> memref<80xi32, #tpu.memory_space<vmem>>
        %dma_start3A_210 = arith.constant 0 : i32
        %dma_start3A_211 = arith.constant 0 : i32
        %dma_start3A_212 = tpu.memref_slice %arg7[%dma_start3A_210, %dma_start3A_211] : memref<10240x128xf32, #tpu.memory_space<vmem_shared>> -> memref<10240x128xf32, #tpu.memory_space<vmem_shared>>
        tpu.enqueue_indirect_dma source(%run_scoped3A_8 : memref<80x128xf32, #tpu.memory_space<vmem>>) target(%dma_start3A_212 : memref<10240x128xf32, #tpu.memory_space<vmem_shared>>) offsets(%dma_start3A_209 : memref<80xi32, #tpu.memory_space<vmem>>) semaphore(%arg12 : memref<!tpu.dma_semaphore, #tpu.memory_space<semaphore_mem>>) {add = true}
        %mul3A_213 = arith.constant 4 : i32
        %mul3A_214 = arith.muli %mul3A_213, %scan3A_141 : i32
        %add3A_215 = arith.constant 1 : i32
        %add3A_216 = arith.addi %mul3A_214, %add3A_215 : i32
        %add3A_217 = arith.constant 2 : i32
        %add3A_218 = arith.addi %add3A_216, %add3A_217 : i32
        %ge3A_219 = arith.constant 2 : i32
        %ge3A_220 = arith.cmpi sge, %add3A_216, %ge3A_219 : i32
        %convert_element_type3A_221 = arith.extui %ge3A_220 : i1 to i32
        %cond3A_222 = arith.constant 0 : i32
        %cond3A_223 = arith.cmpi ne, %convert_element_type3A_221, %cond3A_222 : i32
        scf.if %cond3A_223 {
          %dma_wait3A_465 = arith.constant 0 : i32
          %dma_wait3A_466 = arith.constant 0 : i32
          %dma_wait3A_467 = tpu.memref_slice %arg2[%dma_wait3A_465, %dma_wait3A_466] : memref<10240x128xf32, #tpu.memory_space<hbm>> -> memref<80x128xf32, #tpu.memory_space<hbm>>
          %dma_wait3A_468 = arith.constant 0 : i32
          %dma_wait3A_469 = arith.constant 0 : i32
          %dma_wait3A_470 = tpu.memref_slice %arg2[%dma_wait3A_468, %dma_wait3A_469] : memref<10240x128xf32, #tpu.memory_space<hbm>> -> memref<80x128xf32, #tpu.memory_space<hbm>>
          tpu.wait_dma2 semaphore(%arg15 : memref<!tpu.dma_semaphore, #tpu.memory_space<semaphore_mem>>) src(%dma_wait3A_470 : memref<80x128xf32, #tpu.memory_space<hbm>>) dst(%run_scoped3A_11 : memref<80x128xf32, #tpu.memory_space<vmem>>)
        } else {
        }
        %lt3A_224 = arith.constant 125 : i32
        %lt3A_225 = arith.cmpi slt, %add3A_218, %lt3A_224 : i32
        %convert_element_type3A_226 = arith.extui %lt3A_225 : i1 to i32
        %cond3A_227 = arith.constant 0 : i32
        %cond3A_228 = arith.cmpi ne, %convert_element_type3A_226, %cond3A_227 : i32
        scf.if %cond3A_228 {
          %jit3A_465 = arith.constant 8 : i32
          %eq3A_466 = arith.constant 0 : i32
          %eq3A_467 = arith.cmpi eq, %jit3A_465, %eq3A_466 : i32
          %jit3A_468 = arith.constant 1 : i32
          %select_n3A_469 = arith.select %eq3A_467, %jit3A_468, %jit3A_465 : i32
          %rem3A_470 = arith.remsi %add3A_218, %select_n3A_469 : i32
          %ne3A_471 = arith.constant 0 : i32
          %ne3A_472 = arith.cmpi ne, %rem3A_470, %ne3A_471 : i32
          %lt3A_473 = arith.constant 0 : i32
          %lt3A_474 = arith.cmpi slt, %rem3A_470, %lt3A_473 : i32
          %lt3A_475 = arith.constant 0 : i32
          %lt3A_476 = arith.cmpi slt, %select_n3A_469, %lt3A_475 : i32
          %ne3A_477 = arith.xori %lt3A_474, %lt3A_476 : i1
          %and3A_478 = arith.andi %ne3A_477, %ne3A_472 : i1
          %add3A_479 = arith.addi %rem3A_470, %select_n3A_469 : i32
          %select_n3A_480 = arith.select %and3A_478, %add3A_479, %rem3A_470 : i32
          %eq3A_481 = arith.constant 0 : i32
          %eq3A_482 = arith.cmpi eq, %select_n3A_480, %eq3A_481 : i32
          %convert_element_type3A_483 = arith.extui %eq3A_482 : i1 to i32
          %cond3A_484 = arith.constant 0 : i32
          %cond3A_485 = arith.cmpi ne, %convert_element_type3A_483, %cond3A_484 : i32
          scf.if %cond3A_485 {
            %jit3A_603 = arith.constant 8 : i32
            %div3A_604 = arith.divsi %add3A_218, %jit3A_603 : i32
            %sign3A_605 = arith.constant 0 : i32
            %sign3A_606 = arith.cmpi sgt, %add3A_218, %sign3A_605 : i32
            %sign3A_607 = arith.extui %sign3A_606 : i1 to i32
            %sign3A_608 = arith.constant 0 : i32
            %sign3A_609 = arith.cmpi slt, %add3A_218, %sign3A_608 : i32
            %sign3A_610 = arith.extui %sign3A_609 : i1 to i32
            %sign3A_611 = arith.subi %sign3A_607, %sign3A_610 : i32
            %sign3A_612 = arith.constant 0 : i32
            %sign3A_613 = arith.cmpi sgt, %jit3A_603, %sign3A_612 : i32
            %sign3A_614 = arith.extui %sign3A_613 : i1 to i32
            %sign3A_615 = arith.constant 0 : i32
            %sign3A_616 = arith.cmpi slt, %jit3A_603, %sign3A_615 : i32
            %sign3A_617 = arith.extui %sign3A_616 : i1 to i32
            %sign3A_618 = arith.subi %sign3A_614, %sign3A_617 : i32
            %ne3A_619 = arith.cmpi ne, %sign3A_611, %sign3A_618 : i32
            %rem3A_620 = arith.remsi %add3A_218, %jit3A_603 : i32
            %ne3A_621 = arith.constant 0 : i32
            %ne3A_622 = arith.cmpi ne, %rem3A_620, %ne3A_621 : i32
            %and3A_623 = arith.andi %ne3A_619, %ne3A_622 : i1
            %sub3A_624 = arith.constant 1 : i32
            %sub3A_625 = arith.subi %div3A_604, %sub3A_624 : i32
            %select_n3A_626 = arith.select %and3A_623, %sub3A_625, %div3A_604 : i32
            %jit3A_627 = arith.constant 2 : i32
            %eq3A_628 = arith.constant 0 : i32
            %eq3A_629 = arith.cmpi eq, %jit3A_627, %eq3A_628 : i32
            %jit3A_630 = arith.constant 1 : i32
            %select_n3A_631 = arith.select %eq3A_629, %jit3A_630, %jit3A_627 : i32
            %rem3A_632 = arith.remsi %select_n3A_626, %select_n3A_631 : i32
            %ne3A_633 = arith.constant 0 : i32
            %ne3A_634 = arith.cmpi ne, %rem3A_632, %ne3A_633 : i32
            %lt3A_635 = arith.constant 0 : i32
            %lt3A_636 = arith.cmpi slt, %rem3A_632, %lt3A_635 : i32
            %lt3A_637 = arith.constant 0 : i32
            %lt3A_638 = arith.cmpi slt, %select_n3A_631, %lt3A_637 : i32
            %ne3A_639 = arith.xori %lt3A_636, %lt3A_638 : i1
            %and3A_640 = arith.andi %ne3A_639, %ne3A_634 : i1
            %add3A_641 = arith.addi %rem3A_632, %select_n3A_631 : i32
            %select_n3A_642 = arith.select %and3A_640, %add3A_641, %rem3A_632 : i32
            %mul3A_643 = arith.constant 8 : i32
            %mul3A_644 = arith.muli %select_n3A_642, %mul3A_643 : i32
            %mul3A_645 = arith.constant 80 : i32
            %mul3A_646 = arith.muli %mul3A_644, %mul3A_645 : i32
            %dma_wait3A_647 = arith.constant 0 : i32
            %dma_wait3A_648 = tpu.memref_slice %run_scoped3A[%mul3A_646] : memref<1280xi32, #tpu.memory_space<vmem>> -> memref<640xi32, #tpu.memory_space<vmem>>
            %dma_wait3A_649 = arith.constant 0 : i32
            %dma_wait3A_650 = tpu.memref_slice %arg3[%dma_wait3A_647, %dma_wait3A_649] : memref<32x10240xi32, #tpu.memory_space<hbm>> -> memref<1x640xi32, #tpu.memory_space<hbm>>
            %dma_wait3A_651 = tpu.memref_squeeze %dma_wait3A_650 : memref<1x640xi32, #tpu.memory_space<hbm>> -> memref<640xi32, #tpu.memory_space<hbm>>
            %dma_wait3A_652 = tpu.memref_slice %run_scoped3A[%mul3A_646] : memref<1280xi32, #tpu.memory_space<vmem>> -> memref<640xi32, #tpu.memory_space<vmem>>
            %dma_wait3A_653 = arith.constant 0 : i32
            %dma_wait3A_654 = tpu.memref_slice %arg3[%dma_wait3A_647, %dma_wait3A_653] : memref<32x10240xi32, #tpu.memory_space<hbm>> -> memref<1x640xi32, #tpu.memory_space<hbm>>
            %dma_wait3A_655 = tpu.memref_squeeze %dma_wait3A_654 : memref<1x640xi32, #tpu.memory_space<hbm>> -> memref<640xi32, #tpu.memory_space<hbm>>
            tpu.wait_dma2 semaphore(%arg16 : memref<!tpu.dma_semaphore, #tpu.memory_space<semaphore_mem>>) src(%dma_wait3A_655 : memref<640xi32, #tpu.memory_space<hbm>>) dst(%dma_wait3A_652 : memref<640xi32, #tpu.memory_space<vmem>>)
            %dma_wait3A_656 = arith.constant 0 : i32
            %dma_wait3A_657 = arith.constant 0 : i32
            %dma_wait3A_658 = arith.constant 0 : i32
            %dma_wait3A_659 = tpu.memref_slice %run_scoped3A_7[%select_n3A_642, %dma_wait3A_657, %dma_wait3A_658] : memref<2x8x80xi32, #tpu.memory_space<vmem>> -> memref<1x8x80xi32, #tpu.memory_space<vmem>>
            %dma_wait3A_660 = tpu.memref_squeeze %dma_wait3A_659 : memref<1x8x80xi32, #tpu.memory_space<vmem>> -> memref<8x80xi32, #tpu.memory_space<vmem>>
            %dma_wait3A_661 = arith.constant 0 : i32
            %dma_wait3A_662 = arith.constant 0 : i32
            %dma_wait3A_663 = tpu.memref_slice %arg4[%dma_wait3A_656, %dma_wait3A_661, %dma_wait3A_662] : memref<32x128x80xi32, #tpu.memory_space<hbm>> -> memref<1x8x80xi32, #tpu.memory_space<hbm>>
            %dma_wait3A_664 = tpu.memref_squeeze %dma_wait3A_663 : memref<1x8x80xi32, #tpu.memory_space<hbm>> -> memref<8x80xi32, #tpu.memory_space<hbm>>
            %dma_wait3A_665 = arith.constant 0 : i32
            %dma_wait3A_666 = arith.constant 0 : i32
            %dma_wait3A_667 = tpu.memref_slice %run_scoped3A_7[%select_n3A_642, %dma_wait3A_665, %dma_wait3A_666] : memref<2x8x80xi32, #tpu.memory_space<vmem>> -> memref<1x8x80xi32, #tpu.memory_space<vmem>>
            %dma_wait3A_668 = tpu.memref_squeeze %dma_wait3A_667 : memref<1x8x80xi32, #tpu.memory_space<vmem>> -> memref<8x80xi32, #tpu.memory_space<vmem>>
            %dma_wait3A_669 = arith.constant 0 : i32
            %dma_wait3A_670 = arith.constant 0 : i32
            %dma_wait3A_671 = tpu.memref_slice %arg4[%dma_wait3A_656, %dma_wait3A_669, %dma_wait3A_670] : memref<32x128x80xi32, #tpu.memory_space<hbm>> -> memref<1x8x80xi32, #tpu.memory_space<hbm>>
            %dma_wait3A_672 = tpu.memref_squeeze %dma_wait3A_671 : memref<1x8x80xi32, #tpu.memory_space<hbm>> -> memref<8x80xi32, #tpu.memory_space<hbm>>
            tpu.wait_dma2 semaphore(%arg16 : memref<!tpu.dma_semaphore, #tpu.memory_space<semaphore_mem>>) src(%dma_wait3A_672 : memref<8x80xi32, #tpu.memory_space<hbm>>) dst(%dma_wait3A_668 : memref<8x80xi32, #tpu.memory_space<vmem>>)
          } else {
          }
          %jit3A_486 = arith.constant 8 : i32
          %eq3A_487 = arith.constant 0 : i32
          %eq3A_488 = arith.cmpi eq, %jit3A_486, %eq3A_487 : i32
          %jit3A_489 = arith.constant 1 : i32
          %select_n3A_490 = arith.select %eq3A_488, %jit3A_489, %jit3A_486 : i32
          %rem3A_491 = arith.remsi %add3A_218, %select_n3A_490 : i32
          %ne3A_492 = arith.constant 0 : i32
          %ne3A_493 = arith.cmpi ne, %rem3A_491, %ne3A_492 : i32
          %lt3A_494 = arith.constant 0 : i32
          %lt3A_495 = arith.cmpi slt, %rem3A_491, %lt3A_494 : i32
          %lt3A_496 = arith.constant 0 : i32
          %lt3A_497 = arith.cmpi slt, %select_n3A_490, %lt3A_496 : i32
          %ne3A_498 = arith.xori %lt3A_495, %lt3A_497 : i1
          %and3A_499 = arith.andi %ne3A_498, %ne3A_493 : i1
          %add3A_500 = arith.addi %rem3A_491, %select_n3A_490 : i32
          %select_n3A_501 = arith.select %and3A_499, %add3A_500, %rem3A_491 : i32
          %eq3A_502 = arith.constant 4 : i32
          %eq3A_503 = arith.cmpi eq, %select_n3A_501, %eq3A_502 : i32
          %ge3A_504 = arith.constant 12 : i32
          %ge3A_505 = arith.cmpi sge, %add3A_218, %ge3A_504 : i32
          %and3A_506 = arith.andi %eq3A_503, %ge3A_505 : i1
          %jit3A_507 = arith.constant 8 : i32
          %div3A_508 = arith.divsi %add3A_218, %jit3A_507 : i32
          %sign3A_509 = arith.constant 0 : i32
          %sign3A_510 = arith.cmpi sgt, %add3A_218, %sign3A_509 : i32
          %sign3A_511 = arith.extui %sign3A_510 : i1 to i32
          %sign3A_512 = arith.constant 0 : i32
          %sign3A_513 = arith.cmpi slt, %add3A_218, %sign3A_512 : i32
          %sign3A_514 = arith.extui %sign3A_513 : i1 to i32
          %sign3A_515 = arith.subi %sign3A_511, %sign3A_514 : i32
          %sign3A_516 = arith.constant 0 : i32
          %sign3A_517 = arith.cmpi sgt, %jit3A_507, %sign3A_516 : i32
          %sign3A_518 = arith.extui %sign3A_517 : i1 to i32
          %sign3A_519 = arith.constant 0 : i32
          %sign3A_520 = arith.cmpi slt, %jit3A_507, %sign3A_519 : i32
          %sign3A_521 = arith.extui %sign3A_520 : i1 to i32
          %sign3A_522 = arith.subi %sign3A_518, %sign3A_521 : i32
          %ne3A_523 = arith.cmpi ne, %sign3A_515, %sign3A_522 : i32
          %rem3A_524 = arith.remsi %add3A_218, %jit3A_507 : i32
          %ne3A_525 = arith.constant 0 : i32
          %ne3A_526 = arith.cmpi ne, %rem3A_524, %ne3A_525 : i32
          %and3A_527 = arith.andi %ne3A_523, %ne3A_526 : i1
          %sub3A_528 = arith.constant 1 : i32
          %sub3A_529 = arith.subi %div3A_508, %sub3A_528 : i32
          %select_n3A_530 = arith.select %and3A_527, %sub3A_529, %div3A_508 : i32
          %add3A_531 = arith.constant 1 : i32
          %add3A_532 = arith.addi %select_n3A_530, %add3A_531 : i32
          %le3A = arith.constant 15 : i32
          %le3A_533 = arith.cmpi sle, %add3A_532, %le3A : i32
          %and3A_534 = arith.andi %and3A_506, %le3A_533 : i1
          %convert_element_type3A_535 = arith.extui %and3A_534 : i1 to i32
          %cond3A_536 = arith.constant 0 : i32
          %cond3A_537 = arith.cmpi ne, %convert_element_type3A_535, %cond3A_536 : i32
          scf.if %cond3A_537 {
            %jit3A_603 = arith.constant 8 : i32
            %div3A_604 = arith.divsi %add3A_218, %jit3A_603 : i32
            %sign3A_605 = arith.constant 0 : i32
            %sign3A_606 = arith.cmpi sgt, %add3A_218, %sign3A_605 : i32
            %sign3A_607 = arith.extui %sign3A_606 : i1 to i32
            %sign3A_608 = arith.constant 0 : i32
            %sign3A_609 = arith.cmpi slt, %add3A_218, %sign3A_608 : i32
            %sign3A_610 = arith.extui %sign3A_609 : i1 to i32
            %sign3A_611 = arith.subi %sign3A_607, %sign3A_610 : i32
            %sign3A_612 = arith.constant 0 : i32
            %sign3A_613 = arith.cmpi sgt, %jit3A_603, %sign3A_612 : i32
            %sign3A_614 = arith.extui %sign3A_613 : i1 to i32
            %sign3A_615 = arith.constant 0 : i32
            %sign3A_616 = arith.cmpi slt, %jit3A_603, %sign3A_615 : i32
            %sign3A_617 = arith.extui %sign3A_616 : i1 to i32
            %sign3A_618 = arith.subi %sign3A_614, %sign3A_617 : i32
            %ne3A_619 = arith.cmpi ne, %sign3A_611, %sign3A_618 : i32
            %rem3A_620 = arith.remsi %add3A_218, %jit3A_603 : i32
            %ne3A_621 = arith.constant 0 : i32
            %ne3A_622 = arith.cmpi ne, %rem3A_620, %ne3A_621 : i32
            %and3A_623 = arith.andi %ne3A_619, %ne3A_622 : i1
            %sub3A_624 = arith.constant 1 : i32
            %sub3A_625 = arith.subi %div3A_604, %sub3A_624 : i32
            %select_n3A_626 = arith.select %and3A_623, %sub3A_625, %div3A_604 : i32
            %add3A_627 = arith.constant 1 : i32
            %add3A_628 = arith.addi %select_n3A_626, %add3A_627 : i32
            %jit3A_629 = arith.constant 8 : i32
            %div3A_630 = arith.divsi %add3A_218, %jit3A_629 : i32
            %sign3A_631 = arith.constant 0 : i32
            %sign3A_632 = arith.cmpi sgt, %add3A_218, %sign3A_631 : i32
            %sign3A_633 = arith.extui %sign3A_632 : i1 to i32
            %sign3A_634 = arith.constant 0 : i32
            %sign3A_635 = arith.cmpi slt, %add3A_218, %sign3A_634 : i32
            %sign3A_636 = arith.extui %sign3A_635 : i1 to i32
            %sign3A_637 = arith.subi %sign3A_633, %sign3A_636 : i32
            %sign3A_638 = arith.constant 0 : i32
            %sign3A_639 = arith.cmpi sgt, %jit3A_629, %sign3A_638 : i32
            %sign3A_640 = arith.extui %sign3A_639 : i1 to i32
            %sign3A_641 = arith.constant 0 : i32
            %sign3A_642 = arith.cmpi slt, %jit3A_629, %sign3A_641 : i32
            %sign3A_643 = arith.extui %sign3A_642 : i1 to i32
            %sign3A_644 = arith.subi %sign3A_640, %sign3A_643 : i32
            %ne3A_645 = arith.cmpi ne, %sign3A_637, %sign3A_644 : i32
            %rem3A_646 = arith.remsi %add3A_218, %jit3A_629 : i32
            %ne3A_647 = arith.constant 0 : i32
            %ne3A_648 = arith.cmpi ne, %rem3A_646, %ne3A_647 : i32
            %and3A_649 = arith.andi %ne3A_645, %ne3A_648 : i1
            %sub3A_650 = arith.constant 1 : i32
            %sub3A_651 = arith.subi %div3A_630, %sub3A_650 : i32
            %select_n3A_652 = arith.select %and3A_649, %sub3A_651, %div3A_630 : i32
            %add3A_653 = arith.constant 1 : i32
            %add3A_654 = arith.addi %select_n3A_652, %add3A_653 : i32
            %jit3A_655 = arith.constant 2 : i32
            %eq3A_656 = arith.constant 0 : i32
            %eq3A_657 = arith.cmpi eq, %jit3A_655, %eq3A_656 : i32
            %jit3A_658 = arith.constant 1 : i32
            %select_n3A_659 = arith.select %eq3A_657, %jit3A_658, %jit3A_655 : i32
            %rem3A_660 = arith.remsi %add3A_654, %select_n3A_659 : i32
            %ne3A_661 = arith.constant 0 : i32
            %ne3A_662 = arith.cmpi ne, %rem3A_660, %ne3A_661 : i32
            %lt3A_663 = arith.constant 0 : i32
            %lt3A_664 = arith.cmpi slt, %rem3A_660, %lt3A_663 : i32
            %lt3A_665 = arith.constant 0 : i32
            %lt3A_666 = arith.cmpi slt, %select_n3A_659, %lt3A_665 : i32
            %ne3A_667 = arith.xori %lt3A_664, %lt3A_666 : i1
            %and3A_668 = arith.andi %ne3A_667, %ne3A_662 : i1
            %add3A_669 = arith.addi %rem3A_660, %select_n3A_659 : i32
            %select_n3A_670 = arith.select %and3A_668, %add3A_669, %rem3A_660 : i32
            %mul3A_671 = arith.constant 8 : i32
            %mul3A_672 = arith.muli %add3A_628, %mul3A_671 : i32
            %mul3A_673 = arith.constant 80 : i32
            %mul3A_674 = arith.muli %mul3A_672, %mul3A_673 : i32
            %mul3A_675 = arith.constant 8 : i32
            %mul3A_676 = arith.muli %select_n3A_670, %mul3A_675 : i32
            %mul3A_677 = arith.constant 80 : i32
            %mul3A_678 = arith.muli %mul3A_676, %mul3A_677 : i32
            %dma_start3A_679 = tpu.memref_slice %run_scoped3A[%mul3A_678] : memref<1280xi32, #tpu.memory_space<vmem>> -> memref<640xi32, #tpu.memory_space<vmem>>
            %dma_start3A_680 = tpu.memref_slice %arg3[%add3A, %mul3A_674] : memref<32x10240xi32, #tpu.memory_space<hbm>> -> memref<1x640xi32, #tpu.memory_space<hbm>>
            %dma_start3A_681 = tpu.memref_squeeze %dma_start3A_680 : memref<1x640xi32, #tpu.memory_space<hbm>> -> memref<640xi32, #tpu.memory_space<hbm>>
            %dma_start3A_682 = tpu.memref_slice %run_scoped3A[%mul3A_678] : memref<1280xi32, #tpu.memory_space<vmem>> -> memref<640xi32, #tpu.memory_space<vmem>>
            %dma_start3A_683 = tpu.memref_slice %arg3[%add3A, %mul3A_674] : memref<32x10240xi32, #tpu.memory_space<hbm>> -> memref<1x640xi32, #tpu.memory_space<hbm>>
            %dma_start3A_684 = tpu.memref_squeeze %dma_start3A_683 : memref<1x640xi32, #tpu.memory_space<hbm>> -> memref<640xi32, #tpu.memory_space<hbm>>
            tpu.enqueue_dma source(%dma_start3A_684 : memref<640xi32, #tpu.memory_space<hbm>>) target(%dma_start3A_682 : memref<640xi32, #tpu.memory_space<vmem>>) target_semaphore(%arg16 : memref<!tpu.dma_semaphore, #tpu.memory_space<semaphore_mem>>)
            %mul3A_685 = arith.constant 8 : i32
            %mul3A_686 = arith.muli %add3A_628, %mul3A_685 : i32
            %dma_start3A_687 = arith.constant 0 : i32
            %dma_start3A_688 = arith.constant 0 : i32
            %dma_start3A_689 = tpu.memref_slice %run_scoped3A_7[%select_n3A_670, %dma_start3A_687, %dma_start3A_688] : memref<2x8x80xi32, #tpu.memory_space<vmem>> -> memref<1x8x80xi32, #tpu.memory_space<vmem>>
            %dma_start3A_690 = tpu.memref_squeeze %dma_start3A_689 : memref<1x8x80xi32, #tpu.memory_space<vmem>> -> memref<8x80xi32, #tpu.memory_space<vmem>>
            %dma_start3A_691 = arith.constant 0 : i32
            %dma_start3A_692 = tpu.memref_slice %arg4[%add3A, %mul3A_686, %dma_start3A_691] : memref<32x128x80xi32, #tpu.memory_space<hbm>> -> memref<1x8x80xi32, #tpu.memory_space<hbm>>
            %dma_start3A_693 = tpu.memref_squeeze %dma_start3A_692 : memref<1x8x80xi32, #tpu.memory_space<hbm>> -> memref<8x80xi32, #tpu.memory_space<hbm>>
            %dma_start3A_694 = arith.constant 0 : i32
            %dma_start3A_695 = arith.constant 0 : i32
            %dma_start3A_696 = tpu.memref_slice %run_scoped3A_7[%select_n3A_670, %dma_start3A_694, %dma_start3A_695] : memref<2x8x80xi32, #tpu.memory_space<vmem>> -> memref<1x8x80xi32, #tpu.memory_space<vmem>>
            %dma_start3A_697 = tpu.memref_squeeze %dma_start3A_696 : memref<1x8x80xi32, #tpu.memory_space<vmem>> -> memref<8x80xi32, #tpu.memory_space<vmem>>
            %dma_start3A_698 = arith.constant 0 : i32
            %dma_start3A_699 = tpu.memref_slice %arg4[%add3A, %mul3A_686, %dma_start3A_698] : memref<32x128x80xi32, #tpu.memory_space<hbm>> -> memref<1x8x80xi32, #tpu.memory_space<hbm>>
            %dma_start3A_700 = tpu.memref_squeeze %dma_start3A_699 : memref<1x8x80xi32, #tpu.memory_space<hbm>> -> memref<8x80xi32, #tpu.memory_space<hbm>>
            tpu.enqueue_dma source(%dma_start3A_700 : memref<8x80xi32, #tpu.memory_space<hbm>>) target(%dma_start3A_697 : memref<8x80xi32, #tpu.memory_space<vmem>>) target_semaphore(%arg16 : memref<!tpu.dma_semaphore, #tpu.memory_space<semaphore_mem>>)
          } else {
          }
          %jit3A_538 = arith.constant 8 : i32
          %div3A_539 = arith.divsi %add3A_218, %jit3A_538 : i32
          %sign3A_540 = arith.constant 0 : i32
          %sign3A_541 = arith.cmpi sgt, %add3A_218, %sign3A_540 : i32
          %sign3A_542 = arith.extui %sign3A_541 : i1 to i32
          %sign3A_543 = arith.constant 0 : i32
          %sign3A_544 = arith.cmpi slt, %add3A_218, %sign3A_543 : i32
          %sign3A_545 = arith.extui %sign3A_544 : i1 to i32
          %sign3A_546 = arith.subi %sign3A_542, %sign3A_545 : i32
          %sign3A_547 = arith.constant 0 : i32
          %sign3A_548 = arith.cmpi sgt, %jit3A_538, %sign3A_547 : i32
          %sign3A_549 = arith.extui %sign3A_548 : i1 to i32
          %sign3A_550 = arith.constant 0 : i32
          %sign3A_551 = arith.cmpi slt, %jit3A_538, %sign3A_550 : i32
          %sign3A_552 = arith.extui %sign3A_551 : i1 to i32
          %sign3A_553 = arith.subi %sign3A_549, %sign3A_552 : i32
          %ne3A_554 = arith.cmpi ne, %sign3A_546, %sign3A_553 : i32
          %rem3A_555 = arith.remsi %add3A_218, %jit3A_538 : i32
          %ne3A_556 = arith.constant 0 : i32
          %ne3A_557 = arith.cmpi ne, %rem3A_555, %ne3A_556 : i32
          %and3A_558 = arith.andi %ne3A_554, %ne3A_557 : i1
          %sub3A_559 = arith.constant 1 : i32
          %sub3A_560 = arith.subi %div3A_539, %sub3A_559 : i32
          %select_n3A_561 = arith.select %and3A_558, %sub3A_560, %div3A_539 : i32
          %jit3A_562 = arith.constant 2 : i32
          %eq3A_563 = arith.constant 0 : i32
          %eq3A_564 = arith.cmpi eq, %jit3A_562, %eq3A_563 : i32
          %jit3A_565 = arith.constant 1 : i32
          %select_n3A_566 = arith.select %eq3A_564, %jit3A_565, %jit3A_562 : i32
          %rem3A_567 = arith.remsi %select_n3A_561, %select_n3A_566 : i32
          %ne3A_568 = arith.constant 0 : i32
          %ne3A_569 = arith.cmpi ne, %rem3A_567, %ne3A_568 : i32
          %lt3A_570 = arith.constant 0 : i32
          %lt3A_571 = arith.cmpi slt, %rem3A_567, %lt3A_570 : i32
          %lt3A_572 = arith.constant 0 : i32
          %lt3A_573 = arith.cmpi slt, %select_n3A_566, %lt3A_572 : i32
          %ne3A_574 = arith.xori %lt3A_571, %lt3A_573 : i1
          %and3A_575 = arith.andi %ne3A_574, %ne3A_569 : i1
          %add3A_576 = arith.addi %rem3A_567, %select_n3A_566 : i32
          %select_n3A_577 = arith.select %and3A_575, %add3A_576, %rem3A_567 : i32
          %mul3A_578 = arith.constant 640 : i32
          %mul3A_579 = arith.muli %select_n3A_577, %mul3A_578 : i32
          %jit3A_580 = arith.constant 8 : i32
          %eq3A_581 = arith.constant 0 : i32
          %eq3A_582 = arith.cmpi eq, %jit3A_580, %eq3A_581 : i32
          %jit3A_583 = arith.constant 1 : i32
          %select_n3A_584 = arith.select %eq3A_582, %jit3A_583, %jit3A_580 : i32
          %rem3A_585 = arith.remsi %add3A_218, %select_n3A_584 : i32
          %ne3A_586 = arith.constant 0 : i32
          %ne3A_587 = arith.cmpi ne, %rem3A_585, %ne3A_586 : i32
          %lt3A_588 = arith.constant 0 : i32
          %lt3A_589 = arith.cmpi slt, %rem3A_585, %lt3A_588 : i32
          %lt3A_590 = arith.constant 0 : i32
          %lt3A_591 = arith.cmpi slt, %select_n3A_584, %lt3A_590 : i32
          %ne3A_592 = arith.xori %lt3A_589, %lt3A_591 : i1
          %and3A_593 = arith.andi %ne3A_592, %ne3A_587 : i1
          %add3A_594 = arith.addi %rem3A_585, %select_n3A_584 : i32
          %select_n3A_595 = arith.select %and3A_593, %add3A_594, %rem3A_585 : i32
          %mul3A_596 = arith.constant 80 : i32
          %mul3A_597 = arith.muli %select_n3A_595, %mul3A_596 : i32
          %add3A_598 = arith.addi %mul3A_579, %mul3A_597 : i32
          %dma_start3A_599 = tpu.memref_slice %run_scoped3A[%add3A_598] : memref<1280xi32, #tpu.memory_space<vmem>> -> memref<80xi32, #tpu.memory_space<vmem>>
          %dma_start3A_600 = arith.constant 0 : i32
          %dma_start3A_601 = arith.constant 0 : i32
          %dma_start3A_602 = tpu.memref_slice %arg2[%dma_start3A_600, %dma_start3A_601] : memref<10240x128xf32, #tpu.memory_space<hbm>> -> memref<10240x128xf32, #tpu.memory_space<hbm>>
          tpu.enqueue_indirect_dma source(%dma_start3A_602 : memref<10240x128xf32, #tpu.memory_space<hbm>>) target(%run_scoped3A_11 : memref<80x128xf32, #tpu.memory_space<vmem>>) offsets(%dma_start3A_599 : memref<80xi32, #tpu.memory_space<vmem>>) semaphore(%arg11 : memref<!tpu.dma_semaphore, #tpu.memory_space<semaphore_mem>>)
        } else {
        }
        %dma_wait3A_229 = arith.constant 0 : i32
        %dma_wait3A_230 = arith.constant 0 : i32
        %dma_wait3A_231 = tpu.memref_slice %arg2[%dma_wait3A_229, %dma_wait3A_230] : memref<10240x128xf32, #tpu.memory_space<hbm>> -> memref<80x128xf32, #tpu.memory_space<hbm>>
        %dma_wait3A_232 = arith.constant 0 : i32
        %dma_wait3A_233 = arith.constant 0 : i32
        %dma_wait3A_234 = tpu.memref_slice %arg2[%dma_wait3A_232, %dma_wait3A_233] : memref<10240x128xf32, #tpu.memory_space<hbm>> -> memref<80x128xf32, #tpu.memory_space<hbm>>
        tpu.wait_dma2 semaphore(%arg9 : memref<!tpu.dma_semaphore, #tpu.memory_space<semaphore_mem>>) src(%dma_wait3A_234 : memref<80x128xf32, #tpu.memory_space<hbm>>) dst(%run_scoped3A_9 : memref<80x128xf32, #tpu.memory_space<vmem>>)
        %jit3A_235 = arith.constant 8 : i32
        %div3A_236 = arith.divsi %add3A_216, %jit3A_235 : i32
        %sign3A_237 = arith.constant 0 : i32
        %sign3A_238 = arith.cmpi sgt, %add3A_216, %sign3A_237 : i32
        %sign3A_239 = arith.extui %sign3A_238 : i1 to i32
        %sign3A_240 = arith.constant 0 : i32
        %sign3A_241 = arith.cmpi slt, %add3A_216, %sign3A_240 : i32
        %sign3A_242 = arith.extui %sign3A_241 : i1 to i32
        %sign3A_243 = arith.subi %sign3A_239, %sign3A_242 : i32
        %sign3A_244 = arith.constant 0 : i32
        %sign3A_245 = arith.cmpi sgt, %jit3A_235, %sign3A_244 : i32
        %sign3A_246 = arith.extui %sign3A_245 : i1 to i32
        %sign3A_247 = arith.constant 0 : i32
        %sign3A_248 = arith.cmpi slt, %jit3A_235, %sign3A_247 : i32
        %sign3A_249 = arith.extui %sign3A_248 : i1 to i32
        %sign3A_250 = arith.subi %sign3A_246, %sign3A_249 : i32
        %ne3A_251 = arith.cmpi ne, %sign3A_243, %sign3A_250 : i32
        %rem3A_252 = arith.remsi %add3A_216, %jit3A_235 : i32
        %ne3A_253 = arith.constant 0 : i32
        %ne3A_254 = arith.cmpi ne, %rem3A_252, %ne3A_253 : i32
        %and3A_255 = arith.andi %ne3A_251, %ne3A_254 : i1
        %sub3A_256 = arith.constant 1 : i32
        %sub3A_257 = arith.subi %div3A_236, %sub3A_256 : i32
        %select_n3A_258 = arith.select %and3A_255, %sub3A_257, %div3A_236 : i32
        %jit3A_259 = arith.constant 2 : i32
        %eq3A_260 = arith.constant 0 : i32
        %eq3A_261 = arith.cmpi eq, %jit3A_259, %eq3A_260 : i32
        %jit3A_262 = arith.constant 1 : i32
        %select_n3A_263 = arith.select %eq3A_261, %jit3A_262, %jit3A_259 : i32
        %rem3A_264 = arith.remsi %select_n3A_258, %select_n3A_263 : i32
        %ne3A_265 = arith.constant 0 : i32
        %ne3A_266 = arith.cmpi ne, %rem3A_264, %ne3A_265 : i32
        %lt3A_267 = arith.constant 0 : i32
        %lt3A_268 = arith.cmpi slt, %rem3A_264, %lt3A_267 : i32
        %lt3A_269 = arith.constant 0 : i32
        %lt3A_270 = arith.cmpi slt, %select_n3A_263, %lt3A_269 : i32
        %ne3A_271 = arith.xori %lt3A_268, %lt3A_270 : i1
        %and3A_272 = arith.andi %ne3A_271, %ne3A_266 : i1
        %add3A_273 = arith.addi %rem3A_264, %select_n3A_263 : i32
        %select_n3A_274 = arith.select %and3A_272, %add3A_273, %rem3A_264 : i32
        %jit3A_275 = arith.constant 8 : i32
        %eq3A_276 = arith.constant 0 : i32
        %eq3A_277 = arith.cmpi eq, %jit3A_275, %eq3A_276 : i32
        %jit3A_278 = arith.constant 1 : i32
        %select_n3A_279 = arith.select %eq3A_277, %jit3A_278, %jit3A_275 : i32
        %rem3A_280 = arith.remsi %add3A_216, %select_n3A_279 : i32
        %ne3A_281 = arith.constant 0 : i32
        %ne3A_282 = arith.cmpi ne, %rem3A_280, %ne3A_281 : i32
        %lt3A_283 = arith.constant 0 : i32
        %lt3A_284 = arith.cmpi slt, %rem3A_280, %lt3A_283 : i32
        %lt3A_285 = arith.constant 0 : i32
        %lt3A_286 = arith.cmpi slt, %select_n3A_279, %lt3A_285 : i32
        %ne3A_287 = arith.xori %lt3A_284, %lt3A_286 : i1
        %and3A_288 = arith.andi %ne3A_287, %ne3A_282 : i1
        %add3A_289 = arith.addi %rem3A_280, %select_n3A_279 : i32
        %select_n3A_290 = arith.select %and3A_288, %add3A_289, %rem3A_280 : i32
        %dma_start3A_291 = arith.constant 0 : i32
        %dma_start3A_292 = tpu.memref_slice %run_scoped3A_7[%select_n3A_274, %select_n3A_290, %dma_start3A_291] : memref<2x8x80xi32, #tpu.memory_space<vmem>> -> memref<1x1x80xi32, #tpu.memory_space<vmem>>
        %dma_start3A_293 = tpu.memref_squeeze %dma_start3A_292 : memref<1x1x80xi32, #tpu.memory_space<vmem>> -> memref<80xi32, #tpu.memory_space<vmem>>
        %dma_start3A_294 = arith.constant 0 : i32
        %dma_start3A_295 = arith.constant 0 : i32
        %dma_start3A_296 = tpu.memref_slice %arg7[%dma_start3A_294, %dma_start3A_295] : memref<10240x128xf32, #tpu.memory_space<vmem_shared>> -> memref<10240x128xf32, #tpu.memory_space<vmem_shared>>
        tpu.enqueue_indirect_dma source(%run_scoped3A_9 : memref<80x128xf32, #tpu.memory_space<vmem>>) target(%dma_start3A_296 : memref<10240x128xf32, #tpu.memory_space<vmem_shared>>) offsets(%dma_start3A_293 : memref<80xi32, #tpu.memory_space<vmem>>) semaphore(%arg13 : memref<!tpu.dma_semaphore, #tpu.memory_space<semaphore_mem>>) {add = true}
        %mul3A_297 = arith.constant 4 : i32
        %mul3A_298 = arith.muli %mul3A_297, %scan3A_141 : i32
        %add3A_299 = arith.constant 2 : i32
        %add3A_300 = arith.addi %mul3A_298, %add3A_299 : i32
        %add3A_301 = arith.constant 2 : i32
        %add3A_302 = arith.addi %add3A_300, %add3A_301 : i32
        %ge3A_303 = arith.constant 2 : i32
        %ge3A_304 = arith.cmpi sge, %add3A_300, %ge3A_303 : i32
        %convert_element_type3A_305 = arith.extui %ge3A_304 : i1 to i32
        %cond3A_306 = arith.constant 0 : i32
        %cond3A_307 = arith.cmpi ne, %convert_element_type3A_305, %cond3A_306 : i32
        scf.if %cond3A_307 {
          %dma_wait3A_465 = arith.constant 0 : i32
          %dma_wait3A_466 = arith.constant 0 : i32
          %dma_wait3A_467 = tpu.memref_slice %arg2[%dma_wait3A_465, %dma_wait3A_466] : memref<10240x128xf32, #tpu.memory_space<hbm>> -> memref<80x128xf32, #tpu.memory_space<hbm>>
          %dma_wait3A_468 = arith.constant 0 : i32
          %dma_wait3A_469 = arith.constant 0 : i32
          %dma_wait3A_470 = tpu.memref_slice %arg2[%dma_wait3A_468, %dma_wait3A_469] : memref<10240x128xf32, #tpu.memory_space<hbm>> -> memref<80x128xf32, #tpu.memory_space<hbm>>
          tpu.wait_dma2 semaphore(%arg12 : memref<!tpu.dma_semaphore, #tpu.memory_space<semaphore_mem>>) src(%dma_wait3A_470 : memref<80x128xf32, #tpu.memory_space<hbm>>) dst(%run_scoped3A_8 : memref<80x128xf32, #tpu.memory_space<vmem>>)
        } else {
        }
        %lt3A_308 = arith.constant 125 : i32
        %lt3A_309 = arith.cmpi slt, %add3A_302, %lt3A_308 : i32
        %convert_element_type3A_310 = arith.extui %lt3A_309 : i1 to i32
        %cond3A_311 = arith.constant 0 : i32
        %cond3A_312 = arith.cmpi ne, %convert_element_type3A_310, %cond3A_311 : i32
        scf.if %cond3A_312 {
          %jit3A_465 = arith.constant 8 : i32
          %eq3A_466 = arith.constant 0 : i32
          %eq3A_467 = arith.cmpi eq, %jit3A_465, %eq3A_466 : i32
          %jit3A_468 = arith.constant 1 : i32
          %select_n3A_469 = arith.select %eq3A_467, %jit3A_468, %jit3A_465 : i32
          %rem3A_470 = arith.remsi %add3A_302, %select_n3A_469 : i32
          %ne3A_471 = arith.constant 0 : i32
          %ne3A_472 = arith.cmpi ne, %rem3A_470, %ne3A_471 : i32
          %lt3A_473 = arith.constant 0 : i32
          %lt3A_474 = arith.cmpi slt, %rem3A_470, %lt3A_473 : i32
          %lt3A_475 = arith.constant 0 : i32
          %lt3A_476 = arith.cmpi slt, %select_n3A_469, %lt3A_475 : i32
          %ne3A_477 = arith.xori %lt3A_474, %lt3A_476 : i1
          %and3A_478 = arith.andi %ne3A_477, %ne3A_472 : i1
          %add3A_479 = arith.addi %rem3A_470, %select_n3A_469 : i32
          %select_n3A_480 = arith.select %and3A_478, %add3A_479, %rem3A_470 : i32
          %eq3A_481 = arith.constant 0 : i32
          %eq3A_482 = arith.cmpi eq, %select_n3A_480, %eq3A_481 : i32
          %convert_element_type3A_483 = arith.extui %eq3A_482 : i1 to i32
          %cond3A_484 = arith.constant 0 : i32
          %cond3A_485 = arith.cmpi ne, %convert_element_type3A_483, %cond3A_484 : i32
          scf.if %cond3A_485 {
            %jit3A_603 = arith.constant 8 : i32
            %div3A_604 = arith.divsi %add3A_302, %jit3A_603 : i32
            %sign3A_605 = arith.constant 0 : i32
            %sign3A_606 = arith.cmpi sgt, %add3A_302, %sign3A_605 : i32
            %sign3A_607 = arith.extui %sign3A_606 : i1 to i32
            %sign3A_608 = arith.constant 0 : i32
            %sign3A_609 = arith.cmpi slt, %add3A_302, %sign3A_608 : i32
            %sign3A_610 = arith.extui %sign3A_609 : i1 to i32
            %sign3A_611 = arith.subi %sign3A_607, %sign3A_610 : i32
            %sign3A_612 = arith.constant 0 : i32
            %sign3A_613 = arith.cmpi sgt, %jit3A_603, %sign3A_612 : i32
            %sign3A_614 = arith.extui %sign3A_613 : i1 to i32
            %sign3A_615 = arith.constant 0 : i32
            %sign3A_616 = arith.cmpi slt, %jit3A_603, %sign3A_615 : i32
            %sign3A_617 = arith.extui %sign3A_616 : i1 to i32
            %sign3A_618 = arith.subi %sign3A_614, %sign3A_617 : i32
            %ne3A_619 = arith.cmpi ne, %sign3A_611, %sign3A_618 : i32
            %rem3A_620 = arith.remsi %add3A_302, %jit3A_603 : i32
            %ne3A_621 = arith.constant 0 : i32
            %ne3A_622 = arith.cmpi ne, %rem3A_620, %ne3A_621 : i32
            %and3A_623 = arith.andi %ne3A_619, %ne3A_622 : i1
            %sub3A_624 = arith.constant 1 : i32
            %sub3A_625 = arith.subi %div3A_604, %sub3A_624 : i32
            %select_n3A_626 = arith.select %and3A_623, %sub3A_625, %div3A_604 : i32
            %jit3A_627 = arith.constant 2 : i32
            %eq3A_628 = arith.constant 0 : i32
            %eq3A_629 = arith.cmpi eq, %jit3A_627, %eq3A_628 : i32
            %jit3A_630 = arith.constant 1 : i32
            %select_n3A_631 = arith.select %eq3A_629, %jit3A_630, %jit3A_627 : i32
            %rem3A_632 = arith.remsi %select_n3A_626, %select_n3A_631 : i32
            %ne3A_633 = arith.constant 0 : i32
            %ne3A_634 = arith.cmpi ne, %rem3A_632, %ne3A_633 : i32
            %lt3A_635 = arith.constant 0 : i32
            %lt3A_636 = arith.cmpi slt, %rem3A_632, %lt3A_635 : i32
            %lt3A_637 = arith.constant 0 : i32
            %lt3A_638 = arith.cmpi slt, %select_n3A_631, %lt3A_637 : i32
            %ne3A_639 = arith.xori %lt3A_636, %lt3A_638 : i1
            %and3A_640 = arith.andi %ne3A_639, %ne3A_634 : i1
            %add3A_641 = arith.addi %rem3A_632, %select_n3A_631 : i32
            %select_n3A_642 = arith.select %and3A_640, %add3A_641, %rem3A_632 : i32
            %mul3A_643 = arith.constant 8 : i32
            %mul3A_644 = arith.muli %select_n3A_642, %mul3A_643 : i32
            %mul3A_645 = arith.constant 80 : i32
            %mul3A_646 = arith.muli %mul3A_644, %mul3A_645 : i32
            %dma_wait3A_647 = arith.constant 0 : i32
            %dma_wait3A_648 = tpu.memref_slice %run_scoped3A[%mul3A_646] : memref<1280xi32, #tpu.memory_space<vmem>> -> memref<640xi32, #tpu.memory_space<vmem>>
            %dma_wait3A_649 = arith.constant 0 : i32
            %dma_wait3A_650 = tpu.memref_slice %arg3[%dma_wait3A_647, %dma_wait3A_649] : memref<32x10240xi32, #tpu.memory_space<hbm>> -> memref<1x640xi32, #tpu.memory_space<hbm>>
            %dma_wait3A_651 = tpu.memref_squeeze %dma_wait3A_650 : memref<1x640xi32, #tpu.memory_space<hbm>> -> memref<640xi32, #tpu.memory_space<hbm>>
            %dma_wait3A_652 = tpu.memref_slice %run_scoped3A[%mul3A_646] : memref<1280xi32, #tpu.memory_space<vmem>> -> memref<640xi32, #tpu.memory_space<vmem>>
            %dma_wait3A_653 = arith.constant 0 : i32
            %dma_wait3A_654 = tpu.memref_slice %arg3[%dma_wait3A_647, %dma_wait3A_653] : memref<32x10240xi32, #tpu.memory_space<hbm>> -> memref<1x640xi32, #tpu.memory_space<hbm>>
            %dma_wait3A_655 = tpu.memref_squeeze %dma_wait3A_654 : memref<1x640xi32, #tpu.memory_space<hbm>> -> memref<640xi32, #tpu.memory_space<hbm>>
            tpu.wait_dma2 semaphore(%arg16 : memref<!tpu.dma_semaphore, #tpu.memory_space<semaphore_mem>>) src(%dma_wait3A_655 : memref<640xi32, #tpu.memory_space<hbm>>) dst(%dma_wait3A_652 : memref<640xi32, #tpu.memory_space<vmem>>)
            %dma_wait3A_656 = arith.constant 0 : i32
            %dma_wait3A_657 = arith.constant 0 : i32
            %dma_wait3A_658 = arith.constant 0 : i32
            %dma_wait3A_659 = tpu.memref_slice %run_scoped3A_7[%select_n3A_642, %dma_wait3A_657, %dma_wait3A_658] : memref<2x8x80xi32, #tpu.memory_space<vmem>> -> memref<1x8x80xi32, #tpu.memory_space<vmem>>
            %dma_wait3A_660 = tpu.memref_squeeze %dma_wait3A_659 : memref<1x8x80xi32, #tpu.memory_space<vmem>> -> memref<8x80xi32, #tpu.memory_space<vmem>>
            %dma_wait3A_661 = arith.constant 0 : i32
            %dma_wait3A_662 = arith.constant 0 : i32
            %dma_wait3A_663 = tpu.memref_slice %arg4[%dma_wait3A_656, %dma_wait3A_661, %dma_wait3A_662] : memref<32x128x80xi32, #tpu.memory_space<hbm>> -> memref<1x8x80xi32, #tpu.memory_space<hbm>>
            %dma_wait3A_664 = tpu.memref_squeeze %dma_wait3A_663 : memref<1x8x80xi32, #tpu.memory_space<hbm>> -> memref<8x80xi32, #tpu.memory_space<hbm>>
            %dma_wait3A_665 = arith.constant 0 : i32
            %dma_wait3A_666 = arith.constant 0 : i32
            %dma_wait3A_667 = tpu.memref_slice %run_scoped3A_7[%select_n3A_642, %dma_wait3A_665, %dma_wait3A_666] : memref<2x8x80xi32, #tpu.memory_space<vmem>> -> memref<1x8x80xi32, #tpu.memory_space<vmem>>
            %dma_wait3A_668 = tpu.memref_squeeze %dma_wait3A_667 : memref<1x8x80xi32, #tpu.memory_space<vmem>> -> memref<8x80xi32, #tpu.memory_space<vmem>>
            %dma_wait3A_669 = arith.constant 0 : i32
            %dma_wait3A_670 = arith.constant 0 : i32
            %dma_wait3A_671 = tpu.memref_slice %arg4[%dma_wait3A_656, %dma_wait3A_669, %dma_wait3A_670] : memref<32x128x80xi32, #tpu.memory_space<hbm>> -> memref<1x8x80xi32, #tpu.memory_space<hbm>>
            %dma_wait3A_672 = tpu.memref_squeeze %dma_wait3A_671 : memref<1x8x80xi32, #tpu.memory_space<hbm>> -> memref<8x80xi32, #tpu.memory_space<hbm>>
            tpu.wait_dma2 semaphore(%arg16 : memref<!tpu.dma_semaphore, #tpu.memory_space<semaphore_mem>>) src(%dma_wait3A_672 : memref<8x80xi32, #tpu.memory_space<hbm>>) dst(%dma_wait3A_668 : memref<8x80xi32, #tpu.memory_space<vmem>>)
          } else {
          }
          %jit3A_486 = arith.constant 8 : i32
          %eq3A_487 = arith.constant 0 : i32
          %eq3A_488 = arith.cmpi eq, %jit3A_486, %eq3A_487 : i32
          %jit3A_489 = arith.constant 1 : i32
          %select_n3A_490 = arith.select %eq3A_488, %jit3A_489, %jit3A_486 : i32
          %rem3A_491 = arith.remsi %add3A_302, %select_n3A_490 : i32
          %ne3A_492 = arith.constant 0 : i32
          %ne3A_493 = arith.cmpi ne, %rem3A_491, %ne3A_492 : i32
          %lt3A_494 = arith.constant 0 : i32
          %lt3A_495 = arith.cmpi slt, %rem3A_491, %lt3A_494 : i32
          %lt3A_496 = arith.constant 0 : i32
          %lt3A_497 = arith.cmpi slt, %select_n3A_490, %lt3A_496 : i32
          %ne3A_498 = arith.xori %lt3A_495, %lt3A_497 : i1
          %and3A_499 = arith.andi %ne3A_498, %ne3A_493 : i1
          %add3A_500 = arith.addi %rem3A_491, %select_n3A_490 : i32
          %select_n3A_501 = arith.select %and3A_499, %add3A_500, %rem3A_491 : i32
          %eq3A_502 = arith.constant 4 : i32
          %eq3A_503 = arith.cmpi eq, %select_n3A_501, %eq3A_502 : i32
          %ge3A_504 = arith.constant 12 : i32
          %ge3A_505 = arith.cmpi sge, %add3A_302, %ge3A_504 : i32
          %and3A_506 = arith.andi %eq3A_503, %ge3A_505 : i1
          %jit3A_507 = arith.constant 8 : i32
          %div3A_508 = arith.divsi %add3A_302, %jit3A_507 : i32
          %sign3A_509 = arith.constant 0 : i32
          %sign3A_510 = arith.cmpi sgt, %add3A_302, %sign3A_509 : i32
          %sign3A_511 = arith.extui %sign3A_510 : i1 to i32
          %sign3A_512 = arith.constant 0 : i32
          %sign3A_513 = arith.cmpi slt, %add3A_302, %sign3A_512 : i32
          %sign3A_514 = arith.extui %sign3A_513 : i1 to i32
          %sign3A_515 = arith.subi %sign3A_511, %sign3A_514 : i32
          %sign3A_516 = arith.constant 0 : i32
          %sign3A_517 = arith.cmpi sgt, %jit3A_507, %sign3A_516 : i32
          %sign3A_518 = arith.extui %sign3A_517 : i1 to i32
          %sign3A_519 = arith.constant 0 : i32
          %sign3A_520 = arith.cmpi slt, %jit3A_507, %sign3A_519 : i32
          %sign3A_521 = arith.extui %sign3A_520 : i1 to i32
          %sign3A_522 = arith.subi %sign3A_518, %sign3A_521 : i32
          %ne3A_523 = arith.cmpi ne, %sign3A_515, %sign3A_522 : i32
          %rem3A_524 = arith.remsi %add3A_302, %jit3A_507 : i32
          %ne3A_525 = arith.constant 0 : i32
          %ne3A_526 = arith.cmpi ne, %rem3A_524, %ne3A_525 : i32
          %and3A_527 = arith.andi %ne3A_523, %ne3A_526 : i1
          %sub3A_528 = arith.constant 1 : i32
          %sub3A_529 = arith.subi %div3A_508, %sub3A_528 : i32
          %select_n3A_530 = arith.select %and3A_527, %sub3A_529, %div3A_508 : i32
          %add3A_531 = arith.constant 1 : i32
          %add3A_532 = arith.addi %select_n3A_530, %add3A_531 : i32
          %le3A = arith.constant 15 : i32
          %le3A_533 = arith.cmpi sle, %add3A_532, %le3A : i32
          %and3A_534 = arith.andi %and3A_506, %le3A_533 : i1
          %convert_element_type3A_535 = arith.extui %and3A_534 : i1 to i32
          %cond3A_536 = arith.constant 0 : i32
          %cond3A_537 = arith.cmpi ne, %convert_element_type3A_535, %cond3A_536 : i32
          scf.if %cond3A_537 {
            %jit3A_603 = arith.constant 8 : i32
            %div3A_604 = arith.divsi %add3A_302, %jit3A_603 : i32
            %sign3A_605 = arith.constant 0 : i32
            %sign3A_606 = arith.cmpi sgt, %add3A_302, %sign3A_605 : i32
            %sign3A_607 = arith.extui %sign3A_606 : i1 to i32
            %sign3A_608 = arith.constant 0 : i32
            %sign3A_609 = arith.cmpi slt, %add3A_302, %sign3A_608 : i32
            %sign3A_610 = arith.extui %sign3A_609 : i1 to i32
            %sign3A_611 = arith.subi %sign3A_607, %sign3A_610 : i32
            %sign3A_612 = arith.constant 0 : i32
            %sign3A_613 = arith.cmpi sgt, %jit3A_603, %sign3A_612 : i32
            %sign3A_614 = arith.extui %sign3A_613 : i1 to i32
            %sign3A_615 = arith.constant 0 : i32
            %sign3A_616 = arith.cmpi slt, %jit3A_603, %sign3A_615 : i32
            %sign3A_617 = arith.extui %sign3A_616 : i1 to i32
            %sign3A_618 = arith.subi %sign3A_614, %sign3A_617 : i32
            %ne3A_619 = arith.cmpi ne, %sign3A_611, %sign3A_618 : i32
            %rem3A_620 = arith.remsi %add3A_302, %jit3A_603 : i32
            %ne3A_621 = arith.constant 0 : i32
            %ne3A_622 = arith.cmpi ne, %rem3A_620, %ne3A_621 : i32
            %and3A_623 = arith.andi %ne3A_619, %ne3A_622 : i1
            %sub3A_624 = arith.constant 1 : i32
            %sub3A_625 = arith.subi %div3A_604, %sub3A_624 : i32
            %select_n3A_626 = arith.select %and3A_623, %sub3A_625, %div3A_604 : i32
            %add3A_627 = arith.constant 1 : i32
            %add3A_628 = arith.addi %select_n3A_626, %add3A_627 : i32
            %jit3A_629 = arith.constant 8 : i32
            %div3A_630 = arith.divsi %add3A_302, %jit3A_629 : i32
            %sign3A_631 = arith.constant 0 : i32
            %sign3A_632 = arith.cmpi sgt, %add3A_302, %sign3A_631 : i32
            %sign3A_633 = arith.extui %sign3A_632 : i1 to i32
            %sign3A_634 = arith.constant 0 : i32
            %sign3A_635 = arith.cmpi slt, %add3A_302, %sign3A_634 : i32
            %sign3A_636 = arith.extui %sign3A_635 : i1 to i32
            %sign3A_637 = arith.subi %sign3A_633, %sign3A_636 : i32
            %sign3A_638 = arith.constant 0 : i32
            %sign3A_639 = arith.cmpi sgt, %jit3A_629, %sign3A_638 : i32
            %sign3A_640 = arith.extui %sign3A_639 : i1 to i32
            %sign3A_641 = arith.constant 0 : i32
            %sign3A_642 = arith.cmpi slt, %jit3A_629, %sign3A_641 : i32
            %sign3A_643 = arith.extui %sign3A_642 : i1 to i32
            %sign3A_644 = arith.subi %sign3A_640, %sign3A_643 : i32
            %ne3A_645 = arith.cmpi ne, %sign3A_637, %sign3A_644 : i32
            %rem3A_646 = arith.remsi %add3A_302, %jit3A_629 : i32
            %ne3A_647 = arith.constant 0 : i32
            %ne3A_648 = arith.cmpi ne, %rem3A_646, %ne3A_647 : i32
            %and3A_649 = arith.andi %ne3A_645, %ne3A_648 : i1
            %sub3A_650 = arith.constant 1 : i32
            %sub3A_651 = arith.subi %div3A_630, %sub3A_650 : i32
            %select_n3A_652 = arith.select %and3A_649, %sub3A_651, %div3A_630 : i32
            %add3A_653 = arith.constant 1 : i32
            %add3A_654 = arith.addi %select_n3A_652, %add3A_653 : i32
            %jit3A_655 = arith.constant 2 : i32
            %eq3A_656 = arith.constant 0 : i32
            %eq3A_657 = arith.cmpi eq, %jit3A_655, %eq3A_656 : i32
            %jit3A_658 = arith.constant 1 : i32
            %select_n3A_659 = arith.select %eq3A_657, %jit3A_658, %jit3A_655 : i32
            %rem3A_660 = arith.remsi %add3A_654, %select_n3A_659 : i32
            %ne3A_661 = arith.constant 0 : i32
            %ne3A_662 = arith.cmpi ne, %rem3A_660, %ne3A_661 : i32
            %lt3A_663 = arith.constant 0 : i32
            %lt3A_664 = arith.cmpi slt, %rem3A_660, %lt3A_663 : i32
            %lt3A_665 = arith.constant 0 : i32
            %lt3A_666 = arith.cmpi slt, %select_n3A_659, %lt3A_665 : i32
            %ne3A_667 = arith.xori %lt3A_664, %lt3A_666 : i1
            %and3A_668 = arith.andi %ne3A_667, %ne3A_662 : i1
            %add3A_669 = arith.addi %rem3A_660, %select_n3A_659 : i32
            %select_n3A_670 = arith.select %and3A_668, %add3A_669, %rem3A_660 : i32
            %mul3A_671 = arith.constant 8 : i32
            %mul3A_672 = arith.muli %add3A_628, %mul3A_671 : i32
            %mul3A_673 = arith.constant 80 : i32
            %mul3A_674 = arith.muli %mul3A_672, %mul3A_673 : i32
            %mul3A_675 = arith.constant 8 : i32
            %mul3A_676 = arith.muli %select_n3A_670, %mul3A_675 : i32
            %mul3A_677 = arith.constant 80 : i32
            %mul3A_678 = arith.muli %mul3A_676, %mul3A_677 : i32
            %dma_start3A_679 = tpu.memref_slice %run_scoped3A[%mul3A_678] : memref<1280xi32, #tpu.memory_space<vmem>> -> memref<640xi32, #tpu.memory_space<vmem>>
            %dma_start3A_680 = tpu.memref_slice %arg3[%add3A, %mul3A_674] : memref<32x10240xi32, #tpu.memory_space<hbm>> -> memref<1x640xi32, #tpu.memory_space<hbm>>
            %dma_start3A_681 = tpu.memref_squeeze %dma_start3A_680 : memref<1x640xi32, #tpu.memory_space<hbm>> -> memref<640xi32, #tpu.memory_space<hbm>>
            %dma_start3A_682 = tpu.memref_slice %run_scoped3A[%mul3A_678] : memref<1280xi32, #tpu.memory_space<vmem>> -> memref<640xi32, #tpu.memory_space<vmem>>
            %dma_start3A_683 = tpu.memref_slice %arg3[%add3A, %mul3A_674] : memref<32x10240xi32, #tpu.memory_space<hbm>> -> memref<1x640xi32, #tpu.memory_space<hbm>>
            %dma_start3A_684 = tpu.memref_squeeze %dma_start3A_683 : memref<1x640xi32, #tpu.memory_space<hbm>> -> memref<640xi32, #tpu.memory_space<hbm>>
            tpu.enqueue_dma source(%dma_start3A_684 : memref<640xi32, #tpu.memory_space<hbm>>) target(%dma_start3A_682 : memref<640xi32, #tpu.memory_space<vmem>>) target_semaphore(%arg16 : memref<!tpu.dma_semaphore, #tpu.memory_space<semaphore_mem>>)
            %mul3A_685 = arith.constant 8 : i32
            %mul3A_686 = arith.muli %add3A_628, %mul3A_685 : i32
            %dma_start3A_687 = arith.constant 0 : i32
            %dma_start3A_688 = arith.constant 0 : i32
            %dma_start3A_689 = tpu.memref_slice %run_scoped3A_7[%select_n3A_670, %dma_start3A_687, %dma_start3A_688] : memref<2x8x80xi32, #tpu.memory_space<vmem>> -> memref<1x8x80xi32, #tpu.memory_space<vmem>>
            %dma_start3A_690 = tpu.memref_squeeze %dma_start3A_689 : memref<1x8x80xi32, #tpu.memory_space<vmem>> -> memref<8x80xi32, #tpu.memory_space<vmem>>
            %dma_start3A_691 = arith.constant 0 : i32
            %dma_start3A_692 = tpu.memref_slice %arg4[%add3A, %mul3A_686, %dma_start3A_691] : memref<32x128x80xi32, #tpu.memory_space<hbm>> -> memref<1x8x80xi32, #tpu.memory_space<hbm>>
            %dma_start3A_693 = tpu.memref_squeeze %dma_start3A_692 : memref<1x8x80xi32, #tpu.memory_space<hbm>> -> memref<8x80xi32, #tpu.memory_space<hbm>>
            %dma_start3A_694 = arith.constant 0 : i32
            %dma_start3A_695 = arith.constant 0 : i32
            %dma_start3A_696 = tpu.memref_slice %run_scoped3A_7[%select_n3A_670, %dma_start3A_694, %dma_start3A_695] : memref<2x8x80xi32, #tpu.memory_space<vmem>> -> memref<1x8x80xi32, #tpu.memory_space<vmem>>
            %dma_start3A_697 = tpu.memref_squeeze %dma_start3A_696 : memref<1x8x80xi32, #tpu.memory_space<vmem>> -> memref<8x80xi32, #tpu.memory_space<vmem>>
            %dma_start3A_698 = arith.constant 0 : i32
            %dma_start3A_699 = tpu.memref_slice %arg4[%add3A, %mul3A_686, %dma_start3A_698] : memref<32x128x80xi32, #tpu.memory_space<hbm>> -> memref<1x8x80xi32, #tpu.memory_space<hbm>>
            %dma_start3A_700 = tpu.memref_squeeze %dma_start3A_699 : memref<1x8x80xi32, #tpu.memory_space<hbm>> -> memref<8x80xi32, #tpu.memory_space<hbm>>
            tpu.enqueue_dma source(%dma_start3A_700 : memref<8x80xi32, #tpu.memory_space<hbm>>) target(%dma_start3A_697 : memref<8x80xi32, #tpu.memory_space<vmem>>) target_semaphore(%arg16 : memref<!tpu.dma_semaphore, #tpu.memory_space<semaphore_mem>>)
          } else {
          }
          %jit3A_538 = arith.constant 8 : i32
          %div3A_539 = arith.divsi %add3A_302, %jit3A_538 : i32
          %sign3A_540 = arith.constant 0 : i32
          %sign3A_541 = arith.cmpi sgt, %add3A_302, %sign3A_540 : i32
          %sign3A_542 = arith.extui %sign3A_541 : i1 to i32
          %sign3A_543 = arith.constant 0 : i32
          %sign3A_544 = arith.cmpi slt, %add3A_302, %sign3A_543 : i32
          %sign3A_545 = arith.extui %sign3A_544 : i1 to i32
          %sign3A_546 = arith.subi %sign3A_542, %sign3A_545 : i32
          %sign3A_547 = arith.constant 0 : i32
          %sign3A_548 = arith.cmpi sgt, %jit3A_538, %sign3A_547 : i32
          %sign3A_549 = arith.extui %sign3A_548 : i1 to i32
          %sign3A_550 = arith.constant 0 : i32
          %sign3A_551 = arith.cmpi slt, %jit3A_538, %sign3A_550 : i32
          %sign3A_552 = arith.extui %sign3A_551 : i1 to i32
          %sign3A_553 = arith.subi %sign3A_549, %sign3A_552 : i32
          %ne3A_554 = arith.cmpi ne, %sign3A_546, %sign3A_553 : i32
          %rem3A_555 = arith.remsi %add3A_302, %jit3A_538 : i32
          %ne3A_556 = arith.constant 0 : i32
          %ne3A_557 = arith.cmpi ne, %rem3A_555, %ne3A_556 : i32
          %and3A_558 = arith.andi %ne3A_554, %ne3A_557 : i1
          %sub3A_559 = arith.constant 1 : i32
          %sub3A_560 = arith.subi %div3A_539, %sub3A_559 : i32
          %select_n3A_561 = arith.select %and3A_558, %sub3A_560, %div3A_539 : i32
          %jit3A_562 = arith.constant 2 : i32
          %eq3A_563 = arith.constant 0 : i32
          %eq3A_564 = arith.cmpi eq, %jit3A_562, %eq3A_563 : i32
          %jit3A_565 = arith.constant 1 : i32
          %select_n3A_566 = arith.select %eq3A_564, %jit3A_565, %jit3A_562 : i32
          %rem3A_567 = arith.remsi %select_n3A_561, %select_n3A_566 : i32
          %ne3A_568 = arith.constant 0 : i32
          %ne3A_569 = arith.cmpi ne, %rem3A_567, %ne3A_568 : i32
          %lt3A_570 = arith.constant 0 : i32
          %lt3A_571 = arith.cmpi slt, %rem3A_567, %lt3A_570 : i32
          %lt3A_572 = arith.constant 0 : i32
          %lt3A_573 = arith.cmpi slt, %select_n3A_566, %lt3A_572 : i32
          %ne3A_574 = arith.xori %lt3A_571, %lt3A_573 : i1
          %and3A_575 = arith.andi %ne3A_574, %ne3A_569 : i1
          %add3A_576 = arith.addi %rem3A_567, %select_n3A_566 : i32
          %select_n3A_577 = arith.select %and3A_575, %add3A_576, %rem3A_567 : i32
          %mul3A_578 = arith.constant 640 : i32
          %mul3A_579 = arith.muli %select_n3A_577, %mul3A_578 : i32
          %jit3A_580 = arith.constant 8 : i32
          %eq3A_581 = arith.constant 0 : i32
          %eq3A_582 = arith.cmpi eq, %jit3A_580, %eq3A_581 : i32
          %jit3A_583 = arith.constant 1 : i32
          %select_n3A_584 = arith.select %eq3A_582, %jit3A_583, %jit3A_580 : i32
          %rem3A_585 = arith.remsi %add3A_302, %select_n3A_584 : i32
          %ne3A_586 = arith.constant 0 : i32
          %ne3A_587 = arith.cmpi ne, %rem3A_585, %ne3A_586 : i32
          %lt3A_588 = arith.constant 0 : i32
          %lt3A_589 = arith.cmpi slt, %rem3A_585, %lt3A_588 : i32
          %lt3A_590 = arith.constant 0 : i32
          %lt3A_591 = arith.cmpi slt, %select_n3A_584, %lt3A_590 : i32
          %ne3A_592 = arith.xori %lt3A_589, %lt3A_591 : i1
          %and3A_593 = arith.andi %ne3A_592, %ne3A_587 : i1
          %add3A_594 = arith.addi %rem3A_585, %select_n3A_584 : i32
          %select_n3A_595 = arith.select %and3A_593, %add3A_594, %rem3A_585 : i32
          %mul3A_596 = arith.constant 80 : i32
          %mul3A_597 = arith.muli %select_n3A_595, %mul3A_596 : i32
          %add3A_598 = arith.addi %mul3A_579, %mul3A_597 : i32
          %dma_start3A_599 = tpu.memref_slice %run_scoped3A[%add3A_598] : memref<1280xi32, #tpu.memory_space<vmem>> -> memref<80xi32, #tpu.memory_space<vmem>>
          %dma_start3A_600 = arith.constant 0 : i32
          %dma_start3A_601 = arith.constant 0 : i32
          %dma_start3A_602 = tpu.memref_slice %arg2[%dma_start3A_600, %dma_start3A_601] : memref<10240x128xf32, #tpu.memory_space<hbm>> -> memref<10240x128xf32, #tpu.memory_space<hbm>>
          tpu.enqueue_indirect_dma source(%dma_start3A_602 : memref<10240x128xf32, #tpu.memory_space<hbm>>) target(%run_scoped3A_8 : memref<80x128xf32, #tpu.memory_space<vmem>>) offsets(%dma_start3A_599 : memref<80xi32, #tpu.memory_space<vmem>>) semaphore(%arg8 : memref<!tpu.dma_semaphore, #tpu.memory_space<semaphore_mem>>)
        } else {
        }
        %dma_wait3A_313 = arith.constant 0 : i32
        %dma_wait3A_314 = arith.constant 0 : i32
        %dma_wait3A_315 = tpu.memref_slice %arg2[%dma_wait3A_313, %dma_wait3A_314] : memref<10240x128xf32, #tpu.memory_space<hbm>> -> memref<80x128xf32, #tpu.memory_space<hbm>>
        %dma_wait3A_316 = arith.constant 0 : i32
        %dma_wait3A_317 = arith.constant 0 : i32
        %dma_wait3A_318 = tpu.memref_slice %arg2[%dma_wait3A_316, %dma_wait3A_317] : memref<10240x128xf32, #tpu.memory_space<hbm>> -> memref<80x128xf32, #tpu.memory_space<hbm>>
        tpu.wait_dma2 semaphore(%arg10 : memref<!tpu.dma_semaphore, #tpu.memory_space<semaphore_mem>>) src(%dma_wait3A_318 : memref<80x128xf32, #tpu.memory_space<hbm>>) dst(%run_scoped3A_10 : memref<80x128xf32, #tpu.memory_space<vmem>>)
        %jit3A_319 = arith.constant 8 : i32
        %div3A_320 = arith.divsi %add3A_300, %jit3A_319 : i32
        %sign3A_321 = arith.constant 0 : i32
        %sign3A_322 = arith.cmpi sgt, %add3A_300, %sign3A_321 : i32
        %sign3A_323 = arith.extui %sign3A_322 : i1 to i32
        %sign3A_324 = arith.constant 0 : i32
        %sign3A_325 = arith.cmpi slt, %add3A_300, %sign3A_324 : i32
        %sign3A_326 = arith.extui %sign3A_325 : i1 to i32
        %sign3A_327 = arith.subi %sign3A_323, %sign3A_326 : i32
        %sign3A_328 = arith.constant 0 : i32
        %sign3A_329 = arith.cmpi sgt, %jit3A_319, %sign3A_328 : i32
        %sign3A_330 = arith.extui %sign3A_329 : i1 to i32
        %sign3A_331 = arith.constant 0 : i32
        %sign3A_332 = arith.cmpi slt, %jit3A_319, %sign3A_331 : i32
        %sign3A_333 = arith.extui %sign3A_332 : i1 to i32
        %sign3A_334 = arith.subi %sign3A_330, %sign3A_333 : i32
        %ne3A_335 = arith.cmpi ne, %sign3A_327, %sign3A_334 : i32
        %rem3A_336 = arith.remsi %add3A_300, %jit3A_319 : i32
        %ne3A_337 = arith.constant 0 : i32
        %ne3A_338 = arith.cmpi ne, %rem3A_336, %ne3A_337 : i32
        %and3A_339 = arith.andi %ne3A_335, %ne3A_338 : i1
        %sub3A_340 = arith.constant 1 : i32
        %sub3A_341 = arith.subi %div3A_320, %sub3A_340 : i32
        %select_n3A_342 = arith.select %and3A_339, %sub3A_341, %div3A_320 : i32
        %jit3A_343 = arith.constant 2 : i32
        %eq3A_344 = arith.constant 0 : i32
        %eq3A_345 = arith.cmpi eq, %jit3A_343, %eq3A_344 : i32
        %jit3A_346 = arith.constant 1 : i32
        %select_n3A_347 = arith.select %eq3A_345, %jit3A_346, %jit3A_343 : i32
        %rem3A_348 = arith.remsi %select_n3A_342, %select_n3A_347 : i32
        %ne3A_349 = arith.constant 0 : i32
        %ne3A_350 = arith.cmpi ne, %rem3A_348, %ne3A_349 : i32
        %lt3A_351 = arith.constant 0 : i32
        %lt3A_352 = arith.cmpi slt, %rem3A_348, %lt3A_351 : i32
        %lt3A_353 = arith.constant 0 : i32
        %lt3A_354 = arith.cmpi slt, %select_n3A_347, %lt3A_353 : i32
        %ne3A_355 = arith.xori %lt3A_352, %lt3A_354 : i1
        %and3A_356 = arith.andi %ne3A_355, %ne3A_350 : i1
        %add3A_357 = arith.addi %rem3A_348, %select_n3A_347 : i32
        %select_n3A_358 = arith.select %and3A_356, %add3A_357, %rem3A_348 : i32
        %jit3A_359 = arith.constant 8 : i32
        %eq3A_360 = arith.constant 0 : i32
        %eq3A_361 = arith.cmpi eq, %jit3A_359, %eq3A_360 : i32
        %jit3A_362 = arith.constant 1 : i32
        %select_n3A_363 = arith.select %eq3A_361, %jit3A_362, %jit3A_359 : i32
        %rem3A_364 = arith.remsi %add3A_300, %select_n3A_363 : i32
        %ne3A_365 = arith.constant 0 : i32
        %ne3A_366 = arith.cmpi ne, %rem3A_364, %ne3A_365 : i32
        %lt3A_367 = arith.constant 0 : i32
        %lt3A_368 = arith.cmpi slt, %rem3A_364, %lt3A_367 : i32
        %lt3A_369 = arith.constant 0 : i32
        %lt3A_370 = arith.cmpi slt, %select_n3A_363, %lt3A_369 : i32
        %ne3A_371 = arith.xori %lt3A_368, %lt3A_370 : i1
        %and3A_372 = arith.andi %ne3A_371, %ne3A_366 : i1
        %add3A_373 = arith.addi %rem3A_364, %select_n3A_363 : i32
        %select_n3A_374 = arith.select %and3A_372, %add3A_373, %rem3A_364 : i32
        %dma_start3A_375 = arith.constant 0 : i32
        %dma_start3A_376 = tpu.memref_slice %run_scoped3A_7[%select_n3A_358, %select_n3A_374, %dma_start3A_375] : memref<2x8x80xi32, #tpu.memory_space<vmem>> -> memref<1x1x80xi32, #tpu.memory_space<vmem>>
        %dma_start3A_377 = tpu.memref_squeeze %dma_start3A_376 : memref<1x1x80xi32, #tpu.memory_space<vmem>> -> memref<80xi32, #tpu.memory_space<vmem>>
        %dma_start3A_378 = arith.constant 0 : i32
        %dma_start3A_379 = arith.constant 0 : i32
        %dma_start3A_380 = tpu.memref_slice %arg7[%dma_start3A_378, %dma_start3A_379] : memref<10240x128xf32, #tpu.memory_space<vmem_shared>> -> memref<10240x128xf32, #tpu.memory_space<vmem_shared>>
        tpu.enqueue_indirect_dma source(%run_scoped3A_10 : memref<80x128xf32, #tpu.memory_space<vmem>>) target(%dma_start3A_380 : memref<10240x128xf32, #tpu.memory_space<vmem_shared>>) offsets(%dma_start3A_377 : memref<80xi32, #tpu.memory_space<vmem>>) semaphore(%arg14 : memref<!tpu.dma_semaphore, #tpu.memory_space<semaphore_mem>>) {add = true}
        %mul3A_381 = arith.constant 4 : i32
        %mul3A_382 = arith.muli %mul3A_381, %scan3A_141 : i32
        %add3A_383 = arith.constant 3 : i32
        %add3A_384 = arith.addi %mul3A_382, %add3A_383 : i32
        %add3A_385 = arith.constant 2 : i32
        %add3A_386 = arith.addi %add3A_384, %add3A_385 : i32
        %ge3A_387 = arith.constant 2 : i32
        %ge3A_388 = arith.cmpi sge, %add3A_384, %ge3A_387 : i32
        %convert_element_type3A_389 = arith.extui %ge3A_388 : i1 to i32
        %cond3A_390 = arith.constant 0 : i32
        %cond3A_391 = arith.cmpi ne, %convert_element_type3A_389, %cond3A_390 : i32
        scf.if %cond3A_391 {
          %dma_wait3A_465 = arith.constant 0 : i32
          %dma_wait3A_466 = arith.constant 0 : i32
          %dma_wait3A_467 = tpu.memref_slice %arg2[%dma_wait3A_465, %dma_wait3A_466] : memref<10240x128xf32, #tpu.memory_space<hbm>> -> memref<80x128xf32, #tpu.memory_space<hbm>>
          %dma_wait3A_468 = arith.constant 0 : i32
          %dma_wait3A_469 = arith.constant 0 : i32
          %dma_wait3A_470 = tpu.memref_slice %arg2[%dma_wait3A_468, %dma_wait3A_469] : memref<10240x128xf32, #tpu.memory_space<hbm>> -> memref<80x128xf32, #tpu.memory_space<hbm>>
          tpu.wait_dma2 semaphore(%arg13 : memref<!tpu.dma_semaphore, #tpu.memory_space<semaphore_mem>>) src(%dma_wait3A_470 : memref<80x128xf32, #tpu.memory_space<hbm>>) dst(%run_scoped3A_9 : memref<80x128xf32, #tpu.memory_space<vmem>>)
        } else {
        }
        %lt3A_392 = arith.constant 125 : i32
        %lt3A_393 = arith.cmpi slt, %add3A_386, %lt3A_392 : i32
        %convert_element_type3A_394 = arith.extui %lt3A_393 : i1 to i32
        %cond3A_395 = arith.constant 0 : i32
        %cond3A_396 = arith.cmpi ne, %convert_element_type3A_394, %cond3A_395 : i32
        scf.if %cond3A_396 {
          %jit3A_465 = arith.constant 8 : i32
          %eq3A_466 = arith.constant 0 : i32
          %eq3A_467 = arith.cmpi eq, %jit3A_465, %eq3A_466 : i32
          %jit3A_468 = arith.constant 1 : i32
          %select_n3A_469 = arith.select %eq3A_467, %jit3A_468, %jit3A_465 : i32
          %rem3A_470 = arith.remsi %add3A_386, %select_n3A_469 : i32
          %ne3A_471 = arith.constant 0 : i32
          %ne3A_472 = arith.cmpi ne, %rem3A_470, %ne3A_471 : i32
          %lt3A_473 = arith.constant 0 : i32
          %lt3A_474 = arith.cmpi slt, %rem3A_470, %lt3A_473 : i32
          %lt3A_475 = arith.constant 0 : i32
          %lt3A_476 = arith.cmpi slt, %select_n3A_469, %lt3A_475 : i32
          %ne3A_477 = arith.xori %lt3A_474, %lt3A_476 : i1
          %and3A_478 = arith.andi %ne3A_477, %ne3A_472 : i1
          %add3A_479 = arith.addi %rem3A_470, %select_n3A_469 : i32
          %select_n3A_480 = arith.select %and3A_478, %add3A_479, %rem3A_470 : i32
          %eq3A_481 = arith.constant 0 : i32
          %eq3A_482 = arith.cmpi eq, %select_n3A_480, %eq3A_481 : i32
          %convert_element_type3A_483 = arith.extui %eq3A_482 : i1 to i32
          %cond3A_484 = arith.constant 0 : i32
          %cond3A_485 = arith.cmpi ne, %convert_element_type3A_483, %cond3A_484 : i32
          scf.if %cond3A_485 {
            %jit3A_603 = arith.constant 8 : i32
            %div3A_604 = arith.divsi %add3A_386, %jit3A_603 : i32
            %sign3A_605 = arith.constant 0 : i32
            %sign3A_606 = arith.cmpi sgt, %add3A_386, %sign3A_605 : i32
            %sign3A_607 = arith.extui %sign3A_606 : i1 to i32
            %sign3A_608 = arith.constant 0 : i32
            %sign3A_609 = arith.cmpi slt, %add3A_386, %sign3A_608 : i32
            %sign3A_610 = arith.extui %sign3A_609 : i1 to i32
            %sign3A_611 = arith.subi %sign3A_607, %sign3A_610 : i32
            %sign3A_612 = arith.constant 0 : i32
            %sign3A_613 = arith.cmpi sgt, %jit3A_603, %sign3A_612 : i32
            %sign3A_614 = arith.extui %sign3A_613 : i1 to i32
            %sign3A_615 = arith.constant 0 : i32
            %sign3A_616 = arith.cmpi slt, %jit3A_603, %sign3A_615 : i32
            %sign3A_617 = arith.extui %sign3A_616 : i1 to i32
            %sign3A_618 = arith.subi %sign3A_614, %sign3A_617 : i32
            %ne3A_619 = arith.cmpi ne, %sign3A_611, %sign3A_618 : i32
            %rem3A_620 = arith.remsi %add3A_386, %jit3A_603 : i32
            %ne3A_621 = arith.constant 0 : i32
            %ne3A_622 = arith.cmpi ne, %rem3A_620, %ne3A_621 : i32
            %and3A_623 = arith.andi %ne3A_619, %ne3A_622 : i1
            %sub3A_624 = arith.constant 1 : i32
            %sub3A_625 = arith.subi %div3A_604, %sub3A_624 : i32
            %select_n3A_626 = arith.select %and3A_623, %sub3A_625, %div3A_604 : i32
            %jit3A_627 = arith.constant 2 : i32
            %eq3A_628 = arith.constant 0 : i32
            %eq3A_629 = arith.cmpi eq, %jit3A_627, %eq3A_628 : i32
            %jit3A_630 = arith.constant 1 : i32
            %select_n3A_631 = arith.select %eq3A_629, %jit3A_630, %jit3A_627 : i32
            %rem3A_632 = arith.remsi %select_n3A_626, %select_n3A_631 : i32
            %ne3A_633 = arith.constant 0 : i32
            %ne3A_634 = arith.cmpi ne, %rem3A_632, %ne3A_633 : i32
            %lt3A_635 = arith.constant 0 : i32
            %lt3A_636 = arith.cmpi slt, %rem3A_632, %lt3A_635 : i32
            %lt3A_637 = arith.constant 0 : i32
            %lt3A_638 = arith.cmpi slt, %select_n3A_631, %lt3A_637 : i32
            %ne3A_639 = arith.xori %lt3A_636, %lt3A_638 : i1
            %and3A_640 = arith.andi %ne3A_639, %ne3A_634 : i1
            %add3A_641 = arith.addi %rem3A_632, %select_n3A_631 : i32
            %select_n3A_642 = arith.select %and3A_640, %add3A_641, %rem3A_632 : i32
            %mul3A_643 = arith.constant 8 : i32
            %mul3A_644 = arith.muli %select_n3A_642, %mul3A_643 : i32
            %mul3A_645 = arith.constant 80 : i32
            %mul3A_646 = arith.muli %mul3A_644, %mul3A_645 : i32
            %dma_wait3A_647 = arith.constant 0 : i32
            %dma_wait3A_648 = tpu.memref_slice %run_scoped3A[%mul3A_646] : memref<1280xi32, #tpu.memory_space<vmem>> -> memref<640xi32, #tpu.memory_space<vmem>>
            %dma_wait3A_649 = arith.constant 0 : i32
            %dma_wait3A_650 = tpu.memref_slice %arg3[%dma_wait3A_647, %dma_wait3A_649] : memref<32x10240xi32, #tpu.memory_space<hbm>> -> memref<1x640xi32, #tpu.memory_space<hbm>>
            %dma_wait3A_651 = tpu.memref_squeeze %dma_wait3A_650 : memref<1x640xi32, #tpu.memory_space<hbm>> -> memref<640xi32, #tpu.memory_space<hbm>>
            %dma_wait3A_652 = tpu.memref_slice %run_scoped3A[%mul3A_646] : memref<1280xi32, #tpu.memory_space<vmem>> -> memref<640xi32, #tpu.memory_space<vmem>>
            %dma_wait3A_653 = arith.constant 0 : i32
            %dma_wait3A_654 = tpu.memref_slice %arg3[%dma_wait3A_647, %dma_wait3A_653] : memref<32x10240xi32, #tpu.memory_space<hbm>> -> memref<1x640xi32, #tpu.memory_space<hbm>>
            %dma_wait3A_655 = tpu.memref_squeeze %dma_wait3A_654 : memref<1x640xi32, #tpu.memory_space<hbm>> -> memref<640xi32, #tpu.memory_space<hbm>>
            tpu.wait_dma2 semaphore(%arg16 : memref<!tpu.dma_semaphore, #tpu.memory_space<semaphore_mem>>) src(%dma_wait3A_655 : memref<640xi32, #tpu.memory_space<hbm>>) dst(%dma_wait3A_652 : memref<640xi32, #tpu.memory_space<vmem>>)
            %dma_wait3A_656 = arith.constant 0 : i32
            %dma_wait3A_657 = arith.constant 0 : i32
            %dma_wait3A_658 = arith.constant 0 : i32
            %dma_wait3A_659 = tpu.memref_slice %run_scoped3A_7[%select_n3A_642, %dma_wait3A_657, %dma_wait3A_658] : memref<2x8x80xi32, #tpu.memory_space<vmem>> -> memref<1x8x80xi32, #tpu.memory_space<vmem>>
            %dma_wait3A_660 = tpu.memref_squeeze %dma_wait3A_659 : memref<1x8x80xi32, #tpu.memory_space<vmem>> -> memref<8x80xi32, #tpu.memory_space<vmem>>
            %dma_wait3A_661 = arith.constant 0 : i32
            %dma_wait3A_662 = arith.constant 0 : i32
            %dma_wait3A_663 = tpu.memref_slice %arg4[%dma_wait3A_656, %dma_wait3A_661, %dma_wait3A_662] : memref<32x128x80xi32, #tpu.memory_space<hbm>> -> memref<1x8x80xi32, #tpu.memory_space<hbm>>
            %dma_wait3A_664 = tpu.memref_squeeze %dma_wait3A_663 : memref<1x8x80xi32, #tpu.memory_space<hbm>> -> memref<8x80xi32, #tpu.memory_space<hbm>>
            %dma_wait3A_665 = arith.constant 0 : i32
            %dma_wait3A_666 = arith.constant 0 : i32
            %dma_wait3A_667 = tpu.memref_slice %run_scoped3A_7[%select_n3A_642, %dma_wait3A_665, %dma_wait3A_666] : memref<2x8x80xi32, #tpu.memory_space<vmem>> -> memref<1x8x80xi32, #tpu.memory_space<vmem>>
            %dma_wait3A_668 = tpu.memref_squeeze %dma_wait3A_667 : memref<1x8x80xi32, #tpu.memory_space<vmem>> -> memref<8x80xi32, #tpu.memory_space<vmem>>
            %dma_wait3A_669 = arith.constant 0 : i32
            %dma_wait3A_670 = arith.constant 0 : i32
            %dma_wait3A_671 = tpu.memref_slice %arg4[%dma_wait3A_656, %dma_wait3A_669, %dma_wait3A_670] : memref<32x128x80xi32, #tpu.memory_space<hbm>> -> memref<1x8x80xi32, #tpu.memory_space<hbm>>
            %dma_wait3A_672 = tpu.memref_squeeze %dma_wait3A_671 : memref<1x8x80xi32, #tpu.memory_space<hbm>> -> memref<8x80xi32, #tpu.memory_space<hbm>>
            tpu.wait_dma2 semaphore(%arg16 : memref<!tpu.dma_semaphore, #tpu.memory_space<semaphore_mem>>) src(%dma_wait3A_672 : memref<8x80xi32, #tpu.memory_space<hbm>>) dst(%dma_wait3A_668 : memref<8x80xi32, #tpu.memory_space<vmem>>)
          } else {
          }
          %jit3A_486 = arith.constant 8 : i32
          %eq3A_487 = arith.constant 0 : i32
          %eq3A_488 = arith.cmpi eq, %jit3A_486, %eq3A_487 : i32
          %jit3A_489 = arith.constant 1 : i32
          %select_n3A_490 = arith.select %eq3A_488, %jit3A_489, %jit3A_486 : i32
          %rem3A_491 = arith.remsi %add3A_386, %select_n3A_490 : i32
          %ne3A_492 = arith.constant 0 : i32
          %ne3A_493 = arith.cmpi ne, %rem3A_491, %ne3A_492 : i32
          %lt3A_494 = arith.constant 0 : i32
          %lt3A_495 = arith.cmpi slt, %rem3A_491, %lt3A_494 : i32
          %lt3A_496 = arith.constant 0 : i32
          %lt3A_497 = arith.cmpi slt, %select_n3A_490, %lt3A_496 : i32
          %ne3A_498 = arith.xori %lt3A_495, %lt3A_497 : i1
          %and3A_499 = arith.andi %ne3A_498, %ne3A_493 : i1
          %add3A_500 = arith.addi %rem3A_491, %select_n3A_490 : i32
          %select_n3A_501 = arith.select %and3A_499, %add3A_500, %rem3A_491 : i32
          %eq3A_502 = arith.constant 4 : i32
          %eq3A_503 = arith.cmpi eq, %select_n3A_501, %eq3A_502 : i32
          %ge3A_504 = arith.constant 12 : i32
          %ge3A_505 = arith.cmpi sge, %add3A_386, %ge3A_504 : i32
          %and3A_506 = arith.andi %eq3A_503, %ge3A_505 : i1
          %jit3A_507 = arith.constant 8 : i32
          %div3A_508 = arith.divsi %add3A_386, %jit3A_507 : i32
          %sign3A_509 = arith.constant 0 : i32
          %sign3A_510 = arith.cmpi sgt, %add3A_386, %sign3A_509 : i32
          %sign3A_511 = arith.extui %sign3A_510 : i1 to i32
          %sign3A_512 = arith.constant 0 : i32
          %sign3A_513 = arith.cmpi slt, %add3A_386, %sign3A_512 : i32
          %sign3A_514 = arith.extui %sign3A_513 : i1 to i32
          %sign3A_515 = arith.subi %sign3A_511, %sign3A_514 : i32
          %sign3A_516 = arith.constant 0 : i32
          %sign3A_517 = arith.cmpi sgt, %jit3A_507, %sign3A_516 : i32
          %sign3A_518 = arith.extui %sign3A_517 : i1 to i32
          %sign3A_519 = arith.constant 0 : i32
          %sign3A_520 = arith.cmpi slt, %jit3A_507, %sign3A_519 : i32
          %sign3A_521 = arith.extui %sign3A_520 : i1 to i32
          %sign3A_522 = arith.subi %sign3A_518, %sign3A_521 : i32
          %ne3A_523 = arith.cmpi ne, %sign3A_515, %sign3A_522 : i32
          %rem3A_524 = arith.remsi %add3A_386, %jit3A_507 : i32
          %ne3A_525 = arith.constant 0 : i32
          %ne3A_526 = arith.cmpi ne, %rem3A_524, %ne3A_525 : i32
          %and3A_527 = arith.andi %ne3A_523, %ne3A_526 : i1
          %sub3A_528 = arith.constant 1 : i32
          %sub3A_529 = arith.subi %div3A_508, %sub3A_528 : i32
          %select_n3A_530 = arith.select %and3A_527, %sub3A_529, %div3A_508 : i32
          %add3A_531 = arith.constant 1 : i32
          %add3A_532 = arith.addi %select_n3A_530, %add3A_531 : i32
          %le3A = arith.constant 15 : i32
          %le3A_533 = arith.cmpi sle, %add3A_532, %le3A : i32
          %and3A_534 = arith.andi %and3A_506, %le3A_533 : i1
          %convert_element_type3A_535 = arith.extui %and3A_534 : i1 to i32
          %cond3A_536 = arith.constant 0 : i32
          %cond3A_537 = arith.cmpi ne, %convert_element_type3A_535, %cond3A_536 : i32
          scf.if %cond3A_537 {
            %jit3A_603 = arith.constant 8 : i32
            %div3A_604 = arith.divsi %add3A_386, %jit3A_603 : i32
            %sign3A_605 = arith.constant 0 : i32
            %sign3A_606 = arith.cmpi sgt, %add3A_386, %sign3A_605 : i32
            %sign3A_607 = arith.extui %sign3A_606 : i1 to i32
            %sign3A_608 = arith.constant 0 : i32
            %sign3A_609 = arith.cmpi slt, %add3A_386, %sign3A_608 : i32
            %sign3A_610 = arith.extui %sign3A_609 : i1 to i32
            %sign3A_611 = arith.subi %sign3A_607, %sign3A_610 : i32
            %sign3A_612 = arith.constant 0 : i32
            %sign3A_613 = arith.cmpi sgt, %jit3A_603, %sign3A_612 : i32
            %sign3A_614 = arith.extui %sign3A_613 : i1 to i32
            %sign3A_615 = arith.constant 0 : i32
            %sign3A_616 = arith.cmpi slt, %jit3A_603, %sign3A_615 : i32
            %sign3A_617 = arith.extui %sign3A_616 : i1 to i32
            %sign3A_618 = arith.subi %sign3A_614, %sign3A_617 : i32
            %ne3A_619 = arith.cmpi ne, %sign3A_611, %sign3A_618 : i32
            %rem3A_620 = arith.remsi %add3A_386, %jit3A_603 : i32
            %ne3A_621 = arith.constant 0 : i32
            %ne3A_622 = arith.cmpi ne, %rem3A_620, %ne3A_621 : i32
            %and3A_623 = arith.andi %ne3A_619, %ne3A_622 : i1
            %sub3A_624 = arith.constant 1 : i32
            %sub3A_625 = arith.subi %div3A_604, %sub3A_624 : i32
            %select_n3A_626 = arith.select %and3A_623, %sub3A_625, %div3A_604 : i32
            %add3A_627 = arith.constant 1 : i32
            %add3A_628 = arith.addi %select_n3A_626, %add3A_627 : i32
            %jit3A_629 = arith.constant 8 : i32
            %div3A_630 = arith.divsi %add3A_386, %jit3A_629 : i32
            %sign3A_631 = arith.constant 0 : i32
            %sign3A_632 = arith.cmpi sgt, %add3A_386, %sign3A_631 : i32
            %sign3A_633 = arith.extui %sign3A_632 : i1 to i32
            %sign3A_634 = arith.constant 0 : i32
            %sign3A_635 = arith.cmpi slt, %add3A_386, %sign3A_634 : i32
            %sign3A_636 = arith.extui %sign3A_635 : i1 to i32
            %sign3A_637 = arith.subi %sign3A_633, %sign3A_636 : i32
            %sign3A_638 = arith.constant 0 : i32
            %sign3A_639 = arith.cmpi sgt, %jit3A_629, %sign3A_638 : i32
            %sign3A_640 = arith.extui %sign3A_639 : i1 to i32
            %sign3A_641 = arith.constant 0 : i32
            %sign3A_642 = arith.cmpi slt, %jit3A_629, %sign3A_641 : i32
            %sign3A_643 = arith.extui %sign3A_642 : i1 to i32
            %sign3A_644 = arith.subi %sign3A_640, %sign3A_643 : i32
            %ne3A_645 = arith.cmpi ne, %sign3A_637, %sign3A_644 : i32
            %rem3A_646 = arith.remsi %add3A_386, %jit3A_629 : i32
            %ne3A_647 = arith.constant 0 : i32
            %ne3A_648 = arith.cmpi ne, %rem3A_646, %ne3A_647 : i32
            %and3A_649 = arith.andi %ne3A_645, %ne3A_648 : i1
            %sub3A_650 = arith.constant 1 : i32
            %sub3A_651 = arith.subi %div3A_630, %sub3A_650 : i32
            %select_n3A_652 = arith.select %and3A_649, %sub3A_651, %div3A_630 : i32
            %add3A_653 = arith.constant 1 : i32
            %add3A_654 = arith.addi %select_n3A_652, %add3A_653 : i32
            %jit3A_655 = arith.constant 2 : i32
            %eq3A_656 = arith.constant 0 : i32
            %eq3A_657 = arith.cmpi eq, %jit3A_655, %eq3A_656 : i32
            %jit3A_658 = arith.constant 1 : i32
            %select_n3A_659 = arith.select %eq3A_657, %jit3A_658, %jit3A_655 : i32
            %rem3A_660 = arith.remsi %add3A_654, %select_n3A_659 : i32
            %ne3A_661 = arith.constant 0 : i32
            %ne3A_662 = arith.cmpi ne, %rem3A_660, %ne3A_661 : i32
            %lt3A_663 = arith.constant 0 : i32
            %lt3A_664 = arith.cmpi slt, %rem3A_660, %lt3A_663 : i32
            %lt3A_665 = arith.constant 0 : i32
            %lt3A_666 = arith.cmpi slt, %select_n3A_659, %lt3A_665 : i32
            %ne3A_667 = arith.xori %lt3A_664, %lt3A_666 : i1
            %and3A_668 = arith.andi %ne3A_667, %ne3A_662 : i1
            %add3A_669 = arith.addi %rem3A_660, %select_n3A_659 : i32
            %select_n3A_670 = arith.select %and3A_668, %add3A_669, %rem3A_660 : i32
            %mul3A_671 = arith.constant 8 : i32
            %mul3A_672 = arith.muli %add3A_628, %mul3A_671 : i32
            %mul3A_673 = arith.constant 80 : i32
            %mul3A_674 = arith.muli %mul3A_672, %mul3A_673 : i32
            %mul3A_675 = arith.constant 8 : i32
            %mul3A_676 = arith.muli %select_n3A_670, %mul3A_675 : i32
            %mul3A_677 = arith.constant 80 : i32
            %mul3A_678 = arith.muli %mul3A_676, %mul3A_677 : i32
            %dma_start3A_679 = tpu.memref_slice %run_scoped3A[%mul3A_678] : memref<1280xi32, #tpu.memory_space<vmem>> -> memref<640xi32, #tpu.memory_space<vmem>>
            %dma_start3A_680 = tpu.memref_slice %arg3[%add3A, %mul3A_674] : memref<32x10240xi32, #tpu.memory_space<hbm>> -> memref<1x640xi32, #tpu.memory_space<hbm>>
            %dma_start3A_681 = tpu.memref_squeeze %dma_start3A_680 : memref<1x640xi32, #tpu.memory_space<hbm>> -> memref<640xi32, #tpu.memory_space<hbm>>
            %dma_start3A_682 = tpu.memref_slice %run_scoped3A[%mul3A_678] : memref<1280xi32, #tpu.memory_space<vmem>> -> memref<640xi32, #tpu.memory_space<vmem>>
            %dma_start3A_683 = tpu.memref_slice %arg3[%add3A, %mul3A_674] : memref<32x10240xi32, #tpu.memory_space<hbm>> -> memref<1x640xi32, #tpu.memory_space<hbm>>
            %dma_start3A_684 = tpu.memref_squeeze %dma_start3A_683 : memref<1x640xi32, #tpu.memory_space<hbm>> -> memref<640xi32, #tpu.memory_space<hbm>>
            tpu.enqueue_dma source(%dma_start3A_684 : memref<640xi32, #tpu.memory_space<hbm>>) target(%dma_start3A_682 : memref<640xi32, #tpu.memory_space<vmem>>) target_semaphore(%arg16 : memref<!tpu.dma_semaphore, #tpu.memory_space<semaphore_mem>>)
            %mul3A_685 = arith.constant 8 : i32
            %mul3A_686 = arith.muli %add3A_628, %mul3A_685 : i32
            %dma_start3A_687 = arith.constant 0 : i32
            %dma_start3A_688 = arith.constant 0 : i32
            %dma_start3A_689 = tpu.memref_slice %run_scoped3A_7[%select_n3A_670, %dma_start3A_687, %dma_start3A_688] : memref<2x8x80xi32, #tpu.memory_space<vmem>> -> memref<1x8x80xi32, #tpu.memory_space<vmem>>
            %dma_start3A_690 = tpu.memref_squeeze %dma_start3A_689 : memref<1x8x80xi32, #tpu.memory_space<vmem>> -> memref<8x80xi32, #tpu.memory_space<vmem>>
            %dma_start3A_691 = arith.constant 0 : i32
            %dma_start3A_692 = tpu.memref_slice %arg4[%add3A, %mul3A_686, %dma_start3A_691] : memref<32x128x80xi32, #tpu.memory_space<hbm>> -> memref<1x8x80xi32, #tpu.memory_space<hbm>>
            %dma_start3A_693 = tpu.memref_squeeze %dma_start3A_692 : memref<1x8x80xi32, #tpu.memory_space<hbm>> -> memref<8x80xi32, #tpu.memory_space<hbm>>
            %dma_start3A_694 = arith.constant 0 : i32
            %dma_start3A_695 = arith.constant 0 : i32
            %dma_start3A_696 = tpu.memref_slice %run_scoped3A_7[%select_n3A_670, %dma_start3A_694, %dma_start3A_695] : memref<2x8x80xi32, #tpu.memory_space<vmem>> -> memref<1x8x80xi32, #tpu.memory_space<vmem>>
            %dma_start3A_697 = tpu.memref_squeeze %dma_start3A_696 : memref<1x8x80xi32, #tpu.memory_space<vmem>> -> memref<8x80xi32, #tpu.memory_space<vmem>>
            %dma_start3A_698 = arith.constant 0 : i32
            %dma_start3A_699 = tpu.memref_slice %arg4[%add3A, %mul3A_686, %dma_start3A_698] : memref<32x128x80xi32, #tpu.memory_space<hbm>> -> memref<1x8x80xi32, #tpu.memory_space<hbm>>
            %dma_start3A_700 = tpu.memref_squeeze %dma_start3A_699 : memref<1x8x80xi32, #tpu.memory_space<hbm>> -> memref<8x80xi32, #tpu.memory_space<hbm>>
            tpu.enqueue_dma source(%dma_start3A_700 : memref<8x80xi32, #tpu.memory_space<hbm>>) target(%dma_start3A_697 : memref<8x80xi32, #tpu.memory_space<vmem>>) target_semaphore(%arg16 : memref<!tpu.dma_semaphore, #tpu.memory_space<semaphore_mem>>)
          } else {
          }
          %jit3A_538 = arith.constant 8 : i32
          %div3A_539 = arith.divsi %add3A_386, %jit3A_538 : i32
          %sign3A_540 = arith.constant 0 : i32
          %sign3A_541 = arith.cmpi sgt, %add3A_386, %sign3A_540 : i32
          %sign3A_542 = arith.extui %sign3A_541 : i1 to i32
          %sign3A_543 = arith.constant 0 : i32
          %sign3A_544 = arith.cmpi slt, %add3A_386, %sign3A_543 : i32
          %sign3A_545 = arith.extui %sign3A_544 : i1 to i32
          %sign3A_546 = arith.subi %sign3A_542, %sign3A_545 : i32
          %sign3A_547 = arith.constant 0 : i32
          %sign3A_548 = arith.cmpi sgt, %jit3A_538, %sign3A_547 : i32
          %sign3A_549 = arith.extui %sign3A_548 : i1 to i32
          %sign3A_550 = arith.constant 0 : i32
          %sign3A_551 = arith.cmpi slt, %jit3A_538, %sign3A_550 : i32
          %sign3A_552 = arith.extui %sign3A_551 : i1 to i32
          %sign3A_553 = arith.subi %sign3A_549, %sign3A_552 : i32
          %ne3A_554 = arith.cmpi ne, %sign3A_546, %sign3A_553 : i32
          %rem3A_555 = arith.remsi %add3A_386, %jit3A_538 : i32
          %ne3A_556 = arith.constant 0 : i32
          %ne3A_557 = arith.cmpi ne, %rem3A_555, %ne3A_556 : i32
          %and3A_558 = arith.andi %ne3A_554, %ne3A_557 : i1
          %sub3A_559 = arith.constant 1 : i32
          %sub3A_560 = arith.subi %div3A_539, %sub3A_559 : i32
          %select_n3A_561 = arith.select %and3A_558, %sub3A_560, %div3A_539 : i32
          %jit3A_562 = arith.constant 2 : i32
          %eq3A_563 = arith.constant 0 : i32
          %eq3A_564 = arith.cmpi eq, %jit3A_562, %eq3A_563 : i32
          %jit3A_565 = arith.constant 1 : i32
          %select_n3A_566 = arith.select %eq3A_564, %jit3A_565, %jit3A_562 : i32
          %rem3A_567 = arith.remsi %select_n3A_561, %select_n3A_566 : i32
          %ne3A_568 = arith.constant 0 : i32
          %ne3A_569 = arith.cmpi ne, %rem3A_567, %ne3A_568 : i32
          %lt3A_570 = arith.constant 0 : i32
          %lt3A_571 = arith.cmpi slt, %rem3A_567, %lt3A_570 : i32
          %lt3A_572 = arith.constant 0 : i32
          %lt3A_573 = arith.cmpi slt, %select_n3A_566, %lt3A_572 : i32
          %ne3A_574 = arith.xori %lt3A_571, %lt3A_573 : i1
          %and3A_575 = arith.andi %ne3A_574, %ne3A_569 : i1
          %add3A_576 = arith.addi %rem3A_567, %select_n3A_566 : i32
          %select_n3A_577 = arith.select %and3A_575, %add3A_576, %rem3A_567 : i32
          %mul3A_578 = arith.constant 640 : i32
          %mul3A_579 = arith.muli %select_n3A_577, %mul3A_578 : i32
          %jit3A_580 = arith.constant 8 : i32
          %eq3A_581 = arith.constant 0 : i32
          %eq3A_582 = arith.cmpi eq, %jit3A_580, %eq3A_581 : i32
          %jit3A_583 = arith.constant 1 : i32
          %select_n3A_584 = arith.select %eq3A_582, %jit3A_583, %jit3A_580 : i32
          %rem3A_585 = arith.remsi %add3A_386, %select_n3A_584 : i32
          %ne3A_586 = arith.constant 0 : i32
          %ne3A_587 = arith.cmpi ne, %rem3A_585, %ne3A_586 : i32
          %lt3A_588 = arith.constant 0 : i32
          %lt3A_589 = arith.cmpi slt, %rem3A_585, %lt3A_588 : i32
          %lt3A_590 = arith.constant 0 : i32
          %lt3A_591 = arith.cmpi slt, %select_n3A_584, %lt3A_590 : i32
          %ne3A_592 = arith.xori %lt3A_589, %lt3A_591 : i1
          %and3A_593 = arith.andi %ne3A_592, %ne3A_587 : i1
          %add3A_594 = arith.addi %rem3A_585, %select_n3A_584 : i32
          %select_n3A_595 = arith.select %and3A_593, %add3A_594, %rem3A_585 : i32
          %mul3A_596 = arith.constant 80 : i32
          %mul3A_597 = arith.muli %select_n3A_595, %mul3A_596 : i32
          %add3A_598 = arith.addi %mul3A_579, %mul3A_597 : i32
          %dma_start3A_599 = tpu.memref_slice %run_scoped3A[%add3A_598] : memref<1280xi32, #tpu.memory_space<vmem>> -> memref<80xi32, #tpu.memory_space<vmem>>
          %dma_start3A_600 = arith.constant 0 : i32
          %dma_start3A_601 = arith.constant 0 : i32
          %dma_start3A_602 = tpu.memref_slice %arg2[%dma_start3A_600, %dma_start3A_601] : memref<10240x128xf32, #tpu.memory_space<hbm>> -> memref<10240x128xf32, #tpu.memory_space<hbm>>
          tpu.enqueue_indirect_dma source(%dma_start3A_602 : memref<10240x128xf32, #tpu.memory_space<hbm>>) target(%run_scoped3A_9 : memref<80x128xf32, #tpu.memory_space<vmem>>) offsets(%dma_start3A_599 : memref<80xi32, #tpu.memory_space<vmem>>) semaphore(%arg9 : memref<!tpu.dma_semaphore, #tpu.memory_space<semaphore_mem>>)
        } else {
        }
        %dma_wait3A_397 = arith.constant 0 : i32
        %dma_wait3A_398 = arith.constant 0 : i32
        %dma_wait3A_399 = tpu.memref_slice %arg2[%dma_wait3A_397, %dma_wait3A_398] : memref<10240x128xf32, #tpu.memory_space<hbm>> -> memref<80x128xf32, #tpu.memory_space<hbm>>
        %dma_wait3A_400 = arith.constant 0 : i32
        %dma_wait3A_401 = arith.constant 0 : i32
        %dma_wait3A_402 = tpu.memref_slice %arg2[%dma_wait3A_400, %dma_wait3A_401] : memref<10240x128xf32, #tpu.memory_space<hbm>> -> memref<80x128xf32, #tpu.memory_space<hbm>>
        tpu.wait_dma2 semaphore(%arg11 : memref<!tpu.dma_semaphore, #tpu.memory_space<semaphore_mem>>) src(%dma_wait3A_402 : memref<80x128xf32, #tpu.memory_space<hbm>>) dst(%run_scoped3A_11 : memref<80x128xf32, #tpu.memory_space<vmem>>)
        %jit3A_403 = arith.constant 8 : i32
        %div3A_404 = arith.divsi %add3A_384, %jit3A_403 : i32
        %sign3A_405 = arith.constant 0 : i32
        %sign3A_406 = arith.cmpi sgt, %add3A_384, %sign3A_405 : i32
        %sign3A_407 = arith.extui %sign3A_406 : i1 to i32
        %sign3A_408 = arith.constant 0 : i32
        %sign3A_409 = arith.cmpi slt, %add3A_384, %sign3A_408 : i32
        %sign3A_410 = arith.extui %sign3A_409 : i1 to i32
        %sign3A_411 = arith.subi %sign3A_407, %sign3A_410 : i32
        %sign3A_412 = arith.constant 0 : i32
        %sign3A_413 = arith.cmpi sgt, %jit3A_403, %sign3A_412 : i32
        %sign3A_414 = arith.extui %sign3A_413 : i1 to i32
        %sign3A_415 = arith.constant 0 : i32
        %sign3A_416 = arith.cmpi slt, %jit3A_403, %sign3A_415 : i32
        %sign3A_417 = arith.extui %sign3A_416 : i1 to i32
        %sign3A_418 = arith.subi %sign3A_414, %sign3A_417 : i32
        %ne3A_419 = arith.cmpi ne, %sign3A_411, %sign3A_418 : i32
        %rem3A_420 = arith.remsi %add3A_384, %jit3A_403 : i32
        %ne3A_421 = arith.constant 0 : i32
        %ne3A_422 = arith.cmpi ne, %rem3A_420, %ne3A_421 : i32
        %and3A_423 = arith.andi %ne3A_419, %ne3A_422 : i1
        %sub3A_424 = arith.constant 1 : i32
        %sub3A_425 = arith.subi %div3A_404, %sub3A_424 : i32
        %select_n3A_426 = arith.select %and3A_423, %sub3A_425, %div3A_404 : i32
        %jit3A_427 = arith.constant 2 : i32
        %eq3A_428 = arith.constant 0 : i32
        %eq3A_429 = arith.cmpi eq, %jit3A_427, %eq3A_428 : i32
        %jit3A_430 = arith.constant 1 : i32
        %select_n3A_431 = arith.select %eq3A_429, %jit3A_430, %jit3A_427 : i32
        %rem3A_432 = arith.remsi %select_n3A_426, %select_n3A_431 : i32
        %ne3A_433 = arith.constant 0 : i32
        %ne3A_434 = arith.cmpi ne, %rem3A_432, %ne3A_433 : i32
        %lt3A_435 = arith.constant 0 : i32
        %lt3A_436 = arith.cmpi slt, %rem3A_432, %lt3A_435 : i32
        %lt3A_437 = arith.constant 0 : i32
        %lt3A_438 = arith.cmpi slt, %select_n3A_431, %lt3A_437 : i32
        %ne3A_439 = arith.xori %lt3A_436, %lt3A_438 : i1
        %and3A_440 = arith.andi %ne3A_439, %ne3A_434 : i1
        %add3A_441 = arith.addi %rem3A_432, %select_n3A_431 : i32
        %select_n3A_442 = arith.select %and3A_440, %add3A_441, %rem3A_432 : i32
        %jit3A_443 = arith.constant 8 : i32
        %eq3A_444 = arith.constant 0 : i32
        %eq3A_445 = arith.cmpi eq, %jit3A_443, %eq3A_444 : i32
        %jit3A_446 = arith.constant 1 : i32
        %select_n3A_447 = arith.select %eq3A_445, %jit3A_446, %jit3A_443 : i32
        %rem3A_448 = arith.remsi %add3A_384, %select_n3A_447 : i32
        %ne3A_449 = arith.constant 0 : i32
        %ne3A_450 = arith.cmpi ne, %rem3A_448, %ne3A_449 : i32
        %lt3A_451 = arith.constant 0 : i32
        %lt3A_452 = arith.cmpi slt, %rem3A_448, %lt3A_451 : i32
        %lt3A_453 = arith.constant 0 : i32
        %lt3A_454 = arith.cmpi slt, %select_n3A_447, %lt3A_453 : i32
        %ne3A_455 = arith.xori %lt3A_452, %lt3A_454 : i1
        %and3A_456 = arith.andi %ne3A_455, %ne3A_450 : i1
        %add3A_457 = arith.addi %rem3A_448, %select_n3A_447 : i32
        %select_n3A_458 = arith.select %and3A_456, %add3A_457, %rem3A_448 : i32
        %dma_start3A_459 = arith.constant 0 : i32
        %dma_start3A_460 = tpu.memref_slice %run_scoped3A_7[%select_n3A_442, %select_n3A_458, %dma_start3A_459] : memref<2x8x80xi32, #tpu.memory_space<vmem>> -> memref<1x1x80xi32, #tpu.memory_space<vmem>>
        %dma_start3A_461 = tpu.memref_squeeze %dma_start3A_460 : memref<1x1x80xi32, #tpu.memory_space<vmem>> -> memref<80xi32, #tpu.memory_space<vmem>>
        %dma_start3A_462 = arith.constant 0 : i32
        %dma_start3A_463 = arith.constant 0 : i32
        %dma_start3A_464 = tpu.memref_slice %arg7[%dma_start3A_462, %dma_start3A_463] : memref<10240x128xf32, #tpu.memory_space<vmem_shared>> -> memref<10240x128xf32, #tpu.memory_space<vmem_shared>>
        tpu.enqueue_indirect_dma source(%run_scoped3A_11 : memref<80x128xf32, #tpu.memory_space<vmem>>) target(%dma_start3A_464 : memref<10240x128xf32, #tpu.memory_space<vmem_shared>>) offsets(%dma_start3A_461 : memref<80xi32, #tpu.memory_space<vmem>>) semaphore(%arg15 : memref<!tpu.dma_semaphore, #tpu.memory_space<semaphore_mem>>) {add = true}
      }
      %scan3A_108 = arith.constant 31 : i32
      %dma_wait3A_109 = arith.constant 0 : i32
      %dma_wait3A_110 = arith.constant 0 : i32
      %dma_wait3A_111 = tpu.memref_slice %arg2[%dma_wait3A_109, %dma_wait3A_110] : memref<10240x128xf32, #tpu.memory_space<hbm>> -> memref<80x128xf32, #tpu.memory_space<hbm>>
      %dma_wait3A_112 = arith.constant 0 : i32
      %dma_wait3A_113 = arith.constant 0 : i32
      %dma_wait3A_114 = tpu.memref_slice %arg2[%dma_wait3A_112, %dma_wait3A_113] : memref<10240x128xf32, #tpu.memory_space<hbm>> -> memref<80x128xf32, #tpu.memory_space<hbm>>
      tpu.wait_dma2 semaphore(%arg8 : memref<!tpu.dma_semaphore, #tpu.memory_space<semaphore_mem>>) src(%dma_wait3A_114 : memref<80x128xf32, #tpu.memory_space<hbm>>) dst(%run_scoped3A_8 : memref<80x128xf32, #tpu.memory_space<vmem>>)
      %dma_start3A_115 = arith.constant 1 : i32
      %dma_start3A_116 = arith.constant 4 : i32
      %dma_start3A_117 = arith.constant 0 : i32
      %dma_start3A_118 = tpu.memref_slice %run_scoped3A_7[%dma_start3A_115, %dma_start3A_116, %dma_start3A_117] : memref<2x8x80xi32, #tpu.memory_space<vmem>> -> memref<1x1x80xi32, #tpu.memory_space<vmem>>
      %dma_start3A_119 = tpu.memref_squeeze %dma_start3A_118 : memref<1x1x80xi32, #tpu.memory_space<vmem>> -> memref<80xi32, #tpu.memory_space<vmem>>
      %dma_start3A_120 = arith.constant 0 : i32
      %dma_start3A_121 = arith.constant 0 : i32
      %dma_start3A_122 = tpu.memref_slice %arg7[%dma_start3A_120, %dma_start3A_121] : memref<10240x128xf32, #tpu.memory_space<vmem_shared>> -> memref<10240x128xf32, #tpu.memory_space<vmem_shared>>
      tpu.enqueue_indirect_dma source(%run_scoped3A_8 : memref<80x128xf32, #tpu.memory_space<vmem>>) target(%dma_start3A_122 : memref<10240x128xf32, #tpu.memory_space<vmem_shared>>) offsets(%dma_start3A_119 : memref<80xi32, #tpu.memory_space<vmem>>) semaphore(%arg12 : memref<!tpu.dma_semaphore, #tpu.memory_space<semaphore_mem>>) {add = true}
      %dma_wait3A_123 = arith.constant 0 : i32
      %dma_wait3A_124 = arith.constant 0 : i32
      %dma_wait3A_125 = tpu.memref_slice %arg2[%dma_wait3A_123, %dma_wait3A_124] : memref<10240x128xf32, #tpu.memory_space<hbm>> -> memref<80x128xf32, #tpu.memory_space<hbm>>
      %dma_wait3A_126 = arith.constant 0 : i32
      %dma_wait3A_127 = arith.constant 0 : i32
      %dma_wait3A_128 = tpu.memref_slice %arg2[%dma_wait3A_126, %dma_wait3A_127] : memref<10240x128xf32, #tpu.memory_space<hbm>> -> memref<80x128xf32, #tpu.memory_space<hbm>>
      tpu.wait_dma2 semaphore(%arg14 : memref<!tpu.dma_semaphore, #tpu.memory_space<semaphore_mem>>) src(%dma_wait3A_128 : memref<80x128xf32, #tpu.memory_space<hbm>>) dst(%run_scoped3A_10 : memref<80x128xf32, #tpu.memory_space<vmem>>)
      %dma_wait3A_129 = arith.constant 0 : i32
      %dma_wait3A_130 = arith.constant 0 : i32
      %dma_wait3A_131 = tpu.memref_slice %arg2[%dma_wait3A_129, %dma_wait3A_130] : memref<10240x128xf32, #tpu.memory_space<hbm>> -> memref<80x128xf32, #tpu.memory_space<hbm>>
      %dma_wait3A_132 = arith.constant 0 : i32
      %dma_wait3A_133 = arith.constant 0 : i32
      %dma_wait3A_134 = tpu.memref_slice %arg2[%dma_wait3A_132, %dma_wait3A_133] : memref<10240x128xf32, #tpu.memory_space<hbm>> -> memref<80x128xf32, #tpu.memory_space<hbm>>
      tpu.wait_dma2 semaphore(%arg15 : memref<!tpu.dma_semaphore, #tpu.memory_space<semaphore_mem>>) src(%dma_wait3A_134 : memref<80x128xf32, #tpu.memory_space<hbm>>) dst(%run_scoped3A_11 : memref<80x128xf32, #tpu.memory_space<vmem>>)
      %dma_wait3A_135 = arith.constant 0 : i32
      %dma_wait3A_136 = arith.constant 0 : i32
      %dma_wait3A_137 = tpu.memref_slice %arg2[%dma_wait3A_135, %dma_wait3A_136] : memref<10240x128xf32, #tpu.memory_space<hbm>> -> memref<80x128xf32, #tpu.memory_space<hbm>>
      %dma_wait3A_138 = arith.constant 0 : i32
      %dma_wait3A_139 = arith.constant 0 : i32
      %dma_wait3A_140 = tpu.memref_slice %arg2[%dma_wait3A_138, %dma_wait3A_139] : memref<10240x128xf32, #tpu.memory_space<hbm>> -> memref<80x128xf32, #tpu.memory_space<hbm>>
      tpu.wait_dma2 semaphore(%arg12 : memref<!tpu.dma_semaphore, #tpu.memory_space<semaphore_mem>>) src(%dma_wait3A_140 : memref<80x128xf32, #tpu.memory_space<hbm>>) dst(%run_scoped3A_8 : memref<80x128xf32, #tpu.memory_space<vmem>>)
      tpu.yield
    }) : () -> ()
    %barrier3A = arith.constant 0 : index
    tpu.barrier barrier_id(%barrier3A)
    %mul3A_3 = arith.constant 640 : i32
    %mul3A_4 = arith.muli %arg1, %mul3A_3 : i32
    %mul3A_5 = arith.constant 640 : i32
    %mul3A_6 = arith.muli %arg1, %mul3A_5 : i32
    "tpu.region"() ({
      %run_scoped3A = tpu.sem_alloc : memref<!tpu.dma_semaphore, #tpu.memory_space<semaphore_mem>>
      %dma_start3A = arith.constant 0 : i32
      %dma_start3A_7 = tpu.memref_slice %arg6[%arg0, %mul3A_6, %dma_start3A] : memref<2x10240x128xf32, #tpu.memory_space<hbm>> -> memref<1x640x128xf32, #tpu.memory_space<hbm>>
      %dma_start3A_8 = tpu.memref_squeeze %dma_start3A_7 : memref<1x640x128xf32, #tpu.memory_space<hbm>> -> memref<640x128xf32, #tpu.memory_space<hbm>>
      %dma_start3A_9 = arith.constant 0 : i32
      %dma_start3A_10 = tpu.memref_slice %arg7[%mul3A_4, %dma_start3A_9] : memref<10240x128xf32, #tpu.memory_space<vmem_shared>> -> memref<640x128xf32, #tpu.memory_space<vmem_shared>>
      tpu.enqueue_dma source(%dma_start3A_10 : memref<640x128xf32, #tpu.memory_space<vmem_shared>>) target(%dma_start3A_8 : memref<640x128xf32, #tpu.memory_space<hbm>>) target_semaphore(%run_scoped3A : memref<!tpu.dma_semaphore, #tpu.memory_space<semaphore_mem>>)
      %dma_wait3A = arith.constant 0 : i32
      %dma_wait3A_11 = tpu.memref_slice %arg6[%arg0, %mul3A_6, %dma_wait3A] : memref<2x10240x128xf32, #tpu.memory_space<hbm>> -> memref<1x640x128xf32, #tpu.memory_space<hbm>>
      %dma_wait3A_12 = tpu.memref_squeeze %dma_wait3A_11 : memref<1x640x128xf32, #tpu.memory_space<hbm>> -> memref<640x128xf32, #tpu.memory_space<hbm>>
      %dma_wait3A_13 = arith.constant 0 : i32
      %dma_wait3A_14 = tpu.memref_slice %arg7[%mul3A_4, %dma_wait3A_13] : memref<10240x128xf32, #tpu.memory_space<vmem_shared>> -> memref<640x128xf32, #tpu.memory_space<vmem_shared>>
      tpu.wait_dma2 semaphore(%run_scoped3A : memref<!tpu.dma_semaphore, #tpu.memory_space<semaphore_mem>>) src(%dma_wait3A_14 : memref<640x128xf32, #tpu.memory_space<vmem_shared>>) dst(%dma_wait3A_12 : memref<640x128xf32, #tpu.memory_space<hbm>>)
      tpu.yield
    }) : () -> ()
    return
  }
}

#map = affine_map<(d0, d1) -> (0, 0)>
#map1 = affine_map<(d0, d1) -> (0, 0, 0)>
module attributes {stable_mosaic.version = 14 : i64} {
  func.func @body(%arg0: i32, %arg1: i32, %arg2: memref<10240x128xf32, #tpu.memory_space<hbm>>, %arg3: memref<32x10240xi32, #tpu.memory_space<hbm>>, %arg4: memref<32x128x80xi32, #tpu.memory_space<hbm>>, %arg5: memref<640x128xf32, #tpu.memory_space<hbm>>, %arg6: memref<2x10240x128xf32, #tpu.memory_space<hbm>>, %arg7: memref<32x10240xf32, #tpu.memory_space<hbm>>, %arg8: memref<10240x128xf32, #tpu.memory_space<vmem_shared>>, %arg9: memref<!tpu.dma_semaphore, #tpu.memory_space<semaphore_mem>>, %arg10: memref<!tpu.dma_semaphore, #tpu.memory_space<semaphore_mem>>, %arg11: memref<!tpu.dma_semaphore, #tpu.memory_space<semaphore_mem>>, %arg12: memref<!tpu.dma_semaphore, #tpu.memory_space<semaphore_mem>>, %arg13: memref<!tpu.dma_semaphore, #tpu.memory_space<semaphore_mem>>, %arg14: memref<!tpu.dma_semaphore, #tpu.memory_space<semaphore_mem>>, %arg15: memref<!tpu.dma_semaphore, #tpu.memory_space<semaphore_mem>>, %arg16: memref<!tpu.dma_semaphore, #tpu.memory_space<semaphore_mem>>, %arg17: memref<!tpu.dma_semaphore, #tpu.memory_space<semaphore_mem>>) attributes {dimension_semantics = [#tpu.dimension_semantics<core_parallel>, #tpu.dimension_semantics<subcore_parallel>], iteration_bounds = array<i64: 2, 16>, scalar_prefetch = 0 : i64, scratch_operands = 10 : i64, tpu.core_type = #tpu.core_type<sc_vector_subcore>, window_params = [{transform_indices = #map}, {transform_indices = #map}, {transform_indices = #map1}, {transform_indices = #map}, {transform_indices = #map1}, {transform_indices = #map}]} {
    %mul3A = arith.constant 2 : i32
    %mul3A_0 = arith.muli %arg1, %mul3A : i32
    %add3A = arith.addi %mul3A_0, %arg0 : i32
    %mul3A_1 = arith.constant 640 : i32
    %mul3A_2 = arith.muli %arg1, %mul3A_1 : i32
    "tpu.region"() ({
      %run_scoped3A = tpu.sem_alloc : memref<!tpu.dma_semaphore, #tpu.memory_space<semaphore_mem>>
      %dma_start3A = arith.constant 0 : i32
      %dma_start3A_7 = tpu.memref_slice %arg8[%mul3A_2, %dma_start3A] : memref<10240x128xf32, #tpu.memory_space<vmem_shared>> -> memref<640x128xf32, #tpu.memory_space<vmem_shared>>
      tpu.enqueue_dma source(%arg5 : memref<640x128xf32, #tpu.memory_space<hbm>>) target(%dma_start3A_7 : memref<640x128xf32, #tpu.memory_space<vmem_shared>>) target_semaphore(%run_scoped3A : memref<!tpu.dma_semaphore, #tpu.memory_space<semaphore_mem>>)
      %dma_wait3A = arith.constant 0 : i32
      %dma_wait3A_8 = tpu.memref_slice %arg8[%mul3A_2, %dma_wait3A] : memref<10240x128xf32, #tpu.memory_space<vmem_shared>> -> memref<640x128xf32, #tpu.memory_space<vmem_shared>>
      tpu.wait_dma2 semaphore(%run_scoped3A : memref<!tpu.dma_semaphore, #tpu.memory_space<semaphore_mem>>) src(%arg5 : memref<640x128xf32, #tpu.memory_space<hbm>>) dst(%dma_wait3A_8 : memref<640x128xf32, #tpu.memory_space<vmem_shared>>)
      tpu.yield
    }) : () -> ()
    "tpu.region"() ({
      %run_scoped3A = memref.alloca() : memref<128x80xi32, #tpu.memory_space<vmem>>
      %run_scoped3A_7 = memref.alloca() : memref<10240xf32, #tpu.memory_space<vmem>>
      "tpu.region"() ({
        %run_scoped3A_22 = tpu.sem_alloc : memref<!tpu.dma_semaphore, #tpu.memory_space<semaphore_mem>>
        %dma_start3A = arith.constant 0 : i32
        %dma_start3A_23 = arith.constant 0 : i32
        %dma_start3A_24 = tpu.memref_slice %arg4[%add3A, %dma_start3A, %dma_start3A_23] : memref<32x128x80xi32, #tpu.memory_space<hbm>> -> memref<1x128x80xi32, #tpu.memory_space<hbm>>
        %dma_start3A_25 = tpu.memref_squeeze %dma_start3A_24 : memref<1x128x80xi32, #tpu.memory_space<hbm>> -> memref<128x80xi32, #tpu.memory_space<hbm>>
        %dma_start3A_26 = arith.constant 0 : i32
        %dma_start3A_27 = arith.constant 0 : i32
        %dma_start3A_28 = tpu.memref_slice %arg4[%add3A, %dma_start3A_26, %dma_start3A_27] : memref<32x128x80xi32, #tpu.memory_space<hbm>> -> memref<1x128x80xi32, #tpu.memory_space<hbm>>
        %dma_start3A_29 = tpu.memref_squeeze %dma_start3A_28 : memref<1x128x80xi32, #tpu.memory_space<hbm>> -> memref<128x80xi32, #tpu.memory_space<hbm>>
        tpu.enqueue_dma source(%dma_start3A_29 : memref<128x80xi32, #tpu.memory_space<hbm>>) target(%run_scoped3A : memref<128x80xi32, #tpu.memory_space<vmem>>) target_semaphore(%run_scoped3A_22 : memref<!tpu.dma_semaphore, #tpu.memory_space<semaphore_mem>>)
        %dma_wait3A = arith.constant 0 : i32
        %dma_wait3A_30 = arith.constant 0 : i32
        %dma_wait3A_31 = tpu.memref_slice %arg4[%add3A, %dma_wait3A, %dma_wait3A_30] : memref<32x128x80xi32, #tpu.memory_space<hbm>> -> memref<1x128x80xi32, #tpu.memory_space<hbm>>
        %dma_wait3A_32 = tpu.memref_squeeze %dma_wait3A_31 : memref<1x128x80xi32, #tpu.memory_space<hbm>> -> memref<128x80xi32, #tpu.memory_space<hbm>>
        %dma_wait3A_33 = arith.constant 0 : i32
        %dma_wait3A_34 = arith.constant 0 : i32
        %dma_wait3A_35 = tpu.memref_slice %arg4[%add3A, %dma_wait3A_33, %dma_wait3A_34] : memref<32x128x80xi32, #tpu.memory_space<hbm>> -> memref<1x128x80xi32, #tpu.memory_space<hbm>>
        %dma_wait3A_36 = tpu.memref_squeeze %dma_wait3A_35 : memref<1x128x80xi32, #tpu.memory_space<hbm>> -> memref<128x80xi32, #tpu.memory_space<hbm>>
        tpu.wait_dma2 semaphore(%run_scoped3A_22 : memref<!tpu.dma_semaphore, #tpu.memory_space<semaphore_mem>>) src(%dma_wait3A_36 : memref<128x80xi32, #tpu.memory_space<hbm>>) dst(%run_scoped3A : memref<128x80xi32, #tpu.memory_space<vmem>>)
        tpu.yield
      }) : () -> ()
      %broadcast_in_dim3A = arith.constant 0.000000e+00 : f32
      %broadcast_in_dim3A_8 = vector.broadcast %broadcast_in_dim3A : f32 to vector<16xf32>
      %scan3A = arith.constant 0 : i32
      %scan3A_9 = arith.constant 0 : i32
      %scan3A_10 = arith.constant 640 : i32
      %scan3A_11 = arith.addi %scan3A_9, %scan3A_10 : i32
      %scan3A_12 = arith.constant 1 : i32
      scf.for %scan3A_22 = %scan3A_9 to %scan3A_11 step %scan3A_12  : i32 {
        %mul3A_23 = arith.constant 16 : i32
        %mul3A_24 = arith.muli %scan3A_22, %mul3A_23 : i32
        %swap3A = arith.index_cast %mul3A_24 : i32 to index
        %swap3A_25 = tpu.vector_load %run_scoped3A_7[%swap3A] {strides = array<i32>} : memref<10240xf32, #tpu.memory_space<vmem>>, vector<16xf32>,
        tpu.vector_store %run_scoped3A_7[%swap3A], %broadcast_in_dim3A_8 {strides = array<i32>} : memref<10240xf32, #tpu.memory_space<vmem>>, vector<16xf32>,
      }
      %scan3A_13 = arith.constant 640 : i32
      %broadcast_in_dim3A_14 = arith.constant 1.000000e+00 : f32
      %broadcast_in_dim3A_15 = vector.broadcast %broadcast_in_dim3A_14 : f32 to vector<16xf32>
      %scan3A_16 = arith.constant 0 : i32
      %scan3A_17 = arith.constant 0 : i32
      %scan3A_18 = arith.constant 125 : i32
      %scan3A_19 = arith.addi %scan3A_17, %scan3A_18 : i32
      %scan3A_20 = arith.constant 1 : i32
      scf.for %scan3A_22 = %scan3A_17 to %scan3A_19 step %scan3A_20  : i32 {
        %get3A = arith.index_cast %scan3A_22 : i32 to index
        %get3A_23 = arith.constant 0 : index
        %get3A_24 = tpu.vector_load %run_scoped3A[%get3A, %get3A_23] {strides = array<i32>} : memref<128x80xi32, #tpu.memory_space<vmem>>, vector<16xi32>,
        tpu.vector_store_idx %run_scoped3A_7[%get3A_24], %broadcast_in_dim3A_15 {add = true} : memref<10240xf32, #tpu.memory_space<vmem>>[vector<16xi32>], vector<16xf32>,
        %get3A_25 = arith.index_cast %scan3A_22 : i32 to index
        %get3A_26 = arith.constant 16 : index
        %get3A_27 = tpu.vector_load %run_scoped3A[%get3A_25, %get3A_26] {strides = array<i32>} : memref<128x80xi32, #tpu.memory_space<vmem>>, vector<16xi32>,
        tpu.vector_store_idx %run_scoped3A_7[%get3A_27], %broadcast_in_dim3A_15 {add = true} : memref<10240xf32, #tpu.memory_space<vmem>>[vector<16xi32>], vector<16xf32>,
        %get3A_28 = arith.index_cast %scan3A_22 : i32 to index
        %get3A_29 = arith.constant 32 : index
        %get3A_30 = tpu.vector_load %run_scoped3A[%get3A_28, %get3A_29] {strides = array<i32>} : memref<128x80xi32, #tpu.memory_space<vmem>>, vector<16xi32>,
        tpu.vector_store_idx %run_scoped3A_7[%get3A_30], %broadcast_in_dim3A_15 {add = true} : memref<10240xf32, #tpu.memory_space<vmem>>[vector<16xi32>], vector<16xf32>,
        %get3A_31 = arith.index_cast %scan3A_22 : i32 to index
        %get3A_32 = arith.constant 48 : index
        %get3A_33 = tpu.vector_load %run_scoped3A[%get3A_31, %get3A_32] {strides = array<i32>} : memref<128x80xi32, #tpu.memory_space<vmem>>, vector<16xi32>,
        tpu.vector_store_idx %run_scoped3A_7[%get3A_33], %broadcast_in_dim3A_15 {add = true} : memref<10240xf32, #tpu.memory_space<vmem>>[vector<16xi32>], vector<16xf32>,
        %get3A_34 = arith.index_cast %scan3A_22 : i32 to index
        %get3A_35 = arith.constant 64 : index
        %get3A_36 = tpu.vector_load %run_scoped3A[%get3A_34, %get3A_35] {strides = array<i32>} : memref<128x80xi32, #tpu.memory_space<vmem>>, vector<16xi32>,
        tpu.vector_store_idx %run_scoped3A_7[%get3A_36], %broadcast_in_dim3A_15 {add = true} : memref<10240xf32, #tpu.memory_space<vmem>>[vector<16xi32>], vector<16xf32>,
      }
      %scan3A_21 = arith.constant 125 : i32
      "tpu.region"() ({
        %run_scoped3A_22 = tpu.sem_alloc : memref<!tpu.dma_semaphore, #tpu.memory_space<semaphore_mem>>
        %dma_start3A = arith.constant 0 : i32
        %dma_start3A_23 = tpu.memref_slice %arg7[%add3A, %dma_start3A] : memref<32x10240xf32, #tpu.memory_space<hbm>> -> memref<1x10240xf32, #tpu.memory_space<hbm>>
        %dma_start3A_24 = tpu.memref_squeeze %dma_start3A_23 : memref<1x10240xf32, #tpu.memory_space<hbm>> -> memref<10240xf32, #tpu.memory_space<hbm>>
        %dma_start3A_25 = arith.constant 0 : i32
        %dma_start3A_26 = tpu.memref_slice %arg7[%add3A, %dma_start3A_25] : memref<32x10240xf32, #tpu.memory_space<hbm>> -> memref<1x10240xf32, #tpu.memory_space<hbm>>
        %dma_start3A_27 = tpu.memref_squeeze %dma_start3A_26 : memref<1x10240xf32, #tpu.memory_space<hbm>> -> memref<10240xf32, #tpu.memory_space<hbm>>
        tpu.enqueue_dma source(%run_scoped3A_7 : memref<10240xf32, #tpu.memory_space<vmem>>) target(%dma_start3A_27 : memref<10240xf32, #tpu.memory_space<hbm>>) target_semaphore(%run_scoped3A_22 : memref<!tpu.dma_semaphore, #tpu.memory_space<semaphore_mem>>)
        %dma_wait3A = arith.constant 0 : i32
        %dma_wait3A_28 = tpu.memref_slice %arg7[%add3A, %dma_wait3A] : memref<32x10240xf32, #tpu.memory_space<hbm>> -> memref<1x10240xf32, #tpu.memory_space<hbm>>
        %dma_wait3A_29 = tpu.memref_squeeze %dma_wait3A_28 : memref<1x10240xf32, #tpu.memory_space<hbm>> -> memref<10240xf32, #tpu.memory_space<hbm>>
        %dma_wait3A_30 = arith.constant 0 : i32
        %dma_wait3A_31 = tpu.memref_slice %arg7[%add3A, %dma_wait3A_30] : memref<32x10240xf32, #tpu.memory_space<hbm>> -> memref<1x10240xf32, #tpu.memory_space<hbm>>
        %dma_wait3A_32 = tpu.memref_squeeze %dma_wait3A_31 : memref<1x10240xf32, #tpu.memory_space<hbm>> -> memref<10240xf32, #tpu.memory_space<hbm>>
        tpu.wait_dma2 semaphore(%run_scoped3A_22 : memref<!tpu.dma_semaphore, #tpu.memory_space<semaphore_mem>>) src(%run_scoped3A_7 : memref<10240xf32, #tpu.memory_space<vmem>>) dst(%dma_wait3A_32 : memref<10240xf32, #tpu.memory_space<hbm>>)
        tpu.yield
      }) : () -> ()
      tpu.yield
    }) : () -> ()
    "tpu.region"() ({
      %run_scoped3A = memref.alloca() : memref<1280xi32, #tpu.memory_space<vmem>>
      %run_scoped3A_7 = memref.alloca() : memref<2x8x80xi32, #tpu.memory_space<vmem>>
      %run_scoped3A_8 = memref.alloca() : memref<80x128xf32, #tpu.memory_space<vmem>>
      %run_scoped3A_9 = memref.alloca() : memref<80x128xf32, #tpu.memory_space<vmem>>
      %run_scoped3A_10 = memref.alloca() : memref<80x128xf32, #tpu.memory_space<vmem>>
      %run_scoped3A_11 = memref.alloca() : memref<80x128xf32, #tpu.memory_space<vmem>>
      %dma_start3A = arith.constant 0 : i32
      %dma_start3A_12 = tpu.memref_slice %run_scoped3A[%dma_start3A] : memref<1280xi32, #tpu.memory_space<vmem>> -> memref<640xi32, #tpu.memory_space<vmem>>
      %dma_start3A_13 = arith.constant 0 : i32
      %dma_start3A_14 = tpu.memref_slice %arg3[%add3A, %dma_start3A_13] : memref<32x10240xi32, #tpu.memory_space<hbm>> -> memref<1x640xi32, #tpu.memory_space<hbm>>
      %dma_start3A_15 = tpu.memref_squeeze %dma_start3A_14 : memref<1x640xi32, #tpu.memory_space<hbm>> -> memref<640xi32, #tpu.memory_space<hbm>>
      %dma_start3A_16 = arith.constant 0 : i32
      %dma_start3A_17 = tpu.memref_slice %run_scoped3A[%dma_start3A_16] : memref<1280xi32, #tpu.memory_space<vmem>> -> memref<640xi32, #tpu.memory_space<vmem>>
      %dma_start3A_18 = arith.constant 0 : i32
      %dma_start3A_19 = tpu.memref_slice %arg3[%add3A, %dma_start3A_18] : memref<32x10240xi32, #tpu.memory_space<hbm>> -> memref<1x640xi32, #tpu.memory_space<hbm>>
      %dma_start3A_20 = tpu.memref_squeeze %dma_start3A_19 : memref<1x640xi32, #tpu.memory_space<hbm>> -> memref<640xi32, #tpu.memory_space<hbm>>
      tpu.enqueue_dma source(%dma_start3A_20 : memref<640xi32, #tpu.memory_space<hbm>>) target(%dma_start3A_17 : memref<640xi32, #tpu.memory_space<vmem>>) target_semaphore(%arg17 : memref<!tpu.dma_semaphore, #tpu.memory_space<semaphore_mem>>)
      %dma_start3A_21 = arith.constant 0 : i32
      %dma_start3A_22 = arith.constant 0 : i32
      %dma_start3A_23 = arith.constant 0 : i32
      %dma_start3A_24 = tpu.memref_slice %run_scoped3A_7[%dma_start3A_21, %dma_start3A_22, %dma_start3A_23] : memref<2x8x80xi32, #tpu.memory_space<vmem>> -> memref<1x8x80xi32, #tpu.memory_space<vmem>>
      %dma_start3A_25 = tpu.memref_squeeze %dma_start3A_24 : memref<1x8x80xi32, #tpu.memory_space<vmem>> -> memref<8x80xi32, #tpu.memory_space<vmem>>
      %dma_start3A_26 = arith.constant 0 : i32
      %dma_start3A_27 = arith.constant 0 : i32
      %dma_start3A_28 = tpu.memref_slice %arg4[%add3A, %dma_start3A_26, %dma_start3A_27] : memref<32x128x80xi32, #tpu.memory_space<hbm>> -> memref<1x8x80xi32, #tpu.memory_space<hbm>>
      %dma_start3A_29 = tpu.memref_squeeze %dma_start3A_28 : memref<1x8x80xi32, #tpu.memory_space<hbm>> -> memref<8x80xi32, #tpu.memory_space<hbm>>
      %dma_start3A_30 = arith.constant 0 : i32
      %dma_start3A_31 = arith.constant 0 : i32
      %dma_start3A_32 = tpu.memref_slice %run_scoped3A_7[%dma_start3A_21, %dma_start3A_30, %dma_start3A_31] : memref<2x8x80xi32, #tpu.memory_space<vmem>> -> memref<1x8x80xi32, #tpu.memory_space<vmem>>
      %dma_start3A_33 = tpu.memref_squeeze %dma_start3A_32 : memref<1x8x80xi32, #tpu.memory_space<vmem>> -> memref<8x80xi32, #tpu.memory_space<vmem>>
      %dma_start3A_34 = arith.constant 0 : i32
      %dma_start3A_35 = arith.constant 0 : i32
      %dma_start3A_36 = tpu.memref_slice %arg4[%add3A, %dma_start3A_34, %dma_start3A_35] : memref<32x128x80xi32, #tpu.memory_space<hbm>> -> memref<1x8x80xi32, #tpu.memory_space<hbm>>
      %dma_start3A_37 = tpu.memref_squeeze %dma_start3A_36 : memref<1x8x80xi32, #tpu.memory_space<hbm>> -> memref<8x80xi32, #tpu.memory_space<hbm>>
      tpu.enqueue_dma source(%dma_start3A_37 : memref<8x80xi32, #tpu.memory_space<hbm>>) target(%dma_start3A_33 : memref<8x80xi32, #tpu.memory_space<vmem>>) target_semaphore(%arg17 : memref<!tpu.dma_semaphore, #tpu.memory_space<semaphore_mem>>)
      %dma_wait3A = arith.constant 0 : i32
      %dma_wait3A_38 = arith.constant 0 : i32
      %dma_wait3A_39 = tpu.memref_slice %run_scoped3A[%dma_wait3A_38] : memref<1280xi32, #tpu.memory_space<vmem>> -> memref<640xi32, #tpu.memory_space<vmem>>
      %dma_wait3A_40 = arith.constant 0 : i32
      %dma_wait3A_41 = tpu.memref_slice %arg3[%dma_wait3A, %dma_wait3A_40] : memref<32x10240xi32, #tpu.memory_space<hbm>> -> memref<1x640xi32, #tpu.memory_space<hbm>>
      %dma_wait3A_42 = tpu.memref_squeeze %dma_wait3A_41 : memref<1x640xi32, #tpu.memory_space<hbm>> -> memref<640xi32, #tpu.memory_space<hbm>>
      %dma_wait3A_43 = arith.constant 0 : i32
      %dma_wait3A_44 = tpu.memref_slice %run_scoped3A[%dma_wait3A_43] : memref<1280xi32, #tpu.memory_space<vmem>> -> memref<640xi32, #tpu.memory_space<vmem>>
      %dma_wait3A_45 = arith.constant 0 : i32
      %dma_wait3A_46 = tpu.memref_slice %arg3[%dma_wait3A, %dma_wait3A_45] : memref<32x10240xi32, #tpu.memory_space<hbm>> -> memref<1x640xi32, #tpu.memory_space<hbm>>
      %dma_wait3A_47 = tpu.memref_squeeze %dma_wait3A_46 : memref<1x640xi32, #tpu.memory_space<hbm>> -> memref<640xi32, #tpu.memory_space<hbm>>
      tpu.wait_dma2 semaphore(%arg17 : memref<!tpu.dma_semaphore, #tpu.memory_space<semaphore_mem>>) src(%dma_wait3A_47 : memref<640xi32, #tpu.memory_space<hbm>>) dst(%dma_wait3A_44 : memref<640xi32, #tpu.memory_space<vmem>>)
      %dma_wait3A_48 = arith.constant 0 : i32
      %dma_wait3A_49 = arith.constant 0 : i32
      %dma_wait3A_50 = arith.constant 0 : i32
      %dma_wait3A_51 = arith.constant 0 : i32
      %dma_wait3A_52 = tpu.memref_slice %run_scoped3A_7[%dma_wait3A_49, %dma_wait3A_50, %dma_wait3A_51] : memref<2x8x80xi32, #tpu.memory_space<vmem>> -> memref<1x8x80xi32, #tpu.memory_space<vmem>>
      %dma_wait3A_53 = tpu.memref_squeeze %dma_wait3A_52 : memref<1x8x80xi32, #tpu.memory_space<vmem>> -> memref<8x80xi32, #tpu.memory_space<vmem>>
      %dma_wait3A_54 = arith.constant 0 : i32
      %dma_wait3A_55 = arith.constant 0 : i32
      %dma_wait3A_56 = tpu.memref_slice %arg4[%dma_wait3A_48, %dma_wait3A_54, %dma_wait3A_55] : memref<32x128x80xi32, #tpu.memory_space<hbm>> -> memref<1x8x80xi32, #tpu.memory_space<hbm>>
      %dma_wait3A_57 = tpu.memref_squeeze %dma_wait3A_56 : memref<1x8x80xi32, #tpu.memory_space<hbm>> -> memref<8x80xi32, #tpu.memory_space<hbm>>
      %dma_wait3A_58 = arith.constant 0 : i32
      %dma_wait3A_59 = arith.constant 0 : i32
      %dma_wait3A_60 = tpu.memref_slice %run_scoped3A_7[%dma_wait3A_49, %dma_wait3A_58, %dma_wait3A_59] : memref<2x8x80xi32, #tpu.memory_space<vmem>> -> memref<1x8x80xi32, #tpu.memory_space<vmem>>
      %dma_wait3A_61 = tpu.memref_squeeze %dma_wait3A_60 : memref<1x8x80xi32, #tpu.memory_space<vmem>> -> memref<8x80xi32, #tpu.memory_space<vmem>>
      %dma_wait3A_62 = arith.constant 0 : i32
      %dma_wait3A_63 = arith.constant 0 : i32
      %dma_wait3A_64 = tpu.memref_slice %arg4[%dma_wait3A_48, %dma_wait3A_62, %dma_wait3A_63] : memref<32x128x80xi32, #tpu.memory_space<hbm>> -> memref<1x8x80xi32, #tpu.memory_space<hbm>>
      %dma_wait3A_65 = tpu.memref_squeeze %dma_wait3A_64 : memref<1x8x80xi32, #tpu.memory_space<hbm>> -> memref<8x80xi32, #tpu.memory_space<hbm>>
      tpu.wait_dma2 semaphore(%arg17 : memref<!tpu.dma_semaphore, #tpu.memory_space<semaphore_mem>>) src(%dma_wait3A_65 : memref<8x80xi32, #tpu.memory_space<hbm>>) dst(%dma_wait3A_61 : memref<8x80xi32, #tpu.memory_space<vmem>>)
      %dma_start3A_66 = arith.constant 640 : i32
      %dma_start3A_67 = tpu.memref_slice %run_scoped3A[%dma_start3A_66] : memref<1280xi32, #tpu.memory_space<vmem>> -> memref<640xi32, #tpu.memory_space<vmem>>
      %dma_start3A_68 = arith.constant 640 : i32
      %dma_start3A_69 = tpu.memref_slice %arg3[%add3A, %dma_start3A_68] : memref<32x10240xi32, #tpu.memory_space<hbm>> -> memref<1x640xi32, #tpu.memory_space<hbm>>
      %dma_start3A_70 = tpu.memref_squeeze %dma_start3A_69 : memref<1x640xi32, #tpu.memory_space<hbm>> -> memref<640xi32, #tpu.memory_space<hbm>>
      %dma_start3A_71 = arith.constant 640 : i32
      %dma_start3A_72 = tpu.memref_slice %run_scoped3A[%dma_start3A_71] : memref<1280xi32, #tpu.memory_space<vmem>> -> memref<640xi32, #tpu.memory_space<vmem>>
      %dma_start3A_73 = arith.constant 640 : i32
      %dma_start3A_74 = tpu.memref_slice %arg3[%add3A, %dma_start3A_73] : memref<32x10240xi32, #tpu.memory_space<hbm>> -> memref<1x640xi32, #tpu.memory_space<hbm>>
      %dma_start3A_75 = tpu.memref_squeeze %dma_start3A_74 : memref<1x640xi32, #tpu.memory_space<hbm>> -> memref<640xi32, #tpu.memory_space<hbm>>
      tpu.enqueue_dma source(%dma_start3A_75 : memref<640xi32, #tpu.memory_space<hbm>>) target(%dma_start3A_72 : memref<640xi32, #tpu.memory_space<vmem>>) target_semaphore(%arg17 : memref<!tpu.dma_semaphore, #tpu.memory_space<semaphore_mem>>)
      %dma_start3A_76 = arith.constant 1 : i32
      %dma_start3A_77 = arith.constant 0 : i32
      %dma_start3A_78 = arith.constant 0 : i32
      %dma_start3A_79 = tpu.memref_slice %run_scoped3A_7[%dma_start3A_76, %dma_start3A_77, %dma_start3A_78] : memref<2x8x80xi32, #tpu.memory_space<vmem>> -> memref<1x8x80xi32, #tpu.memory_space<vmem>>
      %dma_start3A_80 = tpu.memref_squeeze %dma_start3A_79 : memref<1x8x80xi32, #tpu.memory_space<vmem>> -> memref<8x80xi32, #tpu.memory_space<vmem>>
      %dma_start3A_81 = arith.constant 8 : i32
      %dma_start3A_82 = arith.constant 0 : i32
      %dma_start3A_83 = tpu.memref_slice %arg4[%add3A, %dma_start3A_81, %dma_start3A_82] : memref<32x128x80xi32, #tpu.memory_space<hbm>> -> memref<1x8x80xi32, #tpu.memory_space<hbm>>
      %dma_start3A_84 = tpu.memref_squeeze %dma_start3A_83 : memref<1x8x80xi32, #tpu.memory_space<hbm>> -> memref<8x80xi32, #tpu.memory_space<hbm>>
      %dma_start3A_85 = arith.constant 0 : i32
      %dma_start3A_86 = arith.constant 0 : i32
      %dma_start3A_87 = tpu.memref_slice %run_scoped3A_7[%dma_start3A_76, %dma_start3A_85, %dma_start3A_86] : memref<2x8x80xi32, #tpu.memory_space<vmem>> -> memref<1x8x80xi32, #tpu.memory_space<vmem>>
      %dma_start3A_88 = tpu.memref_squeeze %dma_start3A_87 : memref<1x8x80xi32, #tpu.memory_space<vmem>> -> memref<8x80xi32, #tpu.memory_space<vmem>>
      %dma_start3A_89 = arith.constant 8 : i32
      %dma_start3A_90 = arith.constant 0 : i32
      %dma_start3A_91 = tpu.memref_slice %arg4[%add3A, %dma_start3A_89, %dma_start3A_90] : memref<32x128x80xi32, #tpu.memory_space<hbm>> -> memref<1x8x80xi32, #tpu.memory_space<hbm>>
      %dma_start3A_92 = tpu.memref_squeeze %dma_start3A_91 : memref<1x8x80xi32, #tpu.memory_space<hbm>> -> memref<8x80xi32, #tpu.memory_space<hbm>>
      tpu.enqueue_dma source(%dma_start3A_92 : memref<8x80xi32, #tpu.memory_space<hbm>>) target(%dma_start3A_88 : memref<8x80xi32, #tpu.memory_space<vmem>>) target_semaphore(%arg17 : memref<!tpu.dma_semaphore, #tpu.memory_space<semaphore_mem>>)
      %barrier3A_93 = arith.constant 0 : index
      tpu.barrier barrier_id(%barrier3A_93)
      %dma_start3A_94 = arith.constant 0 : i32
      %dma_start3A_95 = tpu.memref_slice %run_scoped3A[%dma_start3A_94] : memref<1280xi32, #tpu.memory_space<vmem>> -> memref<80xi32, #tpu.memory_space<vmem>>
      %dma_start3A_96 = arith.constant 0 : i32
      %dma_start3A_97 = arith.constant 0 : i32
      %dma_start3A_98 = tpu.memref_slice %arg2[%dma_start3A_96, %dma_start3A_97] : memref<10240x128xf32, #tpu.memory_space<hbm>> -> memref<10240x128xf32, #tpu.memory_space<hbm>>
      tpu.enqueue_indirect_dma source(%dma_start3A_98 : memref<10240x128xf32, #tpu.memory_space<hbm>>) target(%run_scoped3A_8 : memref<80x128xf32, #tpu.memory_space<vmem>>) offsets(%dma_start3A_95 : memref<80xi32, #tpu.memory_space<vmem>>) semaphore(%arg9 : memref<!tpu.dma_semaphore, #tpu.memory_space<semaphore_mem>>)
      %dma_start3A_99 = arith.constant 80 : i32
      %dma_start3A_100 = tpu.memref_slice %run_scoped3A[%dma_start3A_99] : memref<1280xi32, #tpu.memory_space<vmem>> -> memref<80xi32, #tpu.memory_space<vmem>>
      %dma_start3A_101 = arith.constant 0 : i32
      %dma_start3A_102 = arith.constant 0 : i32
      %dma_start3A_103 = tpu.memref_slice %arg2[%dma_start3A_101, %dma_start3A_102] : memref<10240x128xf32, #tpu.memory_space<hbm>> -> memref<10240x128xf32, #tpu.memory_space<hbm>>
      tpu.enqueue_indirect_dma source(%dma_start3A_103 : memref<10240x128xf32, #tpu.memory_space<hbm>>) target(%run_scoped3A_9 : memref<80x128xf32, #tpu.memory_space<vmem>>) offsets(%dma_start3A_100 : memref<80xi32, #tpu.memory_space<vmem>>) semaphore(%arg10 : memref<!tpu.dma_semaphore, #tpu.memory_space<semaphore_mem>>)
      %scan3A = arith.constant 0 : i32
      %scan3A_104 = arith.constant 0 : i32
      %scan3A_105 = arith.constant 31 : i32
      %scan3A_106 = arith.addi %scan3A_104, %scan3A_105 : i32
      %scan3A_107 = arith.constant 1 : i32
      scf.for %scan3A_141 = %scan3A_104 to %scan3A_106 step %scan3A_107  : i32 {
        %mul3A_142 = arith.constant 4 : i32
        %mul3A_143 = arith.muli %mul3A_142, %scan3A_141 : i32
        %add3A_144 = arith.constant 0 : i32
        %add3A_145 = arith.addi %mul3A_143, %add3A_144 : i32
        %add3A_146 = arith.constant 2 : i32
        %add3A_147 = arith.addi %add3A_145, %add3A_146 : i32
        %ge3A = arith.constant 2 : i32
        %ge3A_148 = arith.cmpi sge, %add3A_145, %ge3A : i32
        %convert_element_type3A = arith.extui %ge3A_148 : i1 to i32
        %cond3A = arith.constant 0 : i32
        %cond3A_149 = arith.cmpi ne, %convert_element_type3A, %cond3A : i32
        scf.if %cond3A_149 {
          %dma_wait3A_465 = arith.constant 0 : i32
          %dma_wait3A_466 = arith.constant 0 : i32
          %dma_wait3A_467 = tpu.memref_slice %arg2[%dma_wait3A_465, %dma_wait3A_466] : memref<10240x128xf32, #tpu.memory_space<hbm>> -> memref<80x128xf32, #tpu.memory_space<hbm>>
          %dma_wait3A_468 = arith.constant 0 : i32
          %dma_wait3A_469 = arith.constant 0 : i32
          %dma_wait3A_470 = tpu.memref_slice %arg2[%dma_wait3A_468, %dma_wait3A_469] : memref<10240x128xf32, #tpu.memory_space<hbm>> -> memref<80x128xf32, #tpu.memory_space<hbm>>
          tpu.wait_dma2 semaphore(%arg15 : memref<!tpu.dma_semaphore, #tpu.memory_space<semaphore_mem>>) src(%dma_wait3A_470 : memref<80x128xf32, #tpu.memory_space<hbm>>) dst(%run_scoped3A_10 : memref<80x128xf32, #tpu.memory_space<vmem>>)
        } else {
        }
        %lt3A = arith.constant 125 : i32
        %lt3A_150 = arith.cmpi slt, %add3A_147, %lt3A : i32
        %convert_element_type3A_151 = arith.extui %lt3A_150 : i1 to i32
        %cond3A_152 = arith.constant 0 : i32
        %cond3A_153 = arith.cmpi ne, %convert_element_type3A_151, %cond3A_152 : i32
        scf.if %cond3A_153 {
          %jit3A_465 = arith.constant 8 : i32
          %eq3A_466 = arith.constant 0 : i32
          %eq3A_467 = arith.cmpi eq, %jit3A_465, %eq3A_466 : i32
          %jit3A_468 = arith.constant 1 : i32
          %select_n3A_469 = arith.select %eq3A_467, %jit3A_468, %jit3A_465 : i32
          %rem3A_470 = arith.remsi %add3A_147, %select_n3A_469 : i32
          %ne3A_471 = arith.constant 0 : i32
          %ne3A_472 = arith.cmpi ne, %rem3A_470, %ne3A_471 : i32
          %lt3A_473 = arith.constant 0 : i32
          %lt3A_474 = arith.cmpi slt, %rem3A_470, %lt3A_473 : i32
          %lt3A_475 = arith.constant 0 : i32
          %lt3A_476 = arith.cmpi slt, %select_n3A_469, %lt3A_475 : i32
          %ne3A_477 = arith.xori %lt3A_474, %lt3A_476 : i1
          %and3A_478 = arith.andi %ne3A_477, %ne3A_472 : i1
          %add3A_479 = arith.addi %rem3A_470, %select_n3A_469 : i32
          %select_n3A_480 = arith.select %and3A_478, %add3A_479, %rem3A_470 : i32
          %eq3A_481 = arith.constant 0 : i32
          %eq3A_482 = arith.cmpi eq, %select_n3A_480, %eq3A_481 : i32
          %convert_element_type3A_483 = arith.extui %eq3A_482 : i1 to i32
          %cond3A_484 = arith.constant 0 : i32
          %cond3A_485 = arith.cmpi ne, %convert_element_type3A_483, %cond3A_484 : i32
          scf.if %cond3A_485 {
            %jit3A_603 = arith.constant 8 : i32
            %div3A_604 = arith.divsi %add3A_147, %jit3A_603 : i32
            %sign3A_605 = arith.constant 0 : i32
            %sign3A_606 = arith.cmpi sgt, %add3A_147, %sign3A_605 : i32
            %sign3A_607 = arith.extui %sign3A_606 : i1 to i32
            %sign3A_608 = arith.constant 0 : i32
            %sign3A_609 = arith.cmpi slt, %add3A_147, %sign3A_608 : i32
            %sign3A_610 = arith.extui %sign3A_609 : i1 to i32
            %sign3A_611 = arith.subi %sign3A_607, %sign3A_610 : i32
            %sign3A_612 = arith.constant 0 : i32
            %sign3A_613 = arith.cmpi sgt, %jit3A_603, %sign3A_612 : i32
            %sign3A_614 = arith.extui %sign3A_613 : i1 to i32
            %sign3A_615 = arith.constant 0 : i32
            %sign3A_616 = arith.cmpi slt, %jit3A_603, %sign3A_615 : i32
            %sign3A_617 = arith.extui %sign3A_616 : i1 to i32
            %sign3A_618 = arith.subi %sign3A_614, %sign3A_617 : i32
            %ne3A_619 = arith.cmpi ne, %sign3A_611, %sign3A_618 : i32
            %rem3A_620 = arith.remsi %add3A_147, %jit3A_603 : i32
            %ne3A_621 = arith.constant 0 : i32
            %ne3A_622 = arith.cmpi ne, %rem3A_620, %ne3A_621 : i32
            %and3A_623 = arith.andi %ne3A_619, %ne3A_622 : i1
            %sub3A_624 = arith.constant 1 : i32
            %sub3A_625 = arith.subi %div3A_604, %sub3A_624 : i32
            %select_n3A_626 = arith.select %and3A_623, %sub3A_625, %div3A_604 : i32
            %jit3A_627 = arith.constant 2 : i32
            %eq3A_628 = arith.constant 0 : i32
            %eq3A_629 = arith.cmpi eq, %jit3A_627, %eq3A_628 : i32
            %jit3A_630 = arith.constant 1 : i32
            %select_n3A_631 = arith.select %eq3A_629, %jit3A_630, %jit3A_627 : i32
            %rem3A_632 = arith.remsi %select_n3A_626, %select_n3A_631 : i32
            %ne3A_633 = arith.constant 0 : i32
            %ne3A_634 = arith.cmpi ne, %rem3A_632, %ne3A_633 : i32
            %lt3A_635 = arith.constant 0 : i32
            %lt3A_636 = arith.cmpi slt, %rem3A_632, %lt3A_635 : i32
            %lt3A_637 = arith.constant 0 : i32
            %lt3A_638 = arith.cmpi slt, %select_n3A_631, %lt3A_637 : i32
            %ne3A_639 = arith.xori %lt3A_636, %lt3A_638 : i1
            %and3A_640 = arith.andi %ne3A_639, %ne3A_634 : i1
            %add3A_641 = arith.addi %rem3A_632, %select_n3A_631 : i32
            %select_n3A_642 = arith.select %and3A_640, %add3A_641, %rem3A_632 : i32
            %mul3A_643 = arith.constant 8 : i32
            %mul3A_644 = arith.muli %select_n3A_642, %mul3A_643 : i32
            %mul3A_645 = arith.constant 80 : i32
            %mul3A_646 = arith.muli %mul3A_644, %mul3A_645 : i32
            %dma_wait3A_647 = arith.constant 0 : i32
            %dma_wait3A_648 = tpu.memref_slice %run_scoped3A[%mul3A_646] : memref<1280xi32, #tpu.memory_space<vmem>> -> memref<640xi32, #tpu.memory_space<vmem>>
            %dma_wait3A_649 = arith.constant 0 : i32
            %dma_wait3A_650 = tpu.memref_slice %arg3[%dma_wait3A_647, %dma_wait3A_649] : memref<32x10240xi32, #tpu.memory_space<hbm>> -> memref<1x640xi32, #tpu.memory_space<hbm>>
            %dma_wait3A_651 = tpu.memref_squeeze %dma_wait3A_650 : memref<1x640xi32, #tpu.memory_space<hbm>> -> memref<640xi32, #tpu.memory_space<hbm>>
            %dma_wait3A_652 = tpu.memref_slice %run_scoped3A[%mul3A_646] : memref<1280xi32, #tpu.memory_space<vmem>> -> memref<640xi32, #tpu.memory_space<vmem>>
            %dma_wait3A_653 = arith.constant 0 : i32
            %dma_wait3A_654 = tpu.memref_slice %arg3[%dma_wait3A_647, %dma_wait3A_653] : memref<32x10240xi32, #tpu.memory_space<hbm>> -> memref<1x640xi32, #tpu.memory_space<hbm>>
            %dma_wait3A_655 = tpu.memref_squeeze %dma_wait3A_654 : memref<1x640xi32, #tpu.memory_space<hbm>> -> memref<640xi32, #tpu.memory_space<hbm>>
            tpu.wait_dma2 semaphore(%arg17 : memref<!tpu.dma_semaphore, #tpu.memory_space<semaphore_mem>>) src(%dma_wait3A_655 : memref<640xi32, #tpu.memory_space<hbm>>) dst(%dma_wait3A_652 : memref<640xi32, #tpu.memory_space<vmem>>)
            %dma_wait3A_656 = arith.constant 0 : i32
            %dma_wait3A_657 = arith.constant 0 : i32
            %dma_wait3A_658 = arith.constant 0 : i32
            %dma_wait3A_659 = tpu.memref_slice %run_scoped3A_7[%select_n3A_642, %dma_wait3A_657, %dma_wait3A_658] : memref<2x8x80xi32, #tpu.memory_space<vmem>> -> memref<1x8x80xi32, #tpu.memory_space<vmem>>
            %dma_wait3A_660 = tpu.memref_squeeze %dma_wait3A_659 : memref<1x8x80xi32, #tpu.memory_space<vmem>> -> memref<8x80xi32, #tpu.memory_space<vmem>>
            %dma_wait3A_661 = arith.constant 0 : i32
            %dma_wait3A_662 = arith.constant 0 : i32
            %dma_wait3A_663 = tpu.memref_slice %arg4[%dma_wait3A_656, %dma_wait3A_661, %dma_wait3A_662] : memref<32x128x80xi32, #tpu.memory_space<hbm>> -> memref<1x8x80xi32, #tpu.memory_space<hbm>>
            %dma_wait3A_664 = tpu.memref_squeeze %dma_wait3A_663 : memref<1x8x80xi32, #tpu.memory_space<hbm>> -> memref<8x80xi32, #tpu.memory_space<hbm>>
            %dma_wait3A_665 = arith.constant 0 : i32
            %dma_wait3A_666 = arith.constant 0 : i32
            %dma_wait3A_667 = tpu.memref_slice %run_scoped3A_7[%select_n3A_642, %dma_wait3A_665, %dma_wait3A_666] : memref<2x8x80xi32, #tpu.memory_space<vmem>> -> memref<1x8x80xi32, #tpu.memory_space<vmem>>
            %dma_wait3A_668 = tpu.memref_squeeze %dma_wait3A_667 : memref<1x8x80xi32, #tpu.memory_space<vmem>> -> memref<8x80xi32, #tpu.memory_space<vmem>>
            %dma_wait3A_669 = arith.constant 0 : i32
            %dma_wait3A_670 = arith.constant 0 : i32
            %dma_wait3A_671 = tpu.memref_slice %arg4[%dma_wait3A_656, %dma_wait3A_669, %dma_wait3A_670] : memref<32x128x80xi32, #tpu.memory_space<hbm>> -> memref<1x8x80xi32, #tpu.memory_space<hbm>>
            %dma_wait3A_672 = tpu.memref_squeeze %dma_wait3A_671 : memref<1x8x80xi32, #tpu.memory_space<hbm>> -> memref<8x80xi32, #tpu.memory_space<hbm>>
            tpu.wait_dma2 semaphore(%arg17 : memref<!tpu.dma_semaphore, #tpu.memory_space<semaphore_mem>>) src(%dma_wait3A_672 : memref<8x80xi32, #tpu.memory_space<hbm>>) dst(%dma_wait3A_668 : memref<8x80xi32, #tpu.memory_space<vmem>>)
          } else {
          }
          %jit3A_486 = arith.constant 8 : i32
          %eq3A_487 = arith.constant 0 : i32
          %eq3A_488 = arith.cmpi eq, %jit3A_486, %eq3A_487 : i32
          %jit3A_489 = arith.constant 1 : i32
          %select_n3A_490 = arith.select %eq3A_488, %jit3A_489, %jit3A_486 : i32
          %rem3A_491 = arith.remsi %add3A_147, %select_n3A_490 : i32
          %ne3A_492 = arith.constant 0 : i32
          %ne3A_493 = arith.cmpi ne, %rem3A_491, %ne3A_492 : i32
          %lt3A_494 = arith.constant 0 : i32
          %lt3A_495 = arith.cmpi slt, %rem3A_491, %lt3A_494 : i32
          %lt3A_496 = arith.constant 0 : i32
          %lt3A_497 = arith.cmpi slt, %select_n3A_490, %lt3A_496 : i32
          %ne3A_498 = arith.xori %lt3A_495, %lt3A_497 : i1
          %and3A_499 = arith.andi %ne3A_498, %ne3A_493 : i1
          %add3A_500 = arith.addi %rem3A_491, %select_n3A_490 : i32
          %select_n3A_501 = arith.select %and3A_499, %add3A_500, %rem3A_491 : i32
          %eq3A_502 = arith.constant 4 : i32
          %eq3A_503 = arith.cmpi eq, %select_n3A_501, %eq3A_502 : i32
          %ge3A_504 = arith.constant 12 : i32
          %ge3A_505 = arith.cmpi sge, %add3A_147, %ge3A_504 : i32
          %and3A_506 = arith.andi %eq3A_503, %ge3A_505 : i1
          %jit3A_507 = arith.constant 8 : i32
          %div3A_508 = arith.divsi %add3A_147, %jit3A_507 : i32
          %sign3A_509 = arith.constant 0 : i32
          %sign3A_510 = arith.cmpi sgt, %add3A_147, %sign3A_509 : i32
          %sign3A_511 = arith.extui %sign3A_510 : i1 to i32
          %sign3A_512 = arith.constant 0 : i32
          %sign3A_513 = arith.cmpi slt, %add3A_147, %sign3A_512 : i32
          %sign3A_514 = arith.extui %sign3A_513 : i1 to i32
          %sign3A_515 = arith.subi %sign3A_511, %sign3A_514 : i32
          %sign3A_516 = arith.constant 0 : i32
          %sign3A_517 = arith.cmpi sgt, %jit3A_507, %sign3A_516 : i32
          %sign3A_518 = arith.extui %sign3A_517 : i1 to i32
          %sign3A_519 = arith.constant 0 : i32
          %sign3A_520 = arith.cmpi slt, %jit3A_507, %sign3A_519 : i32
          %sign3A_521 = arith.extui %sign3A_520 : i1 to i32
          %sign3A_522 = arith.subi %sign3A_518, %sign3A_521 : i32
          %ne3A_523 = arith.cmpi ne, %sign3A_515, %sign3A_522 : i32
          %rem3A_524 = arith.remsi %add3A_147, %jit3A_507 : i32
          %ne3A_525 = arith.constant 0 : i32
          %ne3A_526 = arith.cmpi ne, %rem3A_524, %ne3A_525 : i32
          %and3A_527 = arith.andi %ne3A_523, %ne3A_526 : i1
          %sub3A_528 = arith.constant 1 : i32
          %sub3A_529 = arith.subi %div3A_508, %sub3A_528 : i32
          %select_n3A_530 = arith.select %and3A_527, %sub3A_529, %div3A_508 : i32
          %add3A_531 = arith.constant 1 : i32
          %add3A_532 = arith.addi %select_n3A_530, %add3A_531 : i32
          %le3A = arith.constant 15 : i32
          %le3A_533 = arith.cmpi sle, %add3A_532, %le3A : i32
          %and3A_534 = arith.andi %and3A_506, %le3A_533 : i1
          %convert_element_type3A_535 = arith.extui %and3A_534 : i1 to i32
          %cond3A_536 = arith.constant 0 : i32
          %cond3A_537 = arith.cmpi ne, %convert_element_type3A_535, %cond3A_536 : i32
          scf.if %cond3A_537 {
            %jit3A_603 = arith.constant 8 : i32
            %div3A_604 = arith.divsi %add3A_147, %jit3A_603 : i32
            %sign3A_605 = arith.constant 0 : i32
            %sign3A_606 = arith.cmpi sgt, %add3A_147, %sign3A_605 : i32
            %sign3A_607 = arith.extui %sign3A_606 : i1 to i32
            %sign3A_608 = arith.constant 0 : i32
            %sign3A_609 = arith.cmpi slt, %add3A_147, %sign3A_608 : i32
            %sign3A_610 = arith.extui %sign3A_609 : i1 to i32
            %sign3A_611 = arith.subi %sign3A_607, %sign3A_610 : i32
            %sign3A_612 = arith.constant 0 : i32
            %sign3A_613 = arith.cmpi sgt, %jit3A_603, %sign3A_612 : i32
            %sign3A_614 = arith.extui %sign3A_613 : i1 to i32
            %sign3A_615 = arith.constant 0 : i32
            %sign3A_616 = arith.cmpi slt, %jit3A_603, %sign3A_615 : i32
            %sign3A_617 = arith.extui %sign3A_616 : i1 to i32
            %sign3A_618 = arith.subi %sign3A_614, %sign3A_617 : i32
            %ne3A_619 = arith.cmpi ne, %sign3A_611, %sign3A_618 : i32
            %rem3A_620 = arith.remsi %add3A_147, %jit3A_603 : i32
            %ne3A_621 = arith.constant 0 : i32
            %ne3A_622 = arith.cmpi ne, %rem3A_620, %ne3A_621 : i32
            %and3A_623 = arith.andi %ne3A_619, %ne3A_622 : i1
            %sub3A_624 = arith.constant 1 : i32
            %sub3A_625 = arith.subi %div3A_604, %sub3A_624 : i32
            %select_n3A_626 = arith.select %and3A_623, %sub3A_625, %div3A_604 : i32
            %add3A_627 = arith.constant 1 : i32
            %add3A_628 = arith.addi %select_n3A_626, %add3A_627 : i32
            %jit3A_629 = arith.constant 8 : i32
            %div3A_630 = arith.divsi %add3A_147, %jit3A_629 : i32
            %sign3A_631 = arith.constant 0 : i32
            %sign3A_632 = arith.cmpi sgt, %add3A_147, %sign3A_631 : i32
            %sign3A_633 = arith.extui %sign3A_632 : i1 to i32
            %sign3A_634 = arith.constant 0 : i32
            %sign3A_635 = arith.cmpi slt, %add3A_147, %sign3A_634 : i32
            %sign3A_636 = arith.extui %sign3A_635 : i1 to i32
            %sign3A_637 = arith.subi %sign3A_633, %sign3A_636 : i32
            %sign3A_638 = arith.constant 0 : i32
            %sign3A_639 = arith.cmpi sgt, %jit3A_629, %sign3A_638 : i32
            %sign3A_640 = arith.extui %sign3A_639 : i1 to i32
            %sign3A_641 = arith.constant 0 : i32
            %sign3A_642 = arith.cmpi slt, %jit3A_629, %sign3A_641 : i32
            %sign3A_643 = arith.extui %sign3A_642 : i1 to i32
            %sign3A_644 = arith.subi %sign3A_640, %sign3A_643 : i32
            %ne3A_645 = arith.cmpi ne, %sign3A_637, %sign3A_644 : i32
            %rem3A_646 = arith.remsi %add3A_147, %jit3A_629 : i32
            %ne3A_647 = arith.constant 0 : i32
            %ne3A_648 = arith.cmpi ne, %rem3A_646, %ne3A_647 : i32
            %and3A_649 = arith.andi %ne3A_645, %ne3A_648 : i1
            %sub3A_650 = arith.constant 1 : i32
            %sub3A_651 = arith.subi %div3A_630, %sub3A_650 : i32
            %select_n3A_652 = arith.select %and3A_649, %sub3A_651, %div3A_630 : i32
            %add3A_653 = arith.constant 1 : i32
            %add3A_654 = arith.addi %select_n3A_652, %add3A_653 : i32
            %jit3A_655 = arith.constant 2 : i32
            %eq3A_656 = arith.constant 0 : i32
            %eq3A_657 = arith.cmpi eq, %jit3A_655, %eq3A_656 : i32
            %jit3A_658 = arith.constant 1 : i32
            %select_n3A_659 = arith.select %eq3A_657, %jit3A_658, %jit3A_655 : i32
            %rem3A_660 = arith.remsi %add3A_654, %select_n3A_659 : i32
            %ne3A_661 = arith.constant 0 : i32
            %ne3A_662 = arith.cmpi ne, %rem3A_660, %ne3A_661 : i32
            %lt3A_663 = arith.constant 0 : i32
            %lt3A_664 = arith.cmpi slt, %rem3A_660, %lt3A_663 : i32
            %lt3A_665 = arith.constant 0 : i32
            %lt3A_666 = arith.cmpi slt, %select_n3A_659, %lt3A_665 : i32
            %ne3A_667 = arith.xori %lt3A_664, %lt3A_666 : i1
            %and3A_668 = arith.andi %ne3A_667, %ne3A_662 : i1
            %add3A_669 = arith.addi %rem3A_660, %select_n3A_659 : i32
            %select_n3A_670 = arith.select %and3A_668, %add3A_669, %rem3A_660 : i32
            %mul3A_671 = arith.constant 8 : i32
            %mul3A_672 = arith.muli %add3A_628, %mul3A_671 : i32
            %mul3A_673 = arith.constant 80 : i32
            %mul3A_674 = arith.muli %mul3A_672, %mul3A_673 : i32
            %mul3A_675 = arith.constant 8 : i32
            %mul3A_676 = arith.muli %select_n3A_670, %mul3A_675 : i32
            %mul3A_677 = arith.constant 80 : i32
            %mul3A_678 = arith.muli %mul3A_676, %mul3A_677 : i32
            %dma_start3A_679 = tpu.memref_slice %run_scoped3A[%mul3A_678] : memref<1280xi32, #tpu.memory_space<vmem>> -> memref<640xi32, #tpu.memory_space<vmem>>
            %dma_start3A_680 = tpu.memref_slice %arg3[%add3A, %mul3A_674] : memref<32x10240xi32, #tpu.memory_space<hbm>> -> memref<1x640xi32, #tpu.memory_space<hbm>>
            %dma_start3A_681 = tpu.memref_squeeze %dma_start3A_680 : memref<1x640xi32, #tpu.memory_space<hbm>> -> memref<640xi32, #tpu.memory_space<hbm>>
            %dma_start3A_682 = tpu.memref_slice %run_scoped3A[%mul3A_678] : memref<1280xi32, #tpu.memory_space<vmem>> -> memref<640xi32, #tpu.memory_space<vmem>>
            %dma_start3A_683 = tpu.memref_slice %arg3[%add3A, %mul3A_674] : memref<32x10240xi32, #tpu.memory_space<hbm>> -> memref<1x640xi32, #tpu.memory_space<hbm>>
            %dma_start3A_684 = tpu.memref_squeeze %dma_start3A_683 : memref<1x640xi32, #tpu.memory_space<hbm>> -> memref<640xi32, #tpu.memory_space<hbm>>
            tpu.enqueue_dma source(%dma_start3A_684 : memref<640xi32, #tpu.memory_space<hbm>>) target(%dma_start3A_682 : memref<640xi32, #tpu.memory_space<vmem>>) target_semaphore(%arg17 : memref<!tpu.dma_semaphore, #tpu.memory_space<semaphore_mem>>)
            %mul3A_685 = arith.constant 8 : i32
            %mul3A_686 = arith.muli %add3A_628, %mul3A_685 : i32
            %dma_start3A_687 = arith.constant 0 : i32
            %dma_start3A_688 = arith.constant 0 : i32
            %dma_start3A_689 = tpu.memref_slice %run_scoped3A_7[%select_n3A_670, %dma_start3A_687, %dma_start3A_688] : memref<2x8x80xi32, #tpu.memory_space<vmem>> -> memref<1x8x80xi32, #tpu.memory_space<vmem>>
            %dma_start3A_690 = tpu.memref_squeeze %dma_start3A_689 : memref<1x8x80xi32, #tpu.memory_space<vmem>> -> memref<8x80xi32, #tpu.memory_space<vmem>>
            %dma_start3A_691 = arith.constant 0 : i32
            %dma_start3A_692 = tpu.memref_slice %arg4[%add3A, %mul3A_686, %dma_start3A_691] : memref<32x128x80xi32, #tpu.memory_space<hbm>> -> memref<1x8x80xi32, #tpu.memory_space<hbm>>
            %dma_start3A_693 = tpu.memref_squeeze %dma_start3A_692 : memref<1x8x80xi32, #tpu.memory_space<hbm>> -> memref<8x80xi32, #tpu.memory_space<hbm>>
            %dma_start3A_694 = arith.constant 0 : i32
            %dma_start3A_695 = arith.constant 0 : i32
            %dma_start3A_696 = tpu.memref_slice %run_scoped3A_7[%select_n3A_670, %dma_start3A_694, %dma_start3A_695] : memref<2x8x80xi32, #tpu.memory_space<vmem>> -> memref<1x8x80xi32, #tpu.memory_space<vmem>>
            %dma_start3A_697 = tpu.memref_squeeze %dma_start3A_696 : memref<1x8x80xi32, #tpu.memory_space<vmem>> -> memref<8x80xi32, #tpu.memory_space<vmem>>
            %dma_start3A_698 = arith.constant 0 : i32
            %dma_start3A_699 = tpu.memref_slice %arg4[%add3A, %mul3A_686, %dma_start3A_698] : memref<32x128x80xi32, #tpu.memory_space<hbm>> -> memref<1x8x80xi32, #tpu.memory_space<hbm>>
            %dma_start3A_700 = tpu.memref_squeeze %dma_start3A_699 : memref<1x8x80xi32, #tpu.memory_space<hbm>> -> memref<8x80xi32, #tpu.memory_space<hbm>>
            tpu.enqueue_dma source(%dma_start3A_700 : memref<8x80xi32, #tpu.memory_space<hbm>>) target(%dma_start3A_697 : memref<8x80xi32, #tpu.memory_space<vmem>>) target_semaphore(%arg17 : memref<!tpu.dma_semaphore, #tpu.memory_space<semaphore_mem>>)
          } else {
          }
          %jit3A_538 = arith.constant 8 : i32
          %div3A_539 = arith.divsi %add3A_147, %jit3A_538 : i32
          %sign3A_540 = arith.constant 0 : i32
          %sign3A_541 = arith.cmpi sgt, %add3A_147, %sign3A_540 : i32
          %sign3A_542 = arith.extui %sign3A_541 : i1 to i32
          %sign3A_543 = arith.constant 0 : i32
          %sign3A_544 = arith.cmpi slt, %add3A_147, %sign3A_543 : i32
          %sign3A_545 = arith.extui %sign3A_544 : i1 to i32
          %sign3A_546 = arith.subi %sign3A_542, %sign3A_545 : i32
          %sign3A_547 = arith.constant 0 : i32
          %sign3A_548 = arith.cmpi sgt, %jit3A_538, %sign3A_547 : i32
          %sign3A_549 = arith.extui %sign3A_548 : i1 to i32
          %sign3A_550 = arith.constant 0 : i32
          %sign3A_551 = arith.cmpi slt, %jit3A_538, %sign3A_550 : i32
          %sign3A_552 = arith.extui %sign3A_551 : i1 to i32
          %sign3A_553 = arith.subi %sign3A_549, %sign3A_552 : i32
          %ne3A_554 = arith.cmpi ne, %sign3A_546, %sign3A_553 : i32
          %rem3A_555 = arith.remsi %add3A_147, %jit3A_538 : i32
          %ne3A_556 = arith.constant 0 : i32
          %ne3A_557 = arith.cmpi ne, %rem3A_555, %ne3A_556 : i32
          %and3A_558 = arith.andi %ne3A_554, %ne3A_557 : i1
          %sub3A_559 = arith.constant 1 : i32
          %sub3A_560 = arith.subi %div3A_539, %sub3A_559 : i32
          %select_n3A_561 = arith.select %and3A_558, %sub3A_560, %div3A_539 : i32
          %jit3A_562 = arith.constant 2 : i32
          %eq3A_563 = arith.constant 0 : i32
          %eq3A_564 = arith.cmpi eq, %jit3A_562, %eq3A_563 : i32
          %jit3A_565 = arith.constant 1 : i32
          %select_n3A_566 = arith.select %eq3A_564, %jit3A_565, %jit3A_562 : i32
          %rem3A_567 = arith.remsi %select_n3A_561, %select_n3A_566 : i32
          %ne3A_568 = arith.constant 0 : i32
          %ne3A_569 = arith.cmpi ne, %rem3A_567, %ne3A_568 : i32
          %lt3A_570 = arith.constant 0 : i32
          %lt3A_571 = arith.cmpi slt, %rem3A_567, %lt3A_570 : i32
          %lt3A_572 = arith.constant 0 : i32
          %lt3A_573 = arith.cmpi slt, %select_n3A_566, %lt3A_572 : i32
          %ne3A_574 = arith.xori %lt3A_571, %lt3A_573 : i1
          %and3A_575 = arith.andi %ne3A_574, %ne3A_569 : i1
          %add3A_576 = arith.addi %rem3A_567, %select_n3A_566 : i32
          %select_n3A_577 = arith.select %and3A_575, %add3A_576, %rem3A_567 : i32
          %mul3A_578 = arith.constant 640 : i32
          %mul3A_579 = arith.muli %select_n3A_577, %mul3A_578 : i32
          %jit3A_580 = arith.constant 8 : i32
          %eq3A_581 = arith.constant 0 : i32
          %eq3A_582 = arith.cmpi eq, %jit3A_580, %eq3A_581 : i32
          %jit3A_583 = arith.constant 1 : i32
          %select_n3A_584 = arith.select %eq3A_582, %jit3A_583, %jit3A_580 : i32
          %rem3A_585 = arith.remsi %add3A_147, %select_n3A_584 : i32
          %ne3A_586 = arith.constant 0 : i32
          %ne3A_587 = arith.cmpi ne, %rem3A_585, %ne3A_586 : i32
          %lt3A_588 = arith.constant 0 : i32
          %lt3A_589 = arith.cmpi slt, %rem3A_585, %lt3A_588 : i32
          %lt3A_590 = arith.constant 0 : i32
          %lt3A_591 = arith.cmpi slt, %select_n3A_584, %lt3A_590 : i32
          %ne3A_592 = arith.xori %lt3A_589, %lt3A_591 : i1
          %and3A_593 = arith.andi %ne3A_592, %ne3A_587 : i1
          %add3A_594 = arith.addi %rem3A_585, %select_n3A_584 : i32
          %select_n3A_595 = arith.select %and3A_593, %add3A_594, %rem3A_585 : i32
          %mul3A_596 = arith.constant 80 : i32
          %mul3A_597 = arith.muli %select_n3A_595, %mul3A_596 : i32
          %add3A_598 = arith.addi %mul3A_579, %mul3A_597 : i32
          %dma_start3A_599 = tpu.memref_slice %run_scoped3A[%add3A_598] : memref<1280xi32, #tpu.memory_space<vmem>> -> memref<80xi32, #tpu.memory_space<vmem>>
          %dma_start3A_600 = arith.constant 0 : i32
          %dma_start3A_601 = arith.constant 0 : i32
          %dma_start3A_602 = tpu.memref_slice %arg2[%dma_start3A_600, %dma_start3A_601] : memref<10240x128xf32, #tpu.memory_space<hbm>> -> memref<10240x128xf32, #tpu.memory_space<hbm>>
          tpu.enqueue_indirect_dma source(%dma_start3A_602 : memref<10240x128xf32, #tpu.memory_space<hbm>>) target(%run_scoped3A_10 : memref<80x128xf32, #tpu.memory_space<vmem>>) offsets(%dma_start3A_599 : memref<80xi32, #tpu.memory_space<vmem>>) semaphore(%arg11 : memref<!tpu.dma_semaphore, #tpu.memory_space<semaphore_mem>>)
        } else {
        }
        %dma_wait3A_154 = arith.constant 0 : i32
        %dma_wait3A_155 = arith.constant 0 : i32
        %dma_wait3A_156 = tpu.memref_slice %arg2[%dma_wait3A_154, %dma_wait3A_155] : memref<10240x128xf32, #tpu.memory_space<hbm>> -> memref<80x128xf32, #tpu.memory_space<hbm>>
        %dma_wait3A_157 = arith.constant 0 : i32
        %dma_wait3A_158 = arith.constant 0 : i32
        %dma_wait3A_159 = tpu.memref_slice %arg2[%dma_wait3A_157, %dma_wait3A_158] : memref<10240x128xf32, #tpu.memory_space<hbm>> -> memref<80x128xf32, #tpu.memory_space<hbm>>
        tpu.wait_dma2 semaphore(%arg9 : memref<!tpu.dma_semaphore, #tpu.memory_space<semaphore_mem>>) src(%dma_wait3A_159 : memref<80x128xf32, #tpu.memory_space<hbm>>) dst(%run_scoped3A_8 : memref<80x128xf32, #tpu.memory_space<vmem>>)
        %jit3A = arith.constant 8 : i32
        %div3A = arith.divsi %add3A_145, %jit3A : i32
        %sign3A = arith.constant 0 : i32
        %sign3A_160 = arith.cmpi sgt, %add3A_145, %sign3A : i32
        %sign3A_161 = arith.extui %sign3A_160 : i1 to i32
        %sign3A_162 = arith.constant 0 : i32
        %sign3A_163 = arith.cmpi slt, %add3A_145, %sign3A_162 : i32
        %sign3A_164 = arith.extui %sign3A_163 : i1 to i32
        %sign3A_165 = arith.subi %sign3A_161, %sign3A_164 : i32
        %sign3A_166 = arith.constant 0 : i32
        %sign3A_167 = arith.cmpi sgt, %jit3A, %sign3A_166 : i32
        %sign3A_168 = arith.extui %sign3A_167 : i1 to i32
        %sign3A_169 = arith.constant 0 : i32
        %sign3A_170 = arith.cmpi slt, %jit3A, %sign3A_169 : i32
        %sign3A_171 = arith.extui %sign3A_170 : i1 to i32
        %sign3A_172 = arith.subi %sign3A_168, %sign3A_171 : i32
        %ne3A = arith.cmpi ne, %sign3A_165, %sign3A_172 : i32
        %rem3A = arith.remsi %add3A_145, %jit3A : i32
        %ne3A_173 = arith.constant 0 : i32
        %ne3A_174 = arith.cmpi ne, %rem3A, %ne3A_173 : i32
        %and3A = arith.andi %ne3A, %ne3A_174 : i1
        %sub3A = arith.constant 1 : i32
        %sub3A_175 = arith.subi %div3A, %sub3A : i32
        %select_n3A = arith.select %and3A, %sub3A_175, %div3A : i32
        %jit3A_176 = arith.constant 2 : i32
        %eq3A = arith.constant 0 : i32
        %eq3A_177 = arith.cmpi eq, %jit3A_176, %eq3A : i32
        %jit3A_178 = arith.constant 1 : i32
        %select_n3A_179 = arith.select %eq3A_177, %jit3A_178, %jit3A_176 : i32
        %rem3A_180 = arith.remsi %select_n3A, %select_n3A_179 : i32
        %ne3A_181 = arith.constant 0 : i32
        %ne3A_182 = arith.cmpi ne, %rem3A_180, %ne3A_181 : i32
        %lt3A_183 = arith.constant 0 : i32
        %lt3A_184 = arith.cmpi slt, %rem3A_180, %lt3A_183 : i32
        %lt3A_185 = arith.constant 0 : i32
        %lt3A_186 = arith.cmpi slt, %select_n3A_179, %lt3A_185 : i32
        %ne3A_187 = arith.xori %lt3A_184, %lt3A_186 : i1
        %and3A_188 = arith.andi %ne3A_187, %ne3A_182 : i1
        %add3A_189 = arith.addi %rem3A_180, %select_n3A_179 : i32
        %select_n3A_190 = arith.select %and3A_188, %add3A_189, %rem3A_180 : i32
        %jit3A_191 = arith.constant 8 : i32
        %eq3A_192 = arith.constant 0 : i32
        %eq3A_193 = arith.cmpi eq, %jit3A_191, %eq3A_192 : i32
        %jit3A_194 = arith.constant 1 : i32
        %select_n3A_195 = arith.select %eq3A_193, %jit3A_194, %jit3A_191 : i32
        %rem3A_196 = arith.remsi %add3A_145, %select_n3A_195 : i32
        %ne3A_197 = arith.constant 0 : i32
        %ne3A_198 = arith.cmpi ne, %rem3A_196, %ne3A_197 : i32
        %lt3A_199 = arith.constant 0 : i32
        %lt3A_200 = arith.cmpi slt, %rem3A_196, %lt3A_199 : i32
        %lt3A_201 = arith.constant 0 : i32
        %lt3A_202 = arith.cmpi slt, %select_n3A_195, %lt3A_201 : i32
        %ne3A_203 = arith.xori %lt3A_200, %lt3A_202 : i1
        %and3A_204 = arith.andi %ne3A_203, %ne3A_198 : i1
        %add3A_205 = arith.addi %rem3A_196, %select_n3A_195 : i32
        %select_n3A_206 = arith.select %and3A_204, %add3A_205, %rem3A_196 : i32
        %dma_start3A_207 = arith.constant 0 : i32
        %dma_start3A_208 = tpu.memref_slice %run_scoped3A_7[%select_n3A_190, %select_n3A_206, %dma_start3A_207] : memref<2x8x80xi32, #tpu.memory_space<vmem>> -> memref<1x1x80xi32, #tpu.memory_space<vmem>>
        %dma_start3A_209 = tpu.memref_squeeze %dma_start3A_208 : memref<1x1x80xi32, #tpu.memory_space<vmem>> -> memref<80xi32, #tpu.memory_space<vmem>>
        %dma_start3A_210 = arith.constant 0 : i32
        %dma_start3A_211 = arith.constant 0 : i32
        %dma_start3A_212 = tpu.memref_slice %arg8[%dma_start3A_210, %dma_start3A_211] : memref<10240x128xf32, #tpu.memory_space<vmem_shared>> -> memref<10240x128xf32, #tpu.memory_space<vmem_shared>>
        tpu.enqueue_indirect_dma source(%run_scoped3A_8 : memref<80x128xf32, #tpu.memory_space<vmem>>) target(%dma_start3A_212 : memref<10240x128xf32, #tpu.memory_space<vmem_shared>>) offsets(%dma_start3A_209 : memref<80xi32, #tpu.memory_space<vmem>>) semaphore(%arg13 : memref<!tpu.dma_semaphore, #tpu.memory_space<semaphore_mem>>) {add = true}
        %mul3A_213 = arith.constant 4 : i32
        %mul3A_214 = arith.muli %mul3A_213, %scan3A_141 : i32
        %add3A_215 = arith.constant 1 : i32
        %add3A_216 = arith.addi %mul3A_214, %add3A_215 : i32
        %add3A_217 = arith.constant 2 : i32
        %add3A_218 = arith.addi %add3A_216, %add3A_217 : i32
        %ge3A_219 = arith.constant 2 : i32
        %ge3A_220 = arith.cmpi sge, %add3A_216, %ge3A_219 : i32
        %convert_element_type3A_221 = arith.extui %ge3A_220 : i1 to i32
        %cond3A_222 = arith.constant 0 : i32
        %cond3A_223 = arith.cmpi ne, %convert_element_type3A_221, %cond3A_222 : i32
        scf.if %cond3A_223 {
          %dma_wait3A_465 = arith.constant 0 : i32
          %dma_wait3A_466 = arith.constant 0 : i32
          %dma_wait3A_467 = tpu.memref_slice %arg2[%dma_wait3A_465, %dma_wait3A_466] : memref<10240x128xf32, #tpu.memory_space<hbm>> -> memref<80x128xf32, #tpu.memory_space<hbm>>
          %dma_wait3A_468 = arith.constant 0 : i32
          %dma_wait3A_469 = arith.constant 0 : i32
          %dma_wait3A_470 = tpu.memref_slice %arg2[%dma_wait3A_468, %dma_wait3A_469] : memref<10240x128xf32, #tpu.memory_space<hbm>> -> memref<80x128xf32, #tpu.memory_space<hbm>>
          tpu.wait_dma2 semaphore(%arg16 : memref<!tpu.dma_semaphore, #tpu.memory_space<semaphore_mem>>) src(%dma_wait3A_470 : memref<80x128xf32, #tpu.memory_space<hbm>>) dst(%run_scoped3A_11 : memref<80x128xf32, #tpu.memory_space<vmem>>)
        } else {
        }
        %lt3A_224 = arith.constant 125 : i32
        %lt3A_225 = arith.cmpi slt, %add3A_218, %lt3A_224 : i32
        %convert_element_type3A_226 = arith.extui %lt3A_225 : i1 to i32
        %cond3A_227 = arith.constant 0 : i32
        %cond3A_228 = arith.cmpi ne, %convert_element_type3A_226, %cond3A_227 : i32
        scf.if %cond3A_228 {
          %jit3A_465 = arith.constant 8 : i32
          %eq3A_466 = arith.constant 0 : i32
          %eq3A_467 = arith.cmpi eq, %jit3A_465, %eq3A_466 : i32
          %jit3A_468 = arith.constant 1 : i32
          %select_n3A_469 = arith.select %eq3A_467, %jit3A_468, %jit3A_465 : i32
          %rem3A_470 = arith.remsi %add3A_218, %select_n3A_469 : i32
          %ne3A_471 = arith.constant 0 : i32
          %ne3A_472 = arith.cmpi ne, %rem3A_470, %ne3A_471 : i32
          %lt3A_473 = arith.constant 0 : i32
          %lt3A_474 = arith.cmpi slt, %rem3A_470, %lt3A_473 : i32
          %lt3A_475 = arith.constant 0 : i32
          %lt3A_476 = arith.cmpi slt, %select_n3A_469, %lt3A_475 : i32
          %ne3A_477 = arith.xori %lt3A_474, %lt3A_476 : i1
          %and3A_478 = arith.andi %ne3A_477, %ne3A_472 : i1
          %add3A_479 = arith.addi %rem3A_470, %select_n3A_469 : i32
          %select_n3A_480 = arith.select %and3A_478, %add3A_479, %rem3A_470 : i32
          %eq3A_481 = arith.constant 0 : i32
          %eq3A_482 = arith.cmpi eq, %select_n3A_480, %eq3A_481 : i32
          %convert_element_type3A_483 = arith.extui %eq3A_482 : i1 to i32
          %cond3A_484 = arith.constant 0 : i32
          %cond3A_485 = arith.cmpi ne, %convert_element_type3A_483, %cond3A_484 : i32
          scf.if %cond3A_485 {
            %jit3A_603 = arith.constant 8 : i32
            %div3A_604 = arith.divsi %add3A_218, %jit3A_603 : i32
            %sign3A_605 = arith.constant 0 : i32
            %sign3A_606 = arith.cmpi sgt, %add3A_218, %sign3A_605 : i32
            %sign3A_607 = arith.extui %sign3A_606 : i1 to i32
            %sign3A_608 = arith.constant 0 : i32
            %sign3A_609 = arith.cmpi slt, %add3A_218, %sign3A_608 : i32
            %sign3A_610 = arith.extui %sign3A_609 : i1 to i32
            %sign3A_611 = arith.subi %sign3A_607, %sign3A_610 : i32
            %sign3A_612 = arith.constant 0 : i32
            %sign3A_613 = arith.cmpi sgt, %jit3A_603, %sign3A_612 : i32
            %sign3A_614 = arith.extui %sign3A_613 : i1 to i32
            %sign3A_615 = arith.constant 0 : i32
            %sign3A_616 = arith.cmpi slt, %jit3A_603, %sign3A_615 : i32
            %sign3A_617 = arith.extui %sign3A_616 : i1 to i32
            %sign3A_618 = arith.subi %sign3A_614, %sign3A_617 : i32
            %ne3A_619 = arith.cmpi ne, %sign3A_611, %sign3A_618 : i32
            %rem3A_620 = arith.remsi %add3A_218, %jit3A_603 : i32
            %ne3A_621 = arith.constant 0 : i32
            %ne3A_622 = arith.cmpi ne, %rem3A_620, %ne3A_621 : i32
            %and3A_623 = arith.andi %ne3A_619, %ne3A_622 : i1
            %sub3A_624 = arith.constant 1 : i32
            %sub3A_625 = arith.subi %div3A_604, %sub3A_624 : i32
            %select_n3A_626 = arith.select %and3A_623, %sub3A_625, %div3A_604 : i32
            %jit3A_627 = arith.constant 2 : i32
            %eq3A_628 = arith.constant 0 : i32
            %eq3A_629 = arith.cmpi eq, %jit3A_627, %eq3A_628 : i32
            %jit3A_630 = arith.constant 1 : i32
            %select_n3A_631 = arith.select %eq3A_629, %jit3A_630, %jit3A_627 : i32
            %rem3A_632 = arith.remsi %select_n3A_626, %select_n3A_631 : i32
            %ne3A_633 = arith.constant 0 : i32
            %ne3A_634 = arith.cmpi ne, %rem3A_632, %ne3A_633 : i32
            %lt3A_635 = arith.constant 0 : i32
            %lt3A_636 = arith.cmpi slt, %rem3A_632, %lt3A_635 : i32
            %lt3A_637 = arith.constant 0 : i32
            %lt3A_638 = arith.cmpi slt, %select_n3A_631, %lt3A_637 : i32
            %ne3A_639 = arith.xori %lt3A_636, %lt3A_638 : i1
            %and3A_640 = arith.andi %ne3A_639, %ne3A_634 : i1
            %add3A_641 = arith.addi %rem3A_632, %select_n3A_631 : i32
            %select_n3A_642 = arith.select %and3A_640, %add3A_641, %rem3A_632 : i32
            %mul3A_643 = arith.constant 8 : i32
            %mul3A_644 = arith.muli %select_n3A_642, %mul3A_643 : i32
            %mul3A_645 = arith.constant 80 : i32
            %mul3A_646 = arith.muli %mul3A_644, %mul3A_645 : i32
            %dma_wait3A_647 = arith.constant 0 : i32
            %dma_wait3A_648 = tpu.memref_slice %run_scoped3A[%mul3A_646] : memref<1280xi32, #tpu.memory_space<vmem>> -> memref<640xi32, #tpu.memory_space<vmem>>
            %dma_wait3A_649 = arith.constant 0 : i32
            %dma_wait3A_650 = tpu.memref_slice %arg3[%dma_wait3A_647, %dma_wait3A_649] : memref<32x10240xi32, #tpu.memory_space<hbm>> -> memref<1x640xi32, #tpu.memory_space<hbm>>
            %dma_wait3A_651 = tpu.memref_squeeze %dma_wait3A_650 : memref<1x640xi32, #tpu.memory_space<hbm>> -> memref<640xi32, #tpu.memory_space<hbm>>
            %dma_wait3A_652 = tpu.memref_slice %run_scoped3A[%mul3A_646] : memref<1280xi32, #tpu.memory_space<vmem>> -> memref<640xi32, #tpu.memory_space<vmem>>
            %dma_wait3A_653 = arith.constant 0 : i32
            %dma_wait3A_654 = tpu.memref_slice %arg3[%dma_wait3A_647, %dma_wait3A_653] : memref<32x10240xi32, #tpu.memory_space<hbm>> -> memref<1x640xi32, #tpu.memory_space<hbm>>
            %dma_wait3A_655 = tpu.memref_squeeze %dma_wait3A_654 : memref<1x640xi32, #tpu.memory_space<hbm>> -> memref<640xi32, #tpu.memory_space<hbm>>
            tpu.wait_dma2 semaphore(%arg17 : memref<!tpu.dma_semaphore, #tpu.memory_space<semaphore_mem>>) src(%dma_wait3A_655 : memref<640xi32, #tpu.memory_space<hbm>>) dst(%dma_wait3A_652 : memref<640xi32, #tpu.memory_space<vmem>>)
            %dma_wait3A_656 = arith.constant 0 : i32
            %dma_wait3A_657 = arith.constant 0 : i32
            %dma_wait3A_658 = arith.constant 0 : i32
            %dma_wait3A_659 = tpu.memref_slice %run_scoped3A_7[%select_n3A_642, %dma_wait3A_657, %dma_wait3A_658] : memref<2x8x80xi32, #tpu.memory_space<vmem>> -> memref<1x8x80xi32, #tpu.memory_space<vmem>>
            %dma_wait3A_660 = tpu.memref_squeeze %dma_wait3A_659 : memref<1x8x80xi32, #tpu.memory_space<vmem>> -> memref<8x80xi32, #tpu.memory_space<vmem>>
            %dma_wait3A_661 = arith.constant 0 : i32
            %dma_wait3A_662 = arith.constant 0 : i32
            %dma_wait3A_663 = tpu.memref_slice %arg4[%dma_wait3A_656, %dma_wait3A_661, %dma_wait3A_662] : memref<32x128x80xi32, #tpu.memory_space<hbm>> -> memref<1x8x80xi32, #tpu.memory_space<hbm>>
            %dma_wait3A_664 = tpu.memref_squeeze %dma_wait3A_663 : memref<1x8x80xi32, #tpu.memory_space<hbm>> -> memref<8x80xi32, #tpu.memory_space<hbm>>
            %dma_wait3A_665 = arith.constant 0 : i32
            %dma_wait3A_666 = arith.constant 0 : i32
            %dma_wait3A_667 = tpu.memref_slice %run_scoped3A_7[%select_n3A_642, %dma_wait3A_665, %dma_wait3A_666] : memref<2x8x80xi32, #tpu.memory_space<vmem>> -> memref<1x8x80xi32, #tpu.memory_space<vmem>>
            %dma_wait3A_668 = tpu.memref_squeeze %dma_wait3A_667 : memref<1x8x80xi32, #tpu.memory_space<vmem>> -> memref<8x80xi32, #tpu.memory_space<vmem>>
            %dma_wait3A_669 = arith.constant 0 : i32
            %dma_wait3A_670 = arith.constant 0 : i32
            %dma_wait3A_671 = tpu.memref_slice %arg4[%dma_wait3A_656, %dma_wait3A_669, %dma_wait3A_670] : memref<32x128x80xi32, #tpu.memory_space<hbm>> -> memref<1x8x80xi32, #tpu.memory_space<hbm>>
            %dma_wait3A_672 = tpu.memref_squeeze %dma_wait3A_671 : memref<1x8x80xi32, #tpu.memory_space<hbm>> -> memref<8x80xi32, #tpu.memory_space<hbm>>
            tpu.wait_dma2 semaphore(%arg17 : memref<!tpu.dma_semaphore, #tpu.memory_space<semaphore_mem>>) src(%dma_wait3A_672 : memref<8x80xi32, #tpu.memory_space<hbm>>) dst(%dma_wait3A_668 : memref<8x80xi32, #tpu.memory_space<vmem>>)
          } else {
          }
          %jit3A_486 = arith.constant 8 : i32
          %eq3A_487 = arith.constant 0 : i32
          %eq3A_488 = arith.cmpi eq, %jit3A_486, %eq3A_487 : i32
          %jit3A_489 = arith.constant 1 : i32
          %select_n3A_490 = arith.select %eq3A_488, %jit3A_489, %jit3A_486 : i32
          %rem3A_491 = arith.remsi %add3A_218, %select_n3A_490 : i32
          %ne3A_492 = arith.constant 0 : i32
          %ne3A_493 = arith.cmpi ne, %rem3A_491, %ne3A_492 : i32
          %lt3A_494 = arith.constant 0 : i32
          %lt3A_495 = arith.cmpi slt, %rem3A_491, %lt3A_494 : i32
          %lt3A_496 = arith.constant 0 : i32
          %lt3A_497 = arith.cmpi slt, %select_n3A_490, %lt3A_496 : i32
          %ne3A_498 = arith.xori %lt3A_495, %lt3A_497 : i1
          %and3A_499 = arith.andi %ne3A_498, %ne3A_493 : i1
          %add3A_500 = arith.addi %rem3A_491, %select_n3A_490 : i32
          %select_n3A_501 = arith.select %and3A_499, %add3A_500, %rem3A_491 : i32
          %eq3A_502 = arith.constant 4 : i32
          %eq3A_503 = arith.cmpi eq, %select_n3A_501, %eq3A_502 : i32
          %ge3A_504 = arith.constant 12 : i32
          %ge3A_505 = arith.cmpi sge, %add3A_218, %ge3A_504 : i32
          %and3A_506 = arith.andi %eq3A_503, %ge3A_505 : i1
          %jit3A_507 = arith.constant 8 : i32
          %div3A_508 = arith.divsi %add3A_218, %jit3A_507 : i32
          %sign3A_509 = arith.constant 0 : i32
          %sign3A_510 = arith.cmpi sgt, %add3A_218, %sign3A_509 : i32
          %sign3A_511 = arith.extui %sign3A_510 : i1 to i32
          %sign3A_512 = arith.constant 0 : i32
          %sign3A_513 = arith.cmpi slt, %add3A_218, %sign3A_512 : i32
          %sign3A_514 = arith.extui %sign3A_513 : i1 to i32
          %sign3A_515 = arith.subi %sign3A_511, %sign3A_514 : i32
          %sign3A_516 = arith.constant 0 : i32
          %sign3A_517 = arith.cmpi sgt, %jit3A_507, %sign3A_516 : i32
          %sign3A_518 = arith.extui %sign3A_517 : i1 to i32
          %sign3A_519 = arith.constant 0 : i32
          %sign3A_520 = arith.cmpi slt, %jit3A_507, %sign3A_519 : i32
          %sign3A_521 = arith.extui %sign3A_520 : i1 to i32
          %sign3A_522 = arith.subi %sign3A_518, %sign3A_521 : i32
          %ne3A_523 = arith.cmpi ne, %sign3A_515, %sign3A_522 : i32
          %rem3A_524 = arith.remsi %add3A_218, %jit3A_507 : i32
          %ne3A_525 = arith.constant 0 : i32
          %ne3A_526 = arith.cmpi ne, %rem3A_524, %ne3A_525 : i32
          %and3A_527 = arith.andi %ne3A_523, %ne3A_526 : i1
          %sub3A_528 = arith.constant 1 : i32
          %sub3A_529 = arith.subi %div3A_508, %sub3A_528 : i32
          %select_n3A_530 = arith.select %and3A_527, %sub3A_529, %div3A_508 : i32
          %add3A_531 = arith.constant 1 : i32
          %add3A_532 = arith.addi %select_n3A_530, %add3A_531 : i32
          %le3A = arith.constant 15 : i32
          %le3A_533 = arith.cmpi sle, %add3A_532, %le3A : i32
          %and3A_534 = arith.andi %and3A_506, %le3A_533 : i1
          %convert_element_type3A_535 = arith.extui %and3A_534 : i1 to i32
          %cond3A_536 = arith.constant 0 : i32
          %cond3A_537 = arith.cmpi ne, %convert_element_type3A_535, %cond3A_536 : i32
          scf.if %cond3A_537 {
            %jit3A_603 = arith.constant 8 : i32
            %div3A_604 = arith.divsi %add3A_218, %jit3A_603 : i32
            %sign3A_605 = arith.constant 0 : i32
            %sign3A_606 = arith.cmpi sgt, %add3A_218, %sign3A_605 : i32
            %sign3A_607 = arith.extui %sign3A_606 : i1 to i32
            %sign3A_608 = arith.constant 0 : i32
            %sign3A_609 = arith.cmpi slt, %add3A_218, %sign3A_608 : i32
            %sign3A_610 = arith.extui %sign3A_609 : i1 to i32
            %sign3A_611 = arith.subi %sign3A_607, %sign3A_610 : i32
            %sign3A_612 = arith.constant 0 : i32
            %sign3A_613 = arith.cmpi sgt, %jit3A_603, %sign3A_612 : i32
            %sign3A_614 = arith.extui %sign3A_613 : i1 to i32
            %sign3A_615 = arith.constant 0 : i32
            %sign3A_616 = arith.cmpi slt, %jit3A_603, %sign3A_615 : i32
            %sign3A_617 = arith.extui %sign3A_616 : i1 to i32
            %sign3A_618 = arith.subi %sign3A_614, %sign3A_617 : i32
            %ne3A_619 = arith.cmpi ne, %sign3A_611, %sign3A_618 : i32
            %rem3A_620 = arith.remsi %add3A_218, %jit3A_603 : i32
            %ne3A_621 = arith.constant 0 : i32
            %ne3A_622 = arith.cmpi ne, %rem3A_620, %ne3A_621 : i32
            %and3A_623 = arith.andi %ne3A_619, %ne3A_622 : i1
            %sub3A_624 = arith.constant 1 : i32
            %sub3A_625 = arith.subi %div3A_604, %sub3A_624 : i32
            %select_n3A_626 = arith.select %and3A_623, %sub3A_625, %div3A_604 : i32
            %add3A_627 = arith.constant 1 : i32
            %add3A_628 = arith.addi %select_n3A_626, %add3A_627 : i32
            %jit3A_629 = arith.constant 8 : i32
            %div3A_630 = arith.divsi %add3A_218, %jit3A_629 : i32
            %sign3A_631 = arith.constant 0 : i32
            %sign3A_632 = arith.cmpi sgt, %add3A_218, %sign3A_631 : i32
            %sign3A_633 = arith.extui %sign3A_632 : i1 to i32
            %sign3A_634 = arith.constant 0 : i32
            %sign3A_635 = arith.cmpi slt, %add3A_218, %sign3A_634 : i32
            %sign3A_636 = arith.extui %sign3A_635 : i1 to i32
            %sign3A_637 = arith.subi %sign3A_633, %sign3A_636 : i32
            %sign3A_638 = arith.constant 0 : i32
            %sign3A_639 = arith.cmpi sgt, %jit3A_629, %sign3A_638 : i32
            %sign3A_640 = arith.extui %sign3A_639 : i1 to i32
            %sign3A_641 = arith.constant 0 : i32
            %sign3A_642 = arith.cmpi slt, %jit3A_629, %sign3A_641 : i32
            %sign3A_643 = arith.extui %sign3A_642 : i1 to i32
            %sign3A_644 = arith.subi %sign3A_640, %sign3A_643 : i32
            %ne3A_645 = arith.cmpi ne, %sign3A_637, %sign3A_644 : i32
            %rem3A_646 = arith.remsi %add3A_218, %jit3A_629 : i32
            %ne3A_647 = arith.constant 0 : i32
            %ne3A_648 = arith.cmpi ne, %rem3A_646, %ne3A_647 : i32
            %and3A_649 = arith.andi %ne3A_645, %ne3A_648 : i1
            %sub3A_650 = arith.constant 1 : i32
            %sub3A_651 = arith.subi %div3A_630, %sub3A_650 : i32
            %select_n3A_652 = arith.select %and3A_649, %sub3A_651, %div3A_630 : i32
            %add3A_653 = arith.constant 1 : i32
            %add3A_654 = arith.addi %select_n3A_652, %add3A_653 : i32
            %jit3A_655 = arith.constant 2 : i32
            %eq3A_656 = arith.constant 0 : i32
            %eq3A_657 = arith.cmpi eq, %jit3A_655, %eq3A_656 : i32
            %jit3A_658 = arith.constant 1 : i32
            %select_n3A_659 = arith.select %eq3A_657, %jit3A_658, %jit3A_655 : i32
            %rem3A_660 = arith.remsi %add3A_654, %select_n3A_659 : i32
            %ne3A_661 = arith.constant 0 : i32
            %ne3A_662 = arith.cmpi ne, %rem3A_660, %ne3A_661 : i32
            %lt3A_663 = arith.constant 0 : i32
            %lt3A_664 = arith.cmpi slt, %rem3A_660, %lt3A_663 : i32
            %lt3A_665 = arith.constant 0 : i32
            %lt3A_666 = arith.cmpi slt, %select_n3A_659, %lt3A_665 : i32
            %ne3A_667 = arith.xori %lt3A_664, %lt3A_666 : i1
            %and3A_668 = arith.andi %ne3A_667, %ne3A_662 : i1
            %add3A_669 = arith.addi %rem3A_660, %select_n3A_659 : i32
            %select_n3A_670 = arith.select %and3A_668, %add3A_669, %rem3A_660 : i32
            %mul3A_671 = arith.constant 8 : i32
            %mul3A_672 = arith.muli %add3A_628, %mul3A_671 : i32
            %mul3A_673 = arith.constant 80 : i32
            %mul3A_674 = arith.muli %mul3A_672, %mul3A_673 : i32
            %mul3A_675 = arith.constant 8 : i32
            %mul3A_676 = arith.muli %select_n3A_670, %mul3A_675 : i32
            %mul3A_677 = arith.constant 80 : i32
            %mul3A_678 = arith.muli %mul3A_676, %mul3A_677 : i32
            %dma_start3A_679 = tpu.memref_slice %run_scoped3A[%mul3A_678] : memref<1280xi32, #tpu.memory_space<vmem>> -> memref<640xi32, #tpu.memory_space<vmem>>
            %dma_start3A_680 = tpu.memref_slice %arg3[%add3A, %mul3A_674] : memref<32x10240xi32, #tpu.memory_space<hbm>> -> memref<1x640xi32, #tpu.memory_space<hbm>>
            %dma_start3A_681 = tpu.memref_squeeze %dma_start3A_680 : memref<1x640xi32, #tpu.memory_space<hbm>> -> memref<640xi32, #tpu.memory_space<hbm>>
            %dma_start3A_682 = tpu.memref_slice %run_scoped3A[%mul3A_678] : memref<1280xi32, #tpu.memory_space<vmem>> -> memref<640xi32, #tpu.memory_space<vmem>>
            %dma_start3A_683 = tpu.memref_slice %arg3[%add3A, %mul3A_674] : memref<32x10240xi32, #tpu.memory_space<hbm>> -> memref<1x640xi32, #tpu.memory_space<hbm>>
            %dma_start3A_684 = tpu.memref_squeeze %dma_start3A_683 : memref<1x640xi32, #tpu.memory_space<hbm>> -> memref<640xi32, #tpu.memory_space<hbm>>
            tpu.enqueue_dma source(%dma_start3A_684 : memref<640xi32, #tpu.memory_space<hbm>>) target(%dma_start3A_682 : memref<640xi32, #tpu.memory_space<vmem>>) target_semaphore(%arg17 : memref<!tpu.dma_semaphore, #tpu.memory_space<semaphore_mem>>)
            %mul3A_685 = arith.constant 8 : i32
            %mul3A_686 = arith.muli %add3A_628, %mul3A_685 : i32
            %dma_start3A_687 = arith.constant 0 : i32
            %dma_start3A_688 = arith.constant 0 : i32
            %dma_start3A_689 = tpu.memref_slice %run_scoped3A_7[%select_n3A_670, %dma_start3A_687, %dma_start3A_688] : memref<2x8x80xi32, #tpu.memory_space<vmem>> -> memref<1x8x80xi32, #tpu.memory_space<vmem>>
            %dma_start3A_690 = tpu.memref_squeeze %dma_start3A_689 : memref<1x8x80xi32, #tpu.memory_space<vmem>> -> memref<8x80xi32, #tpu.memory_space<vmem>>
            %dma_start3A_691 = arith.constant 0 : i32
            %dma_start3A_692 = tpu.memref_slice %arg4[%add3A, %mul3A_686, %dma_start3A_691] : memref<32x128x80xi32, #tpu.memory_space<hbm>> -> memref<1x8x80xi32, #tpu.memory_space<hbm>>
            %dma_start3A_693 = tpu.memref_squeeze %dma_start3A_692 : memref<1x8x80xi32, #tpu.memory_space<hbm>> -> memref<8x80xi32, #tpu.memory_space<hbm>>
            %dma_start3A_694 = arith.constant 0 : i32
            %dma_start3A_695 = arith.constant 0 : i32
            %dma_start3A_696 = tpu.memref_slice %run_scoped3A_7[%select_n3A_670, %dma_start3A_694, %dma_start3A_695] : memref<2x8x80xi32, #tpu.memory_space<vmem>> -> memref<1x8x80xi32, #tpu.memory_space<vmem>>
            %dma_start3A_697 = tpu.memref_squeeze %dma_start3A_696 : memref<1x8x80xi32, #tpu.memory_space<vmem>> -> memref<8x80xi32, #tpu.memory_space<vmem>>
            %dma_start3A_698 = arith.constant 0 : i32
            %dma_start3A_699 = tpu.memref_slice %arg4[%add3A, %mul3A_686, %dma_start3A_698] : memref<32x128x80xi32, #tpu.memory_space<hbm>> -> memref<1x8x80xi32, #tpu.memory_space<hbm>>
            %dma_start3A_700 = tpu.memref_squeeze %dma_start3A_699 : memref<1x8x80xi32, #tpu.memory_space<hbm>> -> memref<8x80xi32, #tpu.memory_space<hbm>>
            tpu.enqueue_dma source(%dma_start3A_700 : memref<8x80xi32, #tpu.memory_space<hbm>>) target(%dma_start3A_697 : memref<8x80xi32, #tpu.memory_space<vmem>>) target_semaphore(%arg17 : memref<!tpu.dma_semaphore, #tpu.memory_space<semaphore_mem>>)
          } else {
          }
          %jit3A_538 = arith.constant 8 : i32
          %div3A_539 = arith.divsi %add3A_218, %jit3A_538 : i32
          %sign3A_540 = arith.constant 0 : i32
          %sign3A_541 = arith.cmpi sgt, %add3A_218, %sign3A_540 : i32
          %sign3A_542 = arith.extui %sign3A_541 : i1 to i32
          %sign3A_543 = arith.constant 0 : i32
          %sign3A_544 = arith.cmpi slt, %add3A_218, %sign3A_543 : i32
          %sign3A_545 = arith.extui %sign3A_544 : i1 to i32
          %sign3A_546 = arith.subi %sign3A_542, %sign3A_545 : i32
          %sign3A_547 = arith.constant 0 : i32
          %sign3A_548 = arith.cmpi sgt, %jit3A_538, %sign3A_547 : i32
          %sign3A_549 = arith.extui %sign3A_548 : i1 to i32
          %sign3A_550 = arith.constant 0 : i32
          %sign3A_551 = arith.cmpi slt, %jit3A_538, %sign3A_550 : i32
          %sign3A_552 = arith.extui %sign3A_551 : i1 to i32
          %sign3A_553 = arith.subi %sign3A_549, %sign3A_552 : i32
          %ne3A_554 = arith.cmpi ne, %sign3A_546, %sign3A_553 : i32
          %rem3A_555 = arith.remsi %add3A_218, %jit3A_538 : i32
          %ne3A_556 = arith.constant 0 : i32
          %ne3A_557 = arith.cmpi ne, %rem3A_555, %ne3A_556 : i32
          %and3A_558 = arith.andi %ne3A_554, %ne3A_557 : i1
          %sub3A_559 = arith.constant 1 : i32
          %sub3A_560 = arith.subi %div3A_539, %sub3A_559 : i32
          %select_n3A_561 = arith.select %and3A_558, %sub3A_560, %div3A_539 : i32
          %jit3A_562 = arith.constant 2 : i32
          %eq3A_563 = arith.constant 0 : i32
          %eq3A_564 = arith.cmpi eq, %jit3A_562, %eq3A_563 : i32
          %jit3A_565 = arith.constant 1 : i32
          %select_n3A_566 = arith.select %eq3A_564, %jit3A_565, %jit3A_562 : i32
          %rem3A_567 = arith.remsi %select_n3A_561, %select_n3A_566 : i32
          %ne3A_568 = arith.constant 0 : i32
          %ne3A_569 = arith.cmpi ne, %rem3A_567, %ne3A_568 : i32
          %lt3A_570 = arith.constant 0 : i32
          %lt3A_571 = arith.cmpi slt, %rem3A_567, %lt3A_570 : i32
          %lt3A_572 = arith.constant 0 : i32
          %lt3A_573 = arith.cmpi slt, %select_n3A_566, %lt3A_572 : i32
          %ne3A_574 = arith.xori %lt3A_571, %lt3A_573 : i1
          %and3A_575 = arith.andi %ne3A_574, %ne3A_569 : i1
          %add3A_576 = arith.addi %rem3A_567, %select_n3A_566 : i32
          %select_n3A_577 = arith.select %and3A_575, %add3A_576, %rem3A_567 : i32
          %mul3A_578 = arith.constant 640 : i32
          %mul3A_579 = arith.muli %select_n3A_577, %mul3A_578 : i32
          %jit3A_580 = arith.constant 8 : i32
          %eq3A_581 = arith.constant 0 : i32
          %eq3A_582 = arith.cmpi eq, %jit3A_580, %eq3A_581 : i32
          %jit3A_583 = arith.constant 1 : i32
          %select_n3A_584 = arith.select %eq3A_582, %jit3A_583, %jit3A_580 : i32
          %rem3A_585 = arith.remsi %add3A_218, %select_n3A_584 : i32
          %ne3A_586 = arith.constant 0 : i32
          %ne3A_587 = arith.cmpi ne, %rem3A_585, %ne3A_586 : i32
          %lt3A_588 = arith.constant 0 : i32
          %lt3A_589 = arith.cmpi slt, %rem3A_585, %lt3A_588 : i32
          %lt3A_590 = arith.constant 0 : i32
          %lt3A_591 = arith.cmpi slt, %select_n3A_584, %lt3A_590 : i32
          %ne3A_592 = arith.xori %lt3A_589, %lt3A_591 : i1
          %and3A_593 = arith.andi %ne3A_592, %ne3A_587 : i1
          %add3A_594 = arith.addi %rem3A_585, %select_n3A_584 : i32
          %select_n3A_595 = arith.select %and3A_593, %add3A_594, %rem3A_585 : i32
          %mul3A_596 = arith.constant 80 : i32
          %mul3A_597 = arith.muli %select_n3A_595, %mul3A_596 : i32
          %add3A_598 = arith.addi %mul3A_579, %mul3A_597 : i32
          %dma_start3A_599 = tpu.memref_slice %run_scoped3A[%add3A_598] : memref<1280xi32, #tpu.memory_space<vmem>> -> memref<80xi32, #tpu.memory_space<vmem>>
          %dma_start3A_600 = arith.constant 0 : i32
          %dma_start3A_601 = arith.constant 0 : i32
          %dma_start3A_602 = tpu.memref_slice %arg2[%dma_start3A_600, %dma_start3A_601] : memref<10240x128xf32, #tpu.memory_space<hbm>> -> memref<10240x128xf32, #tpu.memory_space<hbm>>
          tpu.enqueue_indirect_dma source(%dma_start3A_602 : memref<10240x128xf32, #tpu.memory_space<hbm>>) target(%run_scoped3A_11 : memref<80x128xf32, #tpu.memory_space<vmem>>) offsets(%dma_start3A_599 : memref<80xi32, #tpu.memory_space<vmem>>) semaphore(%arg12 : memref<!tpu.dma_semaphore, #tpu.memory_space<semaphore_mem>>)
        } else {
        }
        %dma_wait3A_229 = arith.constant 0 : i32
        %dma_wait3A_230 = arith.constant 0 : i32
        %dma_wait3A_231 = tpu.memref_slice %arg2[%dma_wait3A_229, %dma_wait3A_230] : memref<10240x128xf32, #tpu.memory_space<hbm>> -> memref<80x128xf32, #tpu.memory_space<hbm>>
        %dma_wait3A_232 = arith.constant 0 : i32
        %dma_wait3A_233 = arith.constant 0 : i32
        %dma_wait3A_234 = tpu.memref_slice %arg2[%dma_wait3A_232, %dma_wait3A_233] : memref<10240x128xf32, #tpu.memory_space<hbm>> -> memref<80x128xf32, #tpu.memory_space<hbm>>
        tpu.wait_dma2 semaphore(%arg10 : memref<!tpu.dma_semaphore, #tpu.memory_space<semaphore_mem>>) src(%dma_wait3A_234 : memref<80x128xf32, #tpu.memory_space<hbm>>) dst(%run_scoped3A_9 : memref<80x128xf32, #tpu.memory_space<vmem>>)
        %jit3A_235 = arith.constant 8 : i32
        %div3A_236 = arith.divsi %add3A_216, %jit3A_235 : i32
        %sign3A_237 = arith.constant 0 : i32
        %sign3A_238 = arith.cmpi sgt, %add3A_216, %sign3A_237 : i32
        %sign3A_239 = arith.extui %sign3A_238 : i1 to i32
        %sign3A_240 = arith.constant 0 : i32
        %sign3A_241 = arith.cmpi slt, %add3A_216, %sign3A_240 : i32
        %sign3A_242 = arith.extui %sign3A_241 : i1 to i32
        %sign3A_243 = arith.subi %sign3A_239, %sign3A_242 : i32
        %sign3A_244 = arith.constant 0 : i32
        %sign3A_245 = arith.cmpi sgt, %jit3A_235, %sign3A_244 : i32
        %sign3A_246 = arith.extui %sign3A_245 : i1 to i32
        %sign3A_247 = arith.constant 0 : i32
        %sign3A_248 = arith.cmpi slt, %jit3A_235, %sign3A_247 : i32
        %sign3A_249 = arith.extui %sign3A_248 : i1 to i32
        %sign3A_250 = arith.subi %sign3A_246, %sign3A_249 : i32
        %ne3A_251 = arith.cmpi ne, %sign3A_243, %sign3A_250 : i32
        %rem3A_252 = arith.remsi %add3A_216, %jit3A_235 : i32
        %ne3A_253 = arith.constant 0 : i32
        %ne3A_254 = arith.cmpi ne, %rem3A_252, %ne3A_253 : i32
        %and3A_255 = arith.andi %ne3A_251, %ne3A_254 : i1
        %sub3A_256 = arith.constant 1 : i32
        %sub3A_257 = arith.subi %div3A_236, %sub3A_256 : i32
        %select_n3A_258 = arith.select %and3A_255, %sub3A_257, %div3A_236 : i32
        %jit3A_259 = arith.constant 2 : i32
        %eq3A_260 = arith.constant 0 : i32
        %eq3A_261 = arith.cmpi eq, %jit3A_259, %eq3A_260 : i32
        %jit3A_262 = arith.constant 1 : i32
        %select_n3A_263 = arith.select %eq3A_261, %jit3A_262, %jit3A_259 : i32
        %rem3A_264 = arith.remsi %select_n3A_258, %select_n3A_263 : i32
        %ne3A_265 = arith.constant 0 : i32
        %ne3A_266 = arith.cmpi ne, %rem3A_264, %ne3A_265 : i32
        %lt3A_267 = arith.constant 0 : i32
        %lt3A_268 = arith.cmpi slt, %rem3A_264, %lt3A_267 : i32
        %lt3A_269 = arith.constant 0 : i32
        %lt3A_270 = arith.cmpi slt, %select_n3A_263, %lt3A_269 : i32
        %ne3A_271 = arith.xori %lt3A_268, %lt3A_270 : i1
        %and3A_272 = arith.andi %ne3A_271, %ne3A_266 : i1
        %add3A_273 = arith.addi %rem3A_264, %select_n3A_263 : i32
        %select_n3A_274 = arith.select %and3A_272, %add3A_273, %rem3A_264 : i32
        %jit3A_275 = arith.constant 8 : i32
        %eq3A_276 = arith.constant 0 : i32
        %eq3A_277 = arith.cmpi eq, %jit3A_275, %eq3A_276 : i32
        %jit3A_278 = arith.constant 1 : i32
        %select_n3A_279 = arith.select %eq3A_277, %jit3A_278, %jit3A_275 : i32
        %rem3A_280 = arith.remsi %add3A_216, %select_n3A_279 : i32
        %ne3A_281 = arith.constant 0 : i32
        %ne3A_282 = arith.cmpi ne, %rem3A_280, %ne3A_281 : i32
        %lt3A_283 = arith.constant 0 : i32
        %lt3A_284 = arith.cmpi slt, %rem3A_280, %lt3A_283 : i32
        %lt3A_285 = arith.constant 0 : i32
        %lt3A_286 = arith.cmpi slt, %select_n3A_279, %lt3A_285 : i32
        %ne3A_287 = arith.xori %lt3A_284, %lt3A_286 : i1
        %and3A_288 = arith.andi %ne3A_287, %ne3A_282 : i1
        %add3A_289 = arith.addi %rem3A_280, %select_n3A_279 : i32
        %select_n3A_290 = arith.select %and3A_288, %add3A_289, %rem3A_280 : i32
        %dma_start3A_291 = arith.constant 0 : i32
        %dma_start3A_292 = tpu.memref_slice %run_scoped3A_7[%select_n3A_274, %select_n3A_290, %dma_start3A_291] : memref<2x8x80xi32, #tpu.memory_space<vmem>> -> memref<1x1x80xi32, #tpu.memory_space<vmem>>
        %dma_start3A_293 = tpu.memref_squeeze %dma_start3A_292 : memref<1x1x80xi32, #tpu.memory_space<vmem>> -> memref<80xi32, #tpu.memory_space<vmem>>
        %dma_start3A_294 = arith.constant 0 : i32
        %dma_start3A_295 = arith.constant 0 : i32
        %dma_start3A_296 = tpu.memref_slice %arg8[%dma_start3A_294, %dma_start3A_295] : memref<10240x128xf32, #tpu.memory_space<vmem_shared>> -> memref<10240x128xf32, #tpu.memory_space<vmem_shared>>
        tpu.enqueue_indirect_dma source(%run_scoped3A_9 : memref<80x128xf32, #tpu.memory_space<vmem>>) target(%dma_start3A_296 : memref<10240x128xf32, #tpu.memory_space<vmem_shared>>) offsets(%dma_start3A_293 : memref<80xi32, #tpu.memory_space<vmem>>) semaphore(%arg14 : memref<!tpu.dma_semaphore, #tpu.memory_space<semaphore_mem>>) {add = true}
        %mul3A_297 = arith.constant 4 : i32
        %mul3A_298 = arith.muli %mul3A_297, %scan3A_141 : i32
        %add3A_299 = arith.constant 2 : i32
        %add3A_300 = arith.addi %mul3A_298, %add3A_299 : i32
        %add3A_301 = arith.constant 2 : i32
        %add3A_302 = arith.addi %add3A_300, %add3A_301 : i32
        %ge3A_303 = arith.constant 2 : i32
        %ge3A_304 = arith.cmpi sge, %add3A_300, %ge3A_303 : i32
        %convert_element_type3A_305 = arith.extui %ge3A_304 : i1 to i32
        %cond3A_306 = arith.constant 0 : i32
        %cond3A_307 = arith.cmpi ne, %convert_element_type3A_305, %cond3A_306 : i32
        scf.if %cond3A_307 {
          %dma_wait3A_465 = arith.constant 0 : i32
          %dma_wait3A_466 = arith.constant 0 : i32
          %dma_wait3A_467 = tpu.memref_slice %arg2[%dma_wait3A_465, %dma_wait3A_466] : memref<10240x128xf32, #tpu.memory_space<hbm>> -> memref<80x128xf32, #tpu.memory_space<hbm>>
          %dma_wait3A_468 = arith.constant 0 : i32
          %dma_wait3A_469 = arith.constant 0 : i32
          %dma_wait3A_470 = tpu.memref_slice %arg2[%dma_wait3A_468, %dma_wait3A_469] : memref<10240x128xf32, #tpu.memory_space<hbm>> -> memref<80x128xf32, #tpu.memory_space<hbm>>
          tpu.wait_dma2 semaphore(%arg13 : memref<!tpu.dma_semaphore, #tpu.memory_space<semaphore_mem>>) src(%dma_wait3A_470 : memref<80x128xf32, #tpu.memory_space<hbm>>) dst(%run_scoped3A_8 : memref<80x128xf32, #tpu.memory_space<vmem>>)
        } else {
        }
        %lt3A_308 = arith.constant 125 : i32
        %lt3A_309 = arith.cmpi slt, %add3A_302, %lt3A_308 : i32
        %convert_element_type3A_310 = arith.extui %lt3A_309 : i1 to i32
        %cond3A_311 = arith.constant 0 : i32
        %cond3A_312 = arith.cmpi ne, %convert_element_type3A_310, %cond3A_311 : i32
        scf.if %cond3A_312 {
          %jit3A_465 = arith.constant 8 : i32
          %eq3A_466 = arith.constant 0 : i32
          %eq3A_467 = arith.cmpi eq, %jit3A_465, %eq3A_466 : i32
          %jit3A_468 = arith.constant 1 : i32
          %select_n3A_469 = arith.select %eq3A_467, %jit3A_468, %jit3A_465 : i32
          %rem3A_470 = arith.remsi %add3A_302, %select_n3A_469 : i32
          %ne3A_471 = arith.constant 0 : i32
          %ne3A_472 = arith.cmpi ne, %rem3A_470, %ne3A_471 : i32
          %lt3A_473 = arith.constant 0 : i32
          %lt3A_474 = arith.cmpi slt, %rem3A_470, %lt3A_473 : i32
          %lt3A_475 = arith.constant 0 : i32
          %lt3A_476 = arith.cmpi slt, %select_n3A_469, %lt3A_475 : i32
          %ne3A_477 = arith.xori %lt3A_474, %lt3A_476 : i1
          %and3A_478 = arith.andi %ne3A_477, %ne3A_472 : i1
          %add3A_479 = arith.addi %rem3A_470, %select_n3A_469 : i32
          %select_n3A_480 = arith.select %and3A_478, %add3A_479, %rem3A_470 : i32
          %eq3A_481 = arith.constant 0 : i32
          %eq3A_482 = arith.cmpi eq, %select_n3A_480, %eq3A_481 : i32
          %convert_element_type3A_483 = arith.extui %eq3A_482 : i1 to i32
          %cond3A_484 = arith.constant 0 : i32
          %cond3A_485 = arith.cmpi ne, %convert_element_type3A_483, %cond3A_484 : i32
          scf.if %cond3A_485 {
            %jit3A_603 = arith.constant 8 : i32
            %div3A_604 = arith.divsi %add3A_302, %jit3A_603 : i32
            %sign3A_605 = arith.constant 0 : i32
            %sign3A_606 = arith.cmpi sgt, %add3A_302, %sign3A_605 : i32
            %sign3A_607 = arith.extui %sign3A_606 : i1 to i32
            %sign3A_608 = arith.constant 0 : i32
            %sign3A_609 = arith.cmpi slt, %add3A_302, %sign3A_608 : i32
            %sign3A_610 = arith.extui %sign3A_609 : i1 to i32
            %sign3A_611 = arith.subi %sign3A_607, %sign3A_610 : i32
            %sign3A_612 = arith.constant 0 : i32
            %sign3A_613 = arith.cmpi sgt, %jit3A_603, %sign3A_612 : i32
            %sign3A_614 = arith.extui %sign3A_613 : i1 to i32
            %sign3A_615 = arith.constant 0 : i32
            %sign3A_616 = arith.cmpi slt, %jit3A_603, %sign3A_615 : i32
            %sign3A_617 = arith.extui %sign3A_616 : i1 to i32
            %sign3A_618 = arith.subi %sign3A_614, %sign3A_617 : i32
            %ne3A_619 = arith.cmpi ne, %sign3A_611, %sign3A_618 : i32
            %rem3A_620 = arith.remsi %add3A_302, %jit3A_603 : i32
            %ne3A_621 = arith.constant 0 : i32
            %ne3A_622 = arith.cmpi ne, %rem3A_620, %ne3A_621 : i32
            %and3A_623 = arith.andi %ne3A_619, %ne3A_622 : i1
            %sub3A_624 = arith.constant 1 : i32
            %sub3A_625 = arith.subi %div3A_604, %sub3A_624 : i32
            %select_n3A_626 = arith.select %and3A_623, %sub3A_625, %div3A_604 : i32
            %jit3A_627 = arith.constant 2 : i32
            %eq3A_628 = arith.constant 0 : i32
            %eq3A_629 = arith.cmpi eq, %jit3A_627, %eq3A_628 : i32
            %jit3A_630 = arith.constant 1 : i32
            %select_n3A_631 = arith.select %eq3A_629, %jit3A_630, %jit3A_627 : i32
            %rem3A_632 = arith.remsi %select_n3A_626, %select_n3A_631 : i32
            %ne3A_633 = arith.constant 0 : i32
            %ne3A_634 = arith.cmpi ne, %rem3A_632, %ne3A_633 : i32
            %lt3A_635 = arith.constant 0 : i32
            %lt3A_636 = arith.cmpi slt, %rem3A_632, %lt3A_635 : i32
            %lt3A_637 = arith.constant 0 : i32
            %lt3A_638 = arith.cmpi slt, %select_n3A_631, %lt3A_637 : i32
            %ne3A_639 = arith.xori %lt3A_636, %lt3A_638 : i1
            %and3A_640 = arith.andi %ne3A_639, %ne3A_634 : i1
            %add3A_641 = arith.addi %rem3A_632, %select_n3A_631 : i32
            %select_n3A_642 = arith.select %and3A_640, %add3A_641, %rem3A_632 : i32
            %mul3A_643 = arith.constant 8 : i32
            %mul3A_644 = arith.muli %select_n3A_642, %mul3A_643 : i32
            %mul3A_645 = arith.constant 80 : i32
            %mul3A_646 = arith.muli %mul3A_644, %mul3A_645 : i32
            %dma_wait3A_647 = arith.constant 0 : i32
            %dma_wait3A_648 = tpu.memref_slice %run_scoped3A[%mul3A_646] : memref<1280xi32, #tpu.memory_space<vmem>> -> memref<640xi32, #tpu.memory_space<vmem>>
            %dma_wait3A_649 = arith.constant 0 : i32
            %dma_wait3A_650 = tpu.memref_slice %arg3[%dma_wait3A_647, %dma_wait3A_649] : memref<32x10240xi32, #tpu.memory_space<hbm>> -> memref<1x640xi32, #tpu.memory_space<hbm>>
            %dma_wait3A_651 = tpu.memref_squeeze %dma_wait3A_650 : memref<1x640xi32, #tpu.memory_space<hbm>> -> memref<640xi32, #tpu.memory_space<hbm>>
            %dma_wait3A_652 = tpu.memref_slice %run_scoped3A[%mul3A_646] : memref<1280xi32, #tpu.memory_space<vmem>> -> memref<640xi32, #tpu.memory_space<vmem>>
            %dma_wait3A_653 = arith.constant 0 : i32
            %dma_wait3A_654 = tpu.memref_slice %arg3[%dma_wait3A_647, %dma_wait3A_653] : memref<32x10240xi32, #tpu.memory_space<hbm>> -> memref<1x640xi32, #tpu.memory_space<hbm>>
            %dma_wait3A_655 = tpu.memref_squeeze %dma_wait3A_654 : memref<1x640xi32, #tpu.memory_space<hbm>> -> memref<640xi32, #tpu.memory_space<hbm>>
            tpu.wait_dma2 semaphore(%arg17 : memref<!tpu.dma_semaphore, #tpu.memory_space<semaphore_mem>>) src(%dma_wait3A_655 : memref<640xi32, #tpu.memory_space<hbm>>) dst(%dma_wait3A_652 : memref<640xi32, #tpu.memory_space<vmem>>)
            %dma_wait3A_656 = arith.constant 0 : i32
            %dma_wait3A_657 = arith.constant 0 : i32
            %dma_wait3A_658 = arith.constant 0 : i32
            %dma_wait3A_659 = tpu.memref_slice %run_scoped3A_7[%select_n3A_642, %dma_wait3A_657, %dma_wait3A_658] : memref<2x8x80xi32, #tpu.memory_space<vmem>> -> memref<1x8x80xi32, #tpu.memory_space<vmem>>
            %dma_wait3A_660 = tpu.memref_squeeze %dma_wait3A_659 : memref<1x8x80xi32, #tpu.memory_space<vmem>> -> memref<8x80xi32, #tpu.memory_space<vmem>>
            %dma_wait3A_661 = arith.constant 0 : i32
            %dma_wait3A_662 = arith.constant 0 : i32
            %dma_wait3A_663 = tpu.memref_slice %arg4[%dma_wait3A_656, %dma_wait3A_661, %dma_wait3A_662] : memref<32x128x80xi32, #tpu.memory_space<hbm>> -> memref<1x8x80xi32, #tpu.memory_space<hbm>>
            %dma_wait3A_664 = tpu.memref_squeeze %dma_wait3A_663 : memref<1x8x80xi32, #tpu.memory_space<hbm>> -> memref<8x80xi32, #tpu.memory_space<hbm>>
            %dma_wait3A_665 = arith.constant 0 : i32
            %dma_wait3A_666 = arith.constant 0 : i32
            %dma_wait3A_667 = tpu.memref_slice %run_scoped3A_7[%select_n3A_642, %dma_wait3A_665, %dma_wait3A_666] : memref<2x8x80xi32, #tpu.memory_space<vmem>> -> memref<1x8x80xi32, #tpu.memory_space<vmem>>
            %dma_wait3A_668 = tpu.memref_squeeze %dma_wait3A_667 : memref<1x8x80xi32, #tpu.memory_space<vmem>> -> memref<8x80xi32, #tpu.memory_space<vmem>>
            %dma_wait3A_669 = arith.constant 0 : i32
            %dma_wait3A_670 = arith.constant 0 : i32
            %dma_wait3A_671 = tpu.memref_slice %arg4[%dma_wait3A_656, %dma_wait3A_669, %dma_wait3A_670] : memref<32x128x80xi32, #tpu.memory_space<hbm>> -> memref<1x8x80xi32, #tpu.memory_space<hbm>>
            %dma_wait3A_672 = tpu.memref_squeeze %dma_wait3A_671 : memref<1x8x80xi32, #tpu.memory_space<hbm>> -> memref<8x80xi32, #tpu.memory_space<hbm>>
            tpu.wait_dma2 semaphore(%arg17 : memref<!tpu.dma_semaphore, #tpu.memory_space<semaphore_mem>>) src(%dma_wait3A_672 : memref<8x80xi32, #tpu.memory_space<hbm>>) dst(%dma_wait3A_668 : memref<8x80xi32, #tpu.memory_space<vmem>>)
          } else {
          }
          %jit3A_486 = arith.constant 8 : i32
          %eq3A_487 = arith.constant 0 : i32
          %eq3A_488 = arith.cmpi eq, %jit3A_486, %eq3A_487 : i32
          %jit3A_489 = arith.constant 1 : i32
          %select_n3A_490 = arith.select %eq3A_488, %jit3A_489, %jit3A_486 : i32
          %rem3A_491 = arith.remsi %add3A_302, %select_n3A_490 : i32
          %ne3A_492 = arith.constant 0 : i32
          %ne3A_493 = arith.cmpi ne, %rem3A_491, %ne3A_492 : i32
          %lt3A_494 = arith.constant 0 : i32
          %lt3A_495 = arith.cmpi slt, %rem3A_491, %lt3A_494 : i32
          %lt3A_496 = arith.constant 0 : i32
          %lt3A_497 = arith.cmpi slt, %select_n3A_490, %lt3A_496 : i32
          %ne3A_498 = arith.xori %lt3A_495, %lt3A_497 : i1
          %and3A_499 = arith.andi %ne3A_498, %ne3A_493 : i1
          %add3A_500 = arith.addi %rem3A_491, %select_n3A_490 : i32
          %select_n3A_501 = arith.select %and3A_499, %add3A_500, %rem3A_491 : i32
          %eq3A_502 = arith.constant 4 : i32
          %eq3A_503 = arith.cmpi eq, %select_n3A_501, %eq3A_502 : i32
          %ge3A_504 = arith.constant 12 : i32
          %ge3A_505 = arith.cmpi sge, %add3A_302, %ge3A_504 : i32
          %and3A_506 = arith.andi %eq3A_503, %ge3A_505 : i1
          %jit3A_507 = arith.constant 8 : i32
          %div3A_508 = arith.divsi %add3A_302, %jit3A_507 : i32
          %sign3A_509 = arith.constant 0 : i32
          %sign3A_510 = arith.cmpi sgt, %add3A_302, %sign3A_509 : i32
          %sign3A_511 = arith.extui %sign3A_510 : i1 to i32
          %sign3A_512 = arith.constant 0 : i32
          %sign3A_513 = arith.cmpi slt, %add3A_302, %sign3A_512 : i32
          %sign3A_514 = arith.extui %sign3A_513 : i1 to i32
          %sign3A_515 = arith.subi %sign3A_511, %sign3A_514 : i32
          %sign3A_516 = arith.constant 0 : i32
          %sign3A_517 = arith.cmpi sgt, %jit3A_507, %sign3A_516 : i32
          %sign3A_518 = arith.extui %sign3A_517 : i1 to i32
          %sign3A_519 = arith.constant 0 : i32
          %sign3A_520 = arith.cmpi slt, %jit3A_507, %sign3A_519 : i32
          %sign3A_521 = arith.extui %sign3A_520 : i1 to i32
          %sign3A_522 = arith.subi %sign3A_518, %sign3A_521 : i32
          %ne3A_523 = arith.cmpi ne, %sign3A_515, %sign3A_522 : i32
          %rem3A_524 = arith.remsi %add3A_302, %jit3A_507 : i32
          %ne3A_525 = arith.constant 0 : i32
          %ne3A_526 = arith.cmpi ne, %rem3A_524, %ne3A_525 : i32
          %and3A_527 = arith.andi %ne3A_523, %ne3A_526 : i1
          %sub3A_528 = arith.constant 1 : i32
          %sub3A_529 = arith.subi %div3A_508, %sub3A_528 : i32
          %select_n3A_530 = arith.select %and3A_527, %sub3A_529, %div3A_508 : i32
          %add3A_531 = arith.constant 1 : i32
          %add3A_532 = arith.addi %select_n3A_530, %add3A_531 : i32
          %le3A = arith.constant 15 : i32
          %le3A_533 = arith.cmpi sle, %add3A_532, %le3A : i32
          %and3A_534 = arith.andi %and3A_506, %le3A_533 : i1
          %convert_element_type3A_535 = arith.extui %and3A_534 : i1 to i32
          %cond3A_536 = arith.constant 0 : i32
          %cond3A_537 = arith.cmpi ne, %convert_element_type3A_535, %cond3A_536 : i32
          scf.if %cond3A_537 {
            %jit3A_603 = arith.constant 8 : i32
            %div3A_604 = arith.divsi %add3A_302, %jit3A_603 : i32
            %sign3A_605 = arith.constant 0 : i32
            %sign3A_606 = arith.cmpi sgt, %add3A_302, %sign3A_605 : i32
            %sign3A_607 = arith.extui %sign3A_606 : i1 to i32
            %sign3A_608 = arith.constant 0 : i32
            %sign3A_609 = arith.cmpi slt, %add3A_302, %sign3A_608 : i32
            %sign3A_610 = arith.extui %sign3A_609 : i1 to i32
            %sign3A_611 = arith.subi %sign3A_607, %sign3A_610 : i32
            %sign3A_612 = arith.constant 0 : i32
            %sign3A_613 = arith.cmpi sgt, %jit3A_603, %sign3A_612 : i32
            %sign3A_614 = arith.extui %sign3A_613 : i1 to i32
            %sign3A_615 = arith.constant 0 : i32
            %sign3A_616 = arith.cmpi slt, %jit3A_603, %sign3A_615 : i32
            %sign3A_617 = arith.extui %sign3A_616 : i1 to i32
            %sign3A_618 = arith.subi %sign3A_614, %sign3A_617 : i32
            %ne3A_619 = arith.cmpi ne, %sign3A_611, %sign3A_618 : i32
            %rem3A_620 = arith.remsi %add3A_302, %jit3A_603 : i32
            %ne3A_621 = arith.constant 0 : i32
            %ne3A_622 = arith.cmpi ne, %rem3A_620, %ne3A_621 : i32
            %and3A_623 = arith.andi %ne3A_619, %ne3A_622 : i1
            %sub3A_624 = arith.constant 1 : i32
            %sub3A_625 = arith.subi %div3A_604, %sub3A_624 : i32
            %select_n3A_626 = arith.select %and3A_623, %sub3A_625, %div3A_604 : i32
            %add3A_627 = arith.constant 1 : i32
            %add3A_628 = arith.addi %select_n3A_626, %add3A_627 : i32
            %jit3A_629 = arith.constant 8 : i32
            %div3A_630 = arith.divsi %add3A_302, %jit3A_629 : i32
            %sign3A_631 = arith.constant 0 : i32
            %sign3A_632 = arith.cmpi sgt, %add3A_302, %sign3A_631 : i32
            %sign3A_633 = arith.extui %sign3A_632 : i1 to i32
            %sign3A_634 = arith.constant 0 : i32
            %sign3A_635 = arith.cmpi slt, %add3A_302, %sign3A_634 : i32
            %sign3A_636 = arith.extui %sign3A_635 : i1 to i32
            %sign3A_637 = arith.subi %sign3A_633, %sign3A_636 : i32
            %sign3A_638 = arith.constant 0 : i32
            %sign3A_639 = arith.cmpi sgt, %jit3A_629, %sign3A_638 : i32
            %sign3A_640 = arith.extui %sign3A_639 : i1 to i32
            %sign3A_641 = arith.constant 0 : i32
            %sign3A_642 = arith.cmpi slt, %jit3A_629, %sign3A_641 : i32
            %sign3A_643 = arith.extui %sign3A_642 : i1 to i32
            %sign3A_644 = arith.subi %sign3A_640, %sign3A_643 : i32
            %ne3A_645 = arith.cmpi ne, %sign3A_637, %sign3A_644 : i32
            %rem3A_646 = arith.remsi %add3A_302, %jit3A_629 : i32
            %ne3A_647 = arith.constant 0 : i32
            %ne3A_648 = arith.cmpi ne, %rem3A_646, %ne3A_647 : i32
            %and3A_649 = arith.andi %ne3A_645, %ne3A_648 : i1
            %sub3A_650 = arith.constant 1 : i32
            %sub3A_651 = arith.subi %div3A_630, %sub3A_650 : i32
            %select_n3A_652 = arith.select %and3A_649, %sub3A_651, %div3A_630 : i32
            %add3A_653 = arith.constant 1 : i32
            %add3A_654 = arith.addi %select_n3A_652, %add3A_653 : i32
            %jit3A_655 = arith.constant 2 : i32
            %eq3A_656 = arith.constant 0 : i32
            %eq3A_657 = arith.cmpi eq, %jit3A_655, %eq3A_656 : i32
            %jit3A_658 = arith.constant 1 : i32
            %select_n3A_659 = arith.select %eq3A_657, %jit3A_658, %jit3A_655 : i32
            %rem3A_660 = arith.remsi %add3A_654, %select_n3A_659 : i32
            %ne3A_661 = arith.constant 0 : i32
            %ne3A_662 = arith.cmpi ne, %rem3A_660, %ne3A_661 : i32
            %lt3A_663 = arith.constant 0 : i32
            %lt3A_664 = arith.cmpi slt, %rem3A_660, %lt3A_663 : i32
            %lt3A_665 = arith.constant 0 : i32
            %lt3A_666 = arith.cmpi slt, %select_n3A_659, %lt3A_665 : i32
            %ne3A_667 = arith.xori %lt3A_664, %lt3A_666 : i1
            %and3A_668 = arith.andi %ne3A_667, %ne3A_662 : i1
            %add3A_669 = arith.addi %rem3A_660, %select_n3A_659 : i32
            %select_n3A_670 = arith.select %and3A_668, %add3A_669, %rem3A_660 : i32
            %mul3A_671 = arith.constant 8 : i32
            %mul3A_672 = arith.muli %add3A_628, %mul3A_671 : i32
            %mul3A_673 = arith.constant 80 : i32
            %mul3A_674 = arith.muli %mul3A_672, %mul3A_673 : i32
            %mul3A_675 = arith.constant 8 : i32
            %mul3A_676 = arith.muli %select_n3A_670, %mul3A_675 : i32
            %mul3A_677 = arith.constant 80 : i32
            %mul3A_678 = arith.muli %mul3A_676, %mul3A_677 : i32
            %dma_start3A_679 = tpu.memref_slice %run_scoped3A[%mul3A_678] : memref<1280xi32, #tpu.memory_space<vmem>> -> memref<640xi32, #tpu.memory_space<vmem>>
            %dma_start3A_680 = tpu.memref_slice %arg3[%add3A, %mul3A_674] : memref<32x10240xi32, #tpu.memory_space<hbm>> -> memref<1x640xi32, #tpu.memory_space<hbm>>
            %dma_start3A_681 = tpu.memref_squeeze %dma_start3A_680 : memref<1x640xi32, #tpu.memory_space<hbm>> -> memref<640xi32, #tpu.memory_space<hbm>>
            %dma_start3A_682 = tpu.memref_slice %run_scoped3A[%mul3A_678] : memref<1280xi32, #tpu.memory_space<vmem>> -> memref<640xi32, #tpu.memory_space<vmem>>
            %dma_start3A_683 = tpu.memref_slice %arg3[%add3A, %mul3A_674] : memref<32x10240xi32, #tpu.memory_space<hbm>> -> memref<1x640xi32, #tpu.memory_space<hbm>>
            %dma_start3A_684 = tpu.memref_squeeze %dma_start3A_683 : memref<1x640xi32, #tpu.memory_space<hbm>> -> memref<640xi32, #tpu.memory_space<hbm>>
            tpu.enqueue_dma source(%dma_start3A_684 : memref<640xi32, #tpu.memory_space<hbm>>) target(%dma_start3A_682 : memref<640xi32, #tpu.memory_space<vmem>>) target_semaphore(%arg17 : memref<!tpu.dma_semaphore, #tpu.memory_space<semaphore_mem>>)
            %mul3A_685 = arith.constant 8 : i32
            %mul3A_686 = arith.muli %add3A_628, %mul3A_685 : i32
            %dma_start3A_687 = arith.constant 0 : i32
            %dma_start3A_688 = arith.constant 0 : i32
            %dma_start3A_689 = tpu.memref_slice %run_scoped3A_7[%select_n3A_670, %dma_start3A_687, %dma_start3A_688] : memref<2x8x80xi32, #tpu.memory_space<vmem>> -> memref<1x8x80xi32, #tpu.memory_space<vmem>>
            %dma_start3A_690 = tpu.memref_squeeze %dma_start3A_689 : memref<1x8x80xi32, #tpu.memory_space<vmem>> -> memref<8x80xi32, #tpu.memory_space<vmem>>
            %dma_start3A_691 = arith.constant 0 : i32
            %dma_start3A_692 = tpu.memref_slice %arg4[%add3A, %mul3A_686, %dma_start3A_691] : memref<32x128x80xi32, #tpu.memory_space<hbm>> -> memref<1x8x80xi32, #tpu.memory_space<hbm>>
            %dma_start3A_693 = tpu.memref_squeeze %dma_start3A_692 : memref<1x8x80xi32, #tpu.memory_space<hbm>> -> memref<8x80xi32, #tpu.memory_space<hbm>>
            %dma_start3A_694 = arith.constant 0 : i32
            %dma_start3A_695 = arith.constant 0 : i32
            %dma_start3A_696 = tpu.memref_slice %run_scoped3A_7[%select_n3A_670, %dma_start3A_694, %dma_start3A_695] : memref<2x8x80xi32, #tpu.memory_space<vmem>> -> memref<1x8x80xi32, #tpu.memory_space<vmem>>
            %dma_start3A_697 = tpu.memref_squeeze %dma_start3A_696 : memref<1x8x80xi32, #tpu.memory_space<vmem>> -> memref<8x80xi32, #tpu.memory_space<vmem>>
            %dma_start3A_698 = arith.constant 0 : i32
            %dma_start3A_699 = tpu.memref_slice %arg4[%add3A, %mul3A_686, %dma_start3A_698] : memref<32x128x80xi32, #tpu.memory_space<hbm>> -> memref<1x8x80xi32, #tpu.memory_space<hbm>>
            %dma_start3A_700 = tpu.memref_squeeze %dma_start3A_699 : memref<1x8x80xi32, #tpu.memory_space<hbm>> -> memref<8x80xi32, #tpu.memory_space<hbm>>
            tpu.enqueue_dma source(%dma_start3A_700 : memref<8x80xi32, #tpu.memory_space<hbm>>) target(%dma_start3A_697 : memref<8x80xi32, #tpu.memory_space<vmem>>) target_semaphore(%arg17 : memref<!tpu.dma_semaphore, #tpu.memory_space<semaphore_mem>>)
          } else {
          }
          %jit3A_538 = arith.constant 8 : i32
          %div3A_539 = arith.divsi %add3A_302, %jit3A_538 : i32
          %sign3A_540 = arith.constant 0 : i32
          %sign3A_541 = arith.cmpi sgt, %add3A_302, %sign3A_540 : i32
          %sign3A_542 = arith.extui %sign3A_541 : i1 to i32
          %sign3A_543 = arith.constant 0 : i32
          %sign3A_544 = arith.cmpi slt, %add3A_302, %sign3A_543 : i32
          %sign3A_545 = arith.extui %sign3A_544 : i1 to i32
          %sign3A_546 = arith.subi %sign3A_542, %sign3A_545 : i32
          %sign3A_547 = arith.constant 0 : i32
          %sign3A_548 = arith.cmpi sgt, %jit3A_538, %sign3A_547 : i32
          %sign3A_549 = arith.extui %sign3A_548 : i1 to i32
          %sign3A_550 = arith.constant 0 : i32
          %sign3A_551 = arith.cmpi slt, %jit3A_538, %sign3A_550 : i32
          %sign3A_552 = arith.extui %sign3A_551 : i1 to i32
          %sign3A_553 = arith.subi %sign3A_549, %sign3A_552 : i32
          %ne3A_554 = arith.cmpi ne, %sign3A_546, %sign3A_553 : i32
          %rem3A_555 = arith.remsi %add3A_302, %jit3A_538 : i32
          %ne3A_556 = arith.constant 0 : i32
          %ne3A_557 = arith.cmpi ne, %rem3A_555, %ne3A_556 : i32
          %and3A_558 = arith.andi %ne3A_554, %ne3A_557 : i1
          %sub3A_559 = arith.constant 1 : i32
          %sub3A_560 = arith.subi %div3A_539, %sub3A_559 : i32
          %select_n3A_561 = arith.select %and3A_558, %sub3A_560, %div3A_539 : i32
          %jit3A_562 = arith.constant 2 : i32
          %eq3A_563 = arith.constant 0 : i32
          %eq3A_564 = arith.cmpi eq, %jit3A_562, %eq3A_563 : i32
          %jit3A_565 = arith.constant 1 : i32
          %select_n3A_566 = arith.select %eq3A_564, %jit3A_565, %jit3A_562 : i32
          %rem3A_567 = arith.remsi %select_n3A_561, %select_n3A_566 : i32
          %ne3A_568 = arith.constant 0 : i32
          %ne3A_569 = arith.cmpi ne, %rem3A_567, %ne3A_568 : i32
          %lt3A_570 = arith.constant 0 : i32
          %lt3A_571 = arith.cmpi slt, %rem3A_567, %lt3A_570 : i32
          %lt3A_572 = arith.constant 0 : i32
          %lt3A_573 = arith.cmpi slt, %select_n3A_566, %lt3A_572 : i32
          %ne3A_574 = arith.xori %lt3A_571, %lt3A_573 : i1
          %and3A_575 = arith.andi %ne3A_574, %ne3A_569 : i1
          %add3A_576 = arith.addi %rem3A_567, %select_n3A_566 : i32
          %select_n3A_577 = arith.select %and3A_575, %add3A_576, %rem3A_567 : i32
          %mul3A_578 = arith.constant 640 : i32
          %mul3A_579 = arith.muli %select_n3A_577, %mul3A_578 : i32
          %jit3A_580 = arith.constant 8 : i32
          %eq3A_581 = arith.constant 0 : i32
          %eq3A_582 = arith.cmpi eq, %jit3A_580, %eq3A_581 : i32
          %jit3A_583 = arith.constant 1 : i32
          %select_n3A_584 = arith.select %eq3A_582, %jit3A_583, %jit3A_580 : i32
          %rem3A_585 = arith.remsi %add3A_302, %select_n3A_584 : i32
          %ne3A_586 = arith.constant 0 : i32
          %ne3A_587 = arith.cmpi ne, %rem3A_585, %ne3A_586 : i32
          %lt3A_588 = arith.constant 0 : i32
          %lt3A_589 = arith.cmpi slt, %rem3A_585, %lt3A_588 : i32
          %lt3A_590 = arith.constant 0 : i32
          %lt3A_591 = arith.cmpi slt, %select_n3A_584, %lt3A_590 : i32
          %ne3A_592 = arith.xori %lt3A_589, %lt3A_591 : i1
          %and3A_593 = arith.andi %ne3A_592, %ne3A_587 : i1
          %add3A_594 = arith.addi %rem3A_585, %select_n3A_584 : i32
          %select_n3A_595 = arith.select %and3A_593, %add3A_594, %rem3A_585 : i32
          %mul3A_596 = arith.constant 80 : i32
          %mul3A_597 = arith.muli %select_n3A_595, %mul3A_596 : i32
          %add3A_598 = arith.addi %mul3A_579, %mul3A_597 : i32
          %dma_start3A_599 = tpu.memref_slice %run_scoped3A[%add3A_598] : memref<1280xi32, #tpu.memory_space<vmem>> -> memref<80xi32, #tpu.memory_space<vmem>>
          %dma_start3A_600 = arith.constant 0 : i32
          %dma_start3A_601 = arith.constant 0 : i32
          %dma_start3A_602 = tpu.memref_slice %arg2[%dma_start3A_600, %dma_start3A_601] : memref<10240x128xf32, #tpu.memory_space<hbm>> -> memref<10240x128xf32, #tpu.memory_space<hbm>>
          tpu.enqueue_indirect_dma source(%dma_start3A_602 : memref<10240x128xf32, #tpu.memory_space<hbm>>) target(%run_scoped3A_8 : memref<80x128xf32, #tpu.memory_space<vmem>>) offsets(%dma_start3A_599 : memref<80xi32, #tpu.memory_space<vmem>>) semaphore(%arg9 : memref<!tpu.dma_semaphore, #tpu.memory_space<semaphore_mem>>)
        } else {
        }
        %dma_wait3A_313 = arith.constant 0 : i32
        %dma_wait3A_314 = arith.constant 0 : i32
        %dma_wait3A_315 = tpu.memref_slice %arg2[%dma_wait3A_313, %dma_wait3A_314] : memref<10240x128xf32, #tpu.memory_space<hbm>> -> memref<80x128xf32, #tpu.memory_space<hbm>>
        %dma_wait3A_316 = arith.constant 0 : i32
        %dma_wait3A_317 = arith.constant 0 : i32
        %dma_wait3A_318 = tpu.memref_slice %arg2[%dma_wait3A_316, %dma_wait3A_317] : memref<10240x128xf32, #tpu.memory_space<hbm>> -> memref<80x128xf32, #tpu.memory_space<hbm>>
        tpu.wait_dma2 semaphore(%arg11 : memref<!tpu.dma_semaphore, #tpu.memory_space<semaphore_mem>>) src(%dma_wait3A_318 : memref<80x128xf32, #tpu.memory_space<hbm>>) dst(%run_scoped3A_10 : memref<80x128xf32, #tpu.memory_space<vmem>>)
        %jit3A_319 = arith.constant 8 : i32
        %div3A_320 = arith.divsi %add3A_300, %jit3A_319 : i32
        %sign3A_321 = arith.constant 0 : i32
        %sign3A_322 = arith.cmpi sgt, %add3A_300, %sign3A_321 : i32
        %sign3A_323 = arith.extui %sign3A_322 : i1 to i32
        %sign3A_324 = arith.constant 0 : i32
        %sign3A_325 = arith.cmpi slt, %add3A_300, %sign3A_324 : i32
        %sign3A_326 = arith.extui %sign3A_325 : i1 to i32
        %sign3A_327 = arith.subi %sign3A_323, %sign3A_326 : i32
        %sign3A_328 = arith.constant 0 : i32
        %sign3A_329 = arith.cmpi sgt, %jit3A_319, %sign3A_328 : i32
        %sign3A_330 = arith.extui %sign3A_329 : i1 to i32
        %sign3A_331 = arith.constant 0 : i32
        %sign3A_332 = arith.cmpi slt, %jit3A_319, %sign3A_331 : i32
        %sign3A_333 = arith.extui %sign3A_332 : i1 to i32
        %sign3A_334 = arith.subi %sign3A_330, %sign3A_333 : i32
        %ne3A_335 = arith.cmpi ne, %sign3A_327, %sign3A_334 : i32
        %rem3A_336 = arith.remsi %add3A_300, %jit3A_319 : i32
        %ne3A_337 = arith.constant 0 : i32
        %ne3A_338 = arith.cmpi ne, %rem3A_336, %ne3A_337 : i32
        %and3A_339 = arith.andi %ne3A_335, %ne3A_338 : i1
        %sub3A_340 = arith.constant 1 : i32
        %sub3A_341 = arith.subi %div3A_320, %sub3A_340 : i32
        %select_n3A_342 = arith.select %and3A_339, %sub3A_341, %div3A_320 : i32
        %jit3A_343 = arith.constant 2 : i32
        %eq3A_344 = arith.constant 0 : i32
        %eq3A_345 = arith.cmpi eq, %jit3A_343, %eq3A_344 : i32
        %jit3A_346 = arith.constant 1 : i32
        %select_n3A_347 = arith.select %eq3A_345, %jit3A_346, %jit3A_343 : i32
        %rem3A_348 = arith.remsi %select_n3A_342, %select_n3A_347 : i32
        %ne3A_349 = arith.constant 0 : i32
        %ne3A_350 = arith.cmpi ne, %rem3A_348, %ne3A_349 : i32
        %lt3A_351 = arith.constant 0 : i32
        %lt3A_352 = arith.cmpi slt, %rem3A_348, %lt3A_351 : i32
        %lt3A_353 = arith.constant 0 : i32
        %lt3A_354 = arith.cmpi slt, %select_n3A_347, %lt3A_353 : i32
        %ne3A_355 = arith.xori %lt3A_352, %lt3A_354 : i1
        %and3A_356 = arith.andi %ne3A_355, %ne3A_350 : i1
        %add3A_357 = arith.addi %rem3A_348, %select_n3A_347 : i32
        %select_n3A_358 = arith.select %and3A_356, %add3A_357, %rem3A_348 : i32
        %jit3A_359 = arith.constant 8 : i32
        %eq3A_360 = arith.constant 0 : i32
        %eq3A_361 = arith.cmpi eq, %jit3A_359, %eq3A_360 : i32
        %jit3A_362 = arith.constant 1 : i32
        %select_n3A_363 = arith.select %eq3A_361, %jit3A_362, %jit3A_359 : i32
        %rem3A_364 = arith.remsi %add3A_300, %select_n3A_363 : i32
        %ne3A_365 = arith.constant 0 : i32
        %ne3A_366 = arith.cmpi ne, %rem3A_364, %ne3A_365 : i32
        %lt3A_367 = arith.constant 0 : i32
        %lt3A_368 = arith.cmpi slt, %rem3A_364, %lt3A_367 : i32
        %lt3A_369 = arith.constant 0 : i32
        %lt3A_370 = arith.cmpi slt, %select_n3A_363, %lt3A_369 : i32
        %ne3A_371 = arith.xori %lt3A_368, %lt3A_370 : i1
        %and3A_372 = arith.andi %ne3A_371, %ne3A_366 : i1
        %add3A_373 = arith.addi %rem3A_364, %select_n3A_363 : i32
        %select_n3A_374 = arith.select %and3A_372, %add3A_373, %rem3A_364 : i32
        %dma_start3A_375 = arith.constant 0 : i32
        %dma_start3A_376 = tpu.memref_slice %run_scoped3A_7[%select_n3A_358, %select_n3A_374, %dma_start3A_375] : memref<2x8x80xi32, #tpu.memory_space<vmem>> -> memref<1x1x80xi32, #tpu.memory_space<vmem>>
        %dma_start3A_377 = tpu.memref_squeeze %dma_start3A_376 : memref<1x1x80xi32, #tpu.memory_space<vmem>> -> memref<80xi32, #tpu.memory_space<vmem>>
        %dma_start3A_378 = arith.constant 0 : i32
        %dma_start3A_379 = arith.constant 0 : i32
        %dma_start3A_380 = tpu.memref_slice %arg8[%dma_start3A_378, %dma_start3A_379] : memref<10240x128xf32, #tpu.memory_space<vmem_shared>> -> memref<10240x128xf32, #tpu.memory_space<vmem_shared>>
        tpu.enqueue_indirect_dma source(%run_scoped3A_10 : memref<80x128xf32, #tpu.memory_space<vmem>>) target(%dma_start3A_380 : memref<10240x128xf32, #tpu.memory_space<vmem_shared>>) offsets(%dma_start3A_377 : memref<80xi32, #tpu.memory_space<vmem>>) semaphore(%arg15 : memref<!tpu.dma_semaphore, #tpu.memory_space<semaphore_mem>>) {add = true}
        %mul3A_381 = arith.constant 4 : i32
        %mul3A_382 = arith.muli %mul3A_381, %scan3A_141 : i32
        %add3A_383 = arith.constant 3 : i32
        %add3A_384 = arith.addi %mul3A_382, %add3A_383 : i32
        %add3A_385 = arith.constant 2 : i32
        %add3A_386 = arith.addi %add3A_384, %add3A_385 : i32
        %ge3A_387 = arith.constant 2 : i32
        %ge3A_388 = arith.cmpi sge, %add3A_384, %ge3A_387 : i32
        %convert_element_type3A_389 = arith.extui %ge3A_388 : i1 to i32
        %cond3A_390 = arith.constant 0 : i32
        %cond3A_391 = arith.cmpi ne, %convert_element_type3A_389, %cond3A_390 : i32
        scf.if %cond3A_391 {
          %dma_wait3A_465 = arith.constant 0 : i32
          %dma_wait3A_466 = arith.constant 0 : i32
          %dma_wait3A_467 = tpu.memref_slice %arg2[%dma_wait3A_465, %dma_wait3A_466] : memref<10240x128xf32, #tpu.memory_space<hbm>> -> memref<80x128xf32, #tpu.memory_space<hbm>>
          %dma_wait3A_468 = arith.constant 0 : i32
          %dma_wait3A_469 = arith.constant 0 : i32
          %dma_wait3A_470 = tpu.memref_slice %arg2[%dma_wait3A_468, %dma_wait3A_469] : memref<10240x128xf32, #tpu.memory_space<hbm>> -> memref<80x128xf32, #tpu.memory_space<hbm>>
          tpu.wait_dma2 semaphore(%arg14 : memref<!tpu.dma_semaphore, #tpu.memory_space<semaphore_mem>>) src(%dma_wait3A_470 : memref<80x128xf32, #tpu.memory_space<hbm>>) dst(%run_scoped3A_9 : memref<80x128xf32, #tpu.memory_space<vmem>>)
        } else {
        }
        %lt3A_392 = arith.constant 125 : i32
        %lt3A_393 = arith.cmpi slt, %add3A_386, %lt3A_392 : i32
        %convert_element_type3A_394 = arith.extui %lt3A_393 : i1 to i32
        %cond3A_395 = arith.constant 0 : i32
        %cond3A_396 = arith.cmpi ne, %convert_element_type3A_394, %cond3A_395 : i32
        scf.if %cond3A_396 {
          %jit3A_465 = arith.constant 8 : i32
          %eq3A_466 = arith.constant 0 : i32
          %eq3A_467 = arith.cmpi eq, %jit3A_465, %eq3A_466 : i32
          %jit3A_468 = arith.constant 1 : i32
          %select_n3A_469 = arith.select %eq3A_467, %jit3A_468, %jit3A_465 : i32
          %rem3A_470 = arith.remsi %add3A_386, %select_n3A_469 : i32
          %ne3A_471 = arith.constant 0 : i32
          %ne3A_472 = arith.cmpi ne, %rem3A_470, %ne3A_471 : i32
          %lt3A_473 = arith.constant 0 : i32
          %lt3A_474 = arith.cmpi slt, %rem3A_470, %lt3A_473 : i32
          %lt3A_475 = arith.constant 0 : i32
          %lt3A_476 = arith.cmpi slt, %select_n3A_469, %lt3A_475 : i32
          %ne3A_477 = arith.xori %lt3A_474, %lt3A_476 : i1
          %and3A_478 = arith.andi %ne3A_477, %ne3A_472 : i1
          %add3A_479 = arith.addi %rem3A_470, %select_n3A_469 : i32
          %select_n3A_480 = arith.select %and3A_478, %add3A_479, %rem3A_470 : i32
          %eq3A_481 = arith.constant 0 : i32
          %eq3A_482 = arith.cmpi eq, %select_n3A_480, %eq3A_481 : i32
          %convert_element_type3A_483 = arith.extui %eq3A_482 : i1 to i32
          %cond3A_484 = arith.constant 0 : i32
          %cond3A_485 = arith.cmpi ne, %convert_element_type3A_483, %cond3A_484 : i32
          scf.if %cond3A_485 {
            %jit3A_603 = arith.constant 8 : i32
            %div3A_604 = arith.divsi %add3A_386, %jit3A_603 : i32
            %sign3A_605 = arith.constant 0 : i32
            %sign3A_606 = arith.cmpi sgt, %add3A_386, %sign3A_605 : i32
            %sign3A_607 = arith.extui %sign3A_606 : i1 to i32
            %sign3A_608 = arith.constant 0 : i32
            %sign3A_609 = arith.cmpi slt, %add3A_386, %sign3A_608 : i32
            %sign3A_610 = arith.extui %sign3A_609 : i1 to i32
            %sign3A_611 = arith.subi %sign3A_607, %sign3A_610 : i32
            %sign3A_612 = arith.constant 0 : i32
            %sign3A_613 = arith.cmpi sgt, %jit3A_603, %sign3A_612 : i32
            %sign3A_614 = arith.extui %sign3A_613 : i1 to i32
            %sign3A_615 = arith.constant 0 : i32
            %sign3A_616 = arith.cmpi slt, %jit3A_603, %sign3A_615 : i32
            %sign3A_617 = arith.extui %sign3A_616 : i1 to i32
            %sign3A_618 = arith.subi %sign3A_614, %sign3A_617 : i32
            %ne3A_619 = arith.cmpi ne, %sign3A_611, %sign3A_618 : i32
            %rem3A_620 = arith.remsi %add3A_386, %jit3A_603 : i32
            %ne3A_621 = arith.constant 0 : i32
            %ne3A_622 = arith.cmpi ne, %rem3A_620, %ne3A_621 : i32
            %and3A_623 = arith.andi %ne3A_619, %ne3A_622 : i1
            %sub3A_624 = arith.constant 1 : i32
            %sub3A_625 = arith.subi %div3A_604, %sub3A_624 : i32
            %select_n3A_626 = arith.select %and3A_623, %sub3A_625, %div3A_604 : i32
            %jit3A_627 = arith.constant 2 : i32
            %eq3A_628 = arith.constant 0 : i32
            %eq3A_629 = arith.cmpi eq, %jit3A_627, %eq3A_628 : i32
            %jit3A_630 = arith.constant 1 : i32
            %select_n3A_631 = arith.select %eq3A_629, %jit3A_630, %jit3A_627 : i32
            %rem3A_632 = arith.remsi %select_n3A_626, %select_n3A_631 : i32
            %ne3A_633 = arith.constant 0 : i32
            %ne3A_634 = arith.cmpi ne, %rem3A_632, %ne3A_633 : i32
            %lt3A_635 = arith.constant 0 : i32
            %lt3A_636 = arith.cmpi slt, %rem3A_632, %lt3A_635 : i32
            %lt3A_637 = arith.constant 0 : i32
            %lt3A_638 = arith.cmpi slt, %select_n3A_631, %lt3A_637 : i32
            %ne3A_639 = arith.xori %lt3A_636, %lt3A_638 : i1
            %and3A_640 = arith.andi %ne3A_639, %ne3A_634 : i1
            %add3A_641 = arith.addi %rem3A_632, %select_n3A_631 : i32
            %select_n3A_642 = arith.select %and3A_640, %add3A_641, %rem3A_632 : i32
            %mul3A_643 = arith.constant 8 : i32
            %mul3A_644 = arith.muli %select_n3A_642, %mul3A_643 : i32
            %mul3A_645 = arith.constant 80 : i32
            %mul3A_646 = arith.muli %mul3A_644, %mul3A_645 : i32
            %dma_wait3A_647 = arith.constant 0 : i32
            %dma_wait3A_648 = tpu.memref_slice %run_scoped3A[%mul3A_646] : memref<1280xi32, #tpu.memory_space<vmem>> -> memref<640xi32, #tpu.memory_space<vmem>>
            %dma_wait3A_649 = arith.constant 0 : i32
            %dma_wait3A_650 = tpu.memref_slice %arg3[%dma_wait3A_647, %dma_wait3A_649] : memref<32x10240xi32, #tpu.memory_space<hbm>> -> memref<1x640xi32, #tpu.memory_space<hbm>>
            %dma_wait3A_651 = tpu.memref_squeeze %dma_wait3A_650 : memref<1x640xi32, #tpu.memory_space<hbm>> -> memref<640xi32, #tpu.memory_space<hbm>>
            %dma_wait3A_652 = tpu.memref_slice %run_scoped3A[%mul3A_646] : memref<1280xi32, #tpu.memory_space<vmem>> -> memref<640xi32, #tpu.memory_space<vmem>>
            %dma_wait3A_653 = arith.constant 0 : i32
            %dma_wait3A_654 = tpu.memref_slice %arg3[%dma_wait3A_647, %dma_wait3A_653] : memref<32x10240xi32, #tpu.memory_space<hbm>> -> memref<1x640xi32, #tpu.memory_space<hbm>>
            %dma_wait3A_655 = tpu.memref_squeeze %dma_wait3A_654 : memref<1x640xi32, #tpu.memory_space<hbm>> -> memref<640xi32, #tpu.memory_space<hbm>>
            tpu.wait_dma2 semaphore(%arg17 : memref<!tpu.dma_semaphore, #tpu.memory_space<semaphore_mem>>) src(%dma_wait3A_655 : memref<640xi32, #tpu.memory_space<hbm>>) dst(%dma_wait3A_652 : memref<640xi32, #tpu.memory_space<vmem>>)
            %dma_wait3A_656 = arith.constant 0 : i32
            %dma_wait3A_657 = arith.constant 0 : i32
            %dma_wait3A_658 = arith.constant 0 : i32
            %dma_wait3A_659 = tpu.memref_slice %run_scoped3A_7[%select_n3A_642, %dma_wait3A_657, %dma_wait3A_658] : memref<2x8x80xi32, #tpu.memory_space<vmem>> -> memref<1x8x80xi32, #tpu.memory_space<vmem>>
            %dma_wait3A_660 = tpu.memref_squeeze %dma_wait3A_659 : memref<1x8x80xi32, #tpu.memory_space<vmem>> -> memref<8x80xi32, #tpu.memory_space<vmem>>
            %dma_wait3A_661 = arith.constant 0 : i32
            %dma_wait3A_662 = arith.constant 0 : i32
            %dma_wait3A_663 = tpu.memref_slice %arg4[%dma_wait3A_656, %dma_wait3A_661, %dma_wait3A_662] : memref<32x128x80xi32, #tpu.memory_space<hbm>> -> memref<1x8x80xi32, #tpu.memory_space<hbm>>
            %dma_wait3A_664 = tpu.memref_squeeze %dma_wait3A_663 : memref<1x8x80xi32, #tpu.memory_space<hbm>> -> memref<8x80xi32, #tpu.memory_space<hbm>>
            %dma_wait3A_665 = arith.constant 0 : i32
            %dma_wait3A_666 = arith.constant 0 : i32
            %dma_wait3A_667 = tpu.memref_slice %run_scoped3A_7[%select_n3A_642, %dma_wait3A_665, %dma_wait3A_666] : memref<2x8x80xi32, #tpu.memory_space<vmem>> -> memref<1x8x80xi32, #tpu.memory_space<vmem>>
            %dma_wait3A_668 = tpu.memref_squeeze %dma_wait3A_667 : memref<1x8x80xi32, #tpu.memory_space<vmem>> -> memref<8x80xi32, #tpu.memory_space<vmem>>
            %dma_wait3A_669 = arith.constant 0 : i32
            %dma_wait3A_670 = arith.constant 0 : i32
            %dma_wait3A_671 = tpu.memref_slice %arg4[%dma_wait3A_656, %dma_wait3A_669, %dma_wait3A_670] : memref<32x128x80xi32, #tpu.memory_space<hbm>> -> memref<1x8x80xi32, #tpu.memory_space<hbm>>
            %dma_wait3A_672 = tpu.memref_squeeze %dma_wait3A_671 : memref<1x8x80xi32, #tpu.memory_space<hbm>> -> memref<8x80xi32, #tpu.memory_space<hbm>>
            tpu.wait_dma2 semaphore(%arg17 : memref<!tpu.dma_semaphore, #tpu.memory_space<semaphore_mem>>) src(%dma_wait3A_672 : memref<8x80xi32, #tpu.memory_space<hbm>>) dst(%dma_wait3A_668 : memref<8x80xi32, #tpu.memory_space<vmem>>)
          } else {
          }
          %jit3A_486 = arith.constant 8 : i32
          %eq3A_487 = arith.constant 0 : i32
          %eq3A_488 = arith.cmpi eq, %jit3A_486, %eq3A_487 : i32
          %jit3A_489 = arith.constant 1 : i32
          %select_n3A_490 = arith.select %eq3A_488, %jit3A_489, %jit3A_486 : i32
          %rem3A_491 = arith.remsi %add3A_386, %select_n3A_490 : i32
          %ne3A_492 = arith.constant 0 : i32
          %ne3A_493 = arith.cmpi ne, %rem3A_491, %ne3A_492 : i32
          %lt3A_494 = arith.constant 0 : i32
          %lt3A_495 = arith.cmpi slt, %rem3A_491, %lt3A_494 : i32
          %lt3A_496 = arith.constant 0 : i32
          %lt3A_497 = arith.cmpi slt, %select_n3A_490, %lt3A_496 : i32
          %ne3A_498 = arith.xori %lt3A_495, %lt3A_497 : i1
          %and3A_499 = arith.andi %ne3A_498, %ne3A_493 : i1
          %add3A_500 = arith.addi %rem3A_491, %select_n3A_490 : i32
          %select_n3A_501 = arith.select %and3A_499, %add3A_500, %rem3A_491 : i32
          %eq3A_502 = arith.constant 4 : i32
          %eq3A_503 = arith.cmpi eq, %select_n3A_501, %eq3A_502 : i32
          %ge3A_504 = arith.constant 12 : i32
          %ge3A_505 = arith.cmpi sge, %add3A_386, %ge3A_504 : i32
          %and3A_506 = arith.andi %eq3A_503, %ge3A_505 : i1
          %jit3A_507 = arith.constant 8 : i32
          %div3A_508 = arith.divsi %add3A_386, %jit3A_507 : i32
          %sign3A_509 = arith.constant 0 : i32
          %sign3A_510 = arith.cmpi sgt, %add3A_386, %sign3A_509 : i32
          %sign3A_511 = arith.extui %sign3A_510 : i1 to i32
          %sign3A_512 = arith.constant 0 : i32
          %sign3A_513 = arith.cmpi slt, %add3A_386, %sign3A_512 : i32
          %sign3A_514 = arith.extui %sign3A_513 : i1 to i32
          %sign3A_515 = arith.subi %sign3A_511, %sign3A_514 : i32
          %sign3A_516 = arith.constant 0 : i32
          %sign3A_517 = arith.cmpi sgt, %jit3A_507, %sign3A_516 : i32
          %sign3A_518 = arith.extui %sign3A_517 : i1 to i32
          %sign3A_519 = arith.constant 0 : i32
          %sign3A_520 = arith.cmpi slt, %jit3A_507, %sign3A_519 : i32
          %sign3A_521 = arith.extui %sign3A_520 : i1 to i32
          %sign3A_522 = arith.subi %sign3A_518, %sign3A_521 : i32
          %ne3A_523 = arith.cmpi ne, %sign3A_515, %sign3A_522 : i32
          %rem3A_524 = arith.remsi %add3A_386, %jit3A_507 : i32
          %ne3A_525 = arith.constant 0 : i32
          %ne3A_526 = arith.cmpi ne, %rem3A_524, %ne3A_525 : i32
          %and3A_527 = arith.andi %ne3A_523, %ne3A_526 : i1
          %sub3A_528 = arith.constant 1 : i32
          %sub3A_529 = arith.subi %div3A_508, %sub3A_528 : i32
          %select_n3A_530 = arith.select %and3A_527, %sub3A_529, %div3A_508 : i32
          %add3A_531 = arith.constant 1 : i32
          %add3A_532 = arith.addi %select_n3A_530, %add3A_531 : i32
          %le3A = arith.constant 15 : i32
          %le3A_533 = arith.cmpi sle, %add3A_532, %le3A : i32
          %and3A_534 = arith.andi %and3A_506, %le3A_533 : i1
          %convert_element_type3A_535 = arith.extui %and3A_534 : i1 to i32
          %cond3A_536 = arith.constant 0 : i32
          %cond3A_537 = arith.cmpi ne, %convert_element_type3A_535, %cond3A_536 : i32
          scf.if %cond3A_537 {
            %jit3A_603 = arith.constant 8 : i32
            %div3A_604 = arith.divsi %add3A_386, %jit3A_603 : i32
            %sign3A_605 = arith.constant 0 : i32
            %sign3A_606 = arith.cmpi sgt, %add3A_386, %sign3A_605 : i32
            %sign3A_607 = arith.extui %sign3A_606 : i1 to i32
            %sign3A_608 = arith.constant 0 : i32
            %sign3A_609 = arith.cmpi slt, %add3A_386, %sign3A_608 : i32
            %sign3A_610 = arith.extui %sign3A_609 : i1 to i32
            %sign3A_611 = arith.subi %sign3A_607, %sign3A_610 : i32
            %sign3A_612 = arith.constant 0 : i32
            %sign3A_613 = arith.cmpi sgt, %jit3A_603, %sign3A_612 : i32
            %sign3A_614 = arith.extui %sign3A_613 : i1 to i32
            %sign3A_615 = arith.constant 0 : i32
            %sign3A_616 = arith.cmpi slt, %jit3A_603, %sign3A_615 : i32
            %sign3A_617 = arith.extui %sign3A_616 : i1 to i32
            %sign3A_618 = arith.subi %sign3A_614, %sign3A_617 : i32
            %ne3A_619 = arith.cmpi ne, %sign3A_611, %sign3A_618 : i32
            %rem3A_620 = arith.remsi %add3A_386, %jit3A_603 : i32
            %ne3A_621 = arith.constant 0 : i32
            %ne3A_622 = arith.cmpi ne, %rem3A_620, %ne3A_621 : i32
            %and3A_623 = arith.andi %ne3A_619, %ne3A_622 : i1
            %sub3A_624 = arith.constant 1 : i32
            %sub3A_625 = arith.subi %div3A_604, %sub3A_624 : i32
            %select_n3A_626 = arith.select %and3A_623, %sub3A_625, %div3A_604 : i32
            %add3A_627 = arith.constant 1 : i32
            %add3A_628 = arith.addi %select_n3A_626, %add3A_627 : i32
            %jit3A_629 = arith.constant 8 : i32
            %div3A_630 = arith.divsi %add3A_386, %jit3A_629 : i32
            %sign3A_631 = arith.constant 0 : i32
            %sign3A_632 = arith.cmpi sgt, %add3A_386, %sign3A_631 : i32
            %sign3A_633 = arith.extui %sign3A_632 : i1 to i32
            %sign3A_634 = arith.constant 0 : i32
            %sign3A_635 = arith.cmpi slt, %add3A_386, %sign3A_634 : i32
            %sign3A_636 = arith.extui %sign3A_635 : i1 to i32
            %sign3A_637 = arith.subi %sign3A_633, %sign3A_636 : i32
            %sign3A_638 = arith.constant 0 : i32
            %sign3A_639 = arith.cmpi sgt, %jit3A_629, %sign3A_638 : i32
            %sign3A_640 = arith.extui %sign3A_639 : i1 to i32
            %sign3A_641 = arith.constant 0 : i32
            %sign3A_642 = arith.cmpi slt, %jit3A_629, %sign3A_641 : i32
            %sign3A_643 = arith.extui %sign3A_642 : i1 to i32
            %sign3A_644 = arith.subi %sign3A_640, %sign3A_643 : i32
            %ne3A_645 = arith.cmpi ne, %sign3A_637, %sign3A_644 : i32
            %rem3A_646 = arith.remsi %add3A_386, %jit3A_629 : i32
            %ne3A_647 = arith.constant 0 : i32
            %ne3A_648 = arith.cmpi ne, %rem3A_646, %ne3A_647 : i32
            %and3A_649 = arith.andi %ne3A_645, %ne3A_648 : i1
            %sub3A_650 = arith.constant 1 : i32
            %sub3A_651 = arith.subi %div3A_630, %sub3A_650 : i32
            %select_n3A_652 = arith.select %and3A_649, %sub3A_651, %div3A_630 : i32
            %add3A_653 = arith.constant 1 : i32
            %add3A_654 = arith.addi %select_n3A_652, %add3A_653 : i32
            %jit3A_655 = arith.constant 2 : i32
            %eq3A_656 = arith.constant 0 : i32
            %eq3A_657 = arith.cmpi eq, %jit3A_655, %eq3A_656 : i32
            %jit3A_658 = arith.constant 1 : i32
            %select_n3A_659 = arith.select %eq3A_657, %jit3A_658, %jit3A_655 : i32
            %rem3A_660 = arith.remsi %add3A_654, %select_n3A_659 : i32
            %ne3A_661 = arith.constant 0 : i32
            %ne3A_662 = arith.cmpi ne, %rem3A_660, %ne3A_661 : i32
            %lt3A_663 = arith.constant 0 : i32
            %lt3A_664 = arith.cmpi slt, %rem3A_660, %lt3A_663 : i32
            %lt3A_665 = arith.constant 0 : i32
            %lt3A_666 = arith.cmpi slt, %select_n3A_659, %lt3A_665 : i32
            %ne3A_667 = arith.xori %lt3A_664, %lt3A_666 : i1
            %and3A_668 = arith.andi %ne3A_667, %ne3A_662 : i1
            %add3A_669 = arith.addi %rem3A_660, %select_n3A_659 : i32
            %select_n3A_670 = arith.select %and3A_668, %add3A_669, %rem3A_660 : i32
            %mul3A_671 = arith.constant 8 : i32
            %mul3A_672 = arith.muli %add3A_628, %mul3A_671 : i32
            %mul3A_673 = arith.constant 80 : i32
            %mul3A_674 = arith.muli %mul3A_672, %mul3A_673 : i32
            %mul3A_675 = arith.constant 8 : i32
            %mul3A_676 = arith.muli %select_n3A_670, %mul3A_675 : i32
            %mul3A_677 = arith.constant 80 : i32
            %mul3A_678 = arith.muli %mul3A_676, %mul3A_677 : i32
            %dma_start3A_679 = tpu.memref_slice %run_scoped3A[%mul3A_678] : memref<1280xi32, #tpu.memory_space<vmem>> -> memref<640xi32, #tpu.memory_space<vmem>>
            %dma_start3A_680 = tpu.memref_slice %arg3[%add3A, %mul3A_674] : memref<32x10240xi32, #tpu.memory_space<hbm>> -> memref<1x640xi32, #tpu.memory_space<hbm>>
            %dma_start3A_681 = tpu.memref_squeeze %dma_start3A_680 : memref<1x640xi32, #tpu.memory_space<hbm>> -> memref<640xi32, #tpu.memory_space<hbm>>
            %dma_start3A_682 = tpu.memref_slice %run_scoped3A[%mul3A_678] : memref<1280xi32, #tpu.memory_space<vmem>> -> memref<640xi32, #tpu.memory_space<vmem>>
            %dma_start3A_683 = tpu.memref_slice %arg3[%add3A, %mul3A_674] : memref<32x10240xi32, #tpu.memory_space<hbm>> -> memref<1x640xi32, #tpu.memory_space<hbm>>
            %dma_start3A_684 = tpu.memref_squeeze %dma_start3A_683 : memref<1x640xi32, #tpu.memory_space<hbm>> -> memref<640xi32, #tpu.memory_space<hbm>>
            tpu.enqueue_dma source(%dma_start3A_684 : memref<640xi32, #tpu.memory_space<hbm>>) target(%dma_start3A_682 : memref<640xi32, #tpu.memory_space<vmem>>) target_semaphore(%arg17 : memref<!tpu.dma_semaphore, #tpu.memory_space<semaphore_mem>>)
            %mul3A_685 = arith.constant 8 : i32
            %mul3A_686 = arith.muli %add3A_628, %mul3A_685 : i32
            %dma_start3A_687 = arith.constant 0 : i32
            %dma_start3A_688 = arith.constant 0 : i32
            %dma_start3A_689 = tpu.memref_slice %run_scoped3A_7[%select_n3A_670, %dma_start3A_687, %dma_start3A_688] : memref<2x8x80xi32, #tpu.memory_space<vmem>> -> memref<1x8x80xi32, #tpu.memory_space<vmem>>
            %dma_start3A_690 = tpu.memref_squeeze %dma_start3A_689 : memref<1x8x80xi32, #tpu.memory_space<vmem>> -> memref<8x80xi32, #tpu.memory_space<vmem>>
            %dma_start3A_691 = arith.constant 0 : i32
            %dma_start3A_692 = tpu.memref_slice %arg4[%add3A, %mul3A_686, %dma_start3A_691] : memref<32x128x80xi32, #tpu.memory_space<hbm>> -> memref<1x8x80xi32, #tpu.memory_space<hbm>>
            %dma_start3A_693 = tpu.memref_squeeze %dma_start3A_692 : memref<1x8x80xi32, #tpu.memory_space<hbm>> -> memref<8x80xi32, #tpu.memory_space<hbm>>
            %dma_start3A_694 = arith.constant 0 : i32
            %dma_start3A_695 = arith.constant 0 : i32
            %dma_start3A_696 = tpu.memref_slice %run_scoped3A_7[%select_n3A_670, %dma_start3A_694, %dma_start3A_695] : memref<2x8x80xi32, #tpu.memory_space<vmem>> -> memref<1x8x80xi32, #tpu.memory_space<vmem>>
            %dma_start3A_697 = tpu.memref_squeeze %dma_start3A_696 : memref<1x8x80xi32, #tpu.memory_space<vmem>> -> memref<8x80xi32, #tpu.memory_space<vmem>>
            %dma_start3A_698 = arith.constant 0 : i32
            %dma_start3A_699 = tpu.memref_slice %arg4[%add3A, %mul3A_686, %dma_start3A_698] : memref<32x128x80xi32, #tpu.memory_space<hbm>> -> memref<1x8x80xi32, #tpu.memory_space<hbm>>
            %dma_start3A_700 = tpu.memref_squeeze %dma_start3A_699 : memref<1x8x80xi32, #tpu.memory_space<hbm>> -> memref<8x80xi32, #tpu.memory_space<hbm>>
            tpu.enqueue_dma source(%dma_start3A_700 : memref<8x80xi32, #tpu.memory_space<hbm>>) target(%dma_start3A_697 : memref<8x80xi32, #tpu.memory_space<vmem>>) target_semaphore(%arg17 : memref<!tpu.dma_semaphore, #tpu.memory_space<semaphore_mem>>)
          } else {
          }
          %jit3A_538 = arith.constant 8 : i32
          %div3A_539 = arith.divsi %add3A_386, %jit3A_538 : i32
          %sign3A_540 = arith.constant 0 : i32
          %sign3A_541 = arith.cmpi sgt, %add3A_386, %sign3A_540 : i32
          %sign3A_542 = arith.extui %sign3A_541 : i1 to i32
          %sign3A_543 = arith.constant 0 : i32
          %sign3A_544 = arith.cmpi slt, %add3A_386, %sign3A_543 : i32
          %sign3A_545 = arith.extui %sign3A_544 : i1 to i32
          %sign3A_546 = arith.subi %sign3A_542, %sign3A_545 : i32
          %sign3A_547 = arith.constant 0 : i32
          %sign3A_548 = arith.cmpi sgt, %jit3A_538, %sign3A_547 : i32
          %sign3A_549 = arith.extui %sign3A_548 : i1 to i32
          %sign3A_550 = arith.constant 0 : i32
          %sign3A_551 = arith.cmpi slt, %jit3A_538, %sign3A_550 : i32
          %sign3A_552 = arith.extui %sign3A_551 : i1 to i32
          %sign3A_553 = arith.subi %sign3A_549, %sign3A_552 : i32
          %ne3A_554 = arith.cmpi ne, %sign3A_546, %sign3A_553 : i32
          %rem3A_555 = arith.remsi %add3A_386, %jit3A_538 : i32
          %ne3A_556 = arith.constant 0 : i32
          %ne3A_557 = arith.cmpi ne, %rem3A_555, %ne3A_556 : i32
          %and3A_558 = arith.andi %ne3A_554, %ne3A_557 : i1
          %sub3A_559 = arith.constant 1 : i32
          %sub3A_560 = arith.subi %div3A_539, %sub3A_559 : i32
          %select_n3A_561 = arith.select %and3A_558, %sub3A_560, %div3A_539 : i32
          %jit3A_562 = arith.constant 2 : i32
          %eq3A_563 = arith.constant 0 : i32
          %eq3A_564 = arith.cmpi eq, %jit3A_562, %eq3A_563 : i32
          %jit3A_565 = arith.constant 1 : i32
          %select_n3A_566 = arith.select %eq3A_564, %jit3A_565, %jit3A_562 : i32
          %rem3A_567 = arith.remsi %select_n3A_561, %select_n3A_566 : i32
          %ne3A_568 = arith.constant 0 : i32
          %ne3A_569 = arith.cmpi ne, %rem3A_567, %ne3A_568 : i32
          %lt3A_570 = arith.constant 0 : i32
          %lt3A_571 = arith.cmpi slt, %rem3A_567, %lt3A_570 : i32
          %lt3A_572 = arith.constant 0 : i32
          %lt3A_573 = arith.cmpi slt, %select_n3A_566, %lt3A_572 : i32
          %ne3A_574 = arith.xori %lt3A_571, %lt3A_573 : i1
          %and3A_575 = arith.andi %ne3A_574, %ne3A_569 : i1
          %add3A_576 = arith.addi %rem3A_567, %select_n3A_566 : i32
          %select_n3A_577 = arith.select %and3A_575, %add3A_576, %rem3A_567 : i32
          %mul3A_578 = arith.constant 640 : i32
          %mul3A_579 = arith.muli %select_n3A_577, %mul3A_578 : i32
          %jit3A_580 = arith.constant 8 : i32
          %eq3A_581 = arith.constant 0 : i32
          %eq3A_582 = arith.cmpi eq, %jit3A_580, %eq3A_581 : i32
          %jit3A_583 = arith.constant 1 : i32
          %select_n3A_584 = arith.select %eq3A_582, %jit3A_583, %jit3A_580 : i32
          %rem3A_585 = arith.remsi %add3A_386, %select_n3A_584 : i32
          %ne3A_586 = arith.constant 0 : i32
          %ne3A_587 = arith.cmpi ne, %rem3A_585, %ne3A_586 : i32
          %lt3A_588 = arith.constant 0 : i32
          %lt3A_589 = arith.cmpi slt, %rem3A_585, %lt3A_588 : i32
          %lt3A_590 = arith.constant 0 : i32
          %lt3A_591 = arith.cmpi slt, %select_n3A_584, %lt3A_590 : i32
          %ne3A_592 = arith.xori %lt3A_589, %lt3A_591 : i1
          %and3A_593 = arith.andi %ne3A_592, %ne3A_587 : i1
          %add3A_594 = arith.addi %rem3A_585, %select_n3A_584 : i32
          %select_n3A_595 = arith.select %and3A_593, %add3A_594, %rem3A_585 : i32
          %mul3A_596 = arith.constant 80 : i32
          %mul3A_597 = arith.muli %select_n3A_595, %mul3A_596 : i32
          %add3A_598 = arith.addi %mul3A_579, %mul3A_597 : i32
          %dma_start3A_599 = tpu.memref_slice %run_scoped3A[%add3A_598] : memref<1280xi32, #tpu.memory_space<vmem>> -> memref<80xi32, #tpu.memory_space<vmem>>
          %dma_start3A_600 = arith.constant 0 : i32
          %dma_start3A_601 = arith.constant 0 : i32
          %dma_start3A_602 = tpu.memref_slice %arg2[%dma_start3A_600, %dma_start3A_601] : memref<10240x128xf32, #tpu.memory_space<hbm>> -> memref<10240x128xf32, #tpu.memory_space<hbm>>
          tpu.enqueue_indirect_dma source(%dma_start3A_602 : memref<10240x128xf32, #tpu.memory_space<hbm>>) target(%run_scoped3A_9 : memref<80x128xf32, #tpu.memory_space<vmem>>) offsets(%dma_start3A_599 : memref<80xi32, #tpu.memory_space<vmem>>) semaphore(%arg10 : memref<!tpu.dma_semaphore, #tpu.memory_space<semaphore_mem>>)
        } else {
        }
        %dma_wait3A_397 = arith.constant 0 : i32
        %dma_wait3A_398 = arith.constant 0 : i32
        %dma_wait3A_399 = tpu.memref_slice %arg2[%dma_wait3A_397, %dma_wait3A_398] : memref<10240x128xf32, #tpu.memory_space<hbm>> -> memref<80x128xf32, #tpu.memory_space<hbm>>
        %dma_wait3A_400 = arith.constant 0 : i32
        %dma_wait3A_401 = arith.constant 0 : i32
        %dma_wait3A_402 = tpu.memref_slice %arg2[%dma_wait3A_400, %dma_wait3A_401] : memref<10240x128xf32, #tpu.memory_space<hbm>> -> memref<80x128xf32, #tpu.memory_space<hbm>>
        tpu.wait_dma2 semaphore(%arg12 : memref<!tpu.dma_semaphore, #tpu.memory_space<semaphore_mem>>) src(%dma_wait3A_402 : memref<80x128xf32, #tpu.memory_space<hbm>>) dst(%run_scoped3A_11 : memref<80x128xf32, #tpu.memory_space<vmem>>)
        %jit3A_403 = arith.constant 8 : i32
        %div3A_404 = arith.divsi %add3A_384, %jit3A_403 : i32
        %sign3A_405 = arith.constant 0 : i32
        %sign3A_406 = arith.cmpi sgt, %add3A_384, %sign3A_405 : i32
        %sign3A_407 = arith.extui %sign3A_406 : i1 to i32
        %sign3A_408 = arith.constant 0 : i32
        %sign3A_409 = arith.cmpi slt, %add3A_384, %sign3A_408 : i32
        %sign3A_410 = arith.extui %sign3A_409 : i1 to i32
        %sign3A_411 = arith.subi %sign3A_407, %sign3A_410 : i32
        %sign3A_412 = arith.constant 0 : i32
        %sign3A_413 = arith.cmpi sgt, %jit3A_403, %sign3A_412 : i32
        %sign3A_414 = arith.extui %sign3A_413 : i1 to i32
        %sign3A_415 = arith.constant 0 : i32
        %sign3A_416 = arith.cmpi slt, %jit3A_403, %sign3A_415 : i32
        %sign3A_417 = arith.extui %sign3A_416 : i1 to i32
        %sign3A_418 = arith.subi %sign3A_414, %sign3A_417 : i32
        %ne3A_419 = arith.cmpi ne, %sign3A_411, %sign3A_418 : i32
        %rem3A_420 = arith.remsi %add3A_384, %jit3A_403 : i32
        %ne3A_421 = arith.constant 0 : i32
        %ne3A_422 = arith.cmpi ne, %rem3A_420, %ne3A_421 : i32
        %and3A_423 = arith.andi %ne3A_419, %ne3A_422 : i1
        %sub3A_424 = arith.constant 1 : i32
        %sub3A_425 = arith.subi %div3A_404, %sub3A_424 : i32
        %select_n3A_426 = arith.select %and3A_423, %sub3A_425, %div3A_404 : i32
        %jit3A_427 = arith.constant 2 : i32
        %eq3A_428 = arith.constant 0 : i32
        %eq3A_429 = arith.cmpi eq, %jit3A_427, %eq3A_428 : i32
        %jit3A_430 = arith.constant 1 : i32
        %select_n3A_431 = arith.select %eq3A_429, %jit3A_430, %jit3A_427 : i32
        %rem3A_432 = arith.remsi %select_n3A_426, %select_n3A_431 : i32
        %ne3A_433 = arith.constant 0 : i32
        %ne3A_434 = arith.cmpi ne, %rem3A_432, %ne3A_433 : i32
        %lt3A_435 = arith.constant 0 : i32
        %lt3A_436 = arith.cmpi slt, %rem3A_432, %lt3A_435 : i32
        %lt3A_437 = arith.constant 0 : i32
        %lt3A_438 = arith.cmpi slt, %select_n3A_431, %lt3A_437 : i32
        %ne3A_439 = arith.xori %lt3A_436, %lt3A_438 : i1
        %and3A_440 = arith.andi %ne3A_439, %ne3A_434 : i1
        %add3A_441 = arith.addi %rem3A_432, %select_n3A_431 : i32
        %select_n3A_442 = arith.select %and3A_440, %add3A_441, %rem3A_432 : i32
        %jit3A_443 = arith.constant 8 : i32
        %eq3A_444 = arith.constant 0 : i32
        %eq3A_445 = arith.cmpi eq, %jit3A_443, %eq3A_444 : i32
        %jit3A_446 = arith.constant 1 : i32
        %select_n3A_447 = arith.select %eq3A_445, %jit3A_446, %jit3A_443 : i32
        %rem3A_448 = arith.remsi %add3A_384, %select_n3A_447 : i32
        %ne3A_449 = arith.constant 0 : i32
        %ne3A_450 = arith.cmpi ne, %rem3A_448, %ne3A_449 : i32
        %lt3A_451 = arith.constant 0 : i32
        %lt3A_452 = arith.cmpi slt, %rem3A_448, %lt3A_451 : i32
        %lt3A_453 = arith.constant 0 : i32
        %lt3A_454 = arith.cmpi slt, %select_n3A_447, %lt3A_453 : i32
        %ne3A_455 = arith.xori %lt3A_452, %lt3A_454 : i1
        %and3A_456 = arith.andi %ne3A_455, %ne3A_450 : i1
        %add3A_457 = arith.addi %rem3A_448, %select_n3A_447 : i32
        %select_n3A_458 = arith.select %and3A_456, %add3A_457, %rem3A_448 : i32
        %dma_start3A_459 = arith.constant 0 : i32
        %dma_start3A_460 = tpu.memref_slice %run_scoped3A_7[%select_n3A_442, %select_n3A_458, %dma_start3A_459] : memref<2x8x80xi32, #tpu.memory_space<vmem>> -> memref<1x1x80xi32, #tpu.memory_space<vmem>>
        %dma_start3A_461 = tpu.memref_squeeze %dma_start3A_460 : memref<1x1x80xi32, #tpu.memory_space<vmem>> -> memref<80xi32, #tpu.memory_space<vmem>>
        %dma_start3A_462 = arith.constant 0 : i32
        %dma_start3A_463 = arith.constant 0 : i32
        %dma_start3A_464 = tpu.memref_slice %arg8[%dma_start3A_462, %dma_start3A_463] : memref<10240x128xf32, #tpu.memory_space<vmem_shared>> -> memref<10240x128xf32, #tpu.memory_space<vmem_shared>>
        tpu.enqueue_indirect_dma source(%run_scoped3A_11 : memref<80x128xf32, #tpu.memory_space<vmem>>) target(%dma_start3A_464 : memref<10240x128xf32, #tpu.memory_space<vmem_shared>>) offsets(%dma_start3A_461 : memref<80xi32, #tpu.memory_space<vmem>>) semaphore(%arg16 : memref<!tpu.dma_semaphore, #tpu.memory_space<semaphore_mem>>) {add = true}
      }
      %scan3A_108 = arith.constant 31 : i32
      %dma_wait3A_109 = arith.constant 0 : i32
      %dma_wait3A_110 = arith.constant 0 : i32
      %dma_wait3A_111 = tpu.memref_slice %arg2[%dma_wait3A_109, %dma_wait3A_110] : memref<10240x128xf32, #tpu.memory_space<hbm>> -> memref<80x128xf32, #tpu.memory_space<hbm>>
      %dma_wait3A_112 = arith.constant 0 : i32
      %dma_wait3A_113 = arith.constant 0 : i32
      %dma_wait3A_114 = tpu.memref_slice %arg2[%dma_wait3A_112, %dma_wait3A_113] : memref<10240x128xf32, #tpu.memory_space<hbm>> -> memref<80x128xf32, #tpu.memory_space<hbm>>
      tpu.wait_dma2 semaphore(%arg9 : memref<!tpu.dma_semaphore, #tpu.memory_space<semaphore_mem>>) src(%dma_wait3A_114 : memref<80x128xf32, #tpu.memory_space<hbm>>) dst(%run_scoped3A_8 : memref<80x128xf32, #tpu.memory_space<vmem>>)
      %dma_start3A_115 = arith.constant 1 : i32
      %dma_start3A_116 = arith.constant 4 : i32
      %dma_start3A_117 = arith.constant 0 : i32
      %dma_start3A_118 = tpu.memref_slice %run_scoped3A_7[%dma_start3A_115, %dma_start3A_116, %dma_start3A_117] : memref<2x8x80xi32, #tpu.memory_space<vmem>> -> memref<1x1x80xi32, #tpu.memory_space<vmem>>
      %dma_start3A_119 = tpu.memref_squeeze %dma_start3A_118 : memref<1x1x80xi32, #tpu.memory_space<vmem>> -> memref<80xi32, #tpu.memory_space<vmem>>
      %dma_start3A_120 = arith.constant 0 : i32
      %dma_start3A_121 = arith.constant 0 : i32
      %dma_start3A_122 = tpu.memref_slice %arg8[%dma_start3A_120, %dma_start3A_121] : memref<10240x128xf32, #tpu.memory_space<vmem_shared>> -> memref<10240x128xf32, #tpu.memory_space<vmem_shared>>
      tpu.enqueue_indirect_dma source(%run_scoped3A_8 : memref<80x128xf32, #tpu.memory_space<vmem>>) target(%dma_start3A_122 : memref<10240x128xf32, #tpu.memory_space<vmem_shared>>) offsets(%dma_start3A_119 : memref<80xi32, #tpu.memory_space<vmem>>) semaphore(%arg13 : memref<!tpu.dma_semaphore, #tpu.memory_space<semaphore_mem>>) {add = true}
      %dma_wait3A_123 = arith.constant 0 : i32
      %dma_wait3A_124 = arith.constant 0 : i32
      %dma_wait3A_125 = tpu.memref_slice %arg2[%dma_wait3A_123, %dma_wait3A_124] : memref<10240x128xf32, #tpu.memory_space<hbm>> -> memref<80x128xf32, #tpu.memory_space<hbm>>
      %dma_wait3A_126 = arith.constant 0 : i32
      %dma_wait3A_127 = arith.constant 0 : i32
      %dma_wait3A_128 = tpu.memref_slice %arg2[%dma_wait3A_126, %dma_wait3A_127] : memref<10240x128xf32, #tpu.memory_space<hbm>> -> memref<80x128xf32, #tpu.memory_space<hbm>>
      tpu.wait_dma2 semaphore(%arg15 : memref<!tpu.dma_semaphore, #tpu.memory_space<semaphore_mem>>) src(%dma_wait3A_128 : memref<80x128xf32, #tpu.memory_space<hbm>>) dst(%run_scoped3A_10 : memref<80x128xf32, #tpu.memory_space<vmem>>)
      %dma_wait3A_129 = arith.constant 0 : i32
      %dma_wait3A_130 = arith.constant 0 : i32
      %dma_wait3A_131 = tpu.memref_slice %arg2[%dma_wait3A_129, %dma_wait3A_130] : memref<10240x128xf32, #tpu.memory_space<hbm>> -> memref<80x128xf32, #tpu.memory_space<hbm>>
      %dma_wait3A_132 = arith.constant 0 : i32
      %dma_wait3A_133 = arith.constant 0 : i32
      %dma_wait3A_134 = tpu.memref_slice %arg2[%dma_wait3A_132, %dma_wait3A_133] : memref<10240x128xf32, #tpu.memory_space<hbm>> -> memref<80x128xf32, #tpu.memory_space<hbm>>
      tpu.wait_dma2 semaphore(%arg16 : memref<!tpu.dma_semaphore, #tpu.memory_space<semaphore_mem>>) src(%dma_wait3A_134 : memref<80x128xf32, #tpu.memory_space<hbm>>) dst(%run_scoped3A_11 : memref<80x128xf32, #tpu.memory_space<vmem>>)
      %dma_wait3A_135 = arith.constant 0 : i32
      %dma_wait3A_136 = arith.constant 0 : i32
      %dma_wait3A_137 = tpu.memref_slice %arg2[%dma_wait3A_135, %dma_wait3A_136] : memref<10240x128xf32, #tpu.memory_space<hbm>> -> memref<80x128xf32, #tpu.memory_space<hbm>>
      %dma_wait3A_138 = arith.constant 0 : i32
      %dma_wait3A_139 = arith.constant 0 : i32
      %dma_wait3A_140 = tpu.memref_slice %arg2[%dma_wait3A_138, %dma_wait3A_139] : memref<10240x128xf32, #tpu.memory_space<hbm>> -> memref<80x128xf32, #tpu.memory_space<hbm>>
      tpu.wait_dma2 semaphore(%arg13 : memref<!tpu.dma_semaphore, #tpu.memory_space<semaphore_mem>>) src(%dma_wait3A_140 : memref<80x128xf32, #tpu.memory_space<hbm>>) dst(%run_scoped3A_8 : memref<80x128xf32, #tpu.memory_space<vmem>>)
      tpu.yield
    }) : () -> ()
    %barrier3A = arith.constant 0 : index
    tpu.barrier barrier_id(%barrier3A)
    %mul3A_3 = arith.constant 640 : i32
    %mul3A_4 = arith.muli %arg1, %mul3A_3 : i32
    %mul3A_5 = arith.constant 640 : i32
    %mul3A_6 = arith.muli %arg1, %mul3A_5 : i32
    "tpu.region"() ({
      %run_scoped3A = tpu.sem_alloc : memref<!tpu.dma_semaphore, #tpu.memory_space<semaphore_mem>>
      %dma_start3A = arith.constant 0 : i32
      %dma_start3A_7 = tpu.memref_slice %arg6[%arg0, %mul3A_6, %dma_start3A] : memref<2x10240x128xf32, #tpu.memory_space<hbm>> -> memref<1x640x128xf32, #tpu.memory_space<hbm>>
      %dma_start3A_8 = tpu.memref_squeeze %dma_start3A_7 : memref<1x640x128xf32, #tpu.memory_space<hbm>> -> memref<640x128xf32, #tpu.memory_space<hbm>>
      %dma_start3A_9 = arith.constant 0 : i32
      %dma_start3A_10 = tpu.memref_slice %arg8[%mul3A_4, %dma_start3A_9] : memref<10240x128xf32, #tpu.memory_space<vmem_shared>> -> memref<640x128xf32, #tpu.memory_space<vmem_shared>>
      tpu.enqueue_dma source(%dma_start3A_10 : memref<640x128xf32, #tpu.memory_space<vmem_shared>>) target(%dma_start3A_8 : memref<640x128xf32, #tpu.memory_space<hbm>>) target_semaphore(%run_scoped3A : memref<!tpu.dma_semaphore, #tpu.memory_space<semaphore_mem>>)
      %dma_wait3A = arith.constant 0 : i32
      %dma_wait3A_11 = tpu.memref_slice %arg6[%arg0, %mul3A_6, %dma_wait3A] : memref<2x10240x128xf32, #tpu.memory_space<hbm>> -> memref<1x640x128xf32, #tpu.memory_space<hbm>>
      %dma_wait3A_12 = tpu.memref_squeeze %dma_wait3A_11 : memref<1x640x128xf32, #tpu.memory_space<hbm>> -> memref<640x128xf32, #tpu.memory_space<hbm>>
      %dma_wait3A_13 = arith.constant 0 : i32
      %dma_wait3A_14 = tpu.memref_slice %arg8[%mul3A_4, %dma_wait3A_13] : memref<10240x128xf32, #tpu.memory_space<vmem_shared>> -> memref<640x128xf32, #tpu.memory_space<vmem_shared>>
      tpu.wait_dma2 semaphore(%run_scoped3A : memref<!tpu.dma_semaphore, #tpu.memory_space<semaphore_mem>>) src(%dma_wait3A_14 : memref<640x128xf32, #tpu.memory_space<vmem_shared>>) dst(%dma_wait3A_12 : memref<640x128xf32, #tpu.memory_space<hbm>>)
      tpu.yield
    }) : () -> ()
    return
  }
}

#map = affine_map<(d0, d1) -> (0)>
#map1 = affine_map<(d0, d1) -> (0, 0, 0)>
module attributes {stable_mosaic.version = 14 : i64} {
  func.func @_edge_body(%arg0: i32, %arg1: i32, %arg2: memref<20480xf32, #tpu.memory_space<hbm>>, %arg3: memref<32x125x80xi32, #tpu.memory_space<hbm>>, %arg4: memref<32x125x80xi32, #tpu.memory_space<hbm>>, %arg5: memref<32x125x80xf32, #tpu.memory_space<hbm>>, %arg6: memref<20480xf32, #tpu.memory_space<vmem>>, %arg7: memref<125x80xi32, #tpu.memory_space<vmem>>, %arg8: memref<125x80xi32, #tpu.memory_space<vmem>>, %arg9: memref<125x80xf32, #tpu.memory_space<vmem>>) attributes {dimension_semantics = [#tpu.dimension_semantics<core_parallel>, #tpu.dimension_semantics<subcore_parallel>], iteration_bounds = array<i64: 2, 16>, scalar_prefetch = 0 : i64, scratch_operands = 4 : i64, tpu.core_type = #tpu.core_type<sc_vector_subcore>, window_params = [{transform_indices = #map}, {transform_indices = #map1}, {transform_indices = #map1}, {transform_indices = #map1}]} {
    %mul3A = arith.constant 2 : i32
    %mul3A_0 = arith.muli %arg1, %mul3A : i32
    %add3A = arith.addi %mul3A_0, %arg0 : i32
    "tpu.region"() ({
      %run_scoped3A = tpu.sem_alloc : memref<!tpu.dma_semaphore, #tpu.memory_space<semaphore_mem>>
      tpu.enqueue_dma source(%arg2 : memref<20480xf32, #tpu.memory_space<hbm>>) target(%arg6 : memref<20480xf32, #tpu.memory_space<vmem>>) target_semaphore(%run_scoped3A : memref<!tpu.dma_semaphore, #tpu.memory_space<semaphore_mem>>)
      tpu.wait_dma2 semaphore(%run_scoped3A : memref<!tpu.dma_semaphore, #tpu.memory_space<semaphore_mem>>) src(%arg2 : memref<20480xf32, #tpu.memory_space<hbm>>) dst(%arg6 : memref<20480xf32, #tpu.memory_space<vmem>>)
      tpu.yield
    }) : () -> ()
    "tpu.region"() ({
      %run_scoped3A = tpu.sem_alloc : memref<!tpu.dma_semaphore, #tpu.memory_space<semaphore_mem>>
      %dma_start3A = arith.constant 0 : i32
      %dma_start3A_6 = arith.constant 0 : i32
      %dma_start3A_7 = tpu.memref_slice %arg3[%add3A, %dma_start3A, %dma_start3A_6] : memref<32x125x80xi32, #tpu.memory_space<hbm>> -> memref<1x125x80xi32, #tpu.memory_space<hbm>>
      %dma_start3A_8 = tpu.memref_squeeze %dma_start3A_7 : memref<1x125x80xi32, #tpu.memory_space<hbm>> -> memref<125x80xi32, #tpu.memory_space<hbm>>
      %dma_start3A_9 = arith.constant 0 : i32
      %dma_start3A_10 = arith.constant 0 : i32
      %dma_start3A_11 = tpu.memref_slice %arg3[%add3A, %dma_start3A_9, %dma_start3A_10] : memref<32x125x80xi32, #tpu.memory_space<hbm>> -> memref<1x125x80xi32, #tpu.memory_space<hbm>>
      %dma_start3A_12 = tpu.memref_squeeze %dma_start3A_11 : memref<1x125x80xi32, #tpu.memory_space<hbm>> -> memref<125x80xi32, #tpu.memory_space<hbm>>
      tpu.enqueue_dma source(%dma_start3A_12 : memref<125x80xi32, #tpu.memory_space<hbm>>) target(%arg7 : memref<125x80xi32, #tpu.memory_space<vmem>>) target_semaphore(%run_scoped3A : memref<!tpu.dma_semaphore, #tpu.memory_space<semaphore_mem>>)
      %dma_wait3A = arith.constant 0 : i32
      %dma_wait3A_13 = arith.constant 0 : i32
      %dma_wait3A_14 = tpu.memref_slice %arg3[%add3A, %dma_wait3A, %dma_wait3A_13] : memref<32x125x80xi32, #tpu.memory_space<hbm>> -> memref<1x125x80xi32, #tpu.memory_space<hbm>>
      %dma_wait3A_15 = tpu.memref_squeeze %dma_wait3A_14 : memref<1x125x80xi32, #tpu.memory_space<hbm>> -> memref<125x80xi32, #tpu.memory_space<hbm>>
      %dma_wait3A_16 = arith.constant 0 : i32
      %dma_wait3A_17 = arith.constant 0 : i32
      %dma_wait3A_18 = tpu.memref_slice %arg3[%add3A, %dma_wait3A_16, %dma_wait3A_17] : memref<32x125x80xi32, #tpu.memory_space<hbm>> -> memref<1x125x80xi32, #tpu.memory_space<hbm>>
      %dma_wait3A_19 = tpu.memref_squeeze %dma_wait3A_18 : memref<1x125x80xi32, #tpu.memory_space<hbm>> -> memref<125x80xi32, #tpu.memory_space<hbm>>
      tpu.wait_dma2 semaphore(%run_scoped3A : memref<!tpu.dma_semaphore, #tpu.memory_space<semaphore_mem>>) src(%dma_wait3A_19 : memref<125x80xi32, #tpu.memory_space<hbm>>) dst(%arg7 : memref<125x80xi32, #tpu.memory_space<vmem>>)
      tpu.yield
    }) : () -> ()
    "tpu.region"() ({
      %run_scoped3A = tpu.sem_alloc : memref<!tpu.dma_semaphore, #tpu.memory_space<semaphore_mem>>
      %dma_start3A = arith.constant 0 : i32
      %dma_start3A_6 = arith.constant 0 : i32
      %dma_start3A_7 = tpu.memref_slice %arg4[%add3A, %dma_start3A, %dma_start3A_6] : memref<32x125x80xi32, #tpu.memory_space<hbm>> -> memref<1x125x80xi32, #tpu.memory_space<hbm>>
      %dma_start3A_8 = tpu.memref_squeeze %dma_start3A_7 : memref<1x125x80xi32, #tpu.memory_space<hbm>> -> memref<125x80xi32, #tpu.memory_space<hbm>>
      %dma_start3A_9 = arith.constant 0 : i32
      %dma_start3A_10 = arith.constant 0 : i32
      %dma_start3A_11 = tpu.memref_slice %arg4[%add3A, %dma_start3A_9, %dma_start3A_10] : memref<32x125x80xi32, #tpu.memory_space<hbm>> -> memref<1x125x80xi32, #tpu.memory_space<hbm>>
      %dma_start3A_12 = tpu.memref_squeeze %dma_start3A_11 : memref<1x125x80xi32, #tpu.memory_space<hbm>> -> memref<125x80xi32, #tpu.memory_space<hbm>>
      tpu.enqueue_dma source(%dma_start3A_12 : memref<125x80xi32, #tpu.memory_space<hbm>>) target(%arg8 : memref<125x80xi32, #tpu.memory_space<vmem>>) target_semaphore(%run_scoped3A : memref<!tpu.dma_semaphore, #tpu.memory_space<semaphore_mem>>)
      %dma_wait3A = arith.constant 0 : i32
      %dma_wait3A_13 = arith.constant 0 : i32
      %dma_wait3A_14 = tpu.memref_slice %arg4[%add3A, %dma_wait3A, %dma_wait3A_13] : memref<32x125x80xi32, #tpu.memory_space<hbm>> -> memref<1x125x80xi32, #tpu.memory_space<hbm>>
      %dma_wait3A_15 = tpu.memref_squeeze %dma_wait3A_14 : memref<1x125x80xi32, #tpu.memory_space<hbm>> -> memref<125x80xi32, #tpu.memory_space<hbm>>
      %dma_wait3A_16 = arith.constant 0 : i32
      %dma_wait3A_17 = arith.constant 0 : i32
      %dma_wait3A_18 = tpu.memref_slice %arg4[%add3A, %dma_wait3A_16, %dma_wait3A_17] : memref<32x125x80xi32, #tpu.memory_space<hbm>> -> memref<1x125x80xi32, #tpu.memory_space<hbm>>
      %dma_wait3A_19 = tpu.memref_squeeze %dma_wait3A_18 : memref<1x125x80xi32, #tpu.memory_space<hbm>> -> memref<125x80xi32, #tpu.memory_space<hbm>>
      tpu.wait_dma2 semaphore(%run_scoped3A : memref<!tpu.dma_semaphore, #tpu.memory_space<semaphore_mem>>) src(%dma_wait3A_19 : memref<125x80xi32, #tpu.memory_space<hbm>>) dst(%arg8 : memref<125x80xi32, #tpu.memory_space<vmem>>)
      tpu.yield
    }) : () -> ()
    %scan3A = arith.constant 0 : i32
    %scan3A_1 = arith.constant 0 : i32
    %scan3A_2 = arith.constant 125 : i32
    %scan3A_3 = arith.addi %scan3A_1, %scan3A_2 : i32
    %scan3A_4 = arith.constant 1 : i32
    scf.for %scan3A_6 = %scan3A_1 to %scan3A_3 step %scan3A_4  : i32 {
      %get3A = arith.index_cast %scan3A_6 : i32 to index
      %get3A_7 = arith.constant 0 : index
      %get3A_8 = tpu.vector_load %arg7[%get3A, %get3A_7] {strides = array<i32>} : memref<125x80xi32, #tpu.memory_space<vmem>>, vector<16xi32>,
      %get3A_9 = arith.index_cast %scan3A_6 : i32 to index
      %get3A_10 = arith.constant 0 : index
      %get3A_11 = tpu.vector_load %arg8[%get3A_9, %get3A_10] {strides = array<i32>} : memref<125x80xi32, #tpu.memory_space<vmem>>, vector<16xi32>,
      %mul3A_12 = arith.constant 2 : i32
      %mul3A_13 = vector.broadcast %mul3A_12 : i32 to vector<16xi32>
      %mul3A_14 = arith.muli %get3A_8, %mul3A_13 : vector<16xi32>
      %gather3A = tpu.vector_load_idx %arg6[%mul3A_14] : memref<20480xf32, #tpu.memory_space<vmem>>[vector<16xi32>], vector<16xf32>,
      %mul3A_15 = arith.constant 2 : i32
      %mul3A_16 = vector.broadcast %mul3A_15 : i32 to vector<16xi32>
      %mul3A_17 = arith.muli %get3A_11, %mul3A_16 : vector<16xi32>
      %add3A_18 = arith.constant 1 : i32
      %add3A_19 = vector.broadcast %add3A_18 : i32 to vector<16xi32>
      %add3A_20 = arith.addi %mul3A_17, %add3A_19 : vector<16xi32>
      %gather3A_21 = tpu.vector_load_idx %arg6[%add3A_20] : memref<20480xf32, #tpu.memory_space<vmem>>[vector<16xi32>], vector<16xf32>,
      %add3A_22 = arith.addf %gather3A, %gather3A_21 : vector<16xf32>
      %swap3A = arith.index_cast %scan3A_6 : i32 to index
      %swap3A_23 = arith.constant 0 : index
      %swap3A_24 = tpu.vector_load %arg9[%swap3A, %swap3A_23] {strides = array<i32>} : memref<125x80xf32, #tpu.memory_space<vmem>>, vector<16xf32>,
      tpu.vector_store %arg9[%swap3A, %swap3A_23], %add3A_22 {strides = array<i32>} : memref<125x80xf32, #tpu.memory_space<vmem>>, vector<16xf32>,
      %get3A_25 = arith.index_cast %scan3A_6 : i32 to index
      %get3A_26 = arith.constant 16 : index
      %get3A_27 = tpu.vector_load %arg7[%get3A_25, %get3A_26] {strides = array<i32>} : memref<125x80xi32, #tpu.memory_space<vmem>>, vector<16xi32>,
      %get3A_28 = arith.index_cast %scan3A_6 : i32 to index
      %get3A_29 = arith.constant 16 : index
      %get3A_30 = tpu.vector_load %arg8[%get3A_28, %get3A_29] {strides = array<i32>} : memref<125x80xi32, #tpu.memory_space<vmem>>, vector<16xi32>,
      %mul3A_31 = arith.constant 2 : i32
      %mul3A_32 = vector.broadcast %mul3A_31 : i32 to vector<16xi32>
      %mul3A_33 = arith.muli %get3A_27, %mul3A_32 : vector<16xi32>
      %gather3A_34 = tpu.vector_load_idx %arg6[%mul3A_33] : memref<20480xf32, #tpu.memory_space<vmem>>[vector<16xi32>], vector<16xf32>,
      %mul3A_35 = arith.constant 2 : i32
      %mul3A_36 = vector.broadcast %mul3A_35 : i32 to vector<16xi32>
      %mul3A_37 = arith.muli %get3A_30, %mul3A_36 : vector<16xi32>
      %add3A_38 = arith.constant 1 : i32
      %add3A_39 = vector.broadcast %add3A_38 : i32 to vector<16xi32>
      %add3A_40 = arith.addi %mul3A_37, %add3A_39 : vector<16xi32>
      %gather3A_41 = tpu.vector_load_idx %arg6[%add3A_40] : memref<20480xf32, #tpu.memory_space<vmem>>[vector<16xi32>], vector<16xf32>,
      %add3A_42 = arith.addf %gather3A_34, %gather3A_41 : vector<16xf32>
      %swap3A_43 = arith.index_cast %scan3A_6 : i32 to index
      %swap3A_44 = arith.constant 16 : index
      %swap3A_45 = tpu.vector_load %arg9[%swap3A_43, %swap3A_44] {strides = array<i32>} : memref<125x80xf32, #tpu.memory_space<vmem>>, vector<16xf32>,
      tpu.vector_store %arg9[%swap3A_43, %swap3A_44], %add3A_42 {strides = array<i32>} : memref<125x80xf32, #tpu.memory_space<vmem>>, vector<16xf32>,
      %get3A_46 = arith.index_cast %scan3A_6 : i32 to index
      %get3A_47 = arith.constant 32 : index
      %get3A_48 = tpu.vector_load %arg7[%get3A_46, %get3A_47] {strides = array<i32>} : memref<125x80xi32, #tpu.memory_space<vmem>>, vector<16xi32>,
      %get3A_49 = arith.index_cast %scan3A_6 : i32 to index
      %get3A_50 = arith.constant 32 : index
      %get3A_51 = tpu.vector_load %arg8[%get3A_49, %get3A_50] {strides = array<i32>} : memref<125x80xi32, #tpu.memory_space<vmem>>, vector<16xi32>,
      %mul3A_52 = arith.constant 2 : i32
      %mul3A_53 = vector.broadcast %mul3A_52 : i32 to vector<16xi32>
      %mul3A_54 = arith.muli %get3A_48, %mul3A_53 : vector<16xi32>
      %gather3A_55 = tpu.vector_load_idx %arg6[%mul3A_54] : memref<20480xf32, #tpu.memory_space<vmem>>[vector<16xi32>], vector<16xf32>,
      %mul3A_56 = arith.constant 2 : i32
      %mul3A_57 = vector.broadcast %mul3A_56 : i32 to vector<16xi32>
      %mul3A_58 = arith.muli %get3A_51, %mul3A_57 : vector<16xi32>
      %add3A_59 = arith.constant 1 : i32
      %add3A_60 = vector.broadcast %add3A_59 : i32 to vector<16xi32>
      %add3A_61 = arith.addi %mul3A_58, %add3A_60 : vector<16xi32>
      %gather3A_62 = tpu.vector_load_idx %arg6[%add3A_61] : memref<20480xf32, #tpu.memory_space<vmem>>[vector<16xi32>], vector<16xf32>,
      %add3A_63 = arith.addf %gather3A_55, %gather3A_62 : vector<16xf32>
      %swap3A_64 = arith.index_cast %scan3A_6 : i32 to index
      %swap3A_65 = arith.constant 32 : index
      %swap3A_66 = tpu.vector_load %arg9[%swap3A_64, %swap3A_65] {strides = array<i32>} : memref<125x80xf32, #tpu.memory_space<vmem>>, vector<16xf32>,
      tpu.vector_store %arg9[%swap3A_64, %swap3A_65], %add3A_63 {strides = array<i32>} : memref<125x80xf32, #tpu.memory_space<vmem>>, vector<16xf32>,
      %get3A_67 = arith.index_cast %scan3A_6 : i32 to index
      %get3A_68 = arith.constant 48 : index
      %get3A_69 = tpu.vector_load %arg7[%get3A_67, %get3A_68] {strides = array<i32>} : memref<125x80xi32, #tpu.memory_space<vmem>>, vector<16xi32>,
      %get3A_70 = arith.index_cast %scan3A_6 : i32 to index
      %get3A_71 = arith.constant 48 : index
      %get3A_72 = tpu.vector_load %arg8[%get3A_70, %get3A_71] {strides = array<i32>} : memref<125x80xi32, #tpu.memory_space<vmem>>, vector<16xi32>,
      %mul3A_73 = arith.constant 2 : i32
      %mul3A_74 = vector.broadcast %mul3A_73 : i32 to vector<16xi32>
      %mul3A_75 = arith.muli %get3A_69, %mul3A_74 : vector<16xi32>
      %gather3A_76 = tpu.vector_load_idx %arg6[%mul3A_75] : memref<20480xf32, #tpu.memory_space<vmem>>[vector<16xi32>], vector<16xf32>,
      %mul3A_77 = arith.constant 2 : i32
      %mul3A_78 = vector.broadcast %mul3A_77 : i32 to vector<16xi32>
      %mul3A_79 = arith.muli %get3A_72, %mul3A_78 : vector<16xi32>
      %add3A_80 = arith.constant 1 : i32
      %add3A_81 = vector.broadcast %add3A_80 : i32 to vector<16xi32>
      %add3A_82 = arith.addi %mul3A_79, %add3A_81 : vector<16xi32>
      %gather3A_83 = tpu.vector_load_idx %arg6[%add3A_82] : memref<20480xf32, #tpu.memory_space<vmem>>[vector<16xi32>], vector<16xf32>,
      %add3A_84 = arith.addf %gather3A_76, %gather3A_83 : vector<16xf32>
      %swap3A_85 = arith.index_cast %scan3A_6 : i32 to index
      %swap3A_86 = arith.constant 48 : index
      %swap3A_87 = tpu.vector_load %arg9[%swap3A_85, %swap3A_86] {strides = array<i32>} : memref<125x80xf32, #tpu.memory_space<vmem>>, vector<16xf32>,
      tpu.vector_store %arg9[%swap3A_85, %swap3A_86], %add3A_84 {strides = array<i32>} : memref<125x80xf32, #tpu.memory_space<vmem>>, vector<16xf32>,
      %get3A_88 = arith.index_cast %scan3A_6 : i32 to index
      %get3A_89 = arith.constant 64 : index
      %get3A_90 = tpu.vector_load %arg7[%get3A_88, %get3A_89] {strides = array<i32>} : memref<125x80xi32, #tpu.memory_space<vmem>>, vector<16xi32>,
      %get3A_91 = arith.index_cast %scan3A_6 : i32 to index
      %get3A_92 = arith.constant 64 : index
      %get3A_93 = tpu.vector_load %arg8[%get3A_91, %get3A_92] {strides = array<i32>} : memref<125x80xi32, #tpu.memory_space<vmem>>, vector<16xi32>,
      %mul3A_94 = arith.constant 2 : i32
      %mul3A_95 = vector.broadcast %mul3A_94 : i32 to vector<16xi32>
      %mul3A_96 = arith.muli %get3A_90, %mul3A_95 : vector<16xi32>
      %gather3A_97 = tpu.vector_load_idx %arg6[%mul3A_96] : memref<20480xf32, #tpu.memory_space<vmem>>[vector<16xi32>], vector<16xf32>,
      %mul3A_98 = arith.constant 2 : i32
      %mul3A_99 = vector.broadcast %mul3A_98 : i32 to vector<16xi32>
      %mul3A_100 = arith.muli %get3A_93, %mul3A_99 : vector<16xi32>
      %add3A_101 = arith.constant 1 : i32
      %add3A_102 = vector.broadcast %add3A_101 : i32 to vector<16xi32>
      %add3A_103 = arith.addi %mul3A_100, %add3A_102 : vector<16xi32>
      %gather3A_104 = tpu.vector_load_idx %arg6[%add3A_103] : memref<20480xf32, #tpu.memory_space<vmem>>[vector<16xi32>], vector<16xf32>,
      %add3A_105 = arith.addf %gather3A_97, %gather3A_104 : vector<16xf32>
      %swap3A_106 = arith.index_cast %scan3A_6 : i32 to index
      %swap3A_107 = arith.constant 64 : index
      %swap3A_108 = tpu.vector_load %arg9[%swap3A_106, %swap3A_107] {strides = array<i32>} : memref<125x80xf32, #tpu.memory_space<vmem>>, vector<16xf32>,
      tpu.vector_store %arg9[%swap3A_106, %swap3A_107], %add3A_105 {strides = array<i32>} : memref<125x80xf32, #tpu.memory_space<vmem>>, vector<16xf32>,
    }
    %scan3A_5 = arith.constant 125 : i32
    "tpu.region"() ({
      %run_scoped3A = tpu.sem_alloc : memref<!tpu.dma_semaphore, #tpu.memory_space<semaphore_mem>>
      %dma_start3A = arith.constant 0 : i32
      %dma_start3A_6 = arith.constant 0 : i32
      %dma_start3A_7 = tpu.memref_slice %arg5[%add3A, %dma_start3A, %dma_start3A_6] : memref<32x125x80xf32, #tpu.memory_space<hbm>> -> memref<1x125x80xf32, #tpu.memory_space<hbm>>
      %dma_start3A_8 = tpu.memref_squeeze %dma_start3A_7 : memref<1x125x80xf32, #tpu.memory_space<hbm>> -> memref<125x80xf32, #tpu.memory_space<hbm>>
      %dma_start3A_9 = arith.constant 0 : i32
      %dma_start3A_10 = arith.constant 0 : i32
      %dma_start3A_11 = tpu.memref_slice %arg5[%add3A, %dma_start3A_9, %dma_start3A_10] : memref<32x125x80xf32, #tpu.memory_space<hbm>> -> memref<1x125x80xf32, #tpu.memory_space<hbm>>
      %dma_start3A_12 = tpu.memref_squeeze %dma_start3A_11 : memref<1x125x80xf32, #tpu.memory_space<hbm>> -> memref<125x80xf32, #tpu.memory_space<hbm>>
      tpu.enqueue_dma source(%arg9 : memref<125x80xf32, #tpu.memory_space<vmem>>) target(%dma_start3A_12 : memref<125x80xf32, #tpu.memory_space<hbm>>) target_semaphore(%run_scoped3A : memref<!tpu.dma_semaphore, #tpu.memory_space<semaphore_mem>>)
      %dma_wait3A = arith.constant 0 : i32
      %dma_wait3A_13 = arith.constant 0 : i32
      %dma_wait3A_14 = tpu.memref_slice %arg5[%add3A, %dma_wait3A, %dma_wait3A_13] : memref<32x125x80xf32, #tpu.memory_space<hbm>> -> memref<1x125x80xf32, #tpu.memory_space<hbm>>
      %dma_wait3A_15 = tpu.memref_squeeze %dma_wait3A_14 : memref<1x125x80xf32, #tpu.memory_space<hbm>> -> memref<125x80xf32, #tpu.memory_space<hbm>>
      %dma_wait3A_16 = arith.constant 0 : i32
      %dma_wait3A_17 = arith.constant 0 : i32
      %dma_wait3A_18 = tpu.memref_slice %arg5[%add3A, %dma_wait3A_16, %dma_wait3A_17] : memref<32x125x80xf32, #tpu.memory_space<hbm>> -> memref<1x125x80xf32, #tpu.memory_space<hbm>>
      %dma_wait3A_19 = tpu.memref_squeeze %dma_wait3A_18 : memref<1x125x80xf32, #tpu.memory_space<hbm>> -> memref<125x80xf32, #tpu.memory_space<hbm>>
      tpu.wait_dma2 semaphore(%run_scoped3A : memref<!tpu.dma_semaphore, #tpu.memory_space<semaphore_mem>>) src(%arg9 : memref<125x80xf32, #tpu.memory_space<vmem>>) dst(%dma_wait3A_19 : memref<125x80xf32, #tpu.memory_space<hbm>>)
      tpu.yield
    }) : () -> ()
    return
  }
}

module attributes {stable_mosaic.version = 14 : i64} {
  func.func @_dense1_body(%arg0: i32, %arg1: memref<1280x128xf32, #tpu.memory_space<vmem>>, %arg2: memref<1280x128xf32, #tpu.memory_space<vmem>>, %arg3: memref<32x1280xf32, #tpu.memory_space<vmem>>, %arg4: memref<1280x128xf32, #tpu.memory_space<vmem>>, %arg5: memref<128x128xf32, #tpu.memory_space<vmem>>, %arg6: memref<128x128xf32, #tpu.memory_space<vmem>>, %arg7: memref<1x128xf32, #tpu.memory_space<vmem>>, %arg8: memref<1280x128xf32, #tpu.memory_space<vmem>>) attributes {dimension_semantics = [#tpu.dimension_semantics<arbitrary>], iteration_bounds = array<i64: 8>, scalar_prefetch = 0 : i64, scratch_operands = 0 : i64, tpu.core_type = #tpu.core_type<tc>, window_params = [{transform_indices = @transform_0, window_bounds = array<i64: 1280, 128>}, {transform_indices = @transform_1, window_bounds = array<i64: 1280, 128>}, {transform_indices = @transform_2, window_bounds = array<i64: 32, 1280>}, {transform_indices = @transform_3, window_bounds = array<i64: 1280, 128>}, {pipeline_mode = #tpu.pipeline_mode<synchronous>, transform_indices = @transform_4, window_bounds = array<i64: 128, 128>}, {pipeline_mode = #tpu.pipeline_mode<synchronous>, transform_indices = @transform_5, window_bounds = array<i64: 128, 128>}, {pipeline_mode = #tpu.pipeline_mode<synchronous>, transform_indices = @transform_6, window_bounds = array<i64: 1, 128>}, {transform_indices = @transform_7, window_bounds = array<i64: 1280, 128>}]} {
    %get3A = arith.constant 0 : index
    %get3A_0 = arith.constant 0 : index
    %get3A_1 = vector.load %arg1[%get3A, %get3A_0] : memref<1280x128xf32, #tpu.memory_space<vmem>>, vector<1280x128xf32>
    %get3A_2 = arith.constant 0 : index
    %get3A_3 = arith.constant 0 : index
    %get3A_4 = vector.load %arg2[%get3A_2, %get3A_3] : memref<1280x128xf32, #tpu.memory_space<vmem>>, vector<1280x128xf32>
    %add3A = arith.addf %get3A_1, %get3A_4 : vector<1280x128xf32>
    %get3A_5 = arith.constant 0 : index
    %get3A_6 = arith.constant 0 : index
    %get3A_7 = vector.load %arg3[%get3A_5, %get3A_6] : memref<32x1280xf32, #tpu.memory_space<vmem>>, vector<32x1280xf32>
    %reduce_sum3A = arith.constant dense<0.000000e+00> : vector<1280xf32>
    %reduce_sum3A_8 = vector.multi_reduction <add>, %get3A_7, %reduce_sum3A [0] : vector<32x1280xf32> to vector<1280xf32>
    %broadcast_in_dim3A = vector.shape_cast %reduce_sum3A_8 : vector<1280xf32> to vector<1280x1xf32>
    %max3A = arith.constant 1.000000e+00 : f32
    %max3A_9 = vector.broadcast %max3A : f32 to vector<1280x1xf32>
    %max3A_10 = arith.maximumf %broadcast_in_dim3A, %max3A_9 : vector<1280x1xf32>
    %div3A = arith.constant 1.000000e+00 : f32
    %div3A_11 = vector.broadcast %div3A : f32 to vector<1280x1xf32>
    %div3A_12 = arith.divf %div3A_11, %max3A_10 : vector<1280x1xf32>
    %mul3A = vector.broadcast %div3A_12 : vector<1280x1xf32> to vector<1280x128xf32>
    %mul3A_13 = arith.mulf %add3A, %mul3A : vector<1280x128xf32>
    %get3A_14 = arith.constant 0 : index
    %get3A_15 = arith.constant 0 : index
    %get3A_16 = vector.load %arg5[%get3A_14, %get3A_15] : memref<128x128xf32, #tpu.memory_space<vmem>>, vector<128x128xf32>
    %dot_general3A = arith.constant dense<0.000000e+00> : vector<1280x128xf32>
    %dot_general3A_17 = tpu.matmul %mul3A_13, %get3A_16, %dot_general3A {dimension_numbers = #tpu.dot_dimension_numbers<[1], [0], [0], [1], [0, 0, 1, 1], [], []>, transpose_lhs_hint = false} : vector<1280x128xf32>, vector<128x128xf32>, vector<1280x128xf32> -> vector<1280x128xf32>
    %get3A_18 = arith.constant 0 : index
    %get3A_19 = arith.constant 0 : index
    %get3A_20 = vector.load %arg4[%get3A_18, %get3A_19] : memref<1280x128xf32, #tpu.memory_space<vmem>>, vector<1280x128xf32>
    %get3A_21 = arith.constant 0 : index
    %get3A_22 = arith.constant 0 : index
    %get3A_23 = vector.load %arg6[%get3A_21, %get3A_22] : memref<128x128xf32, #tpu.memory_space<vmem>>, vector<128x128xf32>
    %dot_general3A_24 = arith.constant dense<0.000000e+00> : vector<1280x128xf32>
    %dot_general3A_25 = tpu.matmul %get3A_20, %get3A_23, %dot_general3A_24 {dimension_numbers = #tpu.dot_dimension_numbers<[1], [0], [0], [1], [0, 0, 1, 1], [], []>, transpose_lhs_hint = false} : vector<1280x128xf32>, vector<128x128xf32>, vector<1280x128xf32> -> vector<1280x128xf32>
    %add3A_26 = arith.addf %dot_general3A_17, %dot_general3A_25 : vector<1280x128xf32>
    %get3A_27 = arith.constant 0 : index
    %get3A_28 = arith.constant 0 : index
    %get3A_29 = vector.load %arg7[%get3A_27, %get3A_28] : memref<1x128xf32, #tpu.memory_space<vmem>>, vector<1x128xf32>
    %add3A_30 = vector.broadcast %get3A_29 : vector<1x128xf32> to vector<1280x128xf32>
    %add3A_31 = arith.addf %add3A_26, %add3A_30 : vector<1280x128xf32>
    %max3A_32 = arith.constant 0.000000e+00 : f32
    %max3A_33 = vector.broadcast %max3A_32 : f32 to vector<1280x128xf32>
    %max3A_34 = arith.maximumf %add3A_31, %max3A_33 : vector<1280x128xf32>
    %swap3A = arith.constant 0 : index
    %swap3A_35 = arith.constant 0 : index
    %swap3A_36 = vector.load %arg8[%swap3A, %swap3A_35] : memref<1280x128xf32, #tpu.memory_space<vmem>>, vector<1280x128xf32>
    tpu.vector_store %arg8[%swap3A, %swap3A_35], %max3A_34 {strides = array<i32>} : memref<1280x128xf32, #tpu.memory_space<vmem>>, vector<1280x128xf32>,
    return
  }
  func.func @transform_0(%arg0: i32) -> (i32, i32) {
    %c0_i32 = arith.constant 0 : i32
    %c0_i32_0 = arith.constant 0 : i32
    return %arg0, %c0_i32 : i32, i32
  }
  func.func @transform_1(%arg0: i32) -> (i32, i32) {
    %c0_i32 = arith.constant 0 : i32
    %c0_i32_0 = arith.constant 0 : i32
    return %arg0, %c0_i32 : i32, i32
  }
  func.func @transform_2(%arg0: i32) -> (i32, i32) {
    %c0_i32 = arith.constant 0 : i32
    %c0_i32_0 = arith.constant 0 : i32
    return %c0_i32, %arg0 : i32, i32
  }
  func.func @transform_3(%arg0: i32) -> (i32, i32) {
    %c0_i32 = arith.constant 0 : i32
    %c0_i32_0 = arith.constant 0 : i32
    return %arg0, %c0_i32 : i32, i32
  }
  func.func @transform_4(%arg0: i32) -> (i32, i32) {
    %c0_i32 = arith.constant 0 : i32
    %c0_i32_0 = arith.constant 0 : i32
    %c0_i32_1 = arith.constant 0 : i32
    return %c0_i32, %c0_i32_0 : i32, i32
  }
  func.func @transform_5(%arg0: i32) -> (i32, i32) {
    %c0_i32 = arith.constant 0 : i32
    %c0_i32_0 = arith.constant 0 : i32
    %c0_i32_1 = arith.constant 0 : i32
    return %c0_i32, %c0_i32_0 : i32, i32
  }
  func.func @transform_6(%arg0: i32) -> (i32, i32) {
    %c0_i32 = arith.constant 0 : i32
    %c0_i32_0 = arith.constant 0 : i32
    %c0_i32_1 = arith.constant 0 : i32
    return %c0_i32, %c0_i32_0 : i32, i32
  }
  func.func @transform_7(%arg0: i32) -> (i32, i32) {
    %c0_i32 = arith.constant 0 : i32
    %c0_i32_0 = arith.constant 0 : i32
    return %arg0, %c0_i32 : i32, i32
  }
}

module attributes {stable_mosaic.version = 14 : i64} {
  func.func @_dense2_body(%arg0: i32, %arg1: memref<1280x128xf32, #tpu.memory_space<vmem>>, %arg2: memref<1280x128xf32, #tpu.memory_space<vmem>>, %arg3: memref<32x1280xf32, #tpu.memory_space<vmem>>, %arg4: memref<1280x128xf32, #tpu.memory_space<vmem>>, %arg5: memref<128x128xf32, #tpu.memory_space<vmem>>, %arg6: memref<128x128xf32, #tpu.memory_space<vmem>>, %arg7: memref<1x128xf32, #tpu.memory_space<vmem>>, %arg8: memref<128x2xf32, #tpu.memory_space<vmem>>, %arg9: memref<1x2xf32, #tpu.memory_space<vmem>>, %arg10: memref<1280x2xf32, #tpu.memory_space<vmem>>) attributes {dimension_semantics = [#tpu.dimension_semantics<arbitrary>], iteration_bounds = array<i64: 8>, scalar_prefetch = 0 : i64, scratch_operands = 0 : i64, tpu.core_type = #tpu.core_type<tc>, window_params = [{transform_indices = @transform_0, window_bounds = array<i64: 1280, 128>}, {transform_indices = @transform_1, window_bounds = array<i64: 1280, 128>}, {transform_indices = @transform_2, window_bounds = array<i64: 32, 1280>}, {transform_indices = @transform_3, window_bounds = array<i64: 1280, 128>}, {pipeline_mode = #tpu.pipeline_mode<synchronous>, transform_indices = @transform_4, window_bounds = array<i64: 128, 128>}, {pipeline_mode = #tpu.pipeline_mode<synchronous>, transform_indices = @transform_5, window_bounds = array<i64: 128, 128>}, {pipeline_mode = #tpu.pipeline_mode<synchronous>, transform_indices = @transform_6, window_bounds = array<i64: 1, 128>}, {pipeline_mode = #tpu.pipeline_mode<synchronous>, transform_indices = @transform_7, window_bounds = array<i64: 128, 2>}, {pipeline_mode = #tpu.pipeline_mode<synchronous>, transform_indices = @transform_8, window_bounds = array<i64: 1, 2>}, {transform_indices = @transform_9, window_bounds = array<i64: 1280, 2>}]} {
    %get3A = arith.constant 0 : index
    %get3A_0 = arith.constant 0 : index
    %get3A_1 = vector.load %arg1[%get3A, %get3A_0] : memref<1280x128xf32, #tpu.memory_space<vmem>>, vector<1280x128xf32>
    %get3A_2 = arith.constant 0 : index
    %get3A_3 = arith.constant 0 : index
    %get3A_4 = vector.load %arg2[%get3A_2, %get3A_3] : memref<1280x128xf32, #tpu.memory_space<vmem>>, vector<1280x128xf32>
    %add3A = arith.addf %get3A_1, %get3A_4 : vector<1280x128xf32>
    %get3A_5 = arith.constant 0 : index
    %get3A_6 = arith.constant 0 : index
    %get3A_7 = vector.load %arg3[%get3A_5, %get3A_6] : memref<32x1280xf32, #tpu.memory_space<vmem>>, vector<32x1280xf32>
    %reduce_sum3A = arith.constant dense<0.000000e+00> : vector<1280xf32>
    %reduce_sum3A_8 = vector.multi_reduction <add>, %get3A_7, %reduce_sum3A [0] : vector<32x1280xf32> to vector<1280xf32>
    %broadcast_in_dim3A = vector.shape_cast %reduce_sum3A_8 : vector<1280xf32> to vector<1280x1xf32>
    %max3A = arith.constant 1.000000e+00 : f32
    %max3A_9 = vector.broadcast %max3A : f32 to vector<1280x1xf32>
    %max3A_10 = arith.maximumf %broadcast_in_dim3A, %max3A_9 : vector<1280x1xf32>
    %div3A = arith.constant 1.000000e+00 : f32
    %div3A_11 = vector.broadcast %div3A : f32 to vector<1280x1xf32>
    %div3A_12 = arith.divf %div3A_11, %max3A_10 : vector<1280x1xf32>
    %mul3A = vector.broadcast %div3A_12 : vector<1280x1xf32> to vector<1280x128xf32>
    %mul3A_13 = arith.mulf %add3A, %mul3A : vector<1280x128xf32>
    %get3A_14 = arith.constant 0 : index
    %get3A_15 = arith.constant 0 : index
    %get3A_16 = vector.load %arg5[%get3A_14, %get3A_15] : memref<128x128xf32, #tpu.memory_space<vmem>>, vector<128x128xf32>
    %dot_general3A = arith.constant dense<0.000000e+00> : vector<1280x128xf32>
    %dot_general3A_17 = tpu.matmul %mul3A_13, %get3A_16, %dot_general3A {dimension_numbers = #tpu.dot_dimension_numbers<[1], [0], [0], [1], [0, 0, 1, 1], [], []>, transpose_lhs_hint = false} : vector<1280x128xf32>, vector<128x128xf32>, vector<1280x128xf32> -> vector<1280x128xf32>
    %get3A_18 = arith.constant 0 : index
    %get3A_19 = arith.constant 0 : index
    %get3A_20 = vector.load %arg4[%get3A_18, %get3A_19] : memref<1280x128xf32, #tpu.memory_space<vmem>>, vector<1280x128xf32>
    %get3A_21 = arith.constant 0 : index
    %get3A_22 = arith.constant 0 : index
    %get3A_23 = vector.load %arg6[%get3A_21, %get3A_22] : memref<128x128xf32, #tpu.memory_space<vmem>>, vector<128x128xf32>
    %dot_general3A_24 = arith.constant dense<0.000000e+00> : vector<1280x128xf32>
    %dot_general3A_25 = tpu.matmul %get3A_20, %get3A_23, %dot_general3A_24 {dimension_numbers = #tpu.dot_dimension_numbers<[1], [0], [0], [1], [0, 0, 1, 1], [], []>, transpose_lhs_hint = false} : vector<1280x128xf32>, vector<128x128xf32>, vector<1280x128xf32> -> vector<1280x128xf32>
    %add3A_26 = arith.addf %dot_general3A_17, %dot_general3A_25 : vector<1280x128xf32>
    %get3A_27 = arith.constant 0 : index
    %get3A_28 = arith.constant 0 : index
    %get3A_29 = vector.load %arg7[%get3A_27, %get3A_28] : memref<1x128xf32, #tpu.memory_space<vmem>>, vector<1x128xf32>
    %add3A_30 = vector.broadcast %get3A_29 : vector<1x128xf32> to vector<1280x128xf32>
    %add3A_31 = arith.addf %add3A_26, %add3A_30 : vector<1280x128xf32>
    %max3A_32 = arith.constant 0.000000e+00 : f32
    %max3A_33 = vector.broadcast %max3A_32 : f32 to vector<1280x128xf32>
    %max3A_34 = arith.maximumf %add3A_31, %max3A_33 : vector<1280x128xf32>
    %get3A_35 = arith.constant 0 : index
    %get3A_36 = arith.constant 0 : index
    %get3A_37 = vector.load %arg8[%get3A_35, %get3A_36] : memref<128x2xf32, #tpu.memory_space<vmem>>, vector<128x2xf32>
    %dot_general3A_38 = arith.constant dense<0.000000e+00> : vector<1280x2xf32>
    %dot_general3A_39 = tpu.matmul %max3A_34, %get3A_37, %dot_general3A_38 {dimension_numbers = #tpu.dot_dimension_numbers<[1], [0], [0], [1], [0, 0, 1, 1], [], []>, transpose_lhs_hint = false} : vector<1280x128xf32>, vector<128x2xf32>, vector<1280x2xf32> -> vector<1280x2xf32>
    %get3A_40 = arith.constant 0 : index
    %get3A_41 = arith.constant 0 : index
    %get3A_42 = vector.load %arg9[%get3A_40, %get3A_41] : memref<1x2xf32, #tpu.memory_space<vmem>>, vector<1x2xf32>
    %add3A_43 = vector.broadcast %get3A_42 : vector<1x2xf32> to vector<1280x2xf32>
    %add3A_44 = arith.addf %dot_general3A_39, %add3A_43 : vector<1280x2xf32>
    %swap3A = arith.constant 0 : index
    %swap3A_45 = arith.constant 0 : index
    %swap3A_46 = vector.load %arg10[%swap3A, %swap3A_45] : memref<1280x2xf32, #tpu.memory_space<vmem>>, vector<1280x2xf32>
    tpu.vector_store %arg10[%swap3A, %swap3A_45], %add3A_44 {strides = array<i32>} : memref<1280x2xf32, #tpu.memory_space<vmem>>, vector<1280x2xf32>,
    return
  }
  func.func @transform_0(%arg0: i32) -> (i32, i32) {
    %c0_i32 = arith.constant 0 : i32
    %c0_i32_0 = arith.constant 0 : i32
    return %arg0, %c0_i32 : i32, i32
  }
  func.func @transform_1(%arg0: i32) -> (i32, i32) {
    %c0_i32 = arith.constant 0 : i32
    %c0_i32_0 = arith.constant 0 : i32
    return %arg0, %c0_i32 : i32, i32
  }
  func.func @transform_2(%arg0: i32) -> (i32, i32) {
    %c0_i32 = arith.constant 0 : i32
    %c0_i32_0 = arith.constant 0 : i32
    return %c0_i32, %arg0 : i32, i32
  }
  func.func @transform_3(%arg0: i32) -> (i32, i32) {
    %c0_i32 = arith.constant 0 : i32
    %c0_i32_0 = arith.constant 0 : i32
    return %arg0, %c0_i32 : i32, i32
  }
  func.func @transform_4(%arg0: i32) -> (i32, i32) {
    %c0_i32 = arith.constant 0 : i32
    %c0_i32_0 = arith.constant 0 : i32
    %c0_i32_1 = arith.constant 0 : i32
    return %c0_i32, %c0_i32_0 : i32, i32
  }
  func.func @transform_5(%arg0: i32) -> (i32, i32) {
    %c0_i32 = arith.constant 0 : i32
    %c0_i32_0 = arith.constant 0 : i32
    %c0_i32_1 = arith.constant 0 : i32
    return %c0_i32, %c0_i32_0 : i32, i32
  }
  func.func @transform_6(%arg0: i32) -> (i32, i32) {
    %c0_i32 = arith.constant 0 : i32
    %c0_i32_0 = arith.constant 0 : i32
    %c0_i32_1 = arith.constant 0 : i32
    return %c0_i32, %c0_i32_0 : i32, i32
  }
  func.func @transform_7(%arg0: i32) -> (i32, i32) {
    %c0_i32 = arith.constant 0 : i32
    %c0_i32_0 = arith.constant 0 : i32
    %c0_i32_1 = arith.constant 0 : i32
    return %c0_i32, %c0_i32_0 : i32, i32
  }
  func.func @transform_8(%arg0: i32) -> (i32, i32) {
    %c0_i32 = arith.constant 0 : i32
    %c0_i32_0 = arith.constant 0 : i32
    %c0_i32_1 = arith.constant 0 : i32
    return %c0_i32, %c0_i32_0 : i32, i32
  }
  func.func @transform_9(%arg0: i32) -> (i32, i32) {
    %c0_i32 = arith.constant 0 : i32
    %c0_i32_0 = arith.constant 0 : i32
    return %arg0, %c0_i32 : i32, i32
  }
}

</mosaic_0001>

<sc_bundles>
// kernel: kernel.10.cloned.1.call-start
scs
__scs_entry_jumppad:
0x0: {  	(pc) =	sbr.rel $0x88, $3  }
0x1: {  	(tag) =	ssettag $0x0;
	lr =	simm.s32 $0x1  }
0x2: {  	[smem:$0x3F97] =	sst lr;
	_ =	strace $0xD0000000  }
0x3: {  	_ = 	snop  }
0x4: {  	_ = 	snop  }
0x5: {  	_ = 	snop  }
0x6: {  	_ = 	snop  }
0x7: {  	_ = 	snop  }
__scs_overlays_trampoline_lowered:
0x8: {  	[smem:$0x3FA6] =	sst s0  }
0x9: {  	[smem:$0x3FA7] =	sst s1  }
0xa: {  	[smem:$0x3FA8] =	sst s2  }
0xb: {  	[smem:$0x3FA9] =	sst s3  }
0xc: {  	[smem:$0x3FAA] =	sst s4  }
0xd: {  	[smem:$0x3FAB] =	sst s5  }
0xe: {  	[smem:$0x3FAC] =	sst s6  }
0xf: {  	[smem:$0x3FAD] =	sst s7  }
0x10: {  	[smem:$0x3FAE] =	sst s8  }
0x11: {  	[smem:$0x3FAF] =	sst s9;
	s0 =	simm.s32 @!p0 $0x0  }
0x12: {  	s1 =	sld [smem:$0x3F95];
	s0 =	simm.s32 @p0 $0x1  }
0x13: {  	[smem:$0x3FB0] =	sst s0;
	s0 =	simm.s32 @!p1 $0x0  }
0x14: {  	s2 =	sld [smem:$0x3F94];
	s0 =	simm.s32 @p1 $0x1  }
0x15: {  	[smem:$0x3FB1] =	sst s0;
	s0 =	simm.s32 @!p2 $0x0  }
0x16: {  	s3 =	sld [smem:$0x3FDB];
	s0 =	simm.s32 @p2 $0x1  }
0x17: {  	s4 =	simm.s32 $0x1BF5;
	[smem:$0x3FB3] =	sst s0  }
0x18: {  	s0 =	sld [smem:$0x3F96];
	_ =	swait.ge [sflag:s4], $0x0  }
0x19: {  	s7 =	sld [smem:$0x3F97]  }
0x1a: {  	s8 =	sadd.s32 $0xFFFFE003, lr  }
0x1b: {  	s9 =	sadd.s32 $0xFFFFFEF7, lr;
	s5 =	simm.s32 $0xFFFFFFFF;
	p2 =	slt.u32 s8, $0xFFFFF086  }
0x1c: {  	p1 =	slt.u32 s9, $0xF7A;
	s5 =	simm.s32 @!p2 $0x0  }
0x1d: {  	s5 =	simm.s32 @p1 $0x1;
	p0 =	seq.s32 s7, s2  }
0x1e: {  	s7 =	smul.u32 @!p0 $0xF7A, s2;
	p2 =	seq.s32 @!p0 s5, $0x0  }
0x1f: {  	s9 =	smul.u32 $0xF7A, s1;
	s8 =	simm.s32 @!p0 $0x1BF5;
	p2 =	por !p2, p0  }
0x20: {  	[sflag:s8] =	ssyncset.s32 @!p0 $0xFFFFF086;
	s6 =	sadd.s32 @!p0 s3, s7;
	s7 =	simm.s32 @!p0 $0x108  }
0x21: {  	s3 =	sadd.s32 s3, s9;
	s6 =	sadd.s32 @!p0 $0x88, s6;
	s7 =	simm.s32 @p2 $0x1082  }
0x22: {  	[simem:s7], [sflag:s8] =	dma.local @!p0 [hbm:s6], $0xF7A  }
0x23: {  	s9 =	sor.u32 $0xD0000000, s2;
	s6 =	simm.s32 $0x108;
	_ =	swait.ge @!p0 [sflag:s8], $0x0  }
0x24: {  	s3 =	sadd.s32 $0x88, s3;
	s6 =	simm.s32 @!p1 $0x1082;
	[sflag:s4] =	ssyncset.s32 $0xFFFFF086  }
0x25: {  	[simem:s6], [sflag:s4] =	dma.local [hbm:s3], $0xF7A  }
0x26: {  	[smem:$0x3F97] =	sst s1;
	(tag) =	ssettag s2;
	_ =	strace s9  }
0x27: {  	s1 =	sld [smem:$0x3FA7]  }
0x28: {  	s2 =	sld [smem:$0x3FA8]  }
0x29: {  	s4 =	sld [smem:$0x3FAA]  }
0x2a: {  	p0 =	seq.s32 s5, $0x0;
	s5 =	sld [smem:$0x3FAB]  }
0x2b: {  	s6 =	sld [smem:$0x3FAC]  }
0x2c: {  	s7 =	sld [smem:$0x3FAD]  }
0x2d: {  	s3 =	simm.s32 $0x108;
	s8 =	sld [smem:$0x3FAE]  }
0x2e: {  	s3 =	simm.s32 @!p0 $0x1082;
	s9 =	sld [smem:$0x3FAF]  }
0x2f: {  	lr =	sadd.s32 s0, s3;
	s0 =	sld [smem:$0x3FA6]  }
0x30: {  	s3 =	sld [smem:$0x3FA9]  }
0x31: {  	[smem:$0x3FB2] =	sst s10  }
0x32: {  	s10 =	sld [smem:$0x3FB0];
	_ =	sdelay $0x3  }
0x33: {  	p0 =	seq.s32 s10, $0x1;
	s10 =	sld [smem:$0x3FB2];
	_ =	sdelay $0x3  }
0x34: {  	[smem:$0x3FB2] =	sst s10  }
0x35: {  	s10 =	sld [smem:$0x3FB1];
	_ =	sdelay $0x3  }
0x36: {  	p1 =	seq.s32 s10, $0x1;
	s10 =	sld [smem:$0x3FB2];
	_ =	sdelay $0x3  }
0x37: {  	[smem:$0x3FB2] =	sst s10  }
0x38: {  	s10 =	sld [smem:$0x3FB3]  }
0x39: {  	_ = 	snop;
	(pc) =	sbr.ind lr, $3  }
0x3a: {  	_ = 	snop  }
0x3b: {  	_ = 	snop  }
0x3c: {  	p2 =	seq.s32 s10, $0x1;
	s10 =	sld [smem:$0x3FB2]  }
0x3d: {  	_ =	shalt  }
0x3e: {  	_ =	shalt  }
0x3f: {  	_ =	shalt  }
0x40: {  	_ =	shalt  }
0x41: {  	_ =	shalt  }
0x42: {  	_ =	shalt  }
0x43: {  	_ =	shalt  }
0x44: {  	_ =	shalt  }
0x45: {  	_ =	shalt  }
0x46: {  	_ =	shalt  }
0x47: {  	_ =	shalt  }
0x48: {  	_ =	shalt  }
0x49: {  	_ =	shalt  }
0x4a: {  	_ =	shalt  }
0x4b: {  	_ =	shalt  }
0x4c: {  	_ =	shalt  }
0x4d: {  	_ =	shalt  }
0x4e: {  	_ =	shalt  }
0x4f: {  	_ =	shalt  }
0x50: {  	_ =	shalt  }
0x51: {  	_ =	shalt  }
0x52: {  	_ =	shalt  }
0x53: {  	_ =	shalt  }
0x54: {  	_ =	shalt  }
0x55: {  	_ =	shalt  }
0x56: {  	_ =	shalt  }
0x57: {  	_ =	shalt  }
0x58: {  	_ =	shalt  }
0x59: {  	_ =	shalt  }
0x5a: {  	_ =	shalt  }
0x5b: {  	_ =	shalt  }
0x5c: {  	_ =	shalt  }
0x5d: {  	_ =	shalt  }
0x5e: {  	_ =	shalt  }
0x5f: {  	_ =	shalt  }
0x60: {  	_ =	shalt  }
0x61: {  	_ =	shalt  }
0x62: {  	_ =	shalt  }
0x63: {  	_ =	shalt  }
0x64: {  	_ =	shalt  }
0x65: {  	_ =	shalt  }
0x66: {  	_ =	shalt  }
0x67: {  	_ =	shalt  }
0x68: {  	_ =	shalt  }
0x69: {  	_ =	shalt  }
0x6a: {  	_ =	shalt  }
0x6b: {  	_ =	shalt  }
0x6c: {  	_ =	shalt  }
0x6d: {  	_ =	shalt  }
0x6e: {  	_ =	shalt  }
0x6f: {  	_ =	shalt  }
0x70: {  	_ =	shalt  }
0x71: {  	_ =	shalt  }
0x72: {  	_ =	shalt  }
0x73: {  	_ =	shalt  }
0x74: {  	_ =	shalt  }
0x75: {  	_ =	shalt  }
0x76: {  	_ =	shalt  }
0x77: {  	_ =	shalt  }
0x78: {  	_ =	shalt  }
0x79: {  	_ =	shalt  }
0x7a: {  	_ =	shalt  }
0x7b: {  	_ =	shalt  }
0x7c: {  	_ =	shalt  }
0x7d: {  	_ =	shalt  }
0x7e: {  	_ =	shalt  }
0x7f: {  	_ =	shalt  }
0x80: {  	_ =	shalt  }
0x81: {  	_ =	shalt  }
0x82: {  	_ =	shalt  }
0x83: {  	_ =	shalt  }
0x84: {  	_ =	shalt  }
0x85: {  	_ =	shalt  }
0x86: {  	_ =	shalt  }
0x87: {  	_ =	shalt  }
.Lfunc_end0:
.L_simem_size_0:
called_computation.1_lowered:
.L_overlay_start_0:
0x88: {  	s2 =	sld [smem:$0x3FD9]  }
0x89: {  	s3 =	sld [smem:$0x3FFE];
	_ =	sdelay $0x1  }
0x8a: {  	s1 =	srdreg.scid  }
0x8b: {  	s0 =	sand.u32 $0x1, s1  }
0x8c: {  	s17 =	sshll.u32 s0, $0xA;
	s2 =	sadd.s32 s3, s2  }
0x8d: {  	s2 =	sadd.s32 s2, s17  }
0x8e: {  	[smem:$0x3FBE] =	sst s2  }
0x8f: {  	_ = 	snop  }
0x90: {  	s2 =	sld [smem:$0x3FD0];
	(tm) =	ssettm $0x1  }
0x91: {  	s18 =	sld [smem:$0x3FFB];
	_ =	sdelay $0x3  }
0x92: {  	_ =	strace s18  }
0x93: {  	s3 =	sld [smem:$0x3FFC];
	_ =	sdelay $0x3  }
0x94: {  	_ =	strace s3  }
0x95: {  	s3 =	sld [smem:$0x3FFD];
	_ =	sdelay $0x3  }
0x96: {  	_ =	strace s3  }
0x97: {  	_ =	strace $0x8FFFFFFF  }
0x98: {  	s19 =	sld [smem:$0x3FDB];
	_ =	sdelay $0x1  }
0x99: {  	s4 =	simm.s32 $_scs_section_size  }
0x9a: {  	s5 =	simm.s32 $_size__tile_overlayer_lowered;
	s6 =	simm.s32 $_tile_overlayer_lowered  }
0x9b: {  	s22 =	simm.s32 $0x1BFF;
	s21 =	sshll.u32 s6, $0x1;
	s3 =	sadd.s32 s4, s19  }
0x9c: {  	s7 =	simm.s32 $0x0;
	s20 =	sshll.u32 s5, $0x1;
	s5 =	sadd.s32 s21, s3  }
0x9d: {  	[timem:s7], [sflag:s22] =	dma.local [hbm:s5], s20  }
0x9e: {  	_ =	swait.ge [sflag:s22], s20  }
0x9f: {  	s4 =	ssub.s32 $0x0, s20;
	[sflag:s22] =	ssyncset.done $0x0  }
0xa0: {  	[sflag:s22] =	ssyncadd.s32 s4;
	_ =	sdelay $0x1  }
0xa1: {  	s23 =	simm.s32 $0x1B8B  }
0xa2: {  	_ =	swait.ge [sflag:s23], $0x1  }
0xa3: {  	[sflag:s23] =	ssyncset.done $0x0  }
0xa4: {  	s25 =	simm.s32 $0x1B8E;
	s24 =	sld [smem:$0x3FFE];
	[sflag:s23] =	ssyncadd.s32 $0xFFFFFFFF  }
0xa5: {  	s26 =	simm.s32 $execute0_lowered;
	[smem:$0x3FD2] =	sst s25  }
0xa6: {  	s5 =	sshll.u32 s26, $0x1;
	_ =	strace $0x80000049;
	[dreg:$0x1] =	wrdreg $0xFFFFFFFF  }
0xa7: {  	s28 =	simm.s32 $_size_execute0_lowered;
	s3 =	sadd.s32 s3, s5;
	[dreg:$0x0] =	wrdreg $0x0  }
0xa8: {  	s5 =	sshll.u32 s28, $0x1;
	[dreg:$0x2] =	wrdreg s3  }
0xa9: {  	[dreg:$0x3] =	wrdreg s5  }
0xaa: {  	[dreg:$0x4] =	wrdreg $0xC0  }
0xab: {  	_ =	task [dreg:s7], $0x5FFFF  }
0xac: {  	[dreg:$0x1] =	wrdreg $0xFFFFFFFF  }
0xad: {  	[dreg:$0x0] =	wrdreg $0x60  }
0xae: {  	[dreg:$0x2] =	wrdreg s24  }
0xaf: {  	[dreg:$0x3] =	wrdreg s2  }
0xb0: {  	[dreg:$0x4] =	wrdreg $0x0  }
0xb1: {  	[dreg:$0x5] =	wrdreg $0x9  }
0xb2: {  	_ =	task.clear_ibuf [dreg:s7], $0x6FFFF;
	_ =	strace $0x90000049  }
0xb3: {  	s29 =	simm.s32 $0x9;
	_ =	strace $0x8000004B  }
0xb4: {  	_ =	swait.ge [sflag:s29], $0x1  }
0xb5: {  	[sflag:s29] =	ssyncadd.s32 $0xFFFFFFFF  }
0xb6: {  	_ =	strace $0x9000004B  }
0xb7: {  	_ =	sfence  }
0xb8: {  	s30 =	sld [smem:$0x0];
	_ =	sdelay $0x2  }
0xb9: {  	s31 =	sshll.u32 s1, $0xD;
	s1 =	sshrl.u32 s1, $0x2  }
0xba: {  	s3 =	sand.u32 $0x4000, s31;
	s1 =	sadd.s32 s1, s30  }
0xbb: {  	s0 =	sor.u32 s3, s0;
	s1 =	sshll.u32 s1, $0x11  }
0xbc: {  	s0 =	sor.u32 s1, s0  }
0xbd: {  	s0 =	sadd.s32 $0x8F2B, s0  }
0xbe: {  	[sflag:s0] =	ssyncadd.remote.s32 $0x1  }
0xbf: {  	_ =	sfence.sel $0xFFFF  }
0xc0: {  	[dreg:$0x0] =	wrdreg $0xFFFFFFFF;
	(pc) =	sbr.abs _section_cstart, $3  }
0xc1: {  	[dreg:$0x1] =	wrdreg $0xFFFFFFFF  }
0xc2: {  	_ =	task.clear_ibuf [dreg:s7], $0x2FFFF;
	_ =	strace $0x9FFFFFFF  }
0xc3: {  	(tm) =	ssettm $0x7FFFFFFF  }
tec
execute0_lowered:
.L_overlay_start_1:
0x0: {  	(tag) =	ssettag $0x1  }
0x1: {  	s0 =	rddreg [dreg:$0x0]  }
0x2: {  	s3 =	rddreg [dreg:$0x2];
	s1 =	srdreg.scid  }
0x3: {  	s2 =	simm.s32 $0x0;
	s9 =	stileid.u32;
	s31 =	simm.s32 $0x280  }
0x4: {  	s18 =	simm.s32 $0x1C500;
	s20 =	simm.s32 $0x6;
	s1 =	sand.u32 $0x1, s1  }
0x5: {  	[smem:$0x7FF] =	sst s2;
	s21 =	sshll.u32 s9, $0x1;
	s6 =	smul.u32 $0x14000, s9  }
0x6: {  	s5 =	sadd.s32 $0x2D400, s0;
	s10 =	sadd.s32 $0x23400, s0;
	s8 =	smul.u32 $0x50000, s9  }
0x7: {  	s22 =	sshrl.u32 s9, $0x2;
	s26 =	sshll.u32 s9, $0x6;
	s4 =	smul.u32 $0x140000, s1  }
0x8: {  	_ =	strace $0x8000004A;
	s2 =	sor.u32 s1, s21;
	[dreg:$0x5] =	wrdreg s10  }
0x9: {  	s1 =	ssub.s32 $0x2, s1;
	[dreg:$0x4] =	wrdreg s31;
	s7 =	sshll.u32 s2, $0xB  }
0xa: {  	s2 =	sshll.u32 s2, $0x7;
	s23 =	sshrl.u32 s1, $0x1;
	s24 =	sshrl.u32 s8, $0x2  }
0xb: {  	s8 =	simm.s32 $0xA;
	s7 =	sadd.s32 s7, s0;
	s4 =	sadd.s32 s6, s4  }
0xc: {  	s6 =	smul.u32 $0x14000, s22;
	s2 =	sand.u32 $0x380, s2;
	s28 =	sadd.s32 $0x13400, s7  }
0xd: {  	s1 =	ssub.s32 s1, s23;
	s29 =	sadd.s32 $0x13480, s7;
	[dreg:$0x7] =	wrdreg s28  }
0xe: {  	s4 =	sshrl.u32 s4, $0x3;
	s30 =	smax.u32 s1, $0x1;
	[dreg:$0xb] =	wrdreg s29  }
0xf: {  	s0 =	sadd.s32 s4, s0;
	s6 =	sor.u32 s6, s2;
	[dreg:$0xd] =	wrdreg s30  }
0x10: {  	s2 =	sadd.s32 s24, s3;
	[dreg:$0x6] =	wrdreg s6;
	s0 =	sadd.s32 $0x55400, s0  }
0x11: {  	s25 =	sshrl.u32 s6, $0x3;
	s6 =	sor.u32 $0x1C0A, s26;
	[dreg:$0xc] =	wrdreg s0  }
0x12: {  	s23 =	simm.s32 $0x19D00;
	s7 =	sshrl.u32 s2, $0x3;
	[dreg:$0x9] =	wrdreg s6  }
0x13: {  	s22 =	simm.s32 $0x4;
	s4 =	sadd.s32 s10, s25;
	[dreg:$0xe] =	wrdreg s7  }
0x14: {  	s1 =	simm.s32 $0x3;
	[dreg:$0x8] =	wrdreg s4;
	s4 =	sadd.s32 $0x280, s4  }
0x15: {  	s24 =	simm.s32 $0x50;
	s0 =	simm.s32 $0x0;
	[dreg:$0xa] =	wrdreg s4  }
.LBB2_1:
0x16: {  	[dreg:$0xf] =	wrdreg s0  }
0x17: {  	s4 =	rddreg [dreg:$0x1];
	s31 =	simm.s32 $0x80  }
0x18: {  	[spmem:s7], [sflag:s6] =	dma.local [hbm:s4], $0x2800  }
0x19: {  	s0 =	simm.s32 $0x400;
	s2 =	simm.s32 $0x14000;
	_ =	swait.ge [sflag:s8], $0x2800  }
0x1a: {  	s11 =	simm.s32 $0x0;
	s9 =	simm.s32 $0x14500;
	[sflag:s8] =	ssyncset.done $0x0  }
0x1b: {  	s10 =	simm.s32 $0x9;
	s30 =	rddreg [dreg:$0x8];
	[sflag:s8] =	ssyncadd.s32 $0xFFFFD800  }
0x1c: {  	[tilespmem:s2], [sflag:$0x9] =	stream.strided.gather [hbm4b:s30+s31], $0x280, s0, s31, $0x38;
	[tilespmem:$0x1ED00] =	vst v63  }
0x1d: {  	s14 =	simm.s32 $0x14900;
	s17 =	simm.s32 $0x14D00;
	s25 =	rddreg [dreg:$0x7]  }
0x1e: {  	[tilespmem:s9], [sflag:$0x9] =	stream.linear.gather [hbm4b:s25+s11], $0x400, $0x38;
	[tilespmem:$0x1ED00] =	vst v63  }
0x1f: {  	s15 =	simm.s32 $0x14050;
	s28 =	simm.s32 $0x17500;
	_ =	swait.ge [sflag:s10], $0x280  }
0x20: {  	p1 =	por $0x0, $0x0;
	s19 =	simm.s32 $0x9;
	[sflag:s10] =	ssyncset.done $0x0  }
0x21: {  	s16 =	simm.s32 $0x2;
	s26 =	simm.s32 $0x100;
	[sflag:s10] =	ssyncadd.s32 $0xFFFFFD80  }
0x22: {  	p0 =	por $0x0, $0x0;
	p3 =	por $0x1, $0x1;
	_ =	swait.ge [sflag:s10], $0x400  }
0x23: {  	s6 =	simm.s32 @!p1 $0x0;
	s21 =	sand.u32 $0x6, s16;
	[sflag:s10] =	ssyncset.done $0x0  }
0x24: {  	s9 =	simm.s32 $0x14280;
	s12 =	rddreg [dreg:$0xa];
	[sflag:s10] =	ssyncadd.s32 $0xFFFFFC00  }
0x25: {  	[tilespmem:s9], [sflag:$0x9] =	stream.strided.gather [hbm4b:s12+s31], $0x280, s0, s31, $0x38;
	[tilespmem:$0x1ED00] =	vst v63  }
0x26: {  	s16 =	simm.s32 $0x14000;
	s6 =	sand.u32 @!p1 $0x280, s6;
	s13 =	rddreg [dreg:$0xb]  }
0x27: {  	[tilespmem:s14], [sflag:$0x9] =	stream.linear.gather [hbm4b:s13+s11], $0x400, $0x38;
	[tilespmem:$0x1ED00] =	vst v63  }
0x28: {  	s8 =	simm.s32 $0x180;
	s30 =	simm.s32 $0x0;
	[bflag:$0x0] =	sbarrier.arrive $0xFFFF  }
0x29: {  	[tilespmem:s17], [sflag:$0x1] =	stream.indirect.gather [hbm4b:s5+s24], $0x80, s2, s24, $0xb8;
	[tilespmem:$0x1ED00] =	vst v63  }
0x2a: {  	s10 =	simm.s32 $0x6;
	s31 =	sand.u32 $0x400, s30;
	s2 =	simm.s32 $0x5  }
0x2b: {  	s0 =	simm.s32 $0x3;
	s9 =	simm.s32 @!p3 $0x8;
	s4 =	sand.u32 @!p1 $0x5, s2  }
0x2c: {  	s13 =	simm.s32 $0xD;
	s11 =	sand.u32 $0x2, s11;
	s4 =	smul.u32 @!p1 $0x140, s4  }
0x2d: {  	[tilespmem:s28], [sflag:$0x2] =	stream.indirect.gather [hbm4b:s5+s24], $0x80, s15, s24, $0xb8;
	[tilespmem:$0x1ED00] =	vst v63  }
0x2e: {  	p2 =	seq.s32 s11, $0x0;
	s15 =	simm.s32 @!p0 $0xFFFFFFFF;
	s4 =	sshrl.u32 @!p1 s4, $0x2  }
0x2f: {  	s16 =	simm.s32 @!p2 $0x14280;
	s15 =	sand.u32 @!p0 $0x280, s15;
	s4 =	sadd.s32 @!p1 s4, s6  }
0x30: {  	s6 =	smul.u32 $0x140, s21;
	s14 =	sor.u32 @!p1 $0x14000, s4;
	s4 =	sand.u32 @!p0 $0x5, s19  }
0x31: {  	s21 =	simm.s32 $0x4;
	p1 =	por p1, p1;
	s12 =	smul.u32 @!p0 $0x140, s4  }
0x32: {  	s7 =	sand.u32 $0x4, s21;
	s4 =	sand.u32 $0x6, s10;
	s10 =	sand.u32 $0x7, s0  }
0x33: {  	s10 =	smul.u32 $0x140, s10;
	s11 =	sshrl.u32 @!p0 s12, $0x2;
	s12 =	simm.s32 @!p3 $0x7  }
0x34: {  	s6 =	sshrl.u32 s6, $0x2;
	p2 =	sne.s32 s7, $0x0;
	_ =	swait.ge @!p3 [sflag:s12], $0x2800  }
0x35: {  	s6 =	sadd.s32 s6, s16;
	s10 =	sshrl.u32 s10, $0x2;
	[sflag:s12] =	ssyncset.done @!p3 $0x0  }
0x36: {  	[sflag:s12] =	ssyncadd.s32 @!p3 $0xFFFFD800;
	s12 =	sand.u32 $0x200, s30;
	s30 =	simm.s32 $0x1  }
0x37: {  	[tilespmem:s23], [sflag:$0x3] =	stream.indirect.gather [hbm4b:s5+s24], $0x80, s6, s24, $0xb8;
	[tilespmem:$0x1ED00] =	vst v63  }
0x38: {  	p4 =	por @p2 $0x1, $0x1;
	s10 =	sadd.s32 s10, s16;
	_ =	swait.ge [sflag:s30], $0x2800  }
0x39: {  	s16 =	smul.u32 $0x140, s7;
	s23 =	sadd.s32 $0x14500, s31;
	[sflag:s30] =	ssyncset.done $0x0  }
0x3a: {  	s7 =	sadd.s32 @!p0 s11, s15;
	s6 =	sor.u32 s12, s23;
	[sflag:s30] =	ssyncadd.s32 $0xFFFFD800  }
0x3b: {  	[spmem:s3] =	stream.indirect.scatter.add.f32 [tilespmem:s17], [sflag:$0x5], $0x80, s6, s24, $0xb8;
	[tilespmem:$0x1ED00] =	vst v63  }
0x3c: {  	s15 =	simm.s32 @!p1 $0x50;
	s31 =	simm.s32 $0x2;
	_ =	swait.ge @!p3 [sflag:s9], $0x2800  }
0x3d: {  	s12 =	simm.s32 $0x1;
	s6 =	sadd.s32 $0x80, s6;
	[sflag:s9] =	ssyncset.done @!p3 $0x0  }
0x3e: {  	s17 =	simm.s32 @!p2 $0x0;
	[sflag:s9] =	ssyncadd.s32 @!p3 $0xFFFFD800;
	p3 =	por p4, !p2  }
0x3f: {  	[tilespmem:s18], [sflag:$0x4] =	stream.indirect.gather [hbm4b:s5+s24], $0x80, s10, s24, $0xb8;
	[tilespmem:$0x1ED00] =	vst v63  }
0x40: {  	s9 =	simm.s32 @!p1 $0x17500;
	s18 =	sor.u32 @!p0 $0x14000, s7;
	s7 =	simm.s32 @!p3 $0x1  }
0x41: {  	_ =	swait.ge [sflag:s31], $0x2800;
	s10 =	smul.u32 @!p3 $0x1400, s7;
	s7 =	sand.u32 @!p3 $0x1, s7  }
0x42: {  	[sflag:s31] =	ssyncset.done $0x0;
	s11 =	smul.u32 @!p3 $0xA00, s7;
	s21 =	rddreg [dreg:$0x6]  }
0x43: {  	[sflag:s31] =	ssyncadd.s32 $0xFFFFD800;
	s10 =	sadd.s32 @!p3 s21, s10;
	s21 =	simm.s32 @!p3 $0x400  }
0x44: {  	[spmem:s3] =	stream.indirect.scatter.add.f32 [tilespmem:s28], [sflag:$0x6], $0x80, s6, s24, $0xb8;
	[tilespmem:$0x1ED00] =	vst v63  }
0x45: {  	s6 =	sshrl.u32 @!p3 s11, $0x2;
	s10 =	sshrl.u32 @!p3 s10, $0x3;
	_ =	swait.ge [sflag:s2], $0x2800  }
0x46: {  	s6 =	sor.u32 @!p3 $0x14000, s6;
	[sflag:s2] =	ssyncset.done $0x0;
	s11 =	rddreg [dreg:$0x5]  }
0x47: {  	s10 =	sadd.s32 @!p3 s11, s10;
	[sflag:s2] =	ssyncadd.s32 $0xFFFFD800;
	s11 =	simm.s32 @!p3 $0x80  }
0x48: {  	[tilespmem:s6], [sflag:$0x9] =	stream.strided.gather @!p3 [hbm4b:s10+s11], $0x280, s21, s11, $0x38;
	[tilespmem:$0x1ED00] =	vst v63  }
0x49: {  	s7 =	sshll.u32 @!p3 s7, $0xA;
	s28 =	simm.s32 $0x200;
	s6 =	simm.s32 @p2 $0x0  }
0x4a: {  	s11 =	simm.s32 $0x380;
	s10 =	simm.s32 @!p3 $0x0;
	s17 =	smov.u32 @p2 s6  }
0x4b: {  	s6 =	sadd.s32 @!p3 $0x14500, s7;
	s7 =	sadd.s32 @!p3 $0x80, s25;
	s25 =	simm.s32 @!p2 $0x9  }
0x4c: {  	[tilespmem:s6], [sflag:$0x9] =	stream.linear.gather @!p3 [hbm4b:s7+s10], $0x400, $0x38;
	[tilespmem:$0x1ED00] =	vst v63  }
0x4d: {  	s29 =	sand.u32 $0x1, s17;
	s6 =	sand.u32 $0x380, s8;
	_ =	swait.ge @!p2 [sflag:s25], $0x280  }
0x4e: {  	s17 =	sand.u32 $0x400, s28;
	s8 =	simm.s32 $0x300;
	[sflag:s25] =	ssyncset.done @!p2 $0x0  }
.LBB2_2:
0x4f: {  	[sflag:s25] =	ssyncadd.s32 @!p2 $0xFFFFFD80  }
0x50: {  	s10 =	sadd.s32 s6, s23;
	s6 =	smov.u32 s13;
	s13 =	sadd.s32 $0x4, s13  }
0x51: {  	s21 =	smov.u32 s11;
	p5 =	por p1, p1;
	p1 =	por p0, p0  }
0x52: {  	s16 =	sshrl.u32 s16, $0x2;
	s30 =	sand.u32 $0x2, s12;
	p4 =	seq.s32 s29, $0x1  }
0x53: {  	s4 =	smul.u32 $0x140, s4;
	s29 =	sadd.s32 $0xFFFFFFFE, s19;
	s26 =	sand.u32 $0x300, s26  }
0x54: {  	s0 =	simm.s32 $0x19D00;
	s11 =	sadd.s32 $0x200, s11;
	s7 =	sadd.s32 $0xFFFFFFFD, s6  }
0x55: {  	p0 =	seq.s32 s6, $0x7D;
	_ =	swait.ge @!p2 [sflag:s25], $0x400;
	p3 =	sne.s32 s13, $0x81  }
0x56: {  	s2 =	sadd.s32 s26, s23;
	s26 =	sand.u32 $0x200, s28;
	s28 =	simm.s32 $0x14000  }
0x57: {  	s7 =	sand.u32 $0x6, s7;
	[sflag:s25] =	ssyncset.done @!p2 $0x0;
	s31 =	rddreg [dreg:$0x4]  }
0x58: {  	s4 =	sshrl.u32 s4, $0x2;
	[sflag:s25] =	ssyncadd.s32 @!p2 $0xFFFFFC00;
	s25 =	sand.u32 @!p0 $0x5, s6  }
0x59: {  	p2 =	seq.s32 s30, $0x0;
	s31 =	simm.s32 @!p4 $0x0;
	s30 =	sshll.u32 @!p0 s6, $0x1C  }
0x5a: {  	p4 =	seq.s32 s19, $0x5;
	s25 =	smul.u32 @!p0 $0x140, s25;
	s16 =	sadd.s32 s16, s31  }
0x5b: {  	s31 =	simm.s32 $0x14D00;
	s23 =	simm.s32 @!p4 $0x7;
	s16 =	sor.u32 $0x14000, s16  }
0x5c: {  	[tilespmem:s31], [sflag:$0x1] =	stream.indirect.gather [hbm4b:s5+s24], $0x80, s16, s24, $0xb8;
	[tilespmem:$0x1ED00] =	vst v63  }
0x5d: {  	s28 =	simm.s32 @!p2 $0x14280;
	s25 =	sshrl.u32 @!p0 s25, $0x2;
	_ =	swait.ge [sflag:s1], $0x2800  }
0x5e: {  	s16 =	sand.u32 $0x7, s29;
	s29 =	sshra.s32 @!p0 s30, $0x1F;
	[sflag:s1] =	ssyncset.done $0x0  }
0x5f: {  	s30 =	sadd.s32 $0xFFFFFFFF, s19;
	s16 =	smul.u32 $0x140, s16;
	[sflag:s1] =	ssyncadd.s32 $0xFFFFD800  }
0x60: {  	[spmem:s3] =	stream.indirect.scatter.add.f32 [tilespmem:s0], [sflag:$0x7], $0x80, s2, s24, $0xb8;
	[tilespmem:$0x1ED00] =	vst v63  }
0x61: {  	s29 =	sand.u32 @!p0 $0x280, s29;
	s2 =	sand.u32 $0x4, s30;
	_ =	swait.ge [sflag:s20], $0x2800  }
0x62: {  	s19 =	sshrl.u32 s16, $0x2;
	p2 =	sne.s32 s2, $0x0;
	[sflag:s20] =	ssyncset.done $0x0  }
0x63: {  	s16 =	smul.u32 $0x140, s2;
	s2 =	simm.s32 $0x1C500;
	[sflag:s20] =	ssyncadd.s32 $0xFFFFD800  }
0x64: {  	[tilespmem:s9], [sflag:$0x2] =	stream.indirect.gather @!p5 [hbm4b:s5+s15], $0x80, s14, s15, $0xb8;
	[tilespmem:$0x1ED00] =	vst v63  }
0x65: {  	s14 =	sadd.s32 s4, s28;
	s28 =	sadd.s32 s19, s28;
	_ =	swait.ge [sflag:s22], $0x2800  }
0x66: {  	s4 =	sadd.s32 @!p0 s25, s29;
	s19 =	smov.u32 s6;
	[sflag:s22] =	ssyncset.done $0x0  }
0x67: {  	s9 =	simm.s32 @!p1 $0x17500;
	s6 =	sshrl.u32 @!p2 s30, $0x3;
	[sflag:s22] =	ssyncadd.s32 $0xFFFFD800  }
0x68: {  	[spmem:s3] =	stream.indirect.scatter.add.f32 [tilespmem:s2], [sflag:$0x8], $0x80, s10, s24, $0xb8;
	[tilespmem:$0x1ED00] =	vst v63  }
0x69: {  	s25 =	simm.s32 $0x2;
	s15 =	sor.u32 @!p0 $0x14000, s4;
	_ =	swait.ge @!p4 [sflag:s23], $0x2800  }
0x6a: {  	s4 =	smov.u32 s7;
	s10 =	sadd.s32 @p2 $0xFFFFFFFE, s12;
	[sflag:s23] =	ssyncset.done @!p4 $0x0  }
0x6b: {  	p5 =	sgt.u32 @p2 s10, $0x1A;
	s10 =	simm.s32 $0x1;
	[sflag:s23] =	ssyncadd.s32 @!p4 $0xFFFFD800  }
0x6c: {  	[tilespmem:s0], [sflag:$0x3] =	stream.indirect.gather [hbm4b:s5+s24], $0x80, s14, s24, $0xb8;
	[tilespmem:$0x1ED00] =	vst v63  }
0x6d: {  	s7 =	simm.s32 @!p4 $0x8;
	s12 =	sadd.s32 $0x1, s12;
	_ =	swait.ge [sflag:s10], $0x2800  }
0x6e: {  	s23 =	sadd.s32 $0x14500, s17;
	s14 =	smov.u32 s18;
	[sflag:s10] =	ssyncset.done $0x0  }
0x6f: {  	s17 =	sor.u32 s26, s23;
	s18 =	smov.u32 s15;
	[sflag:s10] =	ssyncadd.s32 $0xFFFFD800  }
0x70: {  	[spmem:s3] =	stream.indirect.scatter.add.f32 [tilespmem:s31], [sflag:$0x5], $0x80, s17, s24, $0xb8;
	[tilespmem:$0x1ED00] =	vst v63  }
0x71: {  	s26 =	smov.u32 s8;
	s15 =	simm.s32 @!p1 $0x50;
	_ =	swait.ge @!p4 [sflag:s7], $0x2800  }
0x72: {  	s10 =	sadd.s32 $0x80, s17;
	s31 =	simm.s32 $0x5;
	[sflag:s7] =	ssyncset.done @!p4 $0x0  }
0x73: {  	[sflag:s7] =	ssyncadd.s32 @!p4 $0xFFFFD800;
	s7 =	sshrl.u32 @p2 s30, $0x3;
	p4 =	por p5, !p2  }
0x74: {  	[tilespmem:s2], [sflag:$0x4] =	stream.indirect.gather [hbm4b:s5+s24], $0x80, s28, s24, $0xb8;
	[tilespmem:$0x1ED00] =	vst v63  }
0x75: {  	s8 =	sadd.s32 @!p4 $0x1, s7;
	s6 =	smov.u32 @p2 s7;
	_ =	swait.ge [sflag:s25], $0x2800  }
0x76: {  	s7 =	smul.u32 @!p4 $0x1400, s8;
	s17 =	sand.u32 @!p4 $0x1, s8;
	[sflag:s25] =	ssyncset.done $0x0  }
0x77: {  	s8 =	sshll.u32 @!p4 s8, $0x7;
	s28 =	rddreg [dreg:$0x6];
	[sflag:s25] =	ssyncadd.s32 $0xFFFFD800  }
0x78: {  	s25 =	smul.u32 @!p4 $0xA00, s17;
	s7 =	sadd.s32 @!p4 s28, s7;
	s28 =	rddreg [dreg:$0x7]  }
0x79: {  	s8 =	sadd.s32 @!p4 s8, s28;
	s28 =	simm.s32 $0x17500;
	s7 =	sshrl.u32 @!p4 s7, $0x3  }
0x7a: {  	[spmem:s3] =	stream.indirect.scatter.add.f32 [tilespmem:s28], [sflag:$0x6], $0x80, s10, s24, $0xb8;
	[tilespmem:$0x1ED00] =	vst v63  }
0x7b: {  	s10 =	sshrl.u32 @!p4 s25, $0x2;
	s28 =	simm.s32 @!p4 $0x400;
	_ =	swait.ge [sflag:s31], $0x2800  }
0x7c: {  	s10 =	sor.u32 @!p4 $0x14000, s10;
	[sflag:s31] =	ssyncset.done $0x0;
	s25 =	rddreg [dreg:$0x5]  }
0x7d: {  	s7 =	sadd.s32 @!p4 s25, s7;
	[sflag:s31] =	ssyncadd.s32 $0xFFFFD800;
	s25 =	simm.s32 @!p4 $0x80  }
0x7e: {  	[tilespmem:s10], [sflag:$0x9] =	stream.strided.gather @!p4 [hbm4b:s7+s25], $0x280, s28, s25, $0x38;
	[tilespmem:$0x1ED00] =	vst v63  }
.Ltmp0:
0x7f: {  	s29 =	sand.u32 $0x1, s6;
	s17 =	sshll.u32 @!p4 s17, $0xA;
	(pc) =	sbr.rel @p3 .LBB2_2-.Ltmp0, $4  }
0x80: {  	s17 =	sadd.s32 @!p4 $0x14500, s17;
	s7 =	simm.s32 @!p4 $0x0;
	s25 =	simm.s32 @!p2 $0x9  }
0x81: {  	[tilespmem:s17], [sflag:$0x9] =	stream.linear.gather @!p4 [hbm4b:s8+s7], $0x400, $0x38;
	[tilespmem:$0x1ED00] =	vst v63  }
0x82: {  	s6 =	sand.u32 $0x380, s21;
	s28 =	sadd.s32 $0xFFFFFE80, s11;
	_ =	swait.ge @!p2 [sflag:s25], $0x280  }
0x83: {  	s17 =	sand.u32 $0x400, s28;
	s8 =	sadd.s32 $0xFFFFFF80, s11;
	[sflag:s25] =	ssyncset.done @!p2 $0x0  }
0x84: {  	[sflag:s25] =	ssyncadd.s32 @!p2 $0xFFFFFD80  }
0x85: {  	_ =	swait.ge @!p2 [sflag:s25], $0x400  }
0x86: {  	p3 =	seq.s32 s29, $0x1;
	s7 =	rddreg [dreg:$0x4]  }
0x87: {  	s10 =	sshrl.u32 s16, $0x2;
	s7 =	simm.s32 @!p3 $0x0  }
0x88: {  	[sflag:s25] =	ssyncset.done @!p2 $0x0;
	s7 =	sadd.s32 s10, s7  }
0x89: {  	s21 =	simm.s32 $0x14D00;
	[sflag:s25] =	ssyncadd.s32 @!p2 $0xFFFFFC00;
	s7 =	sor.u32 $0x14000, s7  }
0x8a: {  	[tilespmem:s21], [sflag:$0x1] =	stream.indirect.gather [hbm4b:s5+s24], $0x80, s7, s24, $0xb8;
	[tilespmem:$0x1ED00] =	vst v63  }
0x8b: {  	_ =	swait.ge [sflag:s1], $0x2800  }
0x8c: {  	s13 =	sand.u32 $0x300, s26;
	[sflag:s1] =	ssyncset.done $0x0  }
0x8d: {  	s25 =	simm.s32 $0x19D00;
	s7 =	sadd.s32 s13, s23;
	[sflag:s1] =	ssyncadd.s32 $0xFFFFD800  }
0x8e: {  	[spmem:s3] =	stream.indirect.scatter.add.f32 [tilespmem:s25], [sflag:$0x7], $0x80, s7, s24, $0xb8;
	[tilespmem:$0x1ED00] =	vst v63  }
0x8f: {  	_ =	swait.ge [sflag:s20], $0x2800  }
0x90: {  	p1 =	por p1, p1;
	s16 =	sand.u32 $0x2, s12;
	[sflag:s20] =	ssyncset.done $0x0  }
0x91: {  	s6 =	sadd.s32 s6, s23;
	s4 =	smul.u32 $0x140, s4;
	[sflag:s20] =	ssyncadd.s32 $0xFFFFD800  }
0x92: {  	[tilespmem:s9], [sflag:$0x2] =	stream.indirect.gather @!p1 [hbm4b:s5+s15], $0x80, s14, s15, $0xb8;
	[tilespmem:$0x1ED00] =	vst v63  }
0x93: {  	s26 =	simm.s32 $0x1C500;
	s28 =	sand.u32 $0x200, s28;
	_ =	swait.ge [sflag:s22], $0x2800  }
0x94: {  	s0 =	simm.s32 $0x1;
	p2 =	seq.s32 s19, $0x5;
	[sflag:s22] =	ssyncset.done $0x0  }
0x95: {  	s29 =	sadd.s32 $0x14500, s17;
	s9 =	simm.s32 @!p2 $0x7;
	[sflag:s22] =	ssyncadd.s32 $0xFFFFD800  }
0x96: {  	[spmem:s3] =	stream.indirect.scatter.add.f32 [tilespmem:s26], [sflag:$0x8], $0x80, s6, s24, $0xb8;
	[tilespmem:$0x1ED00] =	vst v63  }
0x97: {  	p1 =	seq.s32 s16, $0x0;
	s6 =	simm.s32 $0x14000;
	_ =	swait.ge @!p2 [sflag:s9], $0x2800  }
0x98: {  	s4 =	sshrl.u32 s4, $0x2;
	s6 =	simm.s32 @!p1 $0x14280;
	[sflag:s9] =	ssyncset.done @!p2 $0x0  }
0x99: {  	s23 =	sadd.s32 $0xFFFFFFFE, s19;
	s4 =	sadd.s32 s4, s6;
	[sflag:s9] =	ssyncadd.s32 @!p2 $0xFFFFD800  }
0x9a: {  	[tilespmem:s25], [sflag:$0x3] =	stream.indirect.gather [hbm4b:s5+s24], $0x80, s4, s24, $0xb8;
	[tilespmem:$0x1ED00] =	vst v63  }
0x9b: {  	s10 =	sor.u32 s28, s29;
	s7 =	sand.u32 $0x7, s23;
	_ =	swait.ge [sflag:s0], $0x2800  }
0x9c: {  	s7 =	smul.u32 $0x140, s7;
	s9 =	sadd.s32 $0xFFFFFFFF, s19;
	[sflag:s0] =	ssyncset.done $0x0  }
0x9d: {  	s14 =	simm.s32 @!p2 $0x8;
	s13 =	sand.u32 $0x4, s9;
	[sflag:s0] =	ssyncadd.s32 $0xFFFFD800  }
0x9e: {  	[spmem:s3] =	stream.indirect.scatter.add.f32 [tilespmem:s21], [sflag:$0x5], $0x80, s10, s24, $0xb8;
	[tilespmem:$0x1ED00] =	vst v63  }
0x9f: {  	s2 =	simm.s32 $0x2;
	p1 =	sne.s32 s13, $0x0;
	_ =	swait.ge @!p2 [sflag:s14], $0x2800  }
0xa0: {  	s7 =	sshrl.u32 s7, $0x2;
	s12 =	sadd.s32 @p1 $0xFFFFFFFE, s12;
	[sflag:s14] =	ssyncset.done @!p2 $0x0  }
0xa1: {  	s6 =	sadd.s32 s7, s6;
	p3 =	sgt.u32 @p1 s12, $0x1A;
	[sflag:s14] =	ssyncadd.s32 @!p2 $0xFFFFD800  }
0xa2: {  	[tilespmem:s26], [sflag:$0x4] =	stream.indirect.gather [hbm4b:s5+s24], $0x80, s6, s24, $0xb8;
	[tilespmem:$0x1ED00] =	vst v63  }
0xa3: {  	s30 =	simm.s32 $0x17500;
	p2 =	por p3, !p1;
	s6 =	sshrl.u32 @p1 s9, $0x3  }
0xa4: {  	s10 =	sadd.s32 $0x80, s10;
	s7 =	sadd.s32 @!p2 $0x1, s6;
	_ =	swait.ge [sflag:s2], $0x2800  }
0xa5: {  	s12 =	smul.u32 @!p2 $0x1400, s7;
	[sflag:s2] =	ssyncset.done $0x0;
	s14 =	sand.u32 @!p2 $0x1, s7  }
0xa6: {  	s16 =	rddreg [dreg:$0x6];
	[sflag:s2] =	ssyncadd.s32 $0xFFFFD800;
	s15 =	smul.u32 @!p2 $0xA00, s14  }
0xa7: {  	[spmem:s3] =	stream.indirect.scatter.add.f32 [tilespmem:s30], [sflag:$0x6], $0x80, s10, s24, $0xb8;
	[tilespmem:$0x1ED00] =	vst v63  }
0xa8: {  	s31 =	simm.s32 $0x5;
	s12 =	sadd.s32 @!p2 s16, s12;
	s16 =	simm.s32 @!p2 $0x400  }
0xa9: {  	_ =	swait.ge [sflag:s31], $0x2800;
	s10 =	sshrl.u32 @!p2 s15, $0x2;
	s12 =	sshrl.u32 @!p2 s12, $0x3  }
0xaa: {  	[sflag:s31] =	ssyncset.done $0x0;
	s10 =	sor.u32 @!p2 $0x14000, s10;
	s15 =	rddreg [dreg:$0x5]  }
0xab: {  	s12 =	sadd.s32 @!p2 s15, s12;
	[sflag:s31] =	ssyncadd.s32 $0xFFFFD800;
	s15 =	simm.s32 @!p2 $0x80  }
0xac: {  	[tilespmem:s10], [sflag:$0x9] =	stream.strided.gather @!p2 [hbm4b:s12+s15], $0x280, s16, s15, $0x38;
	[tilespmem:$0x1ED00] =	vst v63  }
0xad: {  	s7 =	sshll.u32 @!p2 s7, $0x7;
	s10 =	sshll.u32 @!p2 s14, $0xA;
	s12 =	rddreg [dreg:$0x7]  }
0xae: {  	s10 =	sadd.s32 @!p2 $0x14500, s10;
	s7 =	sadd.s32 @!p2 s7, s12;
	s12 =	simm.s32 @!p2 $0x0  }
0xaf: {  	[tilespmem:s10], [sflag:$0x9] =	stream.linear.gather @!p2 [hbm4b:s7+s12], $0x400, $0x38;
	[tilespmem:$0x1ED00] =	vst v63  }
0xb0: {  	s7 =	simm.s32 @!p1 $0x9  }
0xb1: {  	_ =	swait.ge @!p1 [sflag:s7], $0x280  }
0xb2: {  	s9 =	sshrl.u32 @!p1 s9, $0x3;
	[sflag:s7] =	ssyncset.done @!p1 $0x0  }
0xb3: {  	s9 =	smov.u32 @p1 s6;
	[sflag:s7] =	ssyncadd.s32 @!p1 $0xFFFFFD80  }
0xb4: {  	s9 =	sand.u32 $0x1, s9;
	s15 =	smul.u32 $0x140, s13;
	_ =	swait.ge @!p1 [sflag:s7], $0x400  }
0xb5: {  	p2 =	seq.s32 s9, $0x1;
	s6 =	rddreg [dreg:$0x4]  }
0xb6: {  	s16 =	sshrl.u32 s15, $0x2;
	s6 =	simm.s32 @!p2 $0x0  }
0xb7: {  	[sflag:s7] =	ssyncset.done @!p1 $0x0;
	s6 =	sadd.s32 s16, s6  }
0xb8: {  	[sflag:s7] =	ssyncadd.s32 @!p1 $0xFFFFFC00;
	s6 =	sor.u32 $0x14000, s6  }
0xb9: {  	[tilespmem:s21], [sflag:$0x1] =	stream.indirect.gather [hbm4b:s5+s24], $0x80, s6, s24, $0xb8;
	[tilespmem:$0x1ED00] =	vst v63  }
0xba: {  	_ =	swait.ge [sflag:s1], $0x2800  }
0xbb: {  	s17 =	sand.u32 $0x300, s8;
	[sflag:s1] =	ssyncset.done $0x0  }
0xbc: {  	s6 =	sadd.s32 s17, s29;
	[sflag:s1] =	ssyncadd.s32 $0xFFFFD800  }
0xbd: {  	[spmem:s3] =	stream.indirect.scatter.add.f32 [tilespmem:s25], [sflag:$0x7], $0x80, s6, s24, $0xb8;
	[tilespmem:$0x1ED00] =	vst v63  }
0xbe: {  	p0 =	por p0, p0;
	_ =	swait.ge [sflag:s20], $0x2800  }
0xbf: {  	s7 =	simm.s32 @!p0 $0x50;
	[sflag:s20] =	ssyncset.done $0x0  }
0xc0: {  	s6 =	simm.s32 @!p0 $0x17500;
	p0 =	por p0, p0;
	[sflag:s20] =	ssyncadd.s32 $0xFFFFD800  }
0xc1: {  	[tilespmem:s6], [sflag:$0x2] =	stream.indirect.gather @!p0 [hbm4b:s5+s7], $0x80, s18, s7, $0xb8;
	[tilespmem:$0x1ED00] =	vst v63  }
0xc2: {  	_ =	swait.ge [sflag:s22], $0x2800  }
0xc3: {  	s19 =	sand.u32 $0x380, s11;
	[sflag:s22] =	ssyncset.done $0x0  }
0xc4: {  	s4 =	sadd.s32 s19, s29;
	[sflag:s22] =	ssyncadd.s32 $0xFFFFD800  }
0xc5: {  	[spmem:s3] =	stream.indirect.scatter.add.f32 [tilespmem:s26], [sflag:$0x8], $0x80, s4, s24, $0xb8;
	[tilespmem:$0x1ED00] =	vst v63  }
0xc6: {  	_ =	swait.ge [sflag:s0], $0x2800  }
0xc7: {  	[sflag:s0] =	ssyncset.done $0x0  }
0xc8: {  	s25 =	simm.s32 $0x14B00;
	s26 =	simm.s32 $0x7;
	[sflag:s0] =	ssyncadd.s32 $0xFFFFD800  }
0xc9: {  	[spmem:s3] =	stream.indirect.scatter.add.f32 [tilespmem:s21], [sflag:$0x5], $0x80, s25, s24, $0xb8;
	[tilespmem:$0x1ED00] =	vst v63  }
0xca: {  	_ =	swait.ge [sflag:s26], $0x2800  }
0xcb: {  	[sflag:s26] =	ssyncset.done $0x0  }
0xcc: {  	s28 =	simm.s32 $0x8;
	[sflag:s26] =	ssyncadd.s32 $0xFFFFD800  }
0xcd: {  	_ =	swait.ge [sflag:s28], $0x2800  }
0xce: {  	[sflag:s28] =	ssyncset.done $0x0  }
0xcf: {  	[sflag:s28] =	ssyncadd.s32 $0xFFFFD800  }
0xd0: {  	_ =	swait.ge [sflag:s31], $0x2800  }
0xd1: {  	[sflag:s31] =	ssyncset.done $0x0  }
0xd2: {  	[sflag:s31] =	ssyncadd.s32 $0xFFFFD800  }
0xd3: {  	[bflag:$0x0] =	sbarrier.arrive $0xFFFF  }
0xd4: {  	s6 =	rddreg [dreg:$0x9]  }
0xd5: {  	s29 =	rddreg [dreg:$0xc]  }
0xd6: {  	s8 =	simm.s32 $0xA;
	s7 =	rddreg [dreg:$0xe]  }
0xd7: {  	[hbm:s29], [sflag:s6] =	dma.local [spmem:s7], $0x2800  }
0xd8: {  	_ =	swait.ge [sflag:s8], $0x2800  }
0xd9: {  	s30 =	rddreg [dreg:$0xf]  }
0xda: {  	s31 =	rddreg [dreg:$0xd];
	s0 =	sadd.s32 $0x1, s30  }
0xdb: {  	p0 =	sne.s32 s0, s31  }
.Ltmp1:
0xdc: {  	_ = 	snop;
	(pc) =	sbr.rel @p0 .LBB2_1-.Ltmp1, $3  }
0xdd: {  	_ =	sdelay $0x1  }
0xde: {  	[sflag:s8] =	ssyncset.done $0x0  }
0xdf: {  	s23 =	simm.s32 $0x19D00;
	s18 =	simm.s32 $0x1C500;
	[sflag:s8] =	ssyncadd.s32 $0xFFFFD800  }
0xe0: {  	_ =	sfence.sel $0x180000  }
0xe1: {  	[bflag:$0x0] =	sbarrier.arrive $0xFFFF  }
0xe2: {  	_ =	strace $0x9000004A  }
0xe3: {  	s0 =	stileid.u32;
	[bflag:$0x2] =	sbarrier.arrive $0xFFFF  }
0xe4: {  	p0 =	sne.s32 s0, $0x0;
	s0 =	rddreg [dreg:$0x3]  }
0xe5: {  	s0 =	sadd.s32 @!p0 $0x100000, s0  }
0xe6: {  	[sflag:s0] =	ssyncadd.tile.s32 @!p0 $0x1;
	_ =	shalt  }
.Lfunc_end2:
_tile_overlayer_lowered:
.L_overlay_start_2:
0xe7: {  	(tag) =	ssettag $0x2  }
0xe8: {  	s0 =	rddreg [dreg:$0x0];
	s2 =	stileid.u32  }
0xe9: {  	s1 =	rddreg [dreg:$0x1];
	p0 =	sne.s32 s2, $0x0  }
0xea: {  	s3 =	rddreg [dreg:$0x2];
	[bflag:$0x3] =	sbarrier.arrive $0xFFFF;
	s2 =	simm.s32 @!p0 $0x1C0A  }
0xeb: {  	[timem:s3], [sflag:s2] =	dma.local @!p0 [hbm:s0], s1  }
0xec: {  	s0 =	simm.s32 @!p0 $0xA  }
0xed: {  	_ =	swait.ge @!p0 [sflag:s0], s1  }
0xee: {  	s1 =	ssub.s32 @!p0 $0x0, s1;
	[sflag:s0] =	ssyncset.done @!p0 $0x0  }
0xef: {  	[sflag:s0] =	ssyncadd.s32 @!p0 s1  }
0xf0: {  	[bflag:$0x3] =	sbarrier.arrive $0xFFFF  }
0xf1: {  	_ =	shalt  }

// kernel: kernel.13.cloned.1.call-start
scs
__scs_entry_jumppad:
0x0: {  	(pc) =	sbr.rel $0x88, $3  }
0x1: {  	(tag) =	ssettag $0x0;
	lr =	simm.s32 $0x1  }
0x2: {  	[smem:$0x3F97] =	sst lr;
	_ =	strace $0xD0000000  }
0x3: {  	_ = 	snop  }
0x4: {  	_ = 	snop  }
0x5: {  	_ = 	snop  }
0x6: {  	_ = 	snop  }
0x7: {  	_ = 	snop  }
__scs_overlays_trampoline_lowered:
0x8: {  	[smem:$0x3FA6] =	sst s0  }
0x9: {  	[smem:$0x3FA7] =	sst s1  }
0xa: {  	[smem:$0x3FA8] =	sst s2  }
0xb: {  	[smem:$0x3FA9] =	sst s3  }
0xc: {  	[smem:$0x3FAA] =	sst s4  }
0xd: {  	[smem:$0x3FAB] =	sst s5  }
0xe: {  	[smem:$0x3FAC] =	sst s6  }
0xf: {  	[smem:$0x3FAD] =	sst s7  }
0x10: {  	[smem:$0x3FAE] =	sst s8  }
0x11: {  	[smem:$0x3FAF] =	sst s9;
	s0 =	simm.s32 @!p0 $0x0  }
0x12: {  	s1 =	sld [smem:$0x3F95];
	s0 =	simm.s32 @p0 $0x1  }
0x13: {  	[smem:$0x3FB0] =	sst s0;
	s0 =	simm.s32 @!p1 $0x0  }
0x14: {  	s2 =	sld [smem:$0x3F94];
	s0 =	simm.s32 @p1 $0x1  }
0x15: {  	[smem:$0x3FB1] =	sst s0;
	s0 =	simm.s32 @!p2 $0x0  }
0x16: {  	s3 =	sld [smem:$0x3FDB];
	s0 =	simm.s32 @p2 $0x1  }
0x17: {  	s4 =	simm.s32 $0x1BF5;
	[smem:$0x3FB3] =	sst s0  }
0x18: {  	s0 =	sld [smem:$0x3F96];
	_ =	swait.ge [sflag:s4], $0x0  }
0x19: {  	s7 =	sld [smem:$0x3F97]  }
0x1a: {  	s8 =	sadd.s32 $0xFFFFE003, lr  }
0x1b: {  	s9 =	sadd.s32 $0xFFFFFEF7, lr;
	s5 =	simm.s32 $0xFFFFFFFF;
	p2 =	slt.u32 s8, $0xFFFFF086  }
0x1c: {  	p1 =	slt.u32 s9, $0xF7A;
	s5 =	simm.s32 @!p2 $0x0  }
0x1d: {  	s5 =	simm.s32 @p1 $0x1;
	p0 =	seq.s32 s7, s2  }
0x1e: {  	s7 =	smul.u32 @!p0 $0xF7A, s2;
	p2 =	seq.s32 @!p0 s5, $0x0  }
0x1f: {  	s9 =	smul.u32 $0xF7A, s1;
	s8 =	simm.s32 @!p0 $0x1BF5;
	p2 =	por !p2, p0  }
0x20: {  	[sflag:s8] =	ssyncset.s32 @!p0 $0xFFFFF086;
	s6 =	sadd.s32 @!p0 s3, s7;
	s7 =	simm.s32 @!p0 $0x108  }
0x21: {  	s3 =	sadd.s32 s3, s9;
	s6 =	sadd.s32 @!p0 $0x88, s6;
	s7 =	simm.s32 @p2 $0x1082  }
0x22: {  	[simem:s7], [sflag:s8] =	dma.local @!p0 [hbm:s6], $0xF7A  }
0x23: {  	s9 =	sor.u32 $0xD0000000, s2;
	s6 =	simm.s32 $0x108;
	_ =	swait.ge @!p0 [sflag:s8], $0x0  }
0x24: {  	s3 =	sadd.s32 $0x88, s3;
	s6 =	simm.s32 @!p1 $0x1082;
	[sflag:s4] =	ssyncset.s32 $0xFFFFF086  }
0x25: {  	[simem:s6], [sflag:s4] =	dma.local [hbm:s3], $0xF7A  }
0x26: {  	[smem:$0x3F97] =	sst s1;
	(tag) =	ssettag s2;
	_ =	strace s9  }
0x27: {  	s1 =	sld [smem:$0x3FA7]  }
0x28: {  	s2 =	sld [smem:$0x3FA8]  }
0x29: {  	s4 =	sld [smem:$0x3FAA]  }
0x2a: {  	p0 =	seq.s32 s5, $0x0;
	s5 =	sld [smem:$0x3FAB]  }
0x2b: {  	s6 =	sld [smem:$0x3FAC]  }
0x2c: {  	s7 =	sld [smem:$0x3FAD]  }
0x2d: {  	s3 =	simm.s32 $0x108;
	s8 =	sld [smem:$0x3FAE]  }
0x2e: {  	s3 =	simm.s32 @!p0 $0x1082;
	s9 =	sld [smem:$0x3FAF]  }
0x2f: {  	lr =	sadd.s32 s0, s3;
	s0 =	sld [smem:$0x3FA6]  }
0x30: {  	s3 =	sld [smem:$0x3FA9]  }
0x31: {  	[smem:$0x3FB2] =	sst s10  }
0x32: {  	s10 =	sld [smem:$0x3FB0];
	_ =	sdelay $0x3  }
0x33: {  	p0 =	seq.s32 s10, $0x1;
	s10 =	sld [smem:$0x3FB2];
	_ =	sdelay $0x3  }
0x34: {  	[smem:$0x3FB2] =	sst s10  }
0x35: {  	s10 =	sld [smem:$0x3FB1];
	_ =	sdelay $0x3  }
0x36: {  	p1 =	seq.s32 s10, $0x1;
	s10 =	sld [smem:$0x3FB2];
	_ =	sdelay $0x3  }
0x37: {  	[smem:$0x3FB2] =	sst s10  }
0x38: {  	s10 =	sld [smem:$0x3FB3]  }
0x39: {  	_ = 	snop;
	(pc) =	sbr.ind lr, $3  }
0x3a: {  	_ = 	snop  }
0x3b: {  	_ = 	snop  }
0x3c: {  	p2 =	seq.s32 s10, $0x1;
	s10 =	sld [smem:$0x3FB2]  }
0x3d: {  	_ =	shalt  }
0x3e: {  	_ =	shalt  }
0x3f: {  	_ =	shalt  }
0x40: {  	_ =	shalt  }
0x41: {  	_ =	shalt  }
0x42: {  	_ =	shalt  }
0x43: {  	_ =	shalt  }
0x44: {  	_ =	shalt  }
0x45: {  	_ =	shalt  }
0x46: {  	_ =	shalt  }
0x47: {  	_ =	shalt  }
0x48: {  	_ =	shalt  }
0x49: {  	_ =	shalt  }
0x4a: {  	_ =	shalt  }
0x4b: {  	_ =	shalt  }
0x4c: {  	_ =	shalt  }
0x4d: {  	_ =	shalt  }
0x4e: {  	_ =	shalt  }
0x4f: {  	_ =	shalt  }
0x50: {  	_ =	shalt  }
0x51: {  	_ =	shalt  }
0x52: {  	_ =	shalt  }
0x53: {  	_ =	shalt  }
0x54: {  	_ =	shalt  }
0x55: {  	_ =	shalt  }
0x56: {  	_ =	shalt  }
0x57: {  	_ =	shalt  }
0x58: {  	_ =	shalt  }
0x59: {  	_ =	shalt  }
0x5a: {  	_ =	shalt  }
0x5b: {  	_ =	shalt  }
0x5c: {  	_ =	shalt  }
0x5d: {  	_ =	shalt  }
0x5e: {  	_ =	shalt  }
0x5f: {  	_ =	shalt  }
0x60: {  	_ =	shalt  }
0x61: {  	_ =	shalt  }
0x62: {  	_ =	shalt  }
0x63: {  	_ =	shalt  }
0x64: {  	_ =	shalt  }
0x65: {  	_ =	shalt  }
0x66: {  	_ =	shalt  }
0x67: {  	_ =	shalt  }
0x68: {  	_ =	shalt  }
0x69: {  	_ =	shalt  }
0x6a: {  	_ =	shalt  }
0x6b: {  	_ =	shalt  }
0x6c: {  	_ =	shalt  }
0x6d: {  	_ =	shalt  }
0x6e: {  	_ =	shalt  }
0x6f: {  	_ =	shalt  }
0x70: {  	_ =	shalt  }
0x71: {  	_ =	shalt  }
0x72: {  	_ =	shalt  }
0x73: {  	_ =	shalt  }
0x74: {  	_ =	shalt  }
0x75: {  	_ =	shalt  }
0x76: {  	_ =	shalt  }
0x77: {  	_ =	shalt  }
0x78: {  	_ =	shalt  }
0x79: {  	_ =	shalt  }
0x7a: {  	_ =	shalt  }
0x7b: {  	_ =	shalt  }
0x7c: {  	_ =	shalt  }
0x7d: {  	_ =	shalt  }
0x7e: {  	_ =	shalt  }
0x7f: {  	_ =	shalt  }
0x80: {  	_ =	shalt  }
0x81: {  	_ =	shalt  }
0x82: {  	_ =	shalt  }
0x83: {  	_ =	shalt  }
0x84: {  	_ =	shalt  }
0x85: {  	_ =	shalt  }
0x86: {  	_ =	shalt  }
0x87: {  	_ =	shalt  }
.Lfunc_end0:
.L_simem_size_0:
called_computation.2_lowered:
.L_overlay_start_0:
0x88: {  	s2 =	sld [smem:$0x3FD9]  }
0x89: {  	s3 =	sld [smem:$0x3FFE];
	_ =	sdelay $0x1  }
0x8a: {  	s1 =	srdreg.scid  }
0x8b: {  	s0 =	sand.u32 $0x1, s1  }
0x8c: {  	s17 =	sshll.u32 s0, $0xA;
	s2 =	sadd.s32 s3, s2  }
0x8d: {  	s2 =	sadd.s32 s2, s17  }
0x8e: {  	[smem:$0x3FBE] =	sst s2  }
0x8f: {  	_ = 	snop  }
0x90: {  	s2 =	sld [smem:$0x3FD0];
	(tm) =	ssettm $0x1  }
0x91: {  	s18 =	sld [smem:$0x3FFB];
	_ =	sdelay $0x3  }
0x92: {  	_ =	strace s18  }
0x93: {  	s3 =	sld [smem:$0x3FFC];
	_ =	sdelay $0x3  }
0x94: {  	_ =	strace s3  }
0x95: {  	s3 =	sld [smem:$0x3FFD];
	_ =	sdelay $0x3  }
0x96: {  	_ =	strace s3  }
0x97: {  	_ =	strace $0x8FFFFFFF  }
0x98: {  	s19 =	sld [smem:$0x3FDB];
	_ =	sdelay $0x1  }
0x99: {  	s4 =	simm.s32 $_scs_section_size  }
0x9a: {  	s5 =	simm.s32 $_size__tile_overlayer_lowered;
	s6 =	simm.s32 $_tile_overlayer_lowered  }
0x9b: {  	s22 =	simm.s32 $0x1BFF;
	s21 =	sshll.u32 s6, $0x1;
	s3 =	sadd.s32 s4, s19  }
0x9c: {  	s7 =	simm.s32 $0x0;
	s20 =	sshll.u32 s5, $0x1;
	s5 =	sadd.s32 s21, s3  }
0x9d: {  	[timem:s7], [sflag:s22] =	dma.local [hbm:s5], s20  }
0x9e: {  	_ =	swait.ge [sflag:s22], s20  }
0x9f: {  	s4 =	ssub.s32 $0x0, s20;
	[sflag:s22] =	ssyncset.done $0x0  }
0xa0: {  	[sflag:s22] =	ssyncadd.s32 s4;
	_ =	sdelay $0x1  }
0xa1: {  	s23 =	simm.s32 $0x1B8B  }
0xa2: {  	_ =	swait.ge [sflag:s23], $0x1  }
0xa3: {  	[sflag:s23] =	ssyncset.done $0x0  }
0xa4: {  	s25 =	simm.s32 $0x1B8E;
	s24 =	sld [smem:$0x3FFE];
	[sflag:s23] =	ssyncadd.s32 $0xFFFFFFFF  }
0xa5: {  	s26 =	simm.s32 $execute0_lowered;
	[smem:$0x3FD2] =	sst s25  }
0xa6: {  	s5 =	sshll.u32 s26, $0x1;
	_ =	strace $0x8000004C;
	[dreg:$0x1] =	wrdreg $0xFFFFFFFF  }
0xa7: {  	s28 =	simm.s32 $_size_execute0_lowered;
	s3 =	sadd.s32 s3, s5;
	[dreg:$0x0] =	wrdreg $0x0  }
0xa8: {  	s5 =	sshll.u32 s28, $0x1;
	[dreg:$0x2] =	wrdreg s3  }
0xa9: {  	[dreg:$0x3] =	wrdreg s5  }
0xaa: {  	[dreg:$0x4] =	wrdreg $0xC0  }
0xab: {  	_ =	task [dreg:s7], $0x5FFFF  }
0xac: {  	[dreg:$0x1] =	wrdreg $0xFFFFFFFF  }
0xad: {  	[dreg:$0x0] =	wrdreg $0x60  }
0xae: {  	[dreg:$0x2] =	wrdreg s2  }
0xaf: {  	[dreg:$0x3] =	wrdreg s24  }
0xb0: {  	[dreg:$0x4] =	wrdreg $0x9  }
0xb1: {  	_ =	task.clear_ibuf [dreg:s7], $0x5FFFF;
	_ =	strace $0x9000004C  }
0xb2: {  	s29 =	simm.s32 $0x9;
	_ =	strace $0x8000004E  }
0xb3: {  	_ =	swait.ge [sflag:s29], $0x1  }
0xb4: {  	[sflag:s29] =	ssyncadd.s32 $0xFFFFFFFF  }
0xb5: {  	_ =	strace $0x9000004E  }
0xb6: {  	_ =	sfence  }
0xb7: {  	s30 =	sld [smem:$0x0];
	_ =	sdelay $0x2  }
0xb8: {  	s31 =	sshll.u32 s1, $0xD;
	s1 =	sshrl.u32 s1, $0x2  }
0xb9: {  	s3 =	sand.u32 $0x4000, s31;
	s1 =	sadd.s32 s1, s30  }
0xba: {  	s0 =	sor.u32 s3, s0;
	s1 =	sshll.u32 s1, $0x11  }
0xbb: {  	s0 =	sor.u32 s1, s0  }
0xbc: {  	s0 =	sadd.s32 $0x8F2B, s0  }
0xbd: {  	[sflag:s0] =	ssyncadd.remote.s32 $0x1  }
0xbe: {  	_ =	sfence.sel $0xFFFF  }
0xbf: {  	[dreg:$0x0] =	wrdreg $0xFFFFFFFF;
	(pc) =	sbr.abs _section_cstart, $3  }
0xc0: {  	[dreg:$0x1] =	wrdreg $0xFFFFFFFF  }
0xc1: {  	_ =	task.clear_ibuf [dreg:s7], $0x2FFFF;
	_ =	strace $0x9FFFFFFF  }
0xc2: {  	(tm) =	ssettm $0x7FFFFFFF  }
0xc3: {  	_ =	shalt  }
tec
execute0_lowered:
.L_overlay_start_1:
0x0: {  	(tag) =	ssettag $0x1  }
0x1: {  	s1 =	rddreg [dreg:$0x0]  }
0x2: {  	s4 =	rddreg [dreg:$0x1]  }
0x3: {  	s0 =	rddreg [dreg:$0x2];
	s5 =	srdreg.scid  }
0x4: {  	s3 =	simm.s32 $0x0;
	s2 =	stileid.u32;
	s8 =	simm.s32 $0x1  }
0x5: {  	s9 =	simm.s32 $0x5000;
	s10 =	simm.s32 $0x9000;
	s5 =	sand.u32 $0x1, s5  }
0x6: {  	s11 =	simm.s32 $0xD000;
	s6 =	sshll.u32 s2, $0xC;
	s7 =	sshll.u32 s5, $0xB  }
0x7: {  	s12 =	simm.s32 $0x0;
	s5 =	ssub.s32 $0x2, s5;
	s6 =	sor.u32 s7, s6  }
0x8: {  	[smem:$0x7FF] =	sst s3;
	s31 =	sshrl.u32 s5, $0x1;
	s6 =	sadd.s32 s6, s4  }
0x9: {  	_ =	strace $0x8000004D;
	s7 =	ssub.s32 s5, s31;
	s4 =	sadd.s32 $0xA5400, s6  }
0xa: {  	s5 =	sadd.s32 $0x3400, s6;
	s6 =	sadd.s32 $0x13400, s6;
	s7 =	smax.u32 s7, $0x1  }
.LBB2_1:
0xb: {  	[tilespmem:s3], [sflag:$0x1] =	stream.linear.gather [hbm4b:s1+s3], $0x5000, $0x38;
	[tilespmem:$0x11000] =	vst v63  }
0xc: {  	_ =	swait.ge [sflag:s8], $0x5000  }
0xd: {  	[sflag:s8] =	ssyncset.done $0x0  }
0xe: {  	[sflag:s8] =	ssyncadd.s32 $0xFFFFB000  }
0xf: {  	[tilespmem:s9], [sflag:$0x1] =	stream.linear.gather [hbm4b:s4+s3], $0x3E80, $0x38;
	[tilespmem:$0x11000] =	vst v63  }
0x10: {  	_ =	swait.ge [sflag:s8], $0x3E80  }
0x11: {  	[sflag:s8] =	ssyncset.done $0x0  }
0x12: {  	[sflag:s8] =	ssyncadd.s32 $0xFFFFC180  }
0x13: {  	[tilespmem:s10], [sflag:$0x1] =	stream.linear.gather [hbm4b:s5+s3], $0x3E80, $0x38;
	[tilespmem:$0x11000] =	vst v63  }
0x14: {  	_ =	swait.ge [sflag:s8], $0x3E80  }
0x15: {  	[sflag:s8] =	ssyncset.done $0x0  }
0x16: {  	s13 =	simm.s32 $0x0;
	[sflag:s8] =	ssyncadd.s32 $0xFFFFC180  }
0x17: {  	v0 =	vld [tilespmem:s13+$0x5000]  }
0x18: {  	v1 =	vld [tilespmem:s13+$0x9000];
	_ =	sdelay $0x4  }
0x19: {  	v0 =	vshll.u32 v0, $0x1;
	v1 =	vshll.u32 v1, $0x1  }
0x1a: {  	v1 =	vor.u32 $0x1, v1;
	_ =	sdelay $0x1  }
0x1b: {  	v2 =	vld [tilespmem:s13+$0x5010]  }
0x1c: {  	v3 =	vld [tilespmem:s13+$0x9010]  }
0x1d: {  	v0 =	vld.idx.msk [tilespmem:v0+s3+$0x0], $0xffff  }
0x1e: {  	v1 =	vld.idx.msk [tilespmem:v1+s3+$0x0], $0xffff;
	_ =	sdelay $0x2  }
0x1f: {  	v3 =	vshll.u32 v3, $0x1;
	v2 =	vshll.u32 v2, $0x1  }
0x20: {  	v3 =	vor.u32 $0x1, v3  }
0x21: {  	v0 =	vadd.f32 v1, v0  }
0x22: {  	v4 =	vld [tilespmem:s13+$0x5020]  }
0x23: {  	v5 =	vld [tilespmem:s13+$0x9020];
	[tilespmem:s13+$0xD000] =	vst v0  }
0x24: {  	v0 =	vld.idx.msk [tilespmem:v2+s3+$0x0], $0xffff  }
0x25: {  	v2 =	vld.idx.msk [tilespmem:v3+s3+$0x0], $0xffff;
	_ =	sdelay $0x2  }
0x26: {  	v4 =	vshll.u32 v4, $0x1;
	v3 =	vshll.u32 v5, $0x1  }
0x27: {  	v3 =	vor.u32 $0x1, v3  }
0x28: {  	v0 =	vadd.f32 v2, v0  }
0x29: {  	v6 =	vld [tilespmem:s13+$0x5030]  }
0x2a: {  	v7 =	vld [tilespmem:s13+$0x9030];
	[tilespmem:s13+$0xD010] =	vst v0  }
0x2b: {  	v0 =	vld.idx.msk [tilespmem:v4+s3+$0x0], $0xffff  }
0x2c: {  	v2 =	vld.idx.msk [tilespmem:v3+s3+$0x0], $0xffff;
	_ =	sdelay $0x2  }
0x2d: {  	v3 =	vshll.u32 v7, $0x1;
	v4 =	vshll.u32 v6, $0x1  }
0x2e: {  	v3 =	vor.u32 $0x1, v3  }
0x2f: {  	v0 =	vadd.f32 v2, v0  }
0x30: {  	v8 =	vld [tilespmem:s13+$0x9040]  }
0x31: {  	v1 =	vld [tilespmem:s13+$0x5040];
	[tilespmem:s13+$0xD020] =	vst v0  }
0x32: {  	v0 =	vld.idx.msk [tilespmem:v4+s3+$0x0], $0xffff  }
0x33: {  	v2 =	vld.idx.msk [tilespmem:v3+s3+$0x0], $0xffff;
	_ =	sdelay $0x1  }
0x34: {  	v3 =	vshll.u32 v8, $0x1  }
0x35: {  	v5 =	vor.u32 $0x1, v3  }
0x36: {  	v6 =	vshll.u32 v1, $0x1  }
0x37: {  	s15 =	simm.s32 $0x80;
	v0 =	vadd.f32 v2, v0  }
0x38: {  	v4 =	vld [tilespmem:s15+$0x9000]  }
0x39: {  	v3 =	vld [tilespmem:s15+$0x5000];
	[tilespmem:s13+$0xD030] =	vst v0  }
0x3a: {  	v1 =	vld.idx.msk [tilespmem:v5+s3+$0x0], $0xffff  }
0x3b: {  	v2 =	vld.idx.msk [tilespmem:v6+s3+$0x0], $0xffff  }
0x3c: {  	s14 =	simm.s32 $0x400;
	v0 =	vld [tilespmem:s15+$0x5010]  }
.LBB2_2:
0x3d: {  	p0 =	sne.s32 s14, $0xF800;
	v5 =	vld [tilespmem:s15+$0x9010];
	s16 =	smov.u32 s14;
	s14 =	sadd.s32 $0x200, s14  }
0x3e: {  	v6 =	vld [tilespmem:s15+$0x5020]  }
0x3f: {  	v3 =	vshll.u32 v3, $0x1;
	v4 =	vshll.u32 v4, $0x1;
	v7 =	vld [tilespmem:s15+$0x9020]  }
0x40: {  	v4 =	vor.u32 $0x1, v4;
	v8 =	vld [tilespmem:s15+$0x5030]  }
0x41: {  	v1 =	vadd.f32 v1, v2;
	v9 =	vld [tilespmem:s15+$0x9030]  }
0x42: {  	v2 =	vshll.u32 v5, $0x1;
	v5 =	vld [tilespmem:s15+$0x9040]  }
0x43: {  	v10 =	vld [tilespmem:s15+$0x5040];
	[tilespmem:s13+$0xD040] =	vst v1;
	s13 =	smov.u32 s15  }
0x44: {  	v1 =	vld.idx.msk [tilespmem:v3+s3+$0x0], $0xffff;
	v3 =	vshll.u32 v7, $0x1  }
0x45: {  	v4 =	vld.idx.msk [tilespmem:v4+s3+$0x0], $0xffff  }
0x46: {  	v7 =	vshll.u32 v9, $0x1  }
0x47: {  	v5 =	vshll.u32 v5, $0x1;
	_ =	sdelay $0x1  }
0x48: {  	v0 =	vshll.u32 v0, $0x1  }
0x49: {  	v2 =	vor.u32 $0x1, v2  }
0x4a: {  	v1 =	vadd.f32 v4, v1;
	_ =	sdelay $0x1  }
0x4b: {  	[tilespmem:s13+$0xD000] =	vst v1  }
0x4c: {  	v0 =	vld.idx.msk [tilespmem:v0+s3+$0x0], $0xffff  }
0x4d: {  	v1 =	vld.idx.msk [tilespmem:v2+s3+$0x0], $0xffff;
	_ =	sdelay $0x3  }
0x4e: {  	v2 =	vshll.u32 v6, $0x1  }
0x4f: {  	v3 =	vor.u32 $0x1, v3  }
0x50: {  	v0 =	vadd.f32 v1, v0;
	_ =	sdelay $0x1  }
0x51: {  	[tilespmem:s13+$0xD010] =	vst v0  }
0x52: {  	v0 =	vld.idx.msk [tilespmem:v2+s3+$0x0], $0xffff  }
0x53: {  	v1 =	vld.idx.msk [tilespmem:v3+s3+$0x0], $0xffff;
	_ =	sdelay $0x3  }
0x54: {  	v2 =	vshll.u32 v8, $0x1  }
0x55: {  	v3 =	vor.u32 $0x1, v7  }
0x56: {  	v0 =	vadd.f32 v1, v0;
	_ =	sdelay $0x1  }
0x57: {  	[tilespmem:s13+$0xD020] =	vst v0  }
0x58: {  	v0 =	vld.idx.msk [tilespmem:v2+s3+$0x0], $0xffff  }
0x59: {  	v1 =	vld.idx.msk [tilespmem:v3+s3+$0x0], $0xffff;
	_ =	sdelay $0x3  }
0x5a: {  	v5 =	vor.u32 $0x1, v5;
	v2 =	vshll.u32 v10, $0x1;
	_ =	sdelay $0x1  }
0x5b: {  	s15 =	sshra.s32 s16, $0x2;
	v0 =	vadd.f32 v1, v0  }
.Ltmp0:
0x5c: {  	v3 =	vld [tilespmem:s15+$0x5000];
	(pc) =	sbr.rel @p0 .LBB2_2-.Ltmp0, $4  }
0x5d: {  	v4 =	vld [tilespmem:s15+$0x9000];
	[tilespmem:s13+$0xD030] =	vst v0  }
0x5e: {  	v1 =	vld.idx.msk [tilespmem:v5+s3+$0x0], $0xffff  }
0x5f: {  	v2 =	vld.idx.msk [tilespmem:v2+s3+$0x0], $0xffff  }
0x60: {  	v0 =	vld [tilespmem:s15+$0x5010]  }
0x61: {  	v5 =	vld [tilespmem:s15+$0x9010]  }
0x62: {  	v6 =	vld [tilespmem:s15+$0x5020]  }
0x63: {  	v7 =	vld [tilespmem:s15+$0x9020];
	v3 =	vshll.u32 v3, $0x1;
	v4 =	vshll.u32 v4, $0x1  }
0x64: {  	v8 =	vld [tilespmem:s15+$0x5030];
	v4 =	vor.u32 $0x1, v4  }
0x65: {  	v9 =	vld [tilespmem:s15+$0x9030];
	v1 =	vadd.f32 v1, v2  }
0x66: {  	v53 =	vld [tilespmem:s15+$0x9040]  }
0x67: {  	v10 =	vld [tilespmem:s15+$0x5040];
	[tilespmem:s13+$0xD040] =	vst v1  }
0x68: {  	v1 =	vld.idx.msk [tilespmem:v3+s3+$0x0], $0xffff  }
0x69: {  	v54 =	vld.idx.msk [tilespmem:v4+s3+$0x0], $0xffff;
	_ =	sdelay $0x2  }
0x6a: {  	v0 =	vshll.u32 v0, $0x1;
	v55 =	vshll.u32 v5, $0x1  }
0x6b: {  	v4 =	vor.u32 $0x1, v55  }
0x6c: {  	v1 =	vadd.f32 v54, v1;
	_ =	sdelay $0x1  }
0x6d: {  	[tilespmem:s15+$0xD000] =	vst v1  }
0x6e: {  	v0 =	vld.idx.msk [tilespmem:v0+s3+$0x0], $0xffff  }
0x6f: {  	v1 =	vld.idx.msk [tilespmem:v4+s3+$0x0], $0xffff;
	_ =	sdelay $0x2  }
0x70: {  	v56 =	vshll.u32 v7, $0x1;
	v57 =	vshll.u32 v6, $0x1  }
0x71: {  	v3 =	vor.u32 $0x1, v56  }
0x72: {  	v0 =	vadd.f32 v1, v0;
	_ =	sdelay $0x1  }
0x73: {  	[tilespmem:s15+$0xD010] =	vst v0  }
0x74: {  	v0 =	vld.idx.msk [tilespmem:v57+s3+$0x0], $0xffff  }
0x75: {  	v58 =	vld.idx.msk [tilespmem:v3+s3+$0x0], $0xffff;
	_ =	sdelay $0x2  }
0x76: {  	v59 =	vshll.u32 v9, $0x1;
	v60 =	vshll.u32 v8, $0x1  }
0x77: {  	v3 =	vor.u32 $0x1, v59  }
0x78: {  	v0 =	vadd.f32 v58, v0;
	_ =	sdelay $0x1  }
0x79: {  	[tilespmem:s15+$0xD020] =	vst v0  }
0x7a: {  	v0 =	vld.idx.msk [tilespmem:v60+s3+$0x0], $0xffff  }
0x7b: {  	v61 =	vld.idx.msk [tilespmem:v3+s3+$0x0], $0xffff;
	_ =	sdelay $0x1  }
0x7c: {  	v2 =	vshll.u32 v53, $0x1  }
0x7d: {  	v2 =	vor.u32 $0x1, v2  }
0x7e: {  	v62 =	vshll.u32 v10, $0x1  }
0x7f: {  	v0 =	vadd.f32 v61, v0;
	_ =	sdelay $0x1  }
0x80: {  	[tilespmem:s15+$0xD030] =	vst v0  }
0x81: {  	v0 =	vld.idx.msk [tilespmem:v2+s3+$0x0], $0xffff  }
0x82: {  	v63 =	vld.idx.msk [tilespmem:v62+s3+$0x0], $0xffff;
	_ =	sdelay $0x4  }
0x83: {  	s12 =	sadd.s32 $0x1, s12;
	v0 =	vadd.f32 v0, v63  }
0x84: {  	p0 =	sne.s32 s12, s7  }
.Ltmp1:
0x85: {  	[tilespmem:s15+$0xD040] =	vst v0;
	(pc) =	sbr.rel @p0 .LBB2_1-.Ltmp1, $4  }
0x86: {  	[hbm4b:s6+s3] =	stream.linear.scatter [tilespmem:s11], [sflag:$0x1], $0x3E80, $0x38;
	[tilespmem:$0x11000] =	vst v63  }
0x87: {  	_ =	swait.ge [sflag:s8], $0x3E80  }
0x88: {  	[sflag:s8] =	ssyncset.done $0x0  }
0x89: {  	[sflag:s8] =	ssyncadd.s32 $0xFFFFC180  }
0x8a: {  	_ =	sfence.sel $0x180000  }
0x8b: {  	[bflag:$0x0] =	sbarrier.arrive $0xFFFF  }
0x8c: {  	p0 =	sne.s32 s2, $0x0;
	_ =	strace $0x9000004D  }
0x8d: {  	s0 =	sadd.s32 @!p0 $0x100000, s0;
	[bflag:$0x2] =	sbarrier.arrive $0xFFFF  }
0x8e: {  	[sflag:s0] =	ssyncadd.tile.s32 @!p0 $0x1;
	_ =	shalt  }
.Lfunc_end2:
_tile_overlayer_lowered:
.L_overlay_start_2:
0x8f: {  	(tag) =	ssettag $0x2  }
0x90: {  	s0 =	rddreg [dreg:$0x0];
	s2 =	stileid.u32  }
0x91: {  	s1 =	rddreg [dreg:$0x1];
	p0 =	sne.s32 s2, $0x0  }
0x92: {  	s3 =	rddreg [dreg:$0x2];
	[bflag:$0x3] =	sbarrier.arrive $0xFFFF;
	s2 =	simm.s32 @!p0 $0x1C01  }
0x93: {  	[timem:s3], [sflag:s2] =	dma.local @!p0 [hbm:s0], s1  }
0x94: {  	s0 =	simm.s32 @!p0 $0x1  }
0x95: {  	_ =	swait.ge @!p0 [sflag:s0], s1  }
0x96: {  	s1 =	ssub.s32 @!p0 $0x0, s1;
	[sflag:s0] =	ssyncset.done @!p0 $0x0  }
0x97: {  	[sflag:s0] =	ssyncadd.s32 @!p0 s1  }
0x98: {  	[bflag:$0x3] =	sbarrier.arrive $0xFFFF  }
0x99: {  	_ =	shalt  }

// kernel: kernel.7.cloned.1.call-start
scs
__scs_entry_jumppad:
0x0: {  	(pc) =	sbr.rel $0x88, $3  }
0x1: {  	(tag) =	ssettag $0x0;
	lr =	simm.s32 $0x1  }
0x2: {  	[smem:$0x3F97] =	sst lr;
	_ =	strace $0xD0000000  }
0x3: {  	_ = 	snop  }
0x4: {  	_ = 	snop  }
0x5: {  	_ = 	snop  }
0x6: {  	_ = 	snop  }
0x7: {  	_ = 	snop  }
__scs_overlays_trampoline_lowered:
0x8: {  	[smem:$0x3FA6] =	sst s0  }
0x9: {  	[smem:$0x3FA7] =	sst s1  }
0xa: {  	[smem:$0x3FA8] =	sst s2  }
0xb: {  	[smem:$0x3FA9] =	sst s3  }
0xc: {  	[smem:$0x3FAA] =	sst s4  }
0xd: {  	[smem:$0x3FAB] =	sst s5  }
0xe: {  	[smem:$0x3FAC] =	sst s6  }
0xf: {  	[smem:$0x3FAD] =	sst s7  }
0x10: {  	[smem:$0x3FAE] =	sst s8  }
0x11: {  	[smem:$0x3FAF] =	sst s9;
	s0 =	simm.s32 @!p0 $0x0  }
0x12: {  	s1 =	sld [smem:$0x3F95];
	s0 =	simm.s32 @p0 $0x1  }
0x13: {  	[smem:$0x3FB0] =	sst s0;
	s0 =	simm.s32 @!p1 $0x0  }
0x14: {  	s2 =	sld [smem:$0x3F94];
	s0 =	simm.s32 @p1 $0x1  }
0x15: {  	[smem:$0x3FB1] =	sst s0;
	s0 =	simm.s32 @!p2 $0x0  }
0x16: {  	s3 =	sld [smem:$0x3FDB];
	s0 =	simm.s32 @p2 $0x1  }
0x17: {  	s4 =	simm.s32 $0x1BF5;
	[smem:$0x3FB3] =	sst s0  }
0x18: {  	s0 =	sld [smem:$0x3F96];
	_ =	swait.ge [sflag:s4], $0x0  }
0x19: {  	s7 =	sld [smem:$0x3F97]  }
0x1a: {  	s8 =	sadd.s32 $0xFFFFE003, lr  }
0x1b: {  	s9 =	sadd.s32 $0xFFFFFEF7, lr;
	s5 =	simm.s32 $0xFFFFFFFF;
	p2 =	slt.u32 s8, $0xFFFFF086  }
0x1c: {  	p1 =	slt.u32 s9, $0xF7A;
	s5 =	simm.s32 @!p2 $0x0  }
0x1d: {  	s5 =	simm.s32 @p1 $0x1;
	p0 =	seq.s32 s7, s2  }
0x1e: {  	s7 =	smul.u32 @!p0 $0xF7A, s2;
	p2 =	seq.s32 @!p0 s5, $0x0  }
0x1f: {  	s9 =	smul.u32 $0xF7A, s1;
	s8 =	simm.s32 @!p0 $0x1BF5;
	p2 =	por !p2, p0  }
0x20: {  	[sflag:s8] =	ssyncset.s32 @!p0 $0xFFFFF086;
	s6 =	sadd.s32 @!p0 s3, s7;
	s7 =	simm.s32 @!p0 $0x108  }
0x21: {  	s3 =	sadd.s32 s3, s9;
	s6 =	sadd.s32 @!p0 $0x88, s6;
	s7 =	simm.s32 @p2 $0x1082  }
0x22: {  	[simem:s7], [sflag:s8] =	dma.local @!p0 [hbm:s6], $0xF7A  }
0x23: {  	s9 =	sor.u32 $0xD0000000, s2;
	s6 =	simm.s32 $0x108;
	_ =	swait.ge @!p0 [sflag:s8], $0x0  }
0x24: {  	s3 =	sadd.s32 $0x88, s3;
	s6 =	simm.s32 @!p1 $0x1082;
	[sflag:s4] =	ssyncset.s32 $0xFFFFF086  }
0x25: {  	[simem:s6], [sflag:s4] =	dma.local [hbm:s3], $0xF7A  }
0x26: {  	[smem:$0x3F97] =	sst s1;
	(tag) =	ssettag s2;
	_ =	strace s9  }
0x27: {  	s1 =	sld [smem:$0x3FA7]  }
0x28: {  	s2 =	sld [smem:$0x3FA8]  }
0x29: {  	s4 =	sld [smem:$0x3FAA]  }
0x2a: {  	p0 =	seq.s32 s5, $0x0;
	s5 =	sld [smem:$0x3FAB]  }
0x2b: {  	s6 =	sld [smem:$0x3FAC]  }
0x2c: {  	s7 =	sld [smem:$0x3FAD]  }
0x2d: {  	s3 =	simm.s32 $0x108;
	s8 =	sld [smem:$0x3FAE]  }
0x2e: {  	s3 =	simm.s32 @!p0 $0x1082;
	s9 =	sld [smem:$0x3FAF]  }
0x2f: {  	lr =	sadd.s32 s0, s3;
	s0 =	sld [smem:$0x3FA6]  }
0x30: {  	s3 =	sld [smem:$0x3FA9]  }
0x31: {  	[smem:$0x3FB2] =	sst s10  }
0x32: {  	s10 =	sld [smem:$0x3FB0];
	_ =	sdelay $0x3  }
0x33: {  	p0 =	seq.s32 s10, $0x1;
	s10 =	sld [smem:$0x3FB2];
	_ =	sdelay $0x3  }
0x34: {  	[smem:$0x3FB2] =	sst s10  }
0x35: {  	s10 =	sld [smem:$0x3FB1];
	_ =	sdelay $0x3  }
0x36: {  	p1 =	seq.s32 s10, $0x1;
	s10 =	sld [smem:$0x3FB2];
	_ =	sdelay $0x3  }
0x37: {  	[smem:$0x3FB2] =	sst s10  }
0x38: {  	s10 =	sld [smem:$0x3FB3]  }
0x39: {  	_ = 	snop;
	(pc) =	sbr.ind lr, $3  }
0x3a: {  	_ = 	snop  }
0x3b: {  	_ = 	snop  }
0x3c: {  	p2 =	seq.s32 s10, $0x1;
	s10 =	sld [smem:$0x3FB2]  }
0x3d: {  	_ =	shalt  }
0x3e: {  	_ =	shalt  }
0x3f: {  	_ =	shalt  }
0x40: {  	_ =	shalt  }
0x41: {  	_ =	shalt  }
0x42: {  	_ =	shalt  }
0x43: {  	_ =	shalt  }
0x44: {  	_ =	shalt  }
0x45: {  	_ =	shalt  }
0x46: {  	_ =	shalt  }
0x47: {  	_ =	shalt  }
0x48: {  	_ =	shalt  }
0x49: {  	_ =	shalt  }
0x4a: {  	_ =	shalt  }
0x4b: {  	_ =	shalt  }
0x4c: {  	_ =	shalt  }
0x4d: {  	_ =	shalt  }
0x4e: {  	_ =	shalt  }
0x4f: {  	_ =	shalt  }
0x50: {  	_ =	shalt  }
0x51: {  	_ =	shalt  }
0x52: {  	_ =	shalt  }
0x53: {  	_ =	shalt  }
0x54: {  	_ =	shalt  }
0x55: {  	_ =	shalt  }
0x56: {  	_ =	shalt  }
0x57: {  	_ =	shalt  }
0x58: {  	_ =	shalt  }
0x59: {  	_ =	shalt  }
0x5a: {  	_ =	shalt  }
0x5b: {  	_ =	shalt  }
0x5c: {  	_ =	shalt  }
0x5d: {  	_ =	shalt  }
0x5e: {  	_ =	shalt  }
0x5f: {  	_ =	shalt  }
0x60: {  	_ =	shalt  }
0x61: {  	_ =	shalt  }
0x62: {  	_ =	shalt  }
0x63: {  	_ =	shalt  }
0x64: {  	_ =	shalt  }
0x65: {  	_ =	shalt  }
0x66: {  	_ =	shalt  }
0x67: {  	_ =	shalt  }
0x68: {  	_ =	shalt  }
0x69: {  	_ =	shalt  }
0x6a: {  	_ =	shalt  }
0x6b: {  	_ =	shalt  }
0x6c: {  	_ =	shalt  }
0x6d: {  	_ =	shalt  }
0x6e: {  	_ =	shalt  }
0x6f: {  	_ =	shalt  }
0x70: {  	_ =	shalt  }
0x71: {  	_ =	shalt  }
0x72: {  	_ =	shalt  }
0x73: {  	_ =	shalt  }
0x74: {  	_ =	shalt  }
0x75: {  	_ =	shalt  }
0x76: {  	_ =	shalt  }
0x77: {  	_ =	shalt  }
0x78: {  	_ =	shalt  }
0x79: {  	_ =	shalt  }
0x7a: {  	_ =	shalt  }
0x7b: {  	_ =	shalt  }
0x7c: {  	_ =	shalt  }
0x7d: {  	_ =	shalt  }
0x7e: {  	_ =	shalt  }
0x7f: {  	_ =	shalt  }
0x80: {  	_ =	shalt  }
0x81: {  	_ =	shalt  }
0x82: {  	_ =	shalt  }
0x83: {  	_ =	shalt  }
0x84: {  	_ =	shalt  }
0x85: {  	_ =	shalt  }
0x86: {  	_ =	shalt  }
0x87: {  	_ =	shalt  }
.Lfunc_end0:
.L_simem_size_0:
called_computation_lowered:
.L_overlay_start_0:
0x88: {  	s2 =	sld [smem:$0x3FD9]  }
0x89: {  	s3 =	sld [smem:$0x3FFE];
	_ =	sdelay $0x1  }
0x8a: {  	s1 =	srdreg.scid  }
0x8b: {  	s0 =	sand.u32 $0x1, s1  }
0x8c: {  	s17 =	sshll.u32 s0, $0xA;
	s2 =	sadd.s32 s3, s2  }
0x8d: {  	s2 =	sadd.s32 s2, s17  }
0x8e: {  	[smem:$0x3FBE] =	sst s2  }
0x8f: {  	_ = 	snop  }
0x90: {  	s2 =	sld [smem:$0x3FD0];
	(tm) =	ssettm $0x1  }
0x91: {  	s18 =	sld [smem:$0x3FFB];
	_ =	sdelay $0x3  }
0x92: {  	_ =	strace s18  }
0x93: {  	s3 =	sld [smem:$0x3FFC];
	_ =	sdelay $0x3  }
0x94: {  	_ =	strace s3  }
0x95: {  	s3 =	sld [smem:$0x3FFD];
	_ =	sdelay $0x3  }
0x96: {  	_ =	strace s3  }
0x97: {  	_ =	strace $0x8FFFFFFF  }
0x98: {  	s19 =	sld [smem:$0x3FDB];
	_ =	sdelay $0x1  }
0x99: {  	s4 =	simm.s32 $_scs_section_size  }
0x9a: {  	s5 =	simm.s32 $_size__tile_overlayer_lowered;
	s6 =	simm.s32 $_tile_overlayer_lowered  }
0x9b: {  	s22 =	simm.s32 $0x1BFF;
	s21 =	sshll.u32 s6, $0x1;
	s3 =	sadd.s32 s4, s19  }
0x9c: {  	s7 =	simm.s32 $0x0;
	s20 =	sshll.u32 s5, $0x1;
	s5 =	sadd.s32 s21, s3  }
0x9d: {  	[timem:s7], [sflag:s22] =	dma.local [hbm:s5], s20  }
0x9e: {  	_ =	swait.ge [sflag:s22], s20  }
0x9f: {  	s4 =	ssub.s32 $0x0, s20;
	[sflag:s22] =	ssyncset.done $0x0  }
0xa0: {  	[sflag:s22] =	ssyncadd.s32 s4;
	_ =	sdelay $0x1  }
0xa1: {  	s23 =	simm.s32 $0x1B8B  }
0xa2: {  	_ =	swait.ge [sflag:s23], $0x1  }
0xa3: {  	[sflag:s23] =	ssyncset.done $0x0  }
0xa4: {  	s25 =	simm.s32 $0x1B8E;
	s24 =	sld [smem:$0x3FFE];
	[sflag:s23] =	ssyncadd.s32 $0xFFFFFFFF  }
0xa5: {  	s26 =	simm.s32 $execute0_lowered;
	[smem:$0x3FD2] =	sst s25  }
0xa6: {  	s5 =	sshll.u32 s26, $0x1;
	_ =	strace $0x80000046;
	[dreg:$0x1] =	wrdreg $0xFFFFFFFF  }
0xa7: {  	s28 =	simm.s32 $_size_execute0_lowered;
	s3 =	sadd.s32 s3, s5;
	[dreg:$0x0] =	wrdreg $0x0  }
0xa8: {  	s5 =	sshll.u32 s28, $0x1;
	[dreg:$0x2] =	wrdreg s3  }
0xa9: {  	[dreg:$0x3] =	wrdreg s5  }
0xaa: {  	[dreg:$0x4] =	wrdreg $0xC0  }
0xab: {  	_ =	task [dreg:s7], $0x5FFFF  }
0xac: {  	[dreg:$0x1] =	wrdreg $0xFFFFFFFF  }
0xad: {  	[dreg:$0x0] =	wrdreg $0x60  }
0xae: {  	[dreg:$0x2] =	wrdreg s24  }
0xaf: {  	[dreg:$0x3] =	wrdreg s2  }
0xb0: {  	[dreg:$0x4] =	wrdreg $0x0  }
0xb1: {  	[dreg:$0x5] =	wrdreg $0x9  }
0xb2: {  	_ =	task.clear_ibuf [dreg:s7], $0x6FFFF;
	_ =	strace $0x90000046  }
0xb3: {  	s29 =	simm.s32 $0x9;
	_ =	strace $0x80000048  }
0xb4: {  	_ =	swait.ge [sflag:s29], $0x1  }
0xb5: {  	[sflag:s29] =	ssyncadd.s32 $0xFFFFFFFF  }
0xb6: {  	_ =	strace $0x90000048  }
0xb7: {  	_ =	sfence  }
0xb8: {  	s30 =	sld [smem:$0x0];
	_ =	sdelay $0x2  }
0xb9: {  	s31 =	sshll.u32 s1, $0xD;
	s1 =	sshrl.u32 s1, $0x2  }
0xba: {  	s3 =	sand.u32 $0x4000, s31;
	s1 =	sadd.s32 s1, s30  }
0xbb: {  	s0 =	sor.u32 s3, s0;
	s1 =	sshll.u32 s1, $0x11  }
0xbc: {  	s0 =	sor.u32 s1, s0  }
0xbd: {  	s0 =	sadd.s32 $0x8F2B, s0  }
0xbe: {  	[sflag:s0] =	ssyncadd.remote.s32 $0x1  }
0xbf: {  	_ =	sfence.sel $0xFFFF  }
0xc0: {  	[dreg:$0x0] =	wrdreg $0xFFFFFFFF;
	(pc) =	sbr.abs _section_cstart, $3  }
0xc1: {  	[dreg:$0x1] =	wrdreg $0xFFFFFFFF  }
0xc2: {  	_ =	task.clear_ibuf [dreg:s7], $0x2FFFF;
	_ =	strace $0x9FFFFFFF  }
0xc3: {  	(tm) =	ssettm $0x7FFFFFFF  }
tec
execute0_lowered:
.L_overlay_start_1:
0x0: {  	(tag) =	ssettag $0x1  }
0x1: {  	s0 =	rddreg [dreg:$0x0]  }
0x2: {  	s25 =	rddreg [dreg:$0x2]  }
0x3: {  	s1 =	simm.s32 $0x0;
	s18 =	srdreg.scid;
	s9 =	stileid.u32  }
0x4: {  	s31 =	simm.s32 $0x280;
	s16 =	simm.s32 $0x14D00;
	s17 =	simm.s32 $0x19D00  }
0x5: {  	s2 =	simm.s32 $0x2;
	s30 =	simm.s32 $0x5;
	[smem:$0x7FF] =	sst s1  }
0x6: {  	s5 =	sadd.s32 $0x2D400, s0;
	s1 =	sand.u32 $0x1, s18;
	s28 =	sadd.s32 $0x23400, s0  }
0x7: {  	s3 =	sshll.u32 s9, $0x1;
	s6 =	smul.u32 $0x14000, s9;
	s7 =	sshrl.u32 s9, $0x2  }
0x8: {  	s19 =	smul.u32 $0x50000, s9;
	s22 =	sshll.u32 s9, $0x6;
	s9 =	simm.s32 $0x14000  }
0x9: {  	_ =	strace $0x80000047;
	s4 =	smul.u32 $0x140000, s1;
	s3 =	sor.u32 s1, s3  }
0xa: {  	s7 =	smul.u32 $0x14000, s7;
	s1 =	ssub.s32 $0x2, s1;
	[dreg:$0x4] =	wrdreg s31  }
0xb: {  	s8 =	sshll.u32 s3, $0xB;
	s3 =	sshll.u32 s3, $0x7;
	s21 =	sshrl.u32 s1, $0x1  }
0xc: {  	s8 =	sadd.s32 s8, s0;
	s4 =	sadd.s32 s6, s4;
	s3 =	sand.u32 $0x380, s3  }
0xd: {  	s1 =	ssub.s32 s1, s21;
	s21 =	simm.s32 $0x1;
	s4 =	sshrl.u32 s4, $0x3  }
0xe: {  	s10 =	sor.u32 s7, s3;
	s3 =	sshrl.u32 s19, $0x2;
	s7 =	sor.u32 $0x1C0A, s22  }
0xf: {  	s22 =	sadd.s32 $0x13400, s8;
	s24 =	sadd.s32 $0x13480, s8;
	s29 =	smax.u32 s1, $0x1  }
0x10: {  	s8 =	simm.s32 $0xA;
	s4 =	sadd.s32 s4, s0;
	[dreg:$0xa] =	wrdreg s24  }
0x11: {  	s20 =	sshrl.u32 s10, $0x3;
	s3 =	sadd.s32 s3, s25;
	[dreg:$0xc] =	wrdreg s29  }
0x12: {  	s24 =	simm.s32 $0x17500;
	[dreg:$0x6] =	wrdreg s7;
	s6 =	sadd.s32 s28, s20  }
0x13: {  	s0 =	sadd.s32 s20, s0;
	s26 =	sadd.s32 $0x55400, s4;
	[dreg:$0x7] =	wrdreg s6  }
0x14: {  	s1 =	sshrl.u32 s3, $0x3;
	s3 =	smov.u32 s10;
	[dreg:$0xb] =	wrdreg s26  }
0x15: {  	s10 =	simm.s32 $0x18000;
	s0 =	sadd.s32 $0xA5400, s0;
	[dreg:$0xd] =	wrdreg s1  }
0x16: {  	s4 =	simm.s32 $0x0;
	s23 =	sadd.s32 $0x280, s6;
	[dreg:$0x8] =	wrdreg s0  }
0x17: {  	v0 =	vimm.f32 $0.0e+00;
	v1 =	vimm.f32 $1.000000000e+00;
	s26 =	simm.s32 $0x50;
	[dreg:$0x9] =	wrdreg s23;
	s23 =	simm.s32 $0x1C500  }
.LBB2_1:
0x18: {  	[dreg:$0xe] =	wrdreg s4  }
0x19: {  	s0 =	rddreg [dreg:$0x1]  }
0x1a: {  	[spmem:s1], [sflag:s7] =	dma.local [hbm:s0], $0x2800  }
0x1b: {  	_ =	swait.ge [sflag:s8], $0x2800  }
0x1c: {  	[sflag:s8] =	ssyncset.done $0x0  }
0x1d: {  	s31 =	simm.s32 $0x0;
	[sflag:s8] =	ssyncadd.s32 $0xFFFFD800  }
0x1e: {  	[tilespmem:s9], [sflag:$0xA] =	stream.linear.gather [hbm4b:s22+s31], $0x4000, $0x38;
	[tilespmem:$0x1ED00] =	vst v63  }
0x1f: {  	_ =	swait.ge [sflag:s8], $0x4000  }
0x20: {  	[sflag:s8] =	ssyncset.done $0x0  }
0x21: {  	s4 =	simm.s32 $0x40;
	s6 =	simm.s32 $0x0;
	[sflag:s8] =	ssyncadd.s32 $0xFFFFC000  }
.LBB2_2:
0x22: {  	p0 =	sne.s32 s4, $0x9FC0;
	[tilespmem:s6+$0x18000] =	vst v0;
	s6 =	smov.u32 s4;
	s4 =	sadd.s32 $0x40, s4  }
.Ltmp0:
0x23: {  	(pc) =	sbr.rel @p0 .LBB2_2-.Ltmp0, $2  }
0x24: {  	_ =	sdelay $0x2  }
0x25: {  	s6 =	sshra.s32 s6, $0x2  }
0x26: {  	s4 =	simm.s32 $0x0  }
0x27: {  	v5 =	vld [tilespmem:s4+$0x14000];
	_ =	sdelay $0x4  }
0x28: {  	v2 =	vld [tilespmem:s4+$0x14010]  }
0x29: {  	v3 =	vld [tilespmem:s4+$0x14020]  }
0x2a: {  	[tilespmem:s6+$0x18000] =	vst v0;
	v4 =	vld [tilespmem:s4+$0x14030]  }
0x2b: {  	s6 =	simm.s32 $0x200;
	[tilespmem:v5+s10+$0x0] =	vst.idx.add.f32.msk $0xffff, v1  }
.LBB2_4:
0x2c: {  	p0 =	sne.s32 s6, $0xF800;
	v5 =	vld [tilespmem:s4+$0x14040];
	s4 =	sshra.s32 s6, $0x2  }
0x2d: {  	v6 =	vld [tilespmem:s4+$0x14000]  }
0x2e: {  	v7 =	vld [tilespmem:s4+$0x14010]  }
0x2f: {  	v8 =	vld [tilespmem:s4+$0x14020]  }
0x30: {  	v9 =	vld [tilespmem:s4+$0x14030]  }
.Ltmp1:
0x31: {  	[tilespmem:v2+s10+$0x0] =	vst.idx.add.f32.msk $0xffff, v1;
	(pc) =	sbr.rel @p0 .LBB2_4-.Ltmp1, $4  }
0x32: {  	[tilespmem:v3+s10+$0x0] =	vst.idx.add.f32.msk $0xffff, v1  }
0x33: {  	[tilespmem:v4+s10+$0x0] =	vst.idx.add.f32.msk $0xffff, v1;
	v2 =	vmov v7  }
0x34: {  	[tilespmem:v5+s10+$0x0] =	vst.idx.add.f32.msk $0xffff, v1;
	v3 =	vmov v8  }
0x35: {  	s6 =	sadd.s32 $0x200, s6;
	[tilespmem:v6+s10+$0x0] =	vst.idx.add.f32.msk $0xffff, v1;
	v4 =	vmov v9  }
0x36: {  	v5 =	vld [tilespmem:s4+$0x14040];
	_ =	sdelay $0x4  }
0x37: {  	[tilespmem:v2+s10+$0x0] =	vst.idx.add.f32.msk $0xffff, v1  }
0x38: {  	[tilespmem:v3+s10+$0x0] =	vst.idx.add.f32.msk $0xffff, v1  }
0x39: {  	[tilespmem:v4+s10+$0x0] =	vst.idx.add.f32.msk $0xffff, v1  }
0x3a: {  	s0 =	rddreg [dreg:$0x8];
	s1 =	simm.s32 $0x80;
	s6 =	simm.s32 $0x400;
	[tilespmem:v5+s10+$0x0] =	vst.idx.add.f32.msk $0xffff, v1  }
0x3b: {  	[hbm4b:s0+s1] =	stream.strided.scatter [tilespmem:s10], [sflag:$0xA], $0x2800, s6, s1, $0x38;
	[tilespmem:$0x1ED00] =	vst v63  }
0x3c: {  	_ =	swait.ge [sflag:s8], $0x2800  }
0x3d: {  	s4 =	simm.s32 $0x0;
	[sflag:s8] =	ssyncset.done $0x0  }
0x3e: {  	s11 =	simm.s32 $0x9;
	[sflag:s8] =	ssyncadd.s32 $0xFFFFD800;
	s8 =	rddreg [dreg:$0x7]  }
0x3f: {  	[tilespmem:s9], [sflag:$0x9] =	stream.strided.gather [hbm4b:s8+s1], $0x280, s6, s1, $0x38;
	[tilespmem:$0x1ED00] =	vst v63  }
0x40: {  	s7 =	simm.s32 $0x14280;
	s14 =	simm.s32 $0x14900;
	s10 =	simm.s32 $0x14500  }
0x41: {  	[tilespmem:s10], [sflag:$0x9] =	stream.linear.gather [hbm4b:s22+s4], $0x400, $0x38;
	[tilespmem:$0x1ED00] =	vst v63  }
0x42: {  	s15 =	simm.s32 $0x14050;
	p1 =	por $0x0, $0x0;
	_ =	swait.ge [sflag:s11], $0x280  }
0x43: {  	s18 =	simm.s32 $0x2;
	s20 =	simm.s32 $0x0;
	[sflag:s11] =	ssyncset.done $0x0  }
0x44: {  	p0 =	por $0x0, $0x0;
	p3 =	por $0x1, $0x1;
	[sflag:s11] =	ssyncadd.s32 $0xFFFFFD80  }
0x45: {  	s19 =	sand.u32 $0x6, s18;
	s18 =	simm.s32 $0xD;
	_ =	swait.ge [sflag:s11], $0x400  }
0x46: {  	s0 =	simm.s32 $0x180;
	s8 =	sand.u32 $0x400, s20;
	[sflag:s11] =	ssyncset.done $0x0  }
0x47: {  	s8 =	sadd.s32 $0x14500, s8;
	s12 =	rddreg [dreg:$0x9];
	[sflag:s11] =	ssyncadd.s32 $0xFFFFFC00  }
0x48: {  	[tilespmem:s7], [sflag:$0x9] =	stream.strided.gather [hbm4b:s12+s1], $0x280, s6, s1, $0x38;
	[tilespmem:$0x1ED00] =	vst v63  }
0x49: {  	s10 =	simm.s32 @!p3 $0x7;
	s13 =	rddreg [dreg:$0xa];
	s6 =	simm.s32 $0x5  }
0x4a: {  	s11 =	simm.s32 $0x100;
	s7 =	simm.s32 @!p1 $0x0;
	s6 =	sand.u32 @!p1 $0x5, s6  }
0x4b: {  	[tilespmem:s14], [sflag:$0x9] =	stream.linear.gather [hbm4b:s13+s4], $0x400, $0x38;
	[tilespmem:$0x1ED00] =	vst v63  }
0x4c: {  	s1 =	simm.s32 $0x6;
	s7 =	sand.u32 @!p1 $0x280, s7;
	s6 =	smul.u32 @!p1 $0x140, s6  }
0x4d: {  	s29 =	sand.u32 $0x6, s1;
	s4 =	sand.u32 $0x2, s4;
	s13 =	smul.u32 $0x140, s19  }
0x4e: {  	s14 =	simm.s32 $0x3;
	s19 =	sand.u32 $0x200, s20;
	[bflag:$0x0] =	sbarrier.arrive $0xFFFF  }
0x4f: {  	[tilespmem:s16], [sflag:$0x1] =	stream.indirect.gather [hbm4b:s5+s26], $0x80, s9, s26, $0xb8;
	[tilespmem:$0x1ED00] =	vst v63  }
0x50: {  	s20 =	simm.s32 $0x4;
	p2 =	seq.s32 s4, $0x0;
	s6 =	sshrl.u32 @!p1 s6, $0x2  }
0x51: {  	s4 =	sshrl.u32 s13, $0x2;
	s13 =	simm.s32 @!p0 $0xFFFFFFFF;
	s6 =	sadd.s32 @!p1 s6, s7  }
0x52: {  	s7 =	sand.u32 $0x7, s14;
	s14 =	simm.s32 $0x14000;
	s13 =	sand.u32 @!p0 $0x280, s13  }
0x53: {  	[tilespmem:s24], [sflag:$0x2] =	stream.indirect.gather [hbm4b:s5+s26], $0x80, s15, s26, $0xb8;
	[tilespmem:$0x1ED00] =	vst v63  }
0x54: {  	s15 =	simm.s32 $0x9;
	s12 =	sor.u32 @!p1 $0x14000, s6;
	p1 =	por p1, p1  }
0x55: {  	s14 =	simm.s32 @!p2 $0x14280;
	s7 =	smul.u32 $0x140, s7;
	s6 =	sand.u32 $0x4, s20  }
0x56: {  	s9 =	sand.u32 @!p0 $0x5, s15;
	_ =	swait.ge @!p3 [sflag:s10], $0x2800;
	s4 =	sadd.s32 s4, s14  }
0x57: {  	p2 =	sne.s32 s6, $0x0;
	s9 =	smul.u32 @!p0 $0x140, s9;
	[sflag:s10] =	ssyncset.done @!p3 $0x0  }
0x58: {  	s7 =	sshrl.u32 s7, $0x2;
	p4 =	por @p2 $0x1, $0x1;
	[sflag:s10] =	ssyncadd.s32 @!p3 $0xFFFFD800  }
0x59: {  	[tilespmem:s17], [sflag:$0x3] =	stream.indirect.gather [hbm4b:s5+s26], $0x80, s4, s26, $0xb8;
	[tilespmem:$0x1ED00] =	vst v63  }
0x5a: {  	s31 =	simm.s32 @!p2 $0x9;
	s10 =	simm.s32 @!p3 $0x8;
	_ =	swait.ge [sflag:s21], $0x2800  }
0x5b: {  	s7 =	sadd.s32 s7, s14;
	s9 =	sshrl.u32 @!p0 s9, $0x2;
	[sflag:s21] =	ssyncset.done $0x0  }
0x5c: {  	s4 =	sor.u32 s19, s8;
	s17 =	smul.u32 $0x140, s6;
	[sflag:s21] =	ssyncadd.s32 $0xFFFFD800  }
0x5d: {  	[spmem:s25] =	stream.indirect.scatter.add.f32 [tilespmem:s16], [sflag:$0x5], $0x80, s4, s26, $0xb8;
	[tilespmem:$0x1ED00] =	vst v63  }
0x5e: {  	s6 =	sadd.s32 @!p0 s9, s13;
	s9 =	simm.s32 @!p2 $0x0;
	_ =	swait.ge @!p3 [sflag:s10], $0x2800  }
0x5f: {  	s13 =	sor.u32 @!p0 $0x14000, s6;
	s4 =	sadd.s32 $0x80, s4;
	[sflag:s10] =	ssyncset.done @!p3 $0x0  }
0x60: {  	s16 =	simm.s32 @!p1 $0x17500;
	[sflag:s10] =	ssyncadd.s32 @!p3 $0xFFFFD800;
	p3 =	por p4, !p2  }
0x61: {  	[tilespmem:s23], [sflag:$0x4] =	stream.indirect.gather [hbm4b:s5+s26], $0x80, s7, s26, $0xb8;
	[tilespmem:$0x1ED00] =	vst v63  }
0x62: {  	s10 =	simm.s32 $0x1;
	s6 =	simm.s32 @!p3 $0x1;
	_ =	swait.ge [sflag:s2], $0x2800  }
0x63: {  	s7 =	smul.u32 @!p3 $0x1400, s6;
	s6 =	sand.u32 @!p3 $0x1, s6;
	[sflag:s2] =	ssyncset.done $0x0  }
0x64: {  	s21 =	simm.s32 @!p3 $0x400;
	s14 =	smul.u32 @!p3 $0xA00, s6;
	[sflag:s2] =	ssyncadd.s32 $0xFFFFD800  }
0x65: {  	[spmem:s25] =	stream.indirect.scatter.add.f32 [tilespmem:s24], [sflag:$0x6], $0x80, s4, s26, $0xb8;
	[tilespmem:$0x1ED00] =	vst v63  }
0x66: {  	s7 =	sadd.s32 @!p3 s3, s7;
	s4 =	sshrl.u32 @!p3 s14, $0x2;
	_ =	swait.ge [sflag:s30], $0x2800  }
0x67: {  	s7 =	sshrl.u32 @!p3 s7, $0x3;
	s14 =	simm.s32 @!p3 $0x80;
	[sflag:s30] =	ssyncset.done $0x0  }
0x68: {  	s4 =	sor.u32 @!p3 $0x14000, s4;
	s7 =	sadd.s32 @!p3 s28, s7;
	[sflag:s30] =	ssyncadd.s32 $0xFFFFD800  }
0x69: {  	[tilespmem:s4], [sflag:$0x9] =	stream.strided.gather @!p3 [hbm4b:s7+s14], $0x280, s21, s14, $0x38;
	[tilespmem:$0x1ED00] =	vst v63  }
0x6a: {  	s23 =	simm.s32 @!p1 $0x50;
	s6 =	sshll.u32 @!p3 s6, $0xA;
	s4 =	simm.s32 @p2 $0x0  }
0x6b: {  	s6 =	sadd.s32 @!p3 $0x14500, s6;
	s14 =	simm.s32 $0x380;
	s9 =	smov.u32 @p2 s4  }
0x6c: {  	s7 =	sadd.s32 @!p3 $0x80, s22;
	s21 =	simm.s32 @!p3 $0x0;
	s4 =	sand.u32 $0x1, s9  }
0x6d: {  	[tilespmem:s6], [sflag:$0x9] =	stream.linear.gather @!p3 [hbm4b:s7+s21], $0x400, $0x38;
	[tilespmem:$0x1ED00] =	vst v63  }
0x6e: {  	s6 =	simm.s32 $0x200;
	s7 =	sand.u32 $0x380, s0;
	_ =	swait.ge @!p2 [sflag:s31], $0x280  }
0x6f: {  	s21 =	simm.s32 $0x300;
	s30 =	sand.u32 $0x400, s6;
	[sflag:s31] =	ssyncset.done @!p2 $0x0  }
.LBB2_6:
0x70: {  	[sflag:s31] =	ssyncadd.s32 @!p2 $0xFFFFFD80;
	s24 =	sadd.s32 s7, s8;
	s7 =	smov.u32 s18  }
0x71: {  	s18 =	sadd.s32 $0x4, s18;
	s0 =	smov.u32 s14;
	p5 =	por p1, p1  }
0x72: {  	p1 =	por p0, p0;
	s1 =	sand.u32 $0x2, s10;
	p4 =	seq.s32 s4, $0x1  }
0x73: {  	s2 =	smul.u32 $0x140, s29;
	s29 =	sadd.s32 $0xFFFFFFFE, s15;
	s19 =	simm.s32 $0x14D00  }
0x74: {  	s11 =	sand.u32 $0x300, s11;
	s20 =	smov.u32 s13;
	s13 =	simm.s32 $0x50  }
0x75: {  	s6 =	sand.u32 $0x200, s6;
	s14 =	sadd.s32 $0x200, s14;
	[dreg:$0x5] =	wrdreg s0  }
0x76: {  	s9 =	sadd.s32 $0xFFFFFFFD, s7;
	p0 =	seq.s32 s7, $0x7D;
	p3 =	sne.s32 s18, $0x81  }
0x77: {  	s17 =	sshrl.u32 s17, $0x2;
	s11 =	sadd.s32 s11, s8;
	_ =	swait.ge @!p2 [sflag:s31], $0x400  }
0x78: {  	s9 =	sand.u32 $0x6, s9;
	[sflag:s31] =	ssyncset.done @!p2 $0x0;
	s0 =	rddreg [dreg:$0x4]  }
0x79: {  	[sflag:s31] =	ssyncadd.s32 @!p2 $0xFFFFFC00;
	s31 =	sand.u32 @!p0 $0x5, s7;
	s0 =	simm.s32 @!p4 $0x0  }
0x7a: {  	p2 =	seq.s32 s1, $0x0;
	s1 =	sand.u32 $0x7, s29;
	s0 =	sadd.s32 s17, s0  }
0x7b: {  	p4 =	seq.s32 s15, $0x5;
	s4 =	smul.u32 @!p0 $0x140, s31;
	s0 =	sor.u32 $0x14000, s0  }
0x7c: {  	[tilespmem:s19], [sflag:$0x1] =	stream.indirect.gather [hbm4b:s5+s26], $0x80, s0, s26, $0xb8;
	[tilespmem:$0x1ED00] =	vst v63  }
0x7d: {  	s17 =	sshll.u32 @!p0 s7, $0x1C;
	s0 =	sshrl.u32 s2, $0x2;
	s2 =	simm.s32 $0x3  }
0x7e: {  	s8 =	simm.s32 @!p4 $0x7;
	s17 =	sshra.s32 @!p0 s17, $0x1F;
	_ =	swait.ge [sflag:s2], $0x2800  }
0x7f: {  	s1 =	smul.u32 $0x140, s1;
	s29 =	sand.u32 @!p0 $0x280, s17;
	[sflag:s2] =	ssyncset.done $0x0  }
0x80: {  	s26 =	simm.s32 $0x19D00;
	s17 =	simm.s32 $0x6;
	[sflag:s2] =	ssyncadd.s32 $0xFFFFD800  }
0x81: {  	[spmem:s25] =	stream.indirect.scatter.add.f32 [tilespmem:s26], [sflag:$0x7], $0x80, s11, s13, $0xb8;
	[tilespmem:$0x1ED00] =	vst v63  }
0x82: {  	s31 =	sadd.s32 $0xFFFFFFFF, s15;
	s15 =	smov.u32 s7;
	_ =	swait.ge [sflag:s17], $0x2800  }
0x83: {  	s4 =	sshrl.u32 @!p0 s4, $0x2;
	s1 =	sshrl.u32 s1, $0x2;
	[sflag:s17] =	ssyncset.done $0x0  }
0x84: {  	s4 =	sadd.s32 @!p0 s4, s29;
	s29 =	smov.u32 s9;
	[sflag:s17] =	ssyncadd.s32 $0xFFFFD800  }
0x85: {  	[tilespmem:s16], [sflag:$0x2] =	stream.indirect.gather @!p5 [hbm4b:s5+s23], $0x80, s12, s23, $0xb8;
	[tilespmem:$0x1ED00] =	vst v63  }
0x86: {  	s4 =	sor.u32 @!p0 $0x14000, s4;
	s11 =	simm.s32 $0x14000;
	s16 =	simm.s32 $0x4  }
0x87: {  	s2 =	simm.s32 $0x1C500;
	s11 =	simm.s32 @!p2 $0x14280;
	_ =	swait.ge [sflag:s16], $0x2800  }
0x88: {  	s0 =	sadd.s32 s0, s11;
	s1 =	sadd.s32 s1, s11;
	[sflag:s16] =	ssyncset.done $0x0  }
0x89: {  	s23 =	sand.u32 $0x4, s31;
	s12 =	smov.u32 s20;
	[sflag:s16] =	ssyncadd.s32 $0xFFFFD800  }
0x8a: {  	[spmem:s25] =	stream.indirect.scatter.add.f32 [tilespmem:s2], [sflag:$0x8], $0x80, s24, s13, $0xb8;
	[tilespmem:$0x1ED00] =	vst v63  }
0x8b: {  	s20 =	simm.s32 $0x5;
	p2 =	sne.s32 s23, $0x0;
	_ =	swait.ge @!p4 [sflag:s8], $0x2800  }
0x8c: {  	s17 =	smul.u32 $0x140, s23;
	s11 =	sadd.s32 @p2 $0xFFFFFFFE, s10;
	[sflag:s8] =	ssyncset.done @!p4 $0x0  }
0x8d: {  	p5 =	sgt.u32 @p2 s11, $0x1A;
	s11 =	simm.s32 $0x1;
	[sflag:s8] =	ssyncadd.s32 @!p4 $0xFFFFD800  }
0x8e: {  	[tilespmem:s26], [sflag:$0x3] =	stream.indirect.gather [hbm4b:s5+s13], $0x80, s0, s13, $0xb8;
	[tilespmem:$0x1ED00] =	vst v63  }
0x8f: {  	s23 =	simm.s32 @!p1 $0x50;
	s8 =	sadd.s32 $0x14500, s30;
	_ =	swait.ge [sflag:s11], $0x2800  }
0x90: {  	s26 =	simm.s32 $0x50;
	s16 =	sor.u32 s6, s8;
	[sflag:s11] =	ssyncset.done $0x0  }
0x91: {  	s13 =	smov.u32 s4;
	s4 =	simm.s32 @!p4 $0x8;
	[sflag:s11] =	ssyncadd.s32 $0xFFFFD800  }
0x92: {  	[spmem:s25] =	stream.indirect.scatter.add.f32 [tilespmem:s19], [sflag:$0x5], $0x80, s16, s26, $0xb8;
	[tilespmem:$0x1ED00] =	vst v63  }
0x93: {  	s10 =	sadd.s32 $0x1, s10;
	s24 =	simm.s32 $0x17500;
	_ =	swait.ge @!p4 [sflag:s4], $0x2800  }
0x94: {  	s0 =	sshrl.u32 @!p2 s31, $0x3;
	s6 =	sadd.s32 $0x80, s16;
	[sflag:s4] =	ssyncset.done @!p4 $0x0  }
0x95: {  	s11 =	smov.u32 s21;
	s19 =	simm.s32 $0x2;
	[sflag:s4] =	ssyncadd.s32 @!p4 $0xFFFFD800  }
0x96: {  	[tilespmem:s2], [sflag:$0x4] =	stream.indirect.gather [hbm4b:s5+s26], $0x80, s1, s26, $0xb8;
	[tilespmem:$0x1ED00] =	vst v63  }
0x97: {  	p4 =	por p5, !p2;
	s1 =	sshrl.u32 @p2 s31, $0x3;
	s31 =	simm.s32 @!p2 $0x9  }
0x98: {  	_ =	swait.ge [sflag:s19], $0x2800;
	s4 =	sadd.s32 @!p4 $0x1, s1;
	s0 =	smov.u32 @p2 s1  }
0x99: {  	[sflag:s19] =	ssyncset.done $0x0;
	s1 =	smul.u32 @!p4 $0x1400, s4;
	s7 =	sand.u32 @!p4 $0x1, s4  }
0x9a: {  	s4 =	sshll.u32 @!p4 s4, $0x7;
	[sflag:s19] =	ssyncadd.s32 $0xFFFFD800;
	s9 =	smul.u32 @!p4 $0xA00, s7  }
0x9b: {  	s7 =	sshll.u32 @!p4 s7, $0xA;
	s21 =	sadd.s32 @!p4 s4, s22;
	s1 =	sadd.s32 @!p4 s3, s1  }
0x9c: {  	[spmem:s25] =	stream.indirect.scatter.add.f32 [tilespmem:s24], [sflag:$0x6], $0x80, s6, s26, $0xb8;
	[tilespmem:$0x1ED00] =	vst v63  }
0x9d: {  	s6 =	simm.s32 @!p4 $0x80;
	_ =	swait.ge [sflag:s20], $0x2800;
	s4 =	sshrl.u32 @!p4 s9, $0x2  }
0x9e: {  	s1 =	sshrl.u32 @!p4 s1, $0x3;
	s9 =	simm.s32 @!p4 $0x400;
	[sflag:s20] =	ssyncset.done $0x0  }
0x9f: {  	s4 =	sor.u32 @!p4 $0x14000, s4;
	s1 =	sadd.s32 @!p4 s28, s1;
	[sflag:s20] =	ssyncadd.s32 $0xFFFFD800  }
0xa0: {  	[tilespmem:s4], [sflag:$0x9] =	stream.strided.gather @!p4 [hbm4b:s1+s6], $0x280, s9, s6, $0x38;
	[tilespmem:$0x1ED00] =	vst v63  }
.Ltmp2:
0xa1: {  	s7 =	sadd.s32 @!p4 $0x14500, s7;
	s1 =	simm.s32 @!p4 $0x0;
	(pc) =	sbr.rel @p3 .LBB2_6-.Ltmp2, $4  }
0xa2: {  	[tilespmem:s7], [sflag:$0x9] =	stream.linear.gather @!p4 [hbm4b:s21+s1], $0x400, $0x38;
	[tilespmem:$0x1ED00] =	vst v63  }
0xa3: {  	s16 =	simm.s32 @!p1 $0x17500;
	s6 =	sadd.s32 $0xFFFFFE80, s14;
	_ =	swait.ge @!p2 [sflag:s31], $0x280  }
0xa4: {  	s4 =	sand.u32 $0x1, s0;
	s30 =	sand.u32 $0x400, s6;
	s21 =	rddreg [dreg:$0x5]  }
0xa5: {  	[sflag:s31] =	ssyncset.done @!p2 $0x0;
	s7 =	sand.u32 $0x380, s21;
	s21 =	sadd.s32 $0xFFFFFF80, s14  }
0xa6: {  	[sflag:s31] =	ssyncadd.s32 @!p2 $0xFFFFFD80  }
0xa7: {  	_ =	swait.ge @!p2 [sflag:s31], $0x400  }
0xa8: {  	p3 =	seq.s32 s4, $0x1;
	s0 =	rddreg [dreg:$0x4]  }
0xa9: {  	s1 =	sshrl.u32 s17, $0x2;
	s0 =	simm.s32 @!p3 $0x0  }
0xaa: {  	s17 =	simm.s32 $0x14D00;
	[sflag:s31] =	ssyncset.done @!p2 $0x0;
	s0 =	sadd.s32 s1, s0  }
0xab: {  	[sflag:s31] =	ssyncadd.s32 @!p2 $0xFFFFFC00;
	s31 =	simm.s32 $0x3;
	s0 =	sor.u32 $0x14000, s0  }
0xac: {  	[tilespmem:s17], [sflag:$0x1] =	stream.indirect.gather [hbm4b:s5+s26], $0x80, s0, s26, $0xb8;
	[tilespmem:$0x1ED00] =	vst v63  }
0xad: {  	_ =	swait.ge [sflag:s31], $0x2800  }
0xae: {  	s2 =	sand.u32 $0x300, s11;
	s20 =	simm.s32 $0x6;
	[sflag:s31] =	ssyncset.done $0x0  }
0xaf: {  	s0 =	sadd.s32 s2, s8;
	s2 =	simm.s32 $0x19D00;
	[sflag:s31] =	ssyncadd.s32 $0xFFFFD800  }
0xb0: {  	[spmem:s25] =	stream.indirect.scatter.add.f32 [tilespmem:s2], [sflag:$0x7], $0x80, s0, s26, $0xb8;
	[tilespmem:$0x1ED00] =	vst v63  }
0xb1: {  	p1 =	por p1, p1;
	s4 =	sand.u32 $0x2, s10;
	_ =	swait.ge [sflag:s20], $0x2800  }
0xb2: {  	s9 =	sadd.s32 s7, s8;
	s19 =	simm.s32 $0x4;
	[sflag:s20] =	ssyncset.done $0x0  }
0xb3: {  	s11 =	smul.u32 $0x140, s29;
	p2 =	seq.s32 s15, $0x5;
	[sflag:s20] =	ssyncadd.s32 $0xFFFFD800  }
0xb4: {  	[tilespmem:s16], [sflag:$0x2] =	stream.indirect.gather @!p1 [hbm4b:s5+s23], $0x80, s12, s23, $0xb8;
	[tilespmem:$0x1ED00] =	vst v63  }
0xb5: {  	s7 =	simm.s32 @!p2 $0x7;
	s1 =	simm.s32 $0x14000;
	_ =	swait.ge [sflag:s19], $0x2800  }
0xb6: {  	s0 =	sshrl.u32 s11, $0x2;
	p1 =	seq.s32 s4, $0x0;
	[sflag:s19] =	ssyncset.done $0x0  }
0xb7: {  	s12 =	sadd.s32 $0xFFFFFFFE, s15;
	s16 =	simm.s32 $0x1C500;
	[sflag:s19] =	ssyncadd.s32 $0xFFFFD800  }
0xb8: {  	[spmem:s25] =	stream.indirect.scatter.add.f32 [tilespmem:s16], [sflag:$0x8], $0x80, s9, s26, $0xb8;
	[tilespmem:$0x1ED00] =	vst v63  }
0xb9: {  	s4 =	sand.u32 $0x7, s12;
	s1 =	simm.s32 @!p1 $0x14280;
	_ =	swait.ge @!p2 [sflag:s7], $0x2800  }
0xba: {  	s0 =	sadd.s32 s0, s1;
	s29 =	smul.u32 $0x140, s4;
	[sflag:s7] =	ssyncset.done @!p2 $0x0  }
0xbb: {  	s4 =	sadd.s32 $0xFFFFFFFF, s15;
	s15 =	simm.s32 $0x1;
	[sflag:s7] =	ssyncadd.s32 @!p2 $0xFFFFD800  }
0xbc: {  	[tilespmem:s2], [sflag:$0x3] =	stream.indirect.gather [hbm4b:s5+s26], $0x80, s0, s26, $0xb8;
	[tilespmem:$0x1ED00] =	vst v63  }
0xbd: {  	s18 =	sand.u32 $0x200, s6;
	s23 =	sadd.s32 $0x14500, s30;
	_ =	swait.ge [sflag:s15], $0x2800  }
0xbe: {  	s8 =	sor.u32 s18, s23;
	[sflag:s15] =	ssyncset.done $0x0  }
0xbf: {  	s6 =	sand.u32 $0x4, s4;
	s9 =	simm.s32 @!p2 $0x8;
	[sflag:s15] =	ssyncadd.s32 $0xFFFFD800  }
0xc0: {  	[spmem:s25] =	stream.indirect.scatter.add.f32 [tilespmem:s17], [sflag:$0x5], $0x80, s8, s26, $0xb8;
	[tilespmem:$0x1ED00] =	vst v63  }
0xc1: {  	s18 =	simm.s32 $0x5;
	p1 =	sne.s32 s6, $0x0;
	_ =	swait.ge @!p2 [sflag:s9], $0x2800  }
0xc2: {  	s10 =	sadd.s32 @p1 $0xFFFFFFFE, s10;
	s0 =	sshrl.u32 s29, $0x2;
	[sflag:s9] =	ssyncset.done @!p2 $0x0  }
0xc3: {  	p3 =	sgt.u32 @p1 s10, $0x1A;
	s0 =	sadd.s32 s0, s1;
	[sflag:s9] =	ssyncadd.s32 @!p2 $0xFFFFD800  }
0xc4: {  	[tilespmem:s16], [sflag:$0x4] =	stream.indirect.gather [hbm4b:s5+s26], $0x80, s0, s26, $0xb8;
	[tilespmem:$0x1ED00] =	vst v63  }
0xc5: {  	s29 =	simm.s32 $0x2;
	p2 =	por p3, !p1;
	s0 =	sshrl.u32 @p1 s4, $0x3  }
0xc6: {  	s8 =	sadd.s32 $0x80, s8;
	s1 =	sadd.s32 @!p2 $0x1, s0;
	_ =	swait.ge [sflag:s29], $0x2800  }
0xc7: {  	s9 =	smul.u32 @!p2 $0x1400, s1;
	[sflag:s29] =	ssyncset.done $0x0;
	s10 =	sand.u32 @!p2 $0x1, s1  }
0xc8: {  	s12 =	simm.s32 @!p2 $0x400;
	[sflag:s29] =	ssyncadd.s32 $0xFFFFD800;
	s11 =	smul.u32 @!p2 $0xA00, s10  }
0xc9: {  	[spmem:s25] =	stream.indirect.scatter.add.f32 [tilespmem:s24], [sflag:$0x6], $0x80, s8, s26, $0xb8;
	[tilespmem:$0x1ED00] =	vst v63  }
0xca: {  	s9 =	sadd.s32 @!p2 s3, s9;
	_ =	swait.ge [sflag:s18], $0x2800;
	s8 =	sshrl.u32 @!p2 s11, $0x2  }
0xcb: {  	s9 =	sshrl.u32 @!p2 s9, $0x3;
	s11 =	simm.s32 @!p2 $0x80;
	[sflag:s18] =	ssyncset.done $0x0  }
0xcc: {  	s8 =	sor.u32 @!p2 $0x14000, s8;
	s9 =	sadd.s32 @!p2 s28, s9;
	[sflag:s18] =	ssyncadd.s32 $0xFFFFD800  }
0xcd: {  	[tilespmem:s8], [sflag:$0x9] =	stream.strided.gather @!p2 [hbm4b:s9+s11], $0x280, s12, s11, $0x38;
	[tilespmem:$0x1ED00] =	vst v63  }
0xce: {  	s1 =	sshll.u32 @!p2 s1, $0x7;
	s8 =	sshll.u32 @!p2 s10, $0xA  }
0xcf: {  	s1 =	sadd.s32 @!p2 s1, s22;
	s9 =	simm.s32 @!p2 $0x0;
	s8 =	sadd.s32 @!p2 $0x14500, s8  }
0xd0: {  	[tilespmem:s8], [sflag:$0x9] =	stream.linear.gather @!p2 [hbm4b:s1+s9], $0x400, $0x38;
	[tilespmem:$0x1ED00] =	vst v63  }
0xd1: {  	s1 =	simm.s32 @!p1 $0x9  }
0xd2: {  	_ =	swait.ge @!p1 [sflag:s1], $0x280  }
0xd3: {  	s4 =	sshrl.u32 @!p1 s4, $0x3;
	[sflag:s1] =	ssyncset.done @!p1 $0x0  }
0xd4: {  	s4 =	smov.u32 @p1 s0;
	[sflag:s1] =	ssyncadd.s32 @!p1 $0xFFFFFD80  }
0xd5: {  	s7 =	smul.u32 $0x140, s6;
	s4 =	sand.u32 $0x1, s4;
	_ =	swait.ge @!p1 [sflag:s1], $0x400  }
0xd6: {  	p2 =	seq.s32 s4, $0x1;
	s0 =	rddreg [dreg:$0x4]  }
0xd7: {  	s11 =	sshrl.u32 s7, $0x2;
	s0 =	simm.s32 @!p2 $0x0  }
0xd8: {  	[sflag:s1] =	ssyncset.done @!p1 $0x0;
	s0 =	sadd.s32 s11, s0  }
0xd9: {  	[sflag:s1] =	ssyncadd.s32 @!p1 $0xFFFFFC00;
	s0 =	sor.u32 $0x14000, s0  }
0xda: {  	[tilespmem:s17], [sflag:$0x1] =	stream.indirect.gather [hbm4b:s5+s26], $0x80, s0, s26, $0xb8;
	[tilespmem:$0x1ED00] =	vst v63  }
0xdb: {  	_ =	swait.ge [sflag:s31], $0x2800  }
0xdc: {  	s12 =	sand.u32 $0x300, s21;
	[sflag:s31] =	ssyncset.done $0x0  }
0xdd: {  	s0 =	sadd.s32 s12, s23;
	[sflag:s31] =	ssyncadd.s32 $0xFFFFD800  }
0xde: {  	[spmem:s25] =	stream.indirect.scatter.add.f32 [tilespmem:s2], [sflag:$0x7], $0x80, s0, s26, $0xb8;
	[tilespmem:$0x1ED00] =	vst v63  }
0xdf: {  	p0 =	por p0, p0;
	_ =	swait.ge [sflag:s20], $0x2800  }
0xe0: {  	s1 =	simm.s32 @!p0 $0x50;
	[sflag:s20] =	ssyncset.done $0x0  }
0xe1: {  	s0 =	simm.s32 @!p0 $0x17500;
	p0 =	por p0, p0;
	[sflag:s20] =	ssyncadd.s32 $0xFFFFD800  }
0xe2: {  	[tilespmem:s0], [sflag:$0x2] =	stream.indirect.gather @!p0 [hbm4b:s5+s1], $0x80, s13, s1, $0xb8;
	[tilespmem:$0x1ED00] =	vst v63  }
0xe3: {  	_ =	swait.ge [sflag:s19], $0x2800  }
0xe4: {  	s14 =	sand.u32 $0x380, s14;
	[sflag:s19] =	ssyncset.done $0x0  }
0xe5: {  	s0 =	sadd.s32 s14, s23;
	[sflag:s19] =	ssyncadd.s32 $0xFFFFD800  }
0xe6: {  	[spmem:s25] =	stream.indirect.scatter.add.f32 [tilespmem:s16], [sflag:$0x8], $0x80, s0, s26, $0xb8;
	[tilespmem:$0x1ED00] =	vst v63  }
0xe7: {  	_ =	swait.ge [sflag:s15], $0x2800  }
0xe8: {  	[sflag:s15] =	ssyncset.done $0x0  }
0xe9: {  	s20 =	simm.s32 $0x7;
	s19 =	simm.s32 $0x14B00;
	[sflag:s15] =	ssyncadd.s32 $0xFFFFD800  }
0xea: {  	[spmem:s25] =	stream.indirect.scatter.add.f32 [tilespmem:s17], [sflag:$0x5], $0x80, s19, s26, $0xb8;
	[tilespmem:$0x1ED00] =	vst v63  }
0xeb: {  	_ =	swait.ge [sflag:s20], $0x2800  }
0xec: {  	[sflag:s20] =	ssyncset.done $0x0  }
0xed: {  	s21 =	simm.s32 $0x8;
	[sflag:s20] =	ssyncadd.s32 $0xFFFFD800  }
0xee: {  	_ =	swait.ge [sflag:s21], $0x2800  }
0xef: {  	[sflag:s21] =	ssyncset.done $0x0  }
0xf0: {  	[sflag:s21] =	ssyncadd.s32 $0xFFFFD800  }
0xf1: {  	_ =	swait.ge [sflag:s18], $0x2800  }
0xf2: {  	[sflag:s18] =	ssyncset.done $0x0  }
0xf3: {  	[sflag:s18] =	ssyncadd.s32 $0xFFFFD800  }
0xf4: {  	[bflag:$0x0] =	sbarrier.arrive $0xFFFF  }
0xf5: {  	s7 =	rddreg [dreg:$0x6]  }
0xf6: {  	s23 =	rddreg [dreg:$0xb]  }
0xf7: {  	s8 =	simm.s32 $0xA;
	s1 =	rddreg [dreg:$0xd]  }
0xf8: {  	[hbm:s23], [sflag:s7] =	dma.local [spmem:s1], $0x2800  }
0xf9: {  	_ =	swait.ge [sflag:s8], $0x2800  }
0xfa: {  	s29 =	rddreg [dreg:$0xe]  }
0xfb: {  	s31 =	rddreg [dreg:$0xc];
	s4 =	sadd.s32 $0x1, s29  }
0xfc: {  	p0 =	sne.s32 s4, s31  }
.Ltmp3:
0xfd: {  	_ = 	snop;
	(pc) =	sbr.rel @p0 .LBB2_1-.Ltmp3, $4  }
0xfe: {  	s30 =	simm.s32 $0x5  }
0xff: {  	s10 =	simm.s32 $0x18000;
	s9 =	simm.s32 $0x14000;
	s2 =	simm.s32 $0x2  }
0x100: {  	s16 =	simm.s32 $0x14D00;
	s17 =	simm.s32 $0x19D00;
	[sflag:s8] =	ssyncset.done $0x0  }
0x101: {  	s21 =	simm.s32 $0x1;
	s23 =	simm.s32 $0x1C500;
	[sflag:s8] =	ssyncadd.s32 $0xFFFFD800  }
0x102: {  	_ =	sfence.sel $0x180000  }
0x103: {  	[bflag:$0x0] =	sbarrier.arrive $0xFFFF  }
0x104: {  	_ =	strace $0x90000047  }
0x105: {  	s0 =	stileid.u32;
	[bflag:$0x2] =	sbarrier.arrive $0xFFFF  }
0x106: {  	p0 =	sne.s32 s0, $0x0;
	s0 =	rddreg [dreg:$0x3]  }
0x107: {  	s0 =	sadd.s32 @!p0 $0x100000, s0  }
0x108: {  	[sflag:s0] =	ssyncadd.tile.s32 @!p0 $0x1;
	_ =	shalt  }
.Lfunc_end2:
_tile_overlayer_lowered:
.L_overlay_start_2:
0x109: {  	(tag) =	ssettag $0x2  }
0x10a: {  	s0 =	rddreg [dreg:$0x0];
	s2 =	stileid.u32  }
0x10b: {  	s1 =	rddreg [dreg:$0x1];
	p0 =	sne.s32 s2, $0x0  }
0x10c: {  	s3 =	rddreg [dreg:$0x2];
	[bflag:$0x3] =	sbarrier.arrive $0xFFFF;
	s2 =	simm.s32 @!p0 $0x1C0A  }
0x10d: {  	[timem:s3], [sflag:s2] =	dma.local @!p0 [hbm:s0], s1  }
0x10e: {  	s0 =	simm.s32 @!p0 $0xA  }
0x10f: {  	_ =	swait.ge @!p0 [sflag:s0], s1  }
0x110: {  	s1 =	ssub.s32 @!p0 $0x0, s1;
	[sflag:s0] =	ssyncset.done @!p0 $0x0  }
0x111: {  	[sflag:s0] =	ssyncadd.s32 @!p0 s1  }
0x112: {  	[bflag:$0x3] =	sbarrier.arrive $0xFFFF  }
0x113: {  	_ =	shalt  }

</sc_bundles>
